<compile_context>
chip_gen: v7x
topology: tpu7x:2x2x1
jax: 0.10.2.dev20260603
libtpu: 0.0.44.dev20260713+nightly
codegen_flags: <defaults>
</compile_context>

<pallas_src>
import functools

import jax
import jax.numpy as jnp
from jax import lax
from jax.experimental import pallas as pl
from jax.experimental.pallas import tpu as pltpu
from jax.experimental.pallas import tpu_sc as plsc

NUM_EMB = 100000
DIM = 64
WIDE = 128
RANK = 8
SCALE = 2.0


FUSE_ROWS = 2000


def _fuse_body(a_ref, emb_ref, b_ref, out_ref):
    delta = lax.dot_general(
        a_ref[...], b_ref[...],
        dimension_numbers=(((1,), (1,)), ((), ())),
        preferred_element_type=jnp.float32,
    )
    out_ref[:, 0:DIM] = emb_ref[...] + SCALE * delta
    out_ref[:, DIM:WIDE] = jnp.zeros((FUSE_ROWS, WIDE - DIM), jnp.float32)


def _fused_table(emb_weight, lora_At, lora_B):
    grid = NUM_EMB // FUSE_ROWS
    return pl.pallas_call(
        _fuse_body,
        grid=(grid,),
        in_specs=[
            pl.BlockSpec((FUSE_ROWS, RANK), lambda i: (i, 0)),
            pl.BlockSpec((FUSE_ROWS, DIM), lambda i: (i, 0)),
            pl.BlockSpec((DIM, RANK), lambda i: (0, 0)),
        ],
        out_specs=pl.BlockSpec((FUSE_ROWS, WIDE), lambda i: (i, 0)),
        out_shape=jax.ShapeDtypeStruct((NUM_EMB, WIDE), jnp.float32),
    )(lora_At, emb_weight, lora_B)



NUM_CORES = 2
NUM_SUBCORES = 16
NW = NUM_CORES * NUM_SUBCORES
BATCH = 4096
SEQ = 200
NSPAN = 8
SPAN = BATCH // NSPAN
NTS = 4
TPW = SEQ // NTS
HALF = SPAN // 2
NU = TPW * 2
L = 16


def _gather_body(table_hbm, xt_hbm, out_hbm, idx_v, rows_v, tr_v, gsem, osem):
    wid = lax.axis_index("c") * NUM_SUBCORES + lax.axis_index("s")
    q = wid // NTS
    rid = wid % NTS
    b0 = q * SPAN

    def stage_idx(j):
        pltpu.sync_copy(
            xt_hbm.at[rid + NTS * j, pl.ds(b0, SPAN)], idx_v.at[lax.rem(j, 2)]
        )

    stage_idx(0)

    iota = lax.iota(jnp.int32, L)

    def gather_descs(u, slot):
        j = u // 2
        h = u % 2
        return [
            pltpu.make_async_copy(
                table_hbm.at[
                    idx_v.at[lax.rem(j, 2), pl.ds(h * HALF + c * 128, 128)]
                ],
                rows_v.at[slot, pl.ds(c * 128, 128)],
                gsem.at[slot],
            )
            for c in range(2)
        ]

    def out_desc(u, slot):
        j = u // 2
        h = u % 2
        return pltpu.make_async_copy(
            tr_v.at[slot],
            out_hbm.at[rid + NTS * j, :, pl.ds(b0 + h * HALF, HALF)],
            osem.at[slot],
        )

    for d in gather_descs(0, 0):
        d.start()

    def step(u, carry):
        slot = lax.rem(u, 2)

        @pl.when((u < NU - 1) & (lax.rem(u, 2) == 1))
        def _():
            stage_idx(u // 2 + 1)

        @pl.when(u < NU - 1)
        def _():
            for d in gather_descs(u + 1, 1 - slot):
                d.start()

        for d in gather_descs(u, slot):
            d.wait()

        @pl.when(u >= 2)
        def _():
            out_desc(u - 2, slot).wait()

        @plsc.parallel_loop(0, HALF // L, unroll=2)
        def trans_blk(blk):
            brow = iota + blk * L
            for k2 in range(DIM // L):
                for m in range(L):
                    dcol = ((iota + m) & (L - 1)) + k2 * L
                    v = plsc.load_gather(rows_v.at[slot], [brow, dcol])
                    plsc.store_scatter(tr_v.at[slot], [dcol, brow], v)

        out_desc(u, slot).start()
        return carry

    lax.fori_loop(0, NU, step, 0)
    out_desc(NU - 2, 0).wait()
    out_desc(NU - 1, 1).wait()


def _gather(table, xt):
    mesh = plsc.VectorSubcoreMesh(core_axis_name="c", subcore_axis_name="s")
    run = functools.partial(
        pl.kernel,
        mesh=mesh,
        out_type=jax.ShapeDtypeStruct((SEQ, DIM, BATCH), jnp.float32),
        scratch_types=[
            pltpu.VMEM((2, SPAN), jnp.int32),
            pltpu.VMEM((2, HALF, WIDE), jnp.float32),
            pltpu.VMEM((2, DIM, HALF), jnp.float32),
            pltpu.SemaphoreType.DMA((2,)),
            pltpu.SemaphoreType.DMA((2,)),
        ],
        compiler_params=pltpu.CompilerParams(needs_layout_passes=False),
    )(_gather_body)
    return run(table, xt)


def kernel(x, emb_weight, lora_A, lora_B):
    table = _fused_table(emb_weight, lora_A.T, lora_B)
    out_t = _gather(table, x.T.astype(jnp.int32))
    return jnp.transpose(out_t, (2, 0, 1))

# --- scband reference (transcript-rebuilt; emitter-appended) ---
"""Pipeline reference for scband-lo-raembedding-40355512714073 (READ-ONLY COPY).

The authoritative reference and input builder live on the scoring server;
editing this copy changes nothing except your own understanding.
"""

import jax, jax.numpy as jnp
import numpy as np

NUM_EMBEDDINGS = 100000
EMBEDDING_DIM = 64
R = 8
LORA_ALPHA = 16.0
SCALING = LORA_ALPHA / R


def setup_inputs(seed: int = 0) -> dict:
    key = jax.random.key(seed)
    k1, k2, k3, k4 = jax.random.split(key, 4)
    x = jax.random.randint(k1, (4096, 200), 0, NUM_EMBEDDINGS, dtype=jnp.int64 if jax.config.jax_enable_x64 else jnp.int32)
    emb_weight = jax.random.normal(k2, (NUM_EMBEDDINGS, EMBEDDING_DIM), dtype=jnp.float32)
    lora_A = jax.random.normal(k3, (R, NUM_EMBEDDINGS), dtype=jnp.float32)
    lora_B = jax.random.normal(k4, (EMBEDDING_DIM, R), dtype=jnp.float32) * 0.02
    return {"x": x, "emb_weight": emb_weight, "lora_A": lora_A, "lora_B": lora_B}


def reference(x, emb_weight, lora_A, lora_B):
    # base = self.embedding(x)
    base = jnp.take(emb_weight, x, axis=0)
    # lora_emb = F.embedding(x, (lora_B @ lora_A).T * scaling)
    delta = (lora_B @ lora_A).T * SCALING  # [num_embeddings, embedding_dim]
    lora_emb = jnp.take(delta, x, axis=0)
    return base + lora_emb

if __name__ == "__main__":
    import jax
    _d = setup_inputs()
    print(jax.jit(kernel)(*tuple(_d.values())))

</pallas_src>

<mosaic_0001>
#map = affine_map<(d0, d1) -> (0, 0)>
#map1 = affine_map<(d0, d1) -> (0, 0, 0)>
module attributes {stable_mosaic.version = 14 : i64} {
  func.func @_gather_body(%arg0: i32, %arg1: i32, %arg2: memref<100000x128xf32, #tpu.memory_space<hbm>>, %arg3: memref<200x4096xi32, #tpu.memory_space<hbm>>, %arg4: memref<200x64x4096xf32, #tpu.memory_space<hbm>>, %arg5: memref<2x512xi32, #tpu.memory_space<vmem>>, %arg6: memref<2x256x128xf32, #tpu.memory_space<vmem>>, %arg7: memref<2x64x256xf32, #tpu.memory_space<vmem>>, %arg8: memref<2x!tpu.dma_semaphore, #tpu.memory_space<semaphore_mem>>, %arg9: memref<2x!tpu.dma_semaphore, #tpu.memory_space<semaphore_mem>>) attributes {dimension_semantics = [#tpu.dimension_semantics<core_parallel>, #tpu.dimension_semantics<subcore_parallel>], iteration_bounds = array<i64: 2, 16>, scalar_prefetch = 0 : i64, scratch_operands = 5 : i64, tpu.core_type = #tpu.core_type<sc_vector_subcore>, window_params = [{transform_indices = #map}, {transform_indices = #map}, {transform_indices = #map1}]} {
    %mul3A = arith.constant 16 : i32
    %mul3A_0 = arith.muli %arg0, %mul3A : i32
    %add3A = arith.addi %mul3A_0, %arg1 : i32
    %jit3A = arith.constant 4 : i32
    %div3A = arith.divsi %add3A, %jit3A : i32
    %sign3A = arith.constant 0 : i32
    %sign3A_1 = arith.cmpi sgt, %add3A, %sign3A : i32
    %sign3A_2 = arith.extui %sign3A_1 : i1 to i32
    %sign3A_3 = arith.constant 0 : i32
    %sign3A_4 = arith.cmpi slt, %add3A, %sign3A_3 : i32
    %sign3A_5 = arith.extui %sign3A_4 : i1 to i32
    %sign3A_6 = arith.subi %sign3A_2, %sign3A_5 : i32
    %sign3A_7 = arith.constant 0 : i32
    %sign3A_8 = arith.cmpi sgt, %jit3A, %sign3A_7 : i32
    %sign3A_9 = arith.extui %sign3A_8 : i1 to i32
    %sign3A_10 = arith.constant 0 : i32
    %sign3A_11 = arith.cmpi slt, %jit3A, %sign3A_10 : i32
    %sign3A_12 = arith.extui %sign3A_11 : i1 to i32
    %sign3A_13 = arith.subi %sign3A_9, %sign3A_12 : i32
    %ne3A = arith.cmpi ne, %sign3A_6, %sign3A_13 : i32
    %rem3A = arith.remsi %add3A, %jit3A : i32
    %ne3A_14 = arith.constant 0 : i32
    %ne3A_15 = arith.cmpi ne, %rem3A, %ne3A_14 : i32
    %and3A = arith.andi %ne3A, %ne3A_15 : i1
    %sub3A = arith.constant 1 : i32
    %sub3A_16 = arith.subi %div3A, %sub3A : i32
    %select_n3A = arith.select %and3A, %sub3A_16, %div3A : i32
    %jit3A_17 = arith.constant 4 : i32
    %eq3A = arith.constant 0 : i32
    %eq3A_18 = arith.cmpi eq, %jit3A_17, %eq3A : i32
    %jit3A_19 = arith.constant 1 : i32
    %select_n3A_20 = arith.select %eq3A_18, %jit3A_19, %jit3A_17 : i32
    %rem3A_21 = arith.remsi %add3A, %select_n3A_20 : i32
    %ne3A_22 = arith.constant 0 : i32
    %ne3A_23 = arith.cmpi ne, %rem3A_21, %ne3A_22 : i32
    %lt3A = arith.constant 0 : i32
    %lt3A_24 = arith.cmpi slt, %rem3A_21, %lt3A : i32
    %lt3A_25 = arith.constant 0 : i32
    %lt3A_26 = arith.cmpi slt, %select_n3A_20, %lt3A_25 : i32
    %ne3A_27 = arith.xori %lt3A_24, %lt3A_26 : i1
    %and3A_28 = arith.andi %ne3A_27, %ne3A_23 : i1
    %add3A_29 = arith.addi %rem3A_21, %select_n3A_20 : i32
    %select_n3A_30 = arith.select %and3A_28, %add3A_29, %rem3A_21 : i32
    %mul3A_31 = arith.constant 512 : i32
    %mul3A_32 = arith.muli %select_n3A, %mul3A_31 : i32
    %add3A_33 = arith.constant 0 : i32
    %add3A_34 = arith.addi %select_n3A_30, %add3A_33 : i32
    %rem3A_35 = arith.constant 0 : i32
    %rem3A_36 = arith.constant 2 : i32
    %rem3A_37 = arith.remsi %rem3A_35, %rem3A_36 : i32
    "tpu.region"() ({
      %run_scoped3A = tpu.sem_alloc : memref<!tpu.dma_semaphore, #tpu.memory_space<semaphore_mem>>
      %dma_start3A_119 = arith.constant 0 : i32
      %dma_start3A_120 = tpu.memref_slice %arg5[%rem3A_37, %dma_start3A_119] : memref<2x512xi32, #tpu.memory_space<vmem>> -> memref<1x512xi32, #tpu.memory_space<vmem>>
      %dma_start3A_121 = tpu.memref_squeeze %dma_start3A_120 : memref<1x512xi32, #tpu.memory_space<vmem>> -> memref<512xi32, #tpu.memory_space<vmem>>
      %dma_start3A_122 = tpu.memref_slice %arg3[%add3A_34, %mul3A_32] : memref<200x4096xi32, #tpu.memory_space<hbm>> -> memref<1x512xi32, #tpu.memory_space<hbm>>
      %dma_start3A_123 = tpu.memref_squeeze %dma_start3A_122 : memref<1x512xi32, #tpu.memory_space<hbm>> -> memref<512xi32, #tpu.memory_space<hbm>>
      %dma_start3A_124 = arith.constant 0 : i32
      %dma_start3A_125 = tpu.memref_slice %arg5[%rem3A_37, %dma_start3A_124] : memref<2x512xi32, #tpu.memory_space<vmem>> -> memref<1x512xi32, #tpu.memory_space<vmem>>
      %dma_start3A_126 = tpu.memref_squeeze %dma_start3A_125 : memref<1x512xi32, #tpu.memory_space<vmem>> -> memref<512xi32, #tpu.memory_space<vmem>>
      %dma_start3A_127 = tpu.memref_slice %arg3[%add3A_34, %mul3A_32] : memref<200x4096xi32, #tpu.memory_space<hbm>> -> memref<1x512xi32, #tpu.memory_space<hbm>>
      %dma_start3A_128 = tpu.memref_squeeze %dma_start3A_127 : memref<1x512xi32, #tpu.memory_space<hbm>> -> memref<512xi32, #tpu.memory_space<hbm>>
      tpu.enqueue_dma source(%dma_start3A_128 : memref<512xi32, #tpu.memory_space<hbm>>) target(%dma_start3A_126 : memref<512xi32, #tpu.memory_space<vmem>>) target_semaphore(%run_scoped3A : memref<!tpu.dma_semaphore, #tpu.memory_space<semaphore_mem>>)
      %dma_wait3A_129 = arith.constant 0 : i32
      %dma_wait3A_130 = tpu.memref_slice %arg5[%rem3A_37, %dma_wait3A_129] : memref<2x512xi32, #tpu.memory_space<vmem>> -> memref<1x512xi32, #tpu.memory_space<vmem>>
      %dma_wait3A_131 = tpu.memref_squeeze %dma_wait3A_130 : memref<1x512xi32, #tpu.memory_space<vmem>> -> memref<512xi32, #tpu.memory_space<vmem>>
      %dma_wait3A_132 = tpu.memref_slice %arg3[%add3A_34, %mul3A_32] : memref<200x4096xi32, #tpu.memory_space<hbm>> -> memref<1x512xi32, #tpu.memory_space<hbm>>
      %dma_wait3A_133 = tpu.memref_squeeze %dma_wait3A_132 : memref<1x512xi32, #tpu.memory_space<hbm>> -> memref<512xi32, #tpu.memory_space<hbm>>
      %dma_wait3A_134 = arith.constant 0 : i32
      %dma_wait3A_135 = tpu.memref_slice %arg5[%rem3A_37, %dma_wait3A_134] : memref<2x512xi32, #tpu.memory_space<vmem>> -> memref<1x512xi32, #tpu.memory_space<vmem>>
      %dma_wait3A_136 = tpu.memref_squeeze %dma_wait3A_135 : memref<1x512xi32, #tpu.memory_space<vmem>> -> memref<512xi32, #tpu.memory_space<vmem>>
      %dma_wait3A_137 = tpu.memref_slice %arg3[%add3A_34, %mul3A_32] : memref<200x4096xi32, #tpu.memory_space<hbm>> -> memref<1x512xi32, #tpu.memory_space<hbm>>
      %dma_wait3A_138 = tpu.memref_squeeze %dma_wait3A_137 : memref<1x512xi32, #tpu.memory_space<hbm>> -> memref<512xi32, #tpu.memory_space<hbm>>
      tpu.wait_dma2 semaphore(%run_scoped3A : memref<!tpu.dma_semaphore, #tpu.memory_space<semaphore_mem>>) src(%dma_wait3A_138 : memref<512xi32, #tpu.memory_space<hbm>>) dst(%dma_wait3A_136 : memref<512xi32, #tpu.memory_space<vmem>>)
      tpu.yield
    }) : () -> ()
    %iota3A = tpu.iota {dimensions = array<i32: 0>} : vector<16xi32>
    %rem3A_38 = arith.constant 0 : i32
    %rem3A_39 = arith.constant 2 : i32
    %rem3A_40 = arith.remsi %rem3A_38, %rem3A_39 : i32
    %rem3A_41 = arith.constant 0 : i32
    %rem3A_42 = arith.constant 2 : i32
    %rem3A_43 = arith.remsi %rem3A_41, %rem3A_42 : i32
    %dma_start3A = arith.constant 0 : i32
    %dma_start3A_44 = arith.constant 0 : i32
    %dma_start3A_45 = arith.constant 0 : i32
    %dma_start3A_46 = arith.constant 0 : i32
    %dma_start3A_47 = tpu.memref_slice %arg6[%dma_start3A, %dma_start3A_45, %dma_start3A_46] : memref<2x256x128xf32, #tpu.memory_space<vmem>> -> memref<1x128x128xf32, #tpu.memory_space<vmem>>
    %dma_start3A_48 = tpu.memref_squeeze %dma_start3A_47 : memref<1x128x128xf32, #tpu.memory_space<vmem>> -> memref<128x128xf32, #tpu.memory_space<vmem>>
    %dma_start3A_49 = arith.constant 0 : i32
    %dma_start3A_50 = tpu.memref_slice %arg5[%rem3A_40, %dma_start3A_49] : memref<2x512xi32, #tpu.memory_space<vmem>> -> memref<1x128xi32, #tpu.memory_space<vmem>>
    %dma_start3A_51 = tpu.memref_squeeze %dma_start3A_50 : memref<1x128xi32, #tpu.memory_space<vmem>> -> memref<128xi32, #tpu.memory_space<vmem>>
    %dma_start3A_52 = arith.constant 0 : i32
    %dma_start3A_53 = arith.constant 0 : i32
    %dma_start3A_54 = tpu.memref_slice %arg2[%dma_start3A_52, %dma_start3A_53] : memref<100000x128xf32, #tpu.memory_space<hbm>> -> memref<100000x128xf32, #tpu.memory_space<hbm>>
    %dma_start3A_55 = tpu.memref_slice %arg8[%dma_start3A_44] : memref<2x!tpu.dma_semaphore, #tpu.memory_space<semaphore_mem>> -> memref<1x!tpu.dma_semaphore, #tpu.memory_space<semaphore_mem>>
    %dma_start3A_56 = tpu.memref_squeeze %dma_start3A_55 : memref<1x!tpu.dma_semaphore, #tpu.memory_space<semaphore_mem>> -> memref<!tpu.dma_semaphore, #tpu.memory_space<semaphore_mem>>
    tpu.enqueue_indirect_dma source(%dma_start3A_54 : memref<100000x128xf32, #tpu.memory_space<hbm>>) target(%dma_start3A_48 : memref<128x128xf32, #tpu.memory_space<vmem>>) offsets(%dma_start3A_51 : memref<128xi32, #tpu.memory_space<vmem>>) semaphore(%dma_start3A_56 : memref<!tpu.dma_semaphore, #tpu.memory_space<semaphore_mem>>)
    %dma_start3A_57 = arith.constant 0 : i32
    %dma_start3A_58 = arith.constant 0 : i32
    %dma_start3A_59 = arith.constant 128 : i32
    %dma_start3A_60 = arith.constant 0 : i32
    %dma_start3A_61 = tpu.memref_slice %arg6[%dma_start3A_57, %dma_start3A_59, %dma_start3A_60] : memref<2x256x128xf32, #tpu.memory_space<vmem>> -> memref<1x128x128xf32, #tpu.memory_space<vmem>>
    %dma_start3A_62 = tpu.memref_squeeze %dma_start3A_61 : memref<1x128x128xf32, #tpu.memory_space<vmem>> -> memref<128x128xf32, #tpu.memory_space<vmem>>
    %dma_start3A_63 = arith.constant 128 : i32
    %dma_start3A_64 = tpu.memref_slice %arg5[%rem3A_43, %dma_start3A_63] : memref<2x512xi32, #tpu.memory_space<vmem>> -> memref<1x128xi32, #tpu.memory_space<vmem>>
    %dma_start3A_65 = tpu.memref_squeeze %dma_start3A_64 : memref<1x128xi32, #tpu.memory_space<vmem>> -> memref<128xi32, #tpu.memory_space<vmem>>
    %dma_start3A_66 = arith.constant 0 : i32
    %dma_start3A_67 = arith.constant 0 : i32
    %dma_start3A_68 = tpu.memref_slice %arg2[%dma_start3A_66, %dma_start3A_67] : memref<100000x128xf32, #tpu.memory_space<hbm>> -> memref<100000x128xf32, #tpu.memory_space<hbm>>
    %dma_start3A_69 = tpu.memref_slice %arg8[%dma_start3A_58] : memref<2x!tpu.dma_semaphore, #tpu.memory_space<semaphore_mem>> -> memref<1x!tpu.dma_semaphore, #tpu.memory_space<semaphore_mem>>
    %dma_start3A_70 = tpu.memref_squeeze %dma_start3A_69 : memref<1x!tpu.dma_semaphore, #tpu.memory_space<semaphore_mem>> -> memref<!tpu.dma_semaphore, #tpu.memory_space<semaphore_mem>>
    tpu.enqueue_indirect_dma source(%dma_start3A_68 : memref<100000x128xf32, #tpu.memory_space<hbm>>) target(%dma_start3A_62 : memref<128x128xf32, #tpu.memory_space<vmem>>) offsets(%dma_start3A_65 : memref<128xi32, #tpu.memory_space<vmem>>) semaphore(%dma_start3A_70 : memref<!tpu.dma_semaphore, #tpu.memory_space<semaphore_mem>>)
    %scan3A = arith.constant 0 : i32
    %scan3A_71 = arith.constant 0 : i32
    %scan3A_72 = arith.constant 100 : i32
    %scan3A_73 = arith.addi %scan3A_71, %scan3A_72 : i32
    %scan3A_74 = arith.constant 1 : i32
    scf.for %scan3A_119 = %scan3A_71 to %scan3A_73 step %scan3A_74  : i32 {
      %rem3A_120 = arith.constant 2 : i32
      %rem3A_121 = arith.remsi %scan3A_119, %rem3A_120 : i32
      %lt3A_122 = arith.constant 99 : i32
      %lt3A_123 = arith.cmpi slt, %scan3A_119, %lt3A_122 : i32
      %rem3A_124 = arith.constant 2 : i32
      %rem3A_125 = arith.remsi %scan3A_119, %rem3A_124 : i32
      %eq3A_126 = arith.constant 1 : i32
      %eq3A_127 = arith.cmpi eq, %rem3A_125, %eq3A_126 : i32
      %and3A_128 = arith.andi %lt3A_123, %eq3A_127 : i1
      %convert_element_type3A = arith.extui %and3A_128 : i1 to i32
      %cond3A = arith.constant 0 : i32
      %cond3A_129 = arith.cmpi ne, %convert_element_type3A, %cond3A : i32
      scf.if %cond3A_129 {
        %jit3A_277 = arith.constant 2 : i32
        %div3A_278 = arith.divsi %scan3A_119, %jit3A_277 : i32
        %sign3A_279 = arith.constant 0 : i32
        %sign3A_280 = arith.cmpi sgt, %scan3A_119, %sign3A_279 : i32
        %sign3A_281 = arith.extui %sign3A_280 : i1 to i32
        %sign3A_282 = arith.constant 0 : i32
        %sign3A_283 = arith.cmpi slt, %scan3A_119, %sign3A_282 : i32
        %sign3A_284 = arith.extui %sign3A_283 : i1 to i32
        %sign3A_285 = arith.subi %sign3A_281, %sign3A_284 : i32
        %sign3A_286 = arith.constant 0 : i32
        %sign3A_287 = arith.cmpi sgt, %jit3A_277, %sign3A_286 : i32
        %sign3A_288 = arith.extui %sign3A_287 : i1 to i32
        %sign3A_289 = arith.constant 0 : i32
        %sign3A_290 = arith.cmpi slt, %jit3A_277, %sign3A_289 : i32
        %sign3A_291 = arith.extui %sign3A_290 : i1 to i32
        %sign3A_292 = arith.subi %sign3A_288, %sign3A_291 : i32
        %ne3A_293 = arith.cmpi ne, %sign3A_285, %sign3A_292 : i32
        %rem3A_294 = arith.remsi %scan3A_119, %jit3A_277 : i32
        %ne3A_295 = arith.constant 0 : i32
        %ne3A_296 = arith.cmpi ne, %rem3A_294, %ne3A_295 : i32
        %and3A_297 = arith.andi %ne3A_293, %ne3A_296 : i1
        %sub3A_298 = arith.constant 1 : i32
        %sub3A_299 = arith.subi %div3A_278, %sub3A_298 : i32
        %select_n3A_300 = arith.select %and3A_297, %sub3A_299, %div3A_278 : i32
        %add3A_301 = arith.constant 1 : i32
        %add3A_302 = arith.addi %select_n3A_300, %add3A_301 : i32
        %mul3A_303 = arith.constant 4 : i32
        %mul3A_304 = arith.muli %mul3A_303, %add3A_302 : i32
        %add3A_305 = arith.addi %select_n3A_30, %mul3A_304 : i32
        %rem3A_306 = arith.constant 2 : i32
        %rem3A_307 = arith.remsi %add3A_302, %rem3A_306 : i32
        "tpu.region"() ({
          %run_scoped3A = tpu.sem_alloc : memref<!tpu.dma_semaphore, #tpu.memory_space<semaphore_mem>>
          %dma_start3A_308 = arith.constant 0 : i32
          %dma_start3A_309 = tpu.memref_slice %arg5[%rem3A_307, %dma_start3A_308] : memref<2x512xi32, #tpu.memory_space<vmem>> -> memref<1x512xi32, #tpu.memory_space<vmem>>
          %dma_start3A_310 = tpu.memref_squeeze %dma_start3A_309 : memref<1x512xi32, #tpu.memory_space<vmem>> -> memref<512xi32, #tpu.memory_space<vmem>>
          %dma_start3A_311 = tpu.memref_slice %arg3[%add3A_305, %mul3A_32] : memref<200x4096xi32, #tpu.memory_space<hbm>> -> memref<1x512xi32, #tpu.memory_space<hbm>>
          %dma_start3A_312 = tpu.memref_squeeze %dma_start3A_311 : memref<1x512xi32, #tpu.memory_space<hbm>> -> memref<512xi32, #tpu.memory_space<hbm>>
          %dma_start3A_313 = arith.constant 0 : i32
          %dma_start3A_314 = tpu.memref_slice %arg5[%rem3A_307, %dma_start3A_313] : memref<2x512xi32, #tpu.memory_space<vmem>> -> memref<1x512xi32, #tpu.memory_space<vmem>>
          %dma_start3A_315 = tpu.memref_squeeze %dma_start3A_314 : memref<1x512xi32, #tpu.memory_space<vmem>> -> memref<512xi32, #tpu.memory_space<vmem>>
          %dma_start3A_316 = tpu.memref_slice %arg3[%add3A_305, %mul3A_32] : memref<200x4096xi32, #tpu.memory_space<hbm>> -> memref<1x512xi32, #tpu.memory_space<hbm>>
          %dma_start3A_317 = tpu.memref_squeeze %dma_start3A_316 : memref<1x512xi32, #tpu.memory_space<hbm>> -> memref<512xi32, #tpu.memory_space<hbm>>
          tpu.enqueue_dma source(%dma_start3A_317 : memref<512xi32, #tpu.memory_space<hbm>>) target(%dma_start3A_315 : memref<512xi32, #tpu.memory_space<vmem>>) target_semaphore(%run_scoped3A : memref<!tpu.dma_semaphore, #tpu.memory_space<semaphore_mem>>)
          %dma_wait3A_318 = arith.constant 0 : i32
          %dma_wait3A_319 = tpu.memref_slice %arg5[%rem3A_307, %dma_wait3A_318] : memref<2x512xi32, #tpu.memory_space<vmem>> -> memref<1x512xi32, #tpu.memory_space<vmem>>
          %dma_wait3A_320 = tpu.memref_squeeze %dma_wait3A_319 : memref<1x512xi32, #tpu.memory_space<vmem>> -> memref<512xi32, #tpu.memory_space<vmem>>
          %dma_wait3A_321 = tpu.memref_slice %arg3[%add3A_305, %mul3A_32] : memref<200x4096xi32, #tpu.memory_space<hbm>> -> memref<1x512xi32, #tpu.memory_space<hbm>>
          %dma_wait3A_322 = tpu.memref_squeeze %dma_wait3A_321 : memref<1x512xi32, #tpu.memory_space<hbm>> -> memref<512xi32, #tpu.memory_space<hbm>>
          %dma_wait3A_323 = arith.constant 0 : i32
          %dma_wait3A_324 = tpu.memref_slice %arg5[%rem3A_307, %dma_wait3A_323] : memref<2x512xi32, #tpu.memory_space<vmem>> -> memref<1x512xi32, #tpu.memory_space<vmem>>
          %dma_wait3A_325 = tpu.memref_squeeze %dma_wait3A_324 : memref<1x512xi32, #tpu.memory_space<vmem>> -> memref<512xi32, #tpu.memory_space<vmem>>
          %dma_wait3A_326 = tpu.memref_slice %arg3[%add3A_305, %mul3A_32] : memref<200x4096xi32, #tpu.memory_space<hbm>> -> memref<1x512xi32, #tpu.memory_space<hbm>>
          %dma_wait3A_327 = tpu.memref_squeeze %dma_wait3A_326 : memref<1x512xi32, #tpu.memory_space<hbm>> -> memref<512xi32, #tpu.memory_space<hbm>>
          tpu.wait_dma2 semaphore(%run_scoped3A : memref<!tpu.dma_semaphore, #tpu.memory_space<semaphore_mem>>) src(%dma_wait3A_327 : memref<512xi32, #tpu.memory_space<hbm>>) dst(%dma_wait3A_325 : memref<512xi32, #tpu.memory_space<vmem>>)
          tpu.yield
        }) : () -> ()
      } else {
      }
      %lt3A_130 = arith.constant 99 : i32
      %lt3A_131 = arith.cmpi slt, %scan3A_119, %lt3A_130 : i32
      %convert_element_type3A_132 = arith.extui %lt3A_131 : i1 to i32
      %cond3A_133 = arith.constant 0 : i32
      %cond3A_134 = arith.cmpi ne, %convert_element_type3A_132, %cond3A_133 : i32
      scf.if %cond3A_134 {
        %add3A_277 = arith.constant 1 : i32
        %add3A_278 = arith.addi %scan3A_119, %add3A_277 : i32
        %sub3A_279 = arith.constant 1 : i32
        %sub3A_280 = arith.subi %sub3A_279, %rem3A_121 : i32
        %jit3A_281 = arith.constant 2 : i32
        %div3A_282 = arith.divsi %add3A_278, %jit3A_281 : i32
        %sign3A_283 = arith.constant 0 : i32
        %sign3A_284 = arith.cmpi sgt, %add3A_278, %sign3A_283 : i32
        %sign3A_285 = arith.extui %sign3A_284 : i1 to i32
        %sign3A_286 = arith.constant 0 : i32
        %sign3A_287 = arith.cmpi slt, %add3A_278, %sign3A_286 : i32
        %sign3A_288 = arith.extui %sign3A_287 : i1 to i32
        %sign3A_289 = arith.subi %sign3A_285, %sign3A_288 : i32
        %sign3A_290 = arith.constant 0 : i32
        %sign3A_291 = arith.cmpi sgt, %jit3A_281, %sign3A_290 : i32
        %sign3A_292 = arith.extui %sign3A_291 : i1 to i32
        %sign3A_293 = arith.constant 0 : i32
        %sign3A_294 = arith.cmpi slt, %jit3A_281, %sign3A_293 : i32
        %sign3A_295 = arith.extui %sign3A_294 : i1 to i32
        %sign3A_296 = arith.subi %sign3A_292, %sign3A_295 : i32
        %ne3A_297 = arith.cmpi ne, %sign3A_289, %sign3A_296 : i32
        %rem3A_298 = arith.remsi %add3A_278, %jit3A_281 : i32
        %ne3A_299 = arith.constant 0 : i32
        %ne3A_300 = arith.cmpi ne, %rem3A_298, %ne3A_299 : i32
        %and3A_301 = arith.andi %ne3A_297, %ne3A_300 : i1
        %sub3A_302 = arith.constant 1 : i32
        %sub3A_303 = arith.subi %div3A_282, %sub3A_302 : i32
        %select_n3A_304 = arith.select %and3A_301, %sub3A_303, %div3A_282 : i32
        %jit3A_305 = arith.constant 2 : i32
        %eq3A_306 = arith.constant 0 : i32
        %eq3A_307 = arith.cmpi eq, %jit3A_305, %eq3A_306 : i32
        %jit3A_308 = arith.constant 1 : i32
        %select_n3A_309 = arith.select %eq3A_307, %jit3A_308, %jit3A_305 : i32
        %rem3A_310 = arith.remsi %add3A_278, %select_n3A_309 : i32
        %ne3A_311 = arith.constant 0 : i32
        %ne3A_312 = arith.cmpi ne, %rem3A_310, %ne3A_311 : i32
        %lt3A_313 = arith.constant 0 : i32
        %lt3A_314 = arith.cmpi slt, %rem3A_310, %lt3A_313 : i32
        %lt3A_315 = arith.constant 0 : i32
        %lt3A_316 = arith.cmpi slt, %select_n3A_309, %lt3A_315 : i32
        %ne3A_317 = arith.xori %lt3A_314, %lt3A_316 : i1
        %and3A_318 = arith.andi %ne3A_317, %ne3A_312 : i1
        %add3A_319 = arith.addi %rem3A_310, %select_n3A_309 : i32
        %select_n3A_320 = arith.select %and3A_318, %add3A_319, %rem3A_310 : i32
        %rem3A_321 = arith.constant 2 : i32
        %rem3A_322 = arith.remsi %select_n3A_304, %rem3A_321 : i32
        %mul3A_323 = arith.constant 256 : i32
        %mul3A_324 = arith.muli %select_n3A_320, %mul3A_323 : i32
        %add3A_325 = arith.constant 0 : i32
        %add3A_326 = arith.addi %mul3A_324, %add3A_325 : i32
        %rem3A_327 = arith.constant 2 : i32
        %rem3A_328 = arith.remsi %select_n3A_304, %rem3A_327 : i32
        %mul3A_329 = arith.constant 256 : i32
        %mul3A_330 = arith.muli %select_n3A_320, %mul3A_329 : i32
        %add3A_331 = arith.constant 128 : i32
        %add3A_332 = arith.addi %mul3A_330, %add3A_331 : i32
        %dma_start3A_333 = arith.constant 0 : i32
        %dma_start3A_334 = arith.constant 0 : i32
        %dma_start3A_335 = tpu.memref_slice %arg6[%sub3A_280, %dma_start3A_333, %dma_start3A_334] : memref<2x256x128xf32, #tpu.memory_space<vmem>> -> memref<1x128x128xf32, #tpu.memory_space<vmem>>
        %dma_start3A_336 = tpu.memref_squeeze %dma_start3A_335 : memref<1x128x128xf32, #tpu.memory_space<vmem>> -> memref<128x128xf32, #tpu.memory_space<vmem>>
        %dma_start3A_337 = tpu.memref_slice %arg5[%rem3A_322, %add3A_326] : memref<2x512xi32, #tpu.memory_space<vmem>> -> memref<1x128xi32, #tpu.memory_space<vmem>>
        %dma_start3A_338 = tpu.memref_squeeze %dma_start3A_337 : memref<1x128xi32, #tpu.memory_space<vmem>> -> memref<128xi32, #tpu.memory_space<vmem>>
        %dma_start3A_339 = arith.constant 0 : i32
        %dma_start3A_340 = arith.constant 0 : i32
        %dma_start3A_341 = tpu.memref_slice %arg2[%dma_start3A_339, %dma_start3A_340] : memref<100000x128xf32, #tpu.memory_space<hbm>> -> memref<100000x128xf32, #tpu.memory_space<hbm>>
        %dma_start3A_342 = tpu.memref_slice %arg8[%sub3A_280] : memref<2x!tpu.dma_semaphore, #tpu.memory_space<semaphore_mem>> -> memref<1x!tpu.dma_semaphore, #tpu.memory_space<semaphore_mem>>
        %dma_start3A_343 = tpu.memref_squeeze %dma_start3A_342 : memref<1x!tpu.dma_semaphore, #tpu.memory_space<semaphore_mem>> -> memref<!tpu.dma_semaphore, #tpu.memory_space<semaphore_mem>>
        tpu.enqueue_indirect_dma source(%dma_start3A_341 : memref<100000x128xf32, #tpu.memory_space<hbm>>) target(%dma_start3A_336 : memref<128x128xf32, #tpu.memory_space<vmem>>) offsets(%dma_start3A_338 : memref<128xi32, #tpu.memory_space<vmem>>) semaphore(%dma_start3A_343 : memref<!tpu.dma_semaphore, #tpu.memory_space<semaphore_mem>>)
        %dma_start3A_344 = arith.constant 128 : i32
        %dma_start3A_345 = arith.constant 0 : i32
        %dma_start3A_346 = tpu.memref_slice %arg6[%sub3A_280, %dma_start3A_344, %dma_start3A_345] : memref<2x256x128xf32, #tpu.memory_space<vmem>> -> memref<1x128x128xf32, #tpu.memory_space<vmem>>
        %dma_start3A_347 = tpu.memref_squeeze %dma_start3A_346 : memref<1x128x128xf32, #tpu.memory_space<vmem>> -> memref<128x128xf32, #tpu.memory_space<vmem>>
        %dma_start3A_348 = tpu.memref_slice %arg5[%rem3A_328, %add3A_332] : memref<2x512xi32, #tpu.memory_space<vmem>> -> memref<1x128xi32, #tpu.memory_space<vmem>>
        %dma_start3A_349 = tpu.memref_squeeze %dma_start3A_348 : memref<1x128xi32, #tpu.memory_space<vmem>> -> memref<128xi32, #tpu.memory_space<vmem>>
        %dma_start3A_350 = arith.constant 0 : i32
        %dma_start3A_351 = arith.constant 0 : i32
        %dma_start3A_352 = tpu.memref_slice %arg2[%dma_start3A_350, %dma_start3A_351] : memref<100000x128xf32, #tpu.memory_space<hbm>> -> memref<100000x128xf32, #tpu.memory_space<hbm>>
        %dma_start3A_353 = tpu.memref_slice %arg8[%sub3A_280] : memref<2x!tpu.dma_semaphore, #tpu.memory_space<semaphore_mem>> -> memref<1x!tpu.dma_semaphore, #tpu.memory_space<semaphore_mem>>
        %dma_start3A_354 = tpu.memref_squeeze %dma_start3A_353 : memref<1x!tpu.dma_semaphore, #tpu.memory_space<semaphore_mem>> -> memref<!tpu.dma_semaphore, #tpu.memory_space<semaphore_mem>>
        tpu.enqueue_indirect_dma source(%dma_start3A_352 : memref<100000x128xf32, #tpu.memory_space<hbm>>) target(%dma_start3A_347 : memref<128x128xf32, #tpu.memory_space<vmem>>) offsets(%dma_start3A_349 : memref<128xi32, #tpu.memory_space<vmem>>) semaphore(%dma_start3A_354 : memref<!tpu.dma_semaphore, #tpu.memory_space<semaphore_mem>>)
      } else {
      }
      %jit3A_135 = arith.constant 2 : i32
      %div3A_136 = arith.divsi %scan3A_119, %jit3A_135 : i32
      %sign3A_137 = arith.constant 0 : i32
      %sign3A_138 = arith.cmpi sgt, %scan3A_119, %sign3A_137 : i32
      %sign3A_139 = arith.extui %sign3A_138 : i1 to i32
      %sign3A_140 = arith.constant 0 : i32
      %sign3A_141 = arith.cmpi slt, %scan3A_119, %sign3A_140 : i32
      %sign3A_142 = arith.extui %sign3A_141 : i1 to i32
      %sign3A_143 = arith.subi %sign3A_139, %sign3A_142 : i32
      %sign3A_144 = arith.constant 0 : i32
      %sign3A_145 = arith.cmpi sgt, %jit3A_135, %sign3A_144 : i32
      %sign3A_146 = arith.extui %sign3A_145 : i1 to i32
      %sign3A_147 = arith.constant 0 : i32
      %sign3A_148 = arith.cmpi slt, %jit3A_135, %sign3A_147 : i32
      %sign3A_149 = arith.extui %sign3A_148 : i1 to i32
      %sign3A_150 = arith.subi %sign3A_146, %sign3A_149 : i32
      %ne3A_151 = arith.cmpi ne, %sign3A_143, %sign3A_150 : i32
      %rem3A_152 = arith.remsi %scan3A_119, %jit3A_135 : i32
      %ne3A_153 = arith.constant 0 : i32
      %ne3A_154 = arith.cmpi ne, %rem3A_152, %ne3A_153 : i32
      %and3A_155 = arith.andi %ne3A_151, %ne3A_154 : i1
      %sub3A_156 = arith.constant 1 : i32
      %sub3A_157 = arith.subi %div3A_136, %sub3A_156 : i32
      %select_n3A_158 = arith.select %and3A_155, %sub3A_157, %div3A_136 : i32
      %jit3A_159 = arith.constant 2 : i32
      %eq3A_160 = arith.constant 0 : i32
      %eq3A_161 = arith.cmpi eq, %jit3A_159, %eq3A_160 : i32
      %jit3A_162 = arith.constant 1 : i32
      %select_n3A_163 = arith.select %eq3A_161, %jit3A_162, %jit3A_159 : i32
      %rem3A_164 = arith.remsi %scan3A_119, %select_n3A_163 : i32
      %ne3A_165 = arith.constant 0 : i32
      %ne3A_166 = arith.cmpi ne, %rem3A_164, %ne3A_165 : i32
      %lt3A_167 = arith.constant 0 : i32
      %lt3A_168 = arith.cmpi slt, %rem3A_164, %lt3A_167 : i32
      %lt3A_169 = arith.constant 0 : i32
      %lt3A_170 = arith.cmpi slt, %select_n3A_163, %lt3A_169 : i32
      %ne3A_171 = arith.xori %lt3A_168, %lt3A_170 : i1
      %and3A_172 = arith.andi %ne3A_171, %ne3A_166 : i1
      %add3A_173 = arith.addi %rem3A_164, %select_n3A_163 : i32
      %select_n3A_174 = arith.select %and3A_172, %add3A_173, %rem3A_164 : i32
      %rem3A_175 = arith.constant 2 : i32
      %rem3A_176 = arith.remsi %select_n3A_158, %rem3A_175 : i32
      %mul3A_177 = arith.constant 256 : i32
      %mul3A_178 = arith.muli %select_n3A_174, %mul3A_177 : i32
      %add3A_179 = arith.constant 0 : i32
      %add3A_180 = arith.addi %mul3A_178, %add3A_179 : i32
      %rem3A_181 = arith.constant 2 : i32
      %rem3A_182 = arith.remsi %select_n3A_158, %rem3A_181 : i32
      %mul3A_183 = arith.constant 256 : i32
      %mul3A_184 = arith.muli %select_n3A_174, %mul3A_183 : i32
      %add3A_185 = arith.constant 128 : i32
      %add3A_186 = arith.addi %mul3A_184, %add3A_185 : i32
      %dma_wait3A_187 = arith.constant 0 : i32
      %dma_wait3A_188 = arith.constant 0 : i32
      %dma_wait3A_189 = tpu.memref_slice %arg6[%rem3A_121, %dma_wait3A_187, %dma_wait3A_188] : memref<2x256x128xf32, #tpu.memory_space<vmem>> -> memref<1x128x128xf32, #tpu.memory_space<vmem>>
      %dma_wait3A_190 = tpu.memref_squeeze %dma_wait3A_189 : memref<1x128x128xf32, #tpu.memory_space<vmem>> -> memref<128x128xf32, #tpu.memory_space<vmem>>
      %dma_wait3A_191 = tpu.memref_slice %arg5[%rem3A_176, %add3A_180] : memref<2x512xi32, #tpu.memory_space<vmem>> -> memref<1x128xi32, #tpu.memory_space<vmem>>
      %dma_wait3A_192 = tpu.memref_squeeze %dma_wait3A_191 : memref<1x128xi32, #tpu.memory_space<vmem>> -> memref<128xi32, #tpu.memory_space<vmem>>
      %dma_wait3A_193 = arith.constant 0 : i32
      %dma_wait3A_194 = arith.constant 0 : i32
      %dma_wait3A_195 = tpu.memref_slice %arg2[%dma_wait3A_193, %dma_wait3A_194] : memref<100000x128xf32, #tpu.memory_space<hbm>> -> memref<100000x128xf32, #tpu.memory_space<hbm>>
      %dma_wait3A_196 = tpu.memref_slice %arg8[%rem3A_121] : memref<2x!tpu.dma_semaphore, #tpu.memory_space<semaphore_mem>> -> memref<1x!tpu.dma_semaphore, #tpu.memory_space<semaphore_mem>>
      %dma_wait3A_197 = tpu.memref_squeeze %dma_wait3A_196 : memref<1x!tpu.dma_semaphore, #tpu.memory_space<semaphore_mem>> -> memref<!tpu.dma_semaphore, #tpu.memory_space<semaphore_mem>>
      tpu.wait_indirect_dma semaphore(%dma_wait3A_197 : memref<!tpu.dma_semaphore, #tpu.memory_space<semaphore_mem>>) src(%dma_wait3A_195 : memref<100000x128xf32, #tpu.memory_space<hbm>>) dst(%dma_wait3A_190 : memref<128x128xf32, #tpu.memory_space<vmem>>)
      %dma_wait3A_198 = arith.constant 128 : i32
      %dma_wait3A_199 = arith.constant 0 : i32
      %dma_wait3A_200 = tpu.memref_slice %arg6[%rem3A_121, %dma_wait3A_198, %dma_wait3A_199] : memref<2x256x128xf32, #tpu.memory_space<vmem>> -> memref<1x128x128xf32, #tpu.memory_space<vmem>>
      %dma_wait3A_201 = tpu.memref_squeeze %dma_wait3A_200 : memref<1x128x128xf32, #tpu.memory_space<vmem>> -> memref<128x128xf32, #tpu.memory_space<vmem>>
      %dma_wait3A_202 = tpu.memref_slice %arg5[%rem3A_182, %add3A_186] : memref<2x512xi32, #tpu.memory_space<vmem>> -> memref<1x128xi32, #tpu.memory_space<vmem>>
      %dma_wait3A_203 = tpu.memref_squeeze %dma_wait3A_202 : memref<1x128xi32, #tpu.memory_space<vmem>> -> memref<128xi32, #tpu.memory_space<vmem>>
      %dma_wait3A_204 = arith.constant 0 : i32
      %dma_wait3A_205 = arith.constant 0 : i32
      %dma_wait3A_206 = tpu.memref_slice %arg2[%dma_wait3A_204, %dma_wait3A_205] : memref<100000x128xf32, #tpu.memory_space<hbm>> -> memref<100000x128xf32, #tpu.memory_space<hbm>>
      %dma_wait3A_207 = tpu.memref_slice %arg8[%rem3A_121] : memref<2x!tpu.dma_semaphore, #tpu.memory_space<semaphore_mem>> -> memref<1x!tpu.dma_semaphore, #tpu.memory_space<semaphore_mem>>
      %dma_wait3A_208 = tpu.memref_squeeze %dma_wait3A_207 : memref<1x!tpu.dma_semaphore, #tpu.memory_space<semaphore_mem>> -> memref<!tpu.dma_semaphore, #tpu.memory_space<semaphore_mem>>
      tpu.wait_indirect_dma semaphore(%dma_wait3A_208 : memref<!tpu.dma_semaphore, #tpu.memory_space<semaphore_mem>>) src(%dma_wait3A_206 : memref<100000x128xf32, #tpu.memory_space<hbm>>) dst(%dma_wait3A_201 : memref<128x128xf32, #tpu.memory_space<vmem>>)
      %ge3A = arith.constant 2 : i32
      %ge3A_209 = arith.cmpi sge, %scan3A_119, %ge3A : i32
      %convert_element_type3A_210 = arith.extui %ge3A_209 : i1 to i32
      %cond3A_211 = arith.constant 0 : i32
      %cond3A_212 = arith.cmpi ne, %convert_element_type3A_210, %cond3A_211 : i32
      scf.if %cond3A_212 {
        %sub3A_277 = arith.constant 2 : i32
        %sub3A_278 = arith.subi %scan3A_119, %sub3A_277 : i32
        %jit3A_279 = arith.constant 2 : i32
        %div3A_280 = arith.divsi %sub3A_278, %jit3A_279 : i32
        %sign3A_281 = arith.constant 0 : i32
        %sign3A_282 = arith.cmpi sgt, %sub3A_278, %sign3A_281 : i32
        %sign3A_283 = arith.extui %sign3A_282 : i1 to i32
        %sign3A_284 = arith.constant 0 : i32
        %sign3A_285 = arith.cmpi slt, %sub3A_278, %sign3A_284 : i32
        %sign3A_286 = arith.extui %sign3A_285 : i1 to i32
        %sign3A_287 = arith.subi %sign3A_283, %sign3A_286 : i32
        %sign3A_288 = arith.constant 0 : i32
        %sign3A_289 = arith.cmpi sgt, %jit3A_279, %sign3A_288 : i32
        %sign3A_290 = arith.extui %sign3A_289 : i1 to i32
        %sign3A_291 = arith.constant 0 : i32
        %sign3A_292 = arith.cmpi slt, %jit3A_279, %sign3A_291 : i32
        %sign3A_293 = arith.extui %sign3A_292 : i1 to i32
        %sign3A_294 = arith.subi %sign3A_290, %sign3A_293 : i32
        %ne3A_295 = arith.cmpi ne, %sign3A_287, %sign3A_294 : i32
        %rem3A_296 = arith.remsi %sub3A_278, %jit3A_279 : i32
        %ne3A_297 = arith.constant 0 : i32
        %ne3A_298 = arith.cmpi ne, %rem3A_296, %ne3A_297 : i32
        %and3A_299 = arith.andi %ne3A_295, %ne3A_298 : i1
        %sub3A_300 = arith.constant 1 : i32
        %sub3A_301 = arith.subi %div3A_280, %sub3A_300 : i32
        %select_n3A_302 = arith.select %and3A_299, %sub3A_301, %div3A_280 : i32
        %jit3A_303 = arith.constant 2 : i32
        %eq3A_304 = arith.constant 0 : i32
        %eq3A_305 = arith.cmpi eq, %jit3A_303, %eq3A_304 : i32
        %jit3A_306 = arith.constant 1 : i32
        %select_n3A_307 = arith.select %eq3A_305, %jit3A_306, %jit3A_303 : i32
        %rem3A_308 = arith.remsi %sub3A_278, %select_n3A_307 : i32
        %ne3A_309 = arith.constant 0 : i32
        %ne3A_310 = arith.cmpi ne, %rem3A_308, %ne3A_309 : i32
        %lt3A_311 = arith.constant 0 : i32
        %lt3A_312 = arith.cmpi slt, %rem3A_308, %lt3A_311 : i32
        %lt3A_313 = arith.constant 0 : i32
        %lt3A_314 = arith.cmpi slt, %select_n3A_307, %lt3A_313 : i32
        %ne3A_315 = arith.xori %lt3A_312, %lt3A_314 : i1
        %and3A_316 = arith.andi %ne3A_315, %ne3A_310 : i1
        %add3A_317 = arith.addi %rem3A_308, %select_n3A_307 : i32
        %select_n3A_318 = arith.select %and3A_316, %add3A_317, %rem3A_308 : i32
        %mul3A_319 = arith.constant 4 : i32
        %mul3A_320 = arith.muli %mul3A_319, %select_n3A_302 : i32
        %add3A_321 = arith.addi %select_n3A_30, %mul3A_320 : i32
        %mul3A_322 = arith.constant 256 : i32
        %mul3A_323 = arith.muli %select_n3A_318, %mul3A_322 : i32
        %add3A_324 = arith.addi %mul3A_32, %mul3A_323 : i32
        %dma_wait3A_325 = arith.constant 0 : i32
        %dma_wait3A_326 = arith.constant 0 : i32
        %dma_wait3A_327 = tpu.memref_slice %arg7[%rem3A_121, %dma_wait3A_325, %dma_wait3A_326] : memref<2x64x256xf32, #tpu.memory_space<vmem>> -> memref<1x64x256xf32, #tpu.memory_space<vmem>>
        %dma_wait3A_328 = tpu.memref_squeeze %dma_wait3A_327 : memref<1x64x256xf32, #tpu.memory_space<vmem>> -> memref<64x256xf32, #tpu.memory_space<vmem>>
        %dma_wait3A_329 = arith.constant 0 : i32
        %dma_wait3A_330 = tpu.memref_slice %arg4[%add3A_321, %dma_wait3A_329, %add3A_324] : memref<200x64x4096xf32, #tpu.memory_space<hbm>> -> memref<1x64x256xf32, #tpu.memory_space<hbm>>
        %dma_wait3A_331 = tpu.memref_squeeze %dma_wait3A_330 : memref<1x64x256xf32, #tpu.memory_space<hbm>> -> memref<64x256xf32, #tpu.memory_space<hbm>>
        %dma_wait3A_332 = tpu.memref_slice %arg9[%rem3A_121] : memref<2x!tpu.dma_semaphore, #tpu.memory_space<semaphore_mem>> -> memref<1x!tpu.dma_semaphore, #tpu.memory_space<semaphore_mem>>
        %dma_wait3A_333 = tpu.memref_squeeze %dma_wait3A_332 : memref<1x!tpu.dma_semaphore, #tpu.memory_space<semaphore_mem>> -> memref<!tpu.dma_semaphore, #tpu.memory_space<semaphore_mem>>
        %dma_wait3A_334 = arith.constant 0 : i32
        %dma_wait3A_335 = tpu.memref_slice %arg4[%add3A_321, %dma_wait3A_334, %add3A_324] : memref<200x64x4096xf32, #tpu.memory_space<hbm>> -> memref<1x64x256xf32, #tpu.memory_space<hbm>>
        %dma_wait3A_336 = tpu.memref_squeeze %dma_wait3A_335 : memref<1x64x256xf32, #tpu.memory_space<hbm>> -> memref<64x256xf32, #tpu.memory_space<hbm>>
        %dma_wait3A_337 = arith.constant 0 : i32
        %dma_wait3A_338 = arith.constant 0 : i32
        %dma_wait3A_339 = tpu.memref_slice %arg7[%rem3A_121, %dma_wait3A_337, %dma_wait3A_338] : memref<2x64x256xf32, #tpu.memory_space<vmem>> -> memref<1x64x256xf32, #tpu.memory_space<vmem>>
        %dma_wait3A_340 = tpu.memref_squeeze %dma_wait3A_339 : memref<1x64x256xf32, #tpu.memory_space<vmem>> -> memref<64x256xf32, #tpu.memory_space<vmem>>
        tpu.wait_dma2 semaphore(%dma_wait3A_333 : memref<!tpu.dma_semaphore, #tpu.memory_space<semaphore_mem>>) src(%dma_wait3A_340 : memref<64x256xf32, #tpu.memory_space<vmem>>) dst(%dma_wait3A_336 : memref<64x256xf32, #tpu.memory_space<hbm>>)
      } else {
      }
      %parallel_loop3A = arith.constant 0 : i32
      %parallel_loop3A_213 = arith.constant 16 : i32
      %parallel_loop3A_214 = arith.constant 1 : i32
      scf.for %parallel_loop3A_277 = %parallel_loop3A to %parallel_loop3A_213 step %parallel_loop3A_214  : i32 {
        %parallel_loop3A_278 = arith.constant 16 : i32
        %parallel_loop3A_279 = arith.muli %parallel_loop3A_277, %parallel_loop3A_278 : i32
        %parallel_loop3A_280 = vector.broadcast %parallel_loop3A_279 : i32 to vector<16xi32>
        %parallel_loop3A_281 = arith.addi %iota3A, %parallel_loop3A_280 : vector<16xi32>
        %parallel_loop3A_282 = arith.constant 0 : i32
        %parallel_loop3A_283 = vector.broadcast %parallel_loop3A_282 : i32 to vector<16xi32>
        %parallel_loop3A_284 = arith.addi %iota3A, %parallel_loop3A_283 : vector<16xi32>
        %parallel_loop3A_285 = arith.constant 15 : i32
        %parallel_loop3A_286 = vector.broadcast %parallel_loop3A_285 : i32 to vector<16xi32>
        %parallel_loop3A_287 = arith.andi %parallel_loop3A_284, %parallel_loop3A_286 : vector<16xi32>
        %parallel_loop3A_288 = arith.constant 0 : i32
        %parallel_loop3A_289 = vector.broadcast %parallel_loop3A_288 : i32 to vector<16xi32>
        %parallel_loop3A_290 = arith.addi %parallel_loop3A_287, %parallel_loop3A_289 : vector<16xi32>
        %parallel_loop3A_291 = arith.constant 0 : i32
        %parallel_loop3A_292 = arith.constant 0 : i32
        %parallel_loop3A_293 = tpu.memref_slice %arg6[%rem3A_121, %parallel_loop3A_291, %parallel_loop3A_292] : memref<2x256x128xf32, #tpu.memory_space<vmem>> -> memref<1x256x128xf32, #tpu.memory_space<vmem>>
        %parallel_loop3A_294 = tpu.memref_squeeze %parallel_loop3A_293 : memref<1x256x128xf32, #tpu.memory_space<vmem>> -> memref<256x128xf32, #tpu.memory_space<vmem>>
        %parallel_loop3A_295 = tpu.vector_load_idx %parallel_loop3A_294[%parallel_loop3A_281, %parallel_loop3A_290] : memref<256x128xf32, #tpu.memory_space<vmem>>[vector<16xi32>, vector<16xi32>], vector<16xf32>,
        %parallel_loop3A_296 = arith.constant 0 : i32
        %parallel_loop3A_297 = arith.constant 0 : i32
        %parallel_loop3A_298 = tpu.memref_slice %arg7[%rem3A_121, %parallel_loop3A_296, %parallel_loop3A_297] : memref<2x64x256xf32, #tpu.memory_space<vmem>> -> memref<1x64x256xf32, #tpu.memory_space<vmem>>
        %parallel_loop3A_299 = tpu.memref_squeeze %parallel_loop3A_298 : memref<1x64x256xf32, #tpu.memory_space<vmem>> -> memref<64x256xf32, #tpu.memory_space<vmem>>
        tpu.vector_store_idx %parallel_loop3A_299[%parallel_loop3A_290, %parallel_loop3A_281], %parallel_loop3A_295 : memref<64x256xf32, #tpu.memory_space<vmem>>[vector<16xi32>, vector<16xi32>], vector<16xf32>,
        %parallel_loop3A_300 = arith.constant 1 : i32
        %parallel_loop3A_301 = vector.broadcast %parallel_loop3A_300 : i32 to vector<16xi32>
        %parallel_loop3A_302 = arith.addi %iota3A, %parallel_loop3A_301 : vector<16xi32>
        %parallel_loop3A_303 = arith.constant 15 : i32
        %parallel_loop3A_304 = vector.broadcast %parallel_loop3A_303 : i32 to vector<16xi32>
        %parallel_loop3A_305 = arith.andi %parallel_loop3A_302, %parallel_loop3A_304 : vector<16xi32>
        %parallel_loop3A_306 = arith.constant 0 : i32
        %parallel_loop3A_307 = vector.broadcast %parallel_loop3A_306 : i32 to vector<16xi32>
        %parallel_loop3A_308 = arith.addi %parallel_loop3A_305, %parallel_loop3A_307 : vector<16xi32>
        %parallel_loop3A_309 = arith.constant 0 : i32
        %parallel_loop3A_310 = arith.constant 0 : i32
        %parallel_loop3A_311 = tpu.memref_slice %arg6[%rem3A_121, %parallel_loop3A_309, %parallel_loop3A_310] : memref<2x256x128xf32, #tpu.memory_space<vmem>> -> memref<1x256x128xf32, #tpu.memory_space<vmem>>
        %parallel_loop3A_312 = tpu.memref_squeeze %parallel_loop3A_311 : memref<1x256x128xf32, #tpu.memory_space<vmem>> -> memref<256x128xf32, #tpu.memory_space<vmem>>
        %parallel_loop3A_313 = tpu.vector_load_idx %parallel_loop3A_312[%parallel_loop3A_281, %parallel_loop3A_308] : memref<256x128xf32, #tpu.memory_space<vmem>>[vector<16xi32>, vector<16xi32>], vector<16xf32>,
        %parallel_loop3A_314 = arith.constant 0 : i32
        %parallel_loop3A_315 = arith.constant 0 : i32
        %parallel_loop3A_316 = tpu.memref_slice %arg7[%rem3A_121, %parallel_loop3A_314, %parallel_loop3A_315] : memref<2x64x256xf32, #tpu.memory_space<vmem>> -> memref<1x64x256xf32, #tpu.memory_space<vmem>>
        %parallel_loop3A_317 = tpu.memref_squeeze %parallel_loop3A_316 : memref<1x64x256xf32, #tpu.memory_space<vmem>> -> memref<64x256xf32, #tpu.memory_space<vmem>>
        tpu.vector_store_idx %parallel_loop3A_317[%parallel_loop3A_308, %parallel_loop3A_281], %parallel_loop3A_313 : memref<64x256xf32, #tpu.memory_space<vmem>>[vector<16xi32>, vector<16xi32>], vector<16xf32>,
        %parallel_loop3A_318 = arith.constant 2 : i32
        %parallel_loop3A_319 = vector.broadcast %parallel_loop3A_318 : i32 to vector<16xi32>
        %parallel_loop3A_320 = arith.addi %iota3A, %parallel_loop3A_319 : vector<16xi32>
        %parallel_loop3A_321 = arith.constant 15 : i32
        %parallel_loop3A_322 = vector.broadcast %parallel_loop3A_321 : i32 to vector<16xi32>
        %parallel_loop3A_323 = arith.andi %parallel_loop3A_320, %parallel_loop3A_322 : vector<16xi32>
        %parallel_loop3A_324 = arith.constant 0 : i32
        %parallel_loop3A_325 = vector.broadcast %parallel_loop3A_324 : i32 to vector<16xi32>
        %parallel_loop3A_326 = arith.addi %parallel_loop3A_323, %parallel_loop3A_325 : vector<16xi32>
        %parallel_loop3A_327 = arith.constant 0 : i32
        %parallel_loop3A_328 = arith.constant 0 : i32
        %parallel_loop3A_329 = tpu.memref_slice %arg6[%rem3A_121, %parallel_loop3A_327, %parallel_loop3A_328] : memref<2x256x128xf32, #tpu.memory_space<vmem>> -> memref<1x256x128xf32, #tpu.memory_space<vmem>>
        %parallel_loop3A_330 = tpu.memref_squeeze %parallel_loop3A_329 : memref<1x256x128xf32, #tpu.memory_space<vmem>> -> memref<256x128xf32, #tpu.memory_space<vmem>>
        %parallel_loop3A_331 = tpu.vector_load_idx %parallel_loop3A_330[%parallel_loop3A_281, %parallel_loop3A_326] : memref<256x128xf32, #tpu.memory_space<vmem>>[vector<16xi32>, vector<16xi32>], vector<16xf32>,
        %parallel_loop3A_332 = arith.constant 0 : i32
        %parallel_loop3A_333 = arith.constant 0 : i32
        %parallel_loop3A_334 = tpu.memref_slice %arg7[%rem3A_121, %parallel_loop3A_332, %parallel_loop3A_333] : memref<2x64x256xf32, #tpu.memory_space<vmem>> -> memref<1x64x256xf32, #tpu.memory_space<vmem>>
        %parallel_loop3A_335 = tpu.memref_squeeze %parallel_loop3A_334 : memref<1x64x256xf32, #tpu.memory_space<vmem>> -> memref<64x256xf32, #tpu.memory_space<vmem>>
        tpu.vector_store_idx %parallel_loop3A_335[%parallel_loop3A_326, %parallel_loop3A_281], %parallel_loop3A_331 : memref<64x256xf32, #tpu.memory_space<vmem>>[vector<16xi32>, vector<16xi32>], vector<16xf32>,
        %parallel_loop3A_336 = arith.constant 3 : i32
        %parallel_loop3A_337 = vector.broadcast %parallel_loop3A_336 : i32 to vector<16xi32>
        %parallel_loop3A_338 = arith.addi %iota3A, %parallel_loop3A_337 : vector<16xi32>
        %parallel_loop3A_339 = arith.constant 15 : i32
        %parallel_loop3A_340 = vector.broadcast %parallel_loop3A_339 : i32 to vector<16xi32>
        %parallel_loop3A_341 = arith.andi %parallel_loop3A_338, %parallel_loop3A_340 : vector<16xi32>
        %parallel_loop3A_342 = arith.constant 0 : i32
        %parallel_loop3A_343 = vector.broadcast %parallel_loop3A_342 : i32 to vector<16xi32>
        %parallel_loop3A_344 = arith.addi %parallel_loop3A_341, %parallel_loop3A_343 : vector<16xi32>
        %parallel_loop3A_345 = arith.constant 0 : i32
        %parallel_loop3A_346 = arith.constant 0 : i32
        %parallel_loop3A_347 = tpu.memref_slice %arg6[%rem3A_121, %parallel_loop3A_345, %parallel_loop3A_346] : memref<2x256x128xf32, #tpu.memory_space<vmem>> -> memref<1x256x128xf32, #tpu.memory_space<vmem>>
        %parallel_loop3A_348 = tpu.memref_squeeze %parallel_loop3A_347 : memref<1x256x128xf32, #tpu.memory_space<vmem>> -> memref<256x128xf32, #tpu.memory_space<vmem>>
        %parallel_loop3A_349 = tpu.vector_load_idx %parallel_loop3A_348[%parallel_loop3A_281, %parallel_loop3A_344] : memref<256x128xf32, #tpu.memory_space<vmem>>[vector<16xi32>, vector<16xi32>], vector<16xf32>,
        %parallel_loop3A_350 = arith.constant 0 : i32
        %parallel_loop3A_351 = arith.constant 0 : i32
        %parallel_loop3A_352 = tpu.memref_slice %arg7[%rem3A_121, %parallel_loop3A_350, %parallel_loop3A_351] : memref<2x64x256xf32, #tpu.memory_space<vmem>> -> memref<1x64x256xf32, #tpu.memory_space<vmem>>
        %parallel_loop3A_353 = tpu.memref_squeeze %parallel_loop3A_352 : memref<1x64x256xf32, #tpu.memory_space<vmem>> -> memref<64x256xf32, #tpu.memory_space<vmem>>
        tpu.vector_store_idx %parallel_loop3A_353[%parallel_loop3A_344, %parallel_loop3A_281], %parallel_loop3A_349 : memref<64x256xf32, #tpu.memory_space<vmem>>[vector<16xi32>, vector<16xi32>], vector<16xf32>,
        %parallel_loop3A_354 = arith.constant 4 : i32
        %parallel_loop3A_355 = vector.broadcast %parallel_loop3A_354 : i32 to vector<16xi32>
        %parallel_loop3A_356 = arith.addi %iota3A, %parallel_loop3A_355 : vector<16xi32>
        %parallel_loop3A_357 = arith.constant 15 : i32
        %parallel_loop3A_358 = vector.broadcast %parallel_loop3A_357 : i32 to vector<16xi32>
        %parallel_loop3A_359 = arith.andi %parallel_loop3A_356, %parallel_loop3A_358 : vector<16xi32>
        %parallel_loop3A_360 = arith.constant 0 : i32
        %parallel_loop3A_361 = vector.broadcast %parallel_loop3A_360 : i32 to vector<16xi32>
        %parallel_loop3A_362 = arith.addi %parallel_loop3A_359, %parallel_loop3A_361 : vector<16xi32>
        %parallel_loop3A_363 = arith.constant 0 : i32
        %parallel_loop3A_364 = arith.constant 0 : i32
        %parallel_loop3A_365 = tpu.memref_slice %arg6[%rem3A_121, %parallel_loop3A_363, %parallel_loop3A_364] : memref<2x256x128xf32, #tpu.memory_space<vmem>> -> memref<1x256x128xf32, #tpu.memory_space<vmem>>
        %parallel_loop3A_366 = tpu.memref_squeeze %parallel_loop3A_365 : memref<1x256x128xf32, #tpu.memory_space<vmem>> -> memref<256x128xf32, #tpu.memory_space<vmem>>
        %parallel_loop3A_367 = tpu.vector_load_idx %parallel_loop3A_366[%parallel_loop3A_281, %parallel_loop3A_362] : memref<256x128xf32, #tpu.memory_space<vmem>>[vector<16xi32>, vector<16xi32>], vector<16xf32>,
        %parallel_loop3A_368 = arith.constant 0 : i32
        %parallel_loop3A_369 = arith.constant 0 : i32
        %parallel_loop3A_370 = tpu.memref_slice %arg7[%rem3A_121, %parallel_loop3A_368, %parallel_loop3A_369] : memref<2x64x256xf32, #tpu.memory_space<vmem>> -> memref<1x64x256xf32, #tpu.memory_space<vmem>>
        %parallel_loop3A_371 = tpu.memref_squeeze %parallel_loop3A_370 : memref<1x64x256xf32, #tpu.memory_space<vmem>> -> memref<64x256xf32, #tpu.memory_space<vmem>>
        tpu.vector_store_idx %parallel_loop3A_371[%parallel_loop3A_362, %parallel_loop3A_281], %parallel_loop3A_367 : memref<64x256xf32, #tpu.memory_space<vmem>>[vector<16xi32>, vector<16xi32>], vector<16xf32>,
        %parallel_loop3A_372 = arith.constant 5 : i32
        %parallel_loop3A_373 = vector.broadcast %parallel_loop3A_372 : i32 to vector<16xi32>
        %parallel_loop3A_374 = arith.addi %iota3A, %parallel_loop3A_373 : vector<16xi32>
        %parallel_loop3A_375 = arith.constant 15 : i32
        %parallel_loop3A_376 = vector.broadcast %parallel_loop3A_375 : i32 to vector<16xi32>
        %parallel_loop3A_377 = arith.andi %parallel_loop3A_374, %parallel_loop3A_376 : vector<16xi32>
        %parallel_loop3A_378 = arith.constant 0 : i32
        %parallel_loop3A_379 = vector.broadcast %parallel_loop3A_378 : i32 to vector<16xi32>
        %parallel_loop3A_380 = arith.addi %parallel_loop3A_377, %parallel_loop3A_379 : vector<16xi32>
        %parallel_loop3A_381 = arith.constant 0 : i32
        %parallel_loop3A_382 = arith.constant 0 : i32
        %parallel_loop3A_383 = tpu.memref_slice %arg6[%rem3A_121, %parallel_loop3A_381, %parallel_loop3A_382] : memref<2x256x128xf32, #tpu.memory_space<vmem>> -> memref<1x256x128xf32, #tpu.memory_space<vmem>>
        %parallel_loop3A_384 = tpu.memref_squeeze %parallel_loop3A_383 : memref<1x256x128xf32, #tpu.memory_space<vmem>> -> memref<256x128xf32, #tpu.memory_space<vmem>>
        %parallel_loop3A_385 = tpu.vector_load_idx %parallel_loop3A_384[%parallel_loop3A_281, %parallel_loop3A_380] : memref<256x128xf32, #tpu.memory_space<vmem>>[vector<16xi32>, vector<16xi32>], vector<16xf32>,
        %parallel_loop3A_386 = arith.constant 0 : i32
        %parallel_loop3A_387 = arith.constant 0 : i32
        %parallel_loop3A_388 = tpu.memref_slice %arg7[%rem3A_121, %parallel_loop3A_386, %parallel_loop3A_387] : memref<2x64x256xf32, #tpu.memory_space<vmem>> -> memref<1x64x256xf32, #tpu.memory_space<vmem>>
        %parallel_loop3A_389 = tpu.memref_squeeze %parallel_loop3A_388 : memref<1x64x256xf32, #tpu.memory_space<vmem>> -> memref<64x256xf32, #tpu.memory_space<vmem>>
        tpu.vector_store_idx %parallel_loop3A_389[%parallel_loop3A_380, %parallel_loop3A_281], %parallel_loop3A_385 : memref<64x256xf32, #tpu.memory_space<vmem>>[vector<16xi32>, vector<16xi32>], vector<16xf32>,
        %parallel_loop3A_390 = arith.constant 6 : i32
        %parallel_loop3A_391 = vector.broadcast %parallel_loop3A_390 : i32 to vector<16xi32>
        %parallel_loop3A_392 = arith.addi %iota3A, %parallel_loop3A_391 : vector<16xi32>
        %parallel_loop3A_393 = arith.constant 15 : i32
        %parallel_loop3A_394 = vector.broadcast %parallel_loop3A_393 : i32 to vector<16xi32>
        %parallel_loop3A_395 = arith.andi %parallel_loop3A_392, %parallel_loop3A_394 : vector<16xi32>
        %parallel_loop3A_396 = arith.constant 0 : i32
        %parallel_loop3A_397 = vector.broadcast %parallel_loop3A_396 : i32 to vector<16xi32>
        %parallel_loop3A_398 = arith.addi %parallel_loop3A_395, %parallel_loop3A_397 : vector<16xi32>
        %parallel_loop3A_399 = arith.constant 0 : i32
        %parallel_loop3A_400 = arith.constant 0 : i32
        %parallel_loop3A_401 = tpu.memref_slice %arg6[%rem3A_121, %parallel_loop3A_399, %parallel_loop3A_400] : memref<2x256x128xf32, #tpu.memory_space<vmem>> -> memref<1x256x128xf32, #tpu.memory_space<vmem>>
        %parallel_loop3A_402 = tpu.memref_squeeze %parallel_loop3A_401 : memref<1x256x128xf32, #tpu.memory_space<vmem>> -> memref<256x128xf32, #tpu.memory_space<vmem>>
        %parallel_loop3A_403 = tpu.vector_load_idx %parallel_loop3A_402[%parallel_loop3A_281, %parallel_loop3A_398] : memref<256x128xf32, #tpu.memory_space<vmem>>[vector<16xi32>, vector<16xi32>], vector<16xf32>,
        %parallel_loop3A_404 = arith.constant 0 : i32
        %parallel_loop3A_405 = arith.constant 0 : i32
        %parallel_loop3A_406 = tpu.memref_slice %arg7[%rem3A_121, %parallel_loop3A_404, %parallel_loop3A_405] : memref<2x64x256xf32, #tpu.memory_space<vmem>> -> memref<1x64x256xf32, #tpu.memory_space<vmem>>
        %parallel_loop3A_407 = tpu.memref_squeeze %parallel_loop3A_406 : memref<1x64x256xf32, #tpu.memory_space<vmem>> -> memref<64x256xf32, #tpu.memory_space<vmem>>
        tpu.vector_store_idx %parallel_loop3A_407[%parallel_loop3A_398, %parallel_loop3A_281], %parallel_loop3A_403 : memref<64x256xf32, #tpu.memory_space<vmem>>[vector<16xi32>, vector<16xi32>], vector<16xf32>,
        %parallel_loop3A_408 = arith.constant 7 : i32
        %parallel_loop3A_409 = vector.broadcast %parallel_loop3A_408 : i32 to vector<16xi32>
        %parallel_loop3A_410 = arith.addi %iota3A, %parallel_loop3A_409 : vector<16xi32>
        %parallel_loop3A_411 = arith.constant 15 : i32
        %parallel_loop3A_412 = vector.broadcast %parallel_loop3A_411 : i32 to vector<16xi32>
        %parallel_loop3A_413 = arith.andi %parallel_loop3A_410, %parallel_loop3A_412 : vector<16xi32>
        %parallel_loop3A_414 = arith.constant 0 : i32
        %parallel_loop3A_415 = vector.broadcast %parallel_loop3A_414 : i32 to vector<16xi32>
        %parallel_loop3A_416 = arith.addi %parallel_loop3A_413, %parallel_loop3A_415 : vector<16xi32>
        %parallel_loop3A_417 = arith.constant 0 : i32
        %parallel_loop3A_418 = arith.constant 0 : i32
        %parallel_loop3A_419 = tpu.memref_slice %arg6[%rem3A_121, %parallel_loop3A_417, %parallel_loop3A_418] : memref<2x256x128xf32, #tpu.memory_space<vmem>> -> memref<1x256x128xf32, #tpu.memory_space<vmem>>
        %parallel_loop3A_420 = tpu.memref_squeeze %parallel_loop3A_419 : memref<1x256x128xf32, #tpu.memory_space<vmem>> -> memref<256x128xf32, #tpu.memory_space<vmem>>
        %parallel_loop3A_421 = tpu.vector_load_idx %parallel_loop3A_420[%parallel_loop3A_281, %parallel_loop3A_416] : memref<256x128xf32, #tpu.memory_space<vmem>>[vector<16xi32>, vector<16xi32>], vector<16xf32>,
        %parallel_loop3A_422 = arith.constant 0 : i32
        %parallel_loop3A_423 = arith.constant 0 : i32
        %parallel_loop3A_424 = tpu.memref_slice %arg7[%rem3A_121, %parallel_loop3A_422, %parallel_loop3A_423] : memref<2x64x256xf32, #tpu.memory_space<vmem>> -> memref<1x64x256xf32, #tpu.memory_space<vmem>>
        %parallel_loop3A_425 = tpu.memref_squeeze %parallel_loop3A_424 : memref<1x64x256xf32, #tpu.memory_space<vmem>> -> memref<64x256xf32, #tpu.memory_space<vmem>>
        tpu.vector_store_idx %parallel_loop3A_425[%parallel_loop3A_416, %parallel_loop3A_281], %parallel_loop3A_421 : memref<64x256xf32, #tpu.memory_space<vmem>>[vector<16xi32>, vector<16xi32>], vector<16xf32>,
        %parallel_loop3A_426 = arith.constant 8 : i32
        %parallel_loop3A_427 = vector.broadcast %parallel_loop3A_426 : i32 to vector<16xi32>
        %parallel_loop3A_428 = arith.addi %iota3A, %parallel_loop3A_427 : vector<16xi32>
        %parallel_loop3A_429 = arith.constant 15 : i32
        %parallel_loop3A_430 = vector.broadcast %parallel_loop3A_429 : i32 to vector<16xi32>
        %parallel_loop3A_431 = arith.andi %parallel_loop3A_428, %parallel_loop3A_430 : vector<16xi32>
        %parallel_loop3A_432 = arith.constant 0 : i32
        %parallel_loop3A_433 = vector.broadcast %parallel_loop3A_432 : i32 to vector<16xi32>
        %parallel_loop3A_434 = arith.addi %parallel_loop3A_431, %parallel_loop3A_433 : vector<16xi32>
        %parallel_loop3A_435 = arith.constant 0 : i32
        %parallel_loop3A_436 = arith.constant 0 : i32
        %parallel_loop3A_437 = tpu.memref_slice %arg6[%rem3A_121, %parallel_loop3A_435, %parallel_loop3A_436] : memref<2x256x128xf32, #tpu.memory_space<vmem>> -> memref<1x256x128xf32, #tpu.memory_space<vmem>>
        %parallel_loop3A_438 = tpu.memref_squeeze %parallel_loop3A_437 : memref<1x256x128xf32, #tpu.memory_space<vmem>> -> memref<256x128xf32, #tpu.memory_space<vmem>>
        %parallel_loop3A_439 = tpu.vector_load_idx %parallel_loop3A_438[%parallel_loop3A_281, %parallel_loop3A_434] : memref<256x128xf32, #tpu.memory_space<vmem>>[vector<16xi32>, vector<16xi32>], vector<16xf32>,
        %parallel_loop3A_440 = arith.constant 0 : i32
        %parallel_loop3A_441 = arith.constant 0 : i32
        %parallel_loop3A_442 = tpu.memref_slice %arg7[%rem3A_121, %parallel_loop3A_440, %parallel_loop3A_441] : memref<2x64x256xf32, #tpu.memory_space<vmem>> -> memref<1x64x256xf32, #tpu.memory_space<vmem>>
        %parallel_loop3A_443 = tpu.memref_squeeze %parallel_loop3A_442 : memref<1x64x256xf32, #tpu.memory_space<vmem>> -> memref<64x256xf32, #tpu.memory_space<vmem>>
        tpu.vector_store_idx %parallel_loop3A_443[%parallel_loop3A_434, %parallel_loop3A_281], %parallel_loop3A_439 : memref<64x256xf32, #tpu.memory_space<vmem>>[vector<16xi32>, vector<16xi32>], vector<16xf32>,
        %parallel_loop3A_444 = arith.constant 9 : i32
        %parallel_loop3A_445 = vector.broadcast %parallel_loop3A_444 : i32 to vector<16xi32>
        %parallel_loop3A_446 = arith.addi %iota3A, %parallel_loop3A_445 : vector<16xi32>
        %parallel_loop3A_447 = arith.constant 15 : i32
        %parallel_loop3A_448 = vector.broadcast %parallel_loop3A_447 : i32 to vector<16xi32>
        %parallel_loop3A_449 = arith.andi %parallel_loop3A_446, %parallel_loop3A_448 : vector<16xi32>
        %parallel_loop3A_450 = arith.constant 0 : i32
        %parallel_loop3A_451 = vector.broadcast %parallel_loop3A_450 : i32 to vector<16xi32>
        %parallel_loop3A_452 = arith.addi %parallel_loop3A_449, %parallel_loop3A_451 : vector<16xi32>
        %parallel_loop3A_453 = arith.constant 0 : i32
        %parallel_loop3A_454 = arith.constant 0 : i32
        %parallel_loop3A_455 = tpu.memref_slice %arg6[%rem3A_121, %parallel_loop3A_453, %parallel_loop3A_454] : memref<2x256x128xf32, #tpu.memory_space<vmem>> -> memref<1x256x128xf32, #tpu.memory_space<vmem>>
        %parallel_loop3A_456 = tpu.memref_squeeze %parallel_loop3A_455 : memref<1x256x128xf32, #tpu.memory_space<vmem>> -> memref<256x128xf32, #tpu.memory_space<vmem>>
        %parallel_loop3A_457 = tpu.vector_load_idx %parallel_loop3A_456[%parallel_loop3A_281, %parallel_loop3A_452] : memref<256x128xf32, #tpu.memory_space<vmem>>[vector<16xi32>, vector<16xi32>], vector<16xf32>,
        %parallel_loop3A_458 = arith.constant 0 : i32
        %parallel_loop3A_459 = arith.constant 0 : i32
        %parallel_loop3A_460 = tpu.memref_slice %arg7[%rem3A_121, %parallel_loop3A_458, %parallel_loop3A_459] : memref<2x64x256xf32, #tpu.memory_space<vmem>> -> memref<1x64x256xf32, #tpu.memory_space<vmem>>
        %parallel_loop3A_461 = tpu.memref_squeeze %parallel_loop3A_460 : memref<1x64x256xf32, #tpu.memory_space<vmem>> -> memref<64x256xf32, #tpu.memory_space<vmem>>
        tpu.vector_store_idx %parallel_loop3A_461[%parallel_loop3A_452, %parallel_loop3A_281], %parallel_loop3A_457 : memref<64x256xf32, #tpu.memory_space<vmem>>[vector<16xi32>, vector<16xi32>], vector<16xf32>,
        %parallel_loop3A_462 = arith.constant 10 : i32
        %parallel_loop3A_463 = vector.broadcast %parallel_loop3A_462 : i32 to vector<16xi32>
        %parallel_loop3A_464 = arith.addi %iota3A, %parallel_loop3A_463 : vector<16xi32>
        %parallel_loop3A_465 = arith.constant 15 : i32
        %parallel_loop3A_466 = vector.broadcast %parallel_loop3A_465 : i32 to vector<16xi32>
        %parallel_loop3A_467 = arith.andi %parallel_loop3A_464, %parallel_loop3A_466 : vector<16xi32>
        %parallel_loop3A_468 = arith.constant 0 : i32
        %parallel_loop3A_469 = vector.broadcast %parallel_loop3A_468 : i32 to vector<16xi32>
        %parallel_loop3A_470 = arith.addi %parallel_loop3A_467, %parallel_loop3A_469 : vector<16xi32>
        %parallel_loop3A_471 = arith.constant 0 : i32
        %parallel_loop3A_472 = arith.constant 0 : i32
        %parallel_loop3A_473 = tpu.memref_slice %arg6[%rem3A_121, %parallel_loop3A_471, %parallel_loop3A_472] : memref<2x256x128xf32, #tpu.memory_space<vmem>> -> memref<1x256x128xf32, #tpu.memory_space<vmem>>
        %parallel_loop3A_474 = tpu.memref_squeeze %parallel_loop3A_473 : memref<1x256x128xf32, #tpu.memory_space<vmem>> -> memref<256x128xf32, #tpu.memory_space<vmem>>
        %parallel_loop3A_475 = tpu.vector_load_idx %parallel_loop3A_474[%parallel_loop3A_281, %parallel_loop3A_470] : memref<256x128xf32, #tpu.memory_space<vmem>>[vector<16xi32>, vector<16xi32>], vector<16xf32>,
        %parallel_loop3A_476 = arith.constant 0 : i32
        %parallel_loop3A_477 = arith.constant 0 : i32
        %parallel_loop3A_478 = tpu.memref_slice %arg7[%rem3A_121, %parallel_loop3A_476, %parallel_loop3A_477] : memref<2x64x256xf32, #tpu.memory_space<vmem>> -> memref<1x64x256xf32, #tpu.memory_space<vmem>>
        %parallel_loop3A_479 = tpu.memref_squeeze %parallel_loop3A_478 : memref<1x64x256xf32, #tpu.memory_space<vmem>> -> memref<64x256xf32, #tpu.memory_space<vmem>>
        tpu.vector_store_idx %parallel_loop3A_479[%parallel_loop3A_470, %parallel_loop3A_281], %parallel_loop3A_475 : memref<64x256xf32, #tpu.memory_space<vmem>>[vector<16xi32>, vector<16xi32>], vector<16xf32>,
        %parallel_loop3A_480 = arith.constant 11 : i32
        %parallel_loop3A_481 = vector.broadcast %parallel_loop3A_480 : i32 to vector<16xi32>
        %parallel_loop3A_482 = arith.addi %iota3A, %parallel_loop3A_481 : vector<16xi32>
        %parallel_loop3A_483 = arith.constant 15 : i32
        %parallel_loop3A_484 = vector.broadcast %parallel_loop3A_483 : i32 to vector<16xi32>
        %parallel_loop3A_485 = arith.andi %parallel_loop3A_482, %parallel_loop3A_484 : vector<16xi32>
        %parallel_loop3A_486 = arith.constant 0 : i32
        %parallel_loop3A_487 = vector.broadcast %parallel_loop3A_486 : i32 to vector<16xi32>
        %parallel_loop3A_488 = arith.addi %parallel_loop3A_485, %parallel_loop3A_487 : vector<16xi32>
        %parallel_loop3A_489 = arith.constant 0 : i32
        %parallel_loop3A_490 = arith.constant 0 : i32
        %parallel_loop3A_491 = tpu.memref_slice %arg6[%rem3A_121, %parallel_loop3A_489, %parallel_loop3A_490] : memref<2x256x128xf32, #tpu.memory_space<vmem>> -> memref<1x256x128xf32, #tpu.memory_space<vmem>>
        %parallel_loop3A_492 = tpu.memref_squeeze %parallel_loop3A_491 : memref<1x256x128xf32, #tpu.memory_space<vmem>> -> memref<256x128xf32, #tpu.memory_space<vmem>>
        %parallel_loop3A_493 = tpu.vector_load_idx %parallel_loop3A_492[%parallel_loop3A_281, %parallel_loop3A_488] : memref<256x128xf32, #tpu.memory_space<vmem>>[vector<16xi32>, vector<16xi32>], vector<16xf32>,
        %parallel_loop3A_494 = arith.constant 0 : i32
        %parallel_loop3A_495 = arith.constant 0 : i32
        %parallel_loop3A_496 = tpu.memref_slice %arg7[%rem3A_121, %parallel_loop3A_494, %parallel_loop3A_495] : memref<2x64x256xf32, #tpu.memory_space<vmem>> -> memref<1x64x256xf32, #tpu.memory_space<vmem>>
        %parallel_loop3A_497 = tpu.memref_squeeze %parallel_loop3A_496 : memref<1x64x256xf32, #tpu.memory_space<vmem>> -> memref<64x256xf32, #tpu.memory_space<vmem>>
        tpu.vector_store_idx %parallel_loop3A_497[%parallel_loop3A_488, %parallel_loop3A_281], %parallel_loop3A_493 : memref<64x256xf32, #tpu.memory_space<vmem>>[vector<16xi32>, vector<16xi32>], vector<16xf32>,
        %parallel_loop3A_498 = arith.constant 12 : i32
        %parallel_loop3A_499 = vector.broadcast %parallel_loop3A_498 : i32 to vector<16xi32>
        %parallel_loop3A_500 = arith.addi %iota3A, %parallel_loop3A_499 : vector<16xi32>
        %parallel_loop3A_501 = arith.constant 15 : i32
        %parallel_loop3A_502 = vector.broadcast %parallel_loop3A_501 : i32 to vector<16xi32>
        %parallel_loop3A_503 = arith.andi %parallel_loop3A_500, %parallel_loop3A_502 : vector<16xi32>
        %parallel_loop3A_504 = arith.constant 0 : i32
        %parallel_loop3A_505 = vector.broadcast %parallel_loop3A_504 : i32 to vector<16xi32>
        %parallel_loop3A_506 = arith.addi %parallel_loop3A_503, %parallel_loop3A_505 : vector<16xi32>
        %parallel_loop3A_507 = arith.constant 0 : i32
        %parallel_loop3A_508 = arith.constant 0 : i32
        %parallel_loop3A_509 = tpu.memref_slice %arg6[%rem3A_121, %parallel_loop3A_507, %parallel_loop3A_508] : memref<2x256x128xf32, #tpu.memory_space<vmem>> -> memref<1x256x128xf32, #tpu.memory_space<vmem>>
        %parallel_loop3A_510 = tpu.memref_squeeze %parallel_loop3A_509 : memref<1x256x128xf32, #tpu.memory_space<vmem>> -> memref<256x128xf32, #tpu.memory_space<vmem>>
        %parallel_loop3A_511 = tpu.vector_load_idx %parallel_loop3A_510[%parallel_loop3A_281, %parallel_loop3A_506] : memref<256x128xf32, #tpu.memory_space<vmem>>[vector<16xi32>, vector<16xi32>], vector<16xf32>,
        %parallel_loop3A_512 = arith.constant 0 : i32
        %parallel_loop3A_513 = arith.constant 0 : i32
        %parallel_loop3A_514 = tpu.memref_slice %arg7[%rem3A_121, %parallel_loop3A_512, %parallel_loop3A_513] : memref<2x64x256xf32, #tpu.memory_space<vmem>> -> memref<1x64x256xf32, #tpu.memory_space<vmem>>
        %parallel_loop3A_515 = tpu.memref_squeeze %parallel_loop3A_514 : memref<1x64x256xf32, #tpu.memory_space<vmem>> -> memref<64x256xf32, #tpu.memory_space<vmem>>
        tpu.vector_store_idx %parallel_loop3A_515[%parallel_loop3A_506, %parallel_loop3A_281], %parallel_loop3A_511 : memref<64x256xf32, #tpu.memory_space<vmem>>[vector<16xi32>, vector<16xi32>], vector<16xf32>,
        %parallel_loop3A_516 = arith.constant 13 : i32
        %parallel_loop3A_517 = vector.broadcast %parallel_loop3A_516 : i32 to vector<16xi32>
        %parallel_loop3A_518 = arith.addi %iota3A, %parallel_loop3A_517 : vector<16xi32>
        %parallel_loop3A_519 = arith.constant 15 : i32
        %parallel_loop3A_520 = vector.broadcast %parallel_loop3A_519 : i32 to vector<16xi32>
        %parallel_loop3A_521 = arith.andi %parallel_loop3A_518, %parallel_loop3A_520 : vector<16xi32>
        %parallel_loop3A_522 = arith.constant 0 : i32
        %parallel_loop3A_523 = vector.broadcast %parallel_loop3A_522 : i32 to vector<16xi32>
        %parallel_loop3A_524 = arith.addi %parallel_loop3A_521, %parallel_loop3A_523 : vector<16xi32>
        %parallel_loop3A_525 = arith.constant 0 : i32
        %parallel_loop3A_526 = arith.constant 0 : i32
        %parallel_loop3A_527 = tpu.memref_slice %arg6[%rem3A_121, %parallel_loop3A_525, %parallel_loop3A_526] : memref<2x256x128xf32, #tpu.memory_space<vmem>> -> memref<1x256x128xf32, #tpu.memory_space<vmem>>
        %parallel_loop3A_528 = tpu.memref_squeeze %parallel_loop3A_527 : memref<1x256x128xf32, #tpu.memory_space<vmem>> -> memref<256x128xf32, #tpu.memory_space<vmem>>
        %parallel_loop3A_529 = tpu.vector_load_idx %parallel_loop3A_528[%parallel_loop3A_281, %parallel_loop3A_524] : memref<256x128xf32, #tpu.memory_space<vmem>>[vector<16xi32>, vector<16xi32>], vector<16xf32>,
        %parallel_loop3A_530 = arith.constant 0 : i32
        %parallel_loop3A_531 = arith.constant 0 : i32
        %parallel_loop3A_532 = tpu.memref_slice %arg7[%rem3A_121, %parallel_loop3A_530, %parallel_loop3A_531] : memref<2x64x256xf32, #tpu.memory_space<vmem>> -> memref<1x64x256xf32, #tpu.memory_space<vmem>>
        %parallel_loop3A_533 = tpu.memref_squeeze %parallel_loop3A_532 : memref<1x64x256xf32, #tpu.memory_space<vmem>> -> memref<64x256xf32, #tpu.memory_space<vmem>>
        tpu.vector_store_idx %parallel_loop3A_533[%parallel_loop3A_524, %parallel_loop3A_281], %parallel_loop3A_529 : memref<64x256xf32, #tpu.memory_space<vmem>>[vector<16xi32>, vector<16xi32>], vector<16xf32>,
        %parallel_loop3A_534 = arith.constant 14 : i32
        %parallel_loop3A_535 = vector.broadcast %parallel_loop3A_534 : i32 to vector<16xi32>
        %parallel_loop3A_536 = arith.addi %iota3A, %parallel_loop3A_535 : vector<16xi32>
        %parallel_loop3A_537 = arith.constant 15 : i32
        %parallel_loop3A_538 = vector.broadcast %parallel_loop3A_537 : i32 to vector<16xi32>
        %parallel_loop3A_539 = arith.andi %parallel_loop3A_536, %parallel_loop3A_538 : vector<16xi32>
        %parallel_loop3A_540 = arith.constant 0 : i32
        %parallel_loop3A_541 = vector.broadcast %parallel_loop3A_540 : i32 to vector<16xi32>
        %parallel_loop3A_542 = arith.addi %parallel_loop3A_539, %parallel_loop3A_541 : vector<16xi32>
        %parallel_loop3A_543 = arith.constant 0 : i32
        %parallel_loop3A_544 = arith.constant 0 : i32
        %parallel_loop3A_545 = tpu.memref_slice %arg6[%rem3A_121, %parallel_loop3A_543, %parallel_loop3A_544] : memref<2x256x128xf32, #tpu.memory_space<vmem>> -> memref<1x256x128xf32, #tpu.memory_space<vmem>>
        %parallel_loop3A_546 = tpu.memref_squeeze %parallel_loop3A_545 : memref<1x256x128xf32, #tpu.memory_space<vmem>> -> memref<256x128xf32, #tpu.memory_space<vmem>>
        %parallel_loop3A_547 = tpu.vector_load_idx %parallel_loop3A_546[%parallel_loop3A_281, %parallel_loop3A_542] : memref<256x128xf32, #tpu.memory_space<vmem>>[vector<16xi32>, vector<16xi32>], vector<16xf32>,
        %parallel_loop3A_548 = arith.constant 0 : i32
        %parallel_loop3A_549 = arith.constant 0 : i32
        %parallel_loop3A_550 = tpu.memref_slice %arg7[%rem3A_121, %parallel_loop3A_548, %parallel_loop3A_549] : memref<2x64x256xf32, #tpu.memory_space<vmem>> -> memref<1x64x256xf32, #tpu.memory_space<vmem>>
        %parallel_loop3A_551 = tpu.memref_squeeze %parallel_loop3A_550 : memref<1x64x256xf32, #tpu.memory_space<vmem>> -> memref<64x256xf32, #tpu.memory_space<vmem>>
        tpu.vector_store_idx %parallel_loop3A_551[%parallel_loop3A_542, %parallel_loop3A_281], %parallel_loop3A_547 : memref<64x256xf32, #tpu.memory_space<vmem>>[vector<16xi32>, vector<16xi32>], vector<16xf32>,
        %parallel_loop3A_552 = arith.constant 15 : i32
        %parallel_loop3A_553 = vector.broadcast %parallel_loop3A_552 : i32 to vector<16xi32>
        %parallel_loop3A_554 = arith.addi %iota3A, %parallel_loop3A_553 : vector<16xi32>
        %parallel_loop3A_555 = arith.constant 15 : i32
        %parallel_loop3A_556 = vector.broadcast %parallel_loop3A_555 : i32 to vector<16xi32>
        %parallel_loop3A_557 = arith.andi %parallel_loop3A_554, %parallel_loop3A_556 : vector<16xi32>
        %parallel_loop3A_558 = arith.constant 0 : i32
        %parallel_loop3A_559 = vector.broadcast %parallel_loop3A_558 : i32 to vector<16xi32>
        %parallel_loop3A_560 = arith.addi %parallel_loop3A_557, %parallel_loop3A_559 : vector<16xi32>
        %parallel_loop3A_561 = arith.constant 0 : i32
        %parallel_loop3A_562 = arith.constant 0 : i32
        %parallel_loop3A_563 = tpu.memref_slice %arg6[%rem3A_121, %parallel_loop3A_561, %parallel_loop3A_562] : memref<2x256x128xf32, #tpu.memory_space<vmem>> -> memref<1x256x128xf32, #tpu.memory_space<vmem>>
        %parallel_loop3A_564 = tpu.memref_squeeze %parallel_loop3A_563 : memref<1x256x128xf32, #tpu.memory_space<vmem>> -> memref<256x128xf32, #tpu.memory_space<vmem>>
        %parallel_loop3A_565 = tpu.vector_load_idx %parallel_loop3A_564[%parallel_loop3A_281, %parallel_loop3A_560] : memref<256x128xf32, #tpu.memory_space<vmem>>[vector<16xi32>, vector<16xi32>], vector<16xf32>,
        %parallel_loop3A_566 = arith.constant 0 : i32
        %parallel_loop3A_567 = arith.constant 0 : i32
        %parallel_loop3A_568 = tpu.memref_slice %arg7[%rem3A_121, %parallel_loop3A_566, %parallel_loop3A_567] : memref<2x64x256xf32, #tpu.memory_space<vmem>> -> memref<1x64x256xf32, #tpu.memory_space<vmem>>
        %parallel_loop3A_569 = tpu.memref_squeeze %parallel_loop3A_568 : memref<1x64x256xf32, #tpu.memory_space<vmem>> -> memref<64x256xf32, #tpu.memory_space<vmem>>
        tpu.vector_store_idx %parallel_loop3A_569[%parallel_loop3A_560, %parallel_loop3A_281], %parallel_loop3A_565 : memref<64x256xf32, #tpu.memory_space<vmem>>[vector<16xi32>, vector<16xi32>], vector<16xf32>,
        %parallel_loop3A_570 = arith.constant 0 : i32
        %parallel_loop3A_571 = vector.broadcast %parallel_loop3A_570 : i32 to vector<16xi32>
        %parallel_loop3A_572 = arith.addi %iota3A, %parallel_loop3A_571 : vector<16xi32>
        %parallel_loop3A_573 = arith.constant 15 : i32
        %parallel_loop3A_574 = vector.broadcast %parallel_loop3A_573 : i32 to vector<16xi32>
        %parallel_loop3A_575 = arith.andi %parallel_loop3A_572, %parallel_loop3A_574 : vector<16xi32>
        %parallel_loop3A_576 = arith.constant 16 : i32
        %parallel_loop3A_577 = vector.broadcast %parallel_loop3A_576 : i32 to vector<16xi32>
        %parallel_loop3A_578 = arith.addi %parallel_loop3A_575, %parallel_loop3A_577 : vector<16xi32>
        %parallel_loop3A_579 = arith.constant 0 : i32
        %parallel_loop3A_580 = arith.constant 0 : i32
        %parallel_loop3A_581 = tpu.memref_slice %arg6[%rem3A_121, %parallel_loop3A_579, %parallel_loop3A_580] : memref<2x256x128xf32, #tpu.memory_space<vmem>> -> memref<1x256x128xf32, #tpu.memory_space<vmem>>
        %parallel_loop3A_582 = tpu.memref_squeeze %parallel_loop3A_581 : memref<1x256x128xf32, #tpu.memory_space<vmem>> -> memref<256x128xf32, #tpu.memory_space<vmem>>
        %parallel_loop3A_583 = tpu.vector_load_idx %parallel_loop3A_582[%parallel_loop3A_281, %parallel_loop3A_578] : memref<256x128xf32, #tpu.memory_space<vmem>>[vector<16xi32>, vector<16xi32>], vector<16xf32>,
        %parallel_loop3A_584 = arith.constant 0 : i32
        %parallel_loop3A_585 = arith.constant 0 : i32
        %parallel_loop3A_586 = tpu.memref_slice %arg7[%rem3A_121, %parallel_loop3A_584, %parallel_loop3A_585] : memref<2x64x256xf32, #tpu.memory_space<vmem>> -> memref<1x64x256xf32, #tpu.memory_space<vmem>>
        %parallel_loop3A_587 = tpu.memref_squeeze %parallel_loop3A_586 : memref<1x64x256xf32, #tpu.memory_space<vmem>> -> memref<64x256xf32, #tpu.memory_space<vmem>>
        tpu.vector_store_idx %parallel_loop3A_587[%parallel_loop3A_578, %parallel_loop3A_281], %parallel_loop3A_583 : memref<64x256xf32, #tpu.memory_space<vmem>>[vector<16xi32>, vector<16xi32>], vector<16xf32>,
        %parallel_loop3A_588 = arith.constant 1 : i32
        %parallel_loop3A_589 = vector.broadcast %parallel_loop3A_588 : i32 to vector<16xi32>
        %parallel_loop3A_590 = arith.addi %iota3A, %parallel_loop3A_589 : vector<16xi32>
        %parallel_loop3A_591 = arith.constant 15 : i32
        %parallel_loop3A_592 = vector.broadcast %parallel_loop3A_591 : i32 to vector<16xi32>
        %parallel_loop3A_593 = arith.andi %parallel_loop3A_590, %parallel_loop3A_592 : vector<16xi32>
        %parallel_loop3A_594 = arith.constant 16 : i32
        %parallel_loop3A_595 = vector.broadcast %parallel_loop3A_594 : i32 to vector<16xi32>
        %parallel_loop3A_596 = arith.addi %parallel_loop3A_593, %parallel_loop3A_595 : vector<16xi32>
        %parallel_loop3A_597 = arith.constant 0 : i32
        %parallel_loop3A_598 = arith.constant 0 : i32
        %parallel_loop3A_599 = tpu.memref_slice %arg6[%rem3A_121, %parallel_loop3A_597, %parallel_loop3A_598] : memref<2x256x128xf32, #tpu.memory_space<vmem>> -> memref<1x256x128xf32, #tpu.memory_space<vmem>>
        %parallel_loop3A_600 = tpu.memref_squeeze %parallel_loop3A_599 : memref<1x256x128xf32, #tpu.memory_space<vmem>> -> memref<256x128xf32, #tpu.memory_space<vmem>>
        %parallel_loop3A_601 = tpu.vector_load_idx %parallel_loop3A_600[%parallel_loop3A_281, %parallel_loop3A_596] : memref<256x128xf32, #tpu.memory_space<vmem>>[vector<16xi32>, vector<16xi32>], vector<16xf32>,
        %parallel_loop3A_602 = arith.constant 0 : i32
        %parallel_loop3A_603 = arith.constant 0 : i32
        %parallel_loop3A_604 = tpu.memref_slice %arg7[%rem3A_121, %parallel_loop3A_602, %parallel_loop3A_603] : memref<2x64x256xf32, #tpu.memory_space<vmem>> -> memref<1x64x256xf32, #tpu.memory_space<vmem>>
        %parallel_loop3A_605 = tpu.memref_squeeze %parallel_loop3A_604 : memref<1x64x256xf32, #tpu.memory_space<vmem>> -> memref<64x256xf32, #tpu.memory_space<vmem>>
        tpu.vector_store_idx %parallel_loop3A_605[%parallel_loop3A_596, %parallel_loop3A_281], %parallel_loop3A_601 : memref<64x256xf32, #tpu.memory_space<vmem>>[vector<16xi32>, vector<16xi32>], vector<16xf32>,
        %parallel_loop3A_606 = arith.constant 2 : i32
        %parallel_loop3A_607 = vector.broadcast %parallel_loop3A_606 : i32 to vector<16xi32>
        %parallel_loop3A_608 = arith.addi %iota3A, %parallel_loop3A_607 : vector<16xi32>
        %parallel_loop3A_609 = arith.constant 15 : i32
        %parallel_loop3A_610 = vector.broadcast %parallel_loop3A_609 : i32 to vector<16xi32>
        %parallel_loop3A_611 = arith.andi %parallel_loop3A_608, %parallel_loop3A_610 : vector<16xi32>
        %parallel_loop3A_612 = arith.constant 16 : i32
        %parallel_loop3A_613 = vector.broadcast %parallel_loop3A_612 : i32 to vector<16xi32>
        %parallel_loop3A_614 = arith.addi %parallel_loop3A_611, %parallel_loop3A_613 : vector<16xi32>
        %parallel_loop3A_615 = arith.constant 0 : i32
        %parallel_loop3A_616 = arith.constant 0 : i32
        %parallel_loop3A_617 = tpu.memref_slice %arg6[%rem3A_121, %parallel_loop3A_615, %parallel_loop3A_616] : memref<2x256x128xf32, #tpu.memory_space<vmem>> -> memref<1x256x128xf32, #tpu.memory_space<vmem>>
        %parallel_loop3A_618 = tpu.memref_squeeze %parallel_loop3A_617 : memref<1x256x128xf32, #tpu.memory_space<vmem>> -> memref<256x128xf32, #tpu.memory_space<vmem>>
        %parallel_loop3A_619 = tpu.vector_load_idx %parallel_loop3A_618[%parallel_loop3A_281, %parallel_loop3A_614] : memref<256x128xf32, #tpu.memory_space<vmem>>[vector<16xi32>, vector<16xi32>], vector<16xf32>,
        %parallel_loop3A_620 = arith.constant 0 : i32
        %parallel_loop3A_621 = arith.constant 0 : i32
        %parallel_loop3A_622 = tpu.memref_slice %arg7[%rem3A_121, %parallel_loop3A_620, %parallel_loop3A_621] : memref<2x64x256xf32, #tpu.memory_space<vmem>> -> memref<1x64x256xf32, #tpu.memory_space<vmem>>
        %parallel_loop3A_623 = tpu.memref_squeeze %parallel_loop3A_622 : memref<1x64x256xf32, #tpu.memory_space<vmem>> -> memref<64x256xf32, #tpu.memory_space<vmem>>
        tpu.vector_store_idx %parallel_loop3A_623[%parallel_loop3A_614, %parallel_loop3A_281], %parallel_loop3A_619 : memref<64x256xf32, #tpu.memory_space<vmem>>[vector<16xi32>, vector<16xi32>], vector<16xf32>,
        %parallel_loop3A_624 = arith.constant 3 : i32
        %parallel_loop3A_625 = vector.broadcast %parallel_loop3A_624 : i32 to vector<16xi32>
        %parallel_loop3A_626 = arith.addi %iota3A, %parallel_loop3A_625 : vector<16xi32>
        %parallel_loop3A_627 = arith.constant 15 : i32
        %parallel_loop3A_628 = vector.broadcast %parallel_loop3A_627 : i32 to vector<16xi32>
        %parallel_loop3A_629 = arith.andi %parallel_loop3A_626, %parallel_loop3A_628 : vector<16xi32>
        %parallel_loop3A_630 = arith.constant 16 : i32
        %parallel_loop3A_631 = vector.broadcast %parallel_loop3A_630 : i32 to vector<16xi32>
        %parallel_loop3A_632 = arith.addi %parallel_loop3A_629, %parallel_loop3A_631 : vector<16xi32>
        %parallel_loop3A_633 = arith.constant 0 : i32
        %parallel_loop3A_634 = arith.constant 0 : i32
        %parallel_loop3A_635 = tpu.memref_slice %arg6[%rem3A_121, %parallel_loop3A_633, %parallel_loop3A_634] : memref<2x256x128xf32, #tpu.memory_space<vmem>> -> memref<1x256x128xf32, #tpu.memory_space<vmem>>
        %parallel_loop3A_636 = tpu.memref_squeeze %parallel_loop3A_635 : memref<1x256x128xf32, #tpu.memory_space<vmem>> -> memref<256x128xf32, #tpu.memory_space<vmem>>
        %parallel_loop3A_637 = tpu.vector_load_idx %parallel_loop3A_636[%parallel_loop3A_281, %parallel_loop3A_632] : memref<256x128xf32, #tpu.memory_space<vmem>>[vector<16xi32>, vector<16xi32>], vector<16xf32>,
        %parallel_loop3A_638 = arith.constant 0 : i32
        %parallel_loop3A_639 = arith.constant 0 : i32
        %parallel_loop3A_640 = tpu.memref_slice %arg7[%rem3A_121, %parallel_loop3A_638, %parallel_loop3A_639] : memref<2x64x256xf32, #tpu.memory_space<vmem>> -> memref<1x64x256xf32, #tpu.memory_space<vmem>>
        %parallel_loop3A_641 = tpu.memref_squeeze %parallel_loop3A_640 : memref<1x64x256xf32, #tpu.memory_space<vmem>> -> memref<64x256xf32, #tpu.memory_space<vmem>>
        tpu.vector_store_idx %parallel_loop3A_641[%parallel_loop3A_632, %parallel_loop3A_281], %parallel_loop3A_637 : memref<64x256xf32, #tpu.memory_space<vmem>>[vector<16xi32>, vector<16xi32>], vector<16xf32>,
        %parallel_loop3A_642 = arith.constant 4 : i32
        %parallel_loop3A_643 = vector.broadcast %parallel_loop3A_642 : i32 to vector<16xi32>
        %parallel_loop3A_644 = arith.addi %iota3A, %parallel_loop3A_643 : vector<16xi32>
        %parallel_loop3A_645 = arith.constant 15 : i32
        %parallel_loop3A_646 = vector.broadcast %parallel_loop3A_645 : i32 to vector<16xi32>
        %parallel_loop3A_647 = arith.andi %parallel_loop3A_644, %parallel_loop3A_646 : vector<16xi32>
        %parallel_loop3A_648 = arith.constant 16 : i32
        %parallel_loop3A_649 = vector.broadcast %parallel_loop3A_648 : i32 to vector<16xi32>
        %parallel_loop3A_650 = arith.addi %parallel_loop3A_647, %parallel_loop3A_649 : vector<16xi32>
        %parallel_loop3A_651 = arith.constant 0 : i32
        %parallel_loop3A_652 = arith.constant 0 : i32
        %parallel_loop3A_653 = tpu.memref_slice %arg6[%rem3A_121, %parallel_loop3A_651, %parallel_loop3A_652] : memref<2x256x128xf32, #tpu.memory_space<vmem>> -> memref<1x256x128xf32, #tpu.memory_space<vmem>>
        %parallel_loop3A_654 = tpu.memref_squeeze %parallel_loop3A_653 : memref<1x256x128xf32, #tpu.memory_space<vmem>> -> memref<256x128xf32, #tpu.memory_space<vmem>>
        %parallel_loop3A_655 = tpu.vector_load_idx %parallel_loop3A_654[%parallel_loop3A_281, %parallel_loop3A_650] : memref<256x128xf32, #tpu.memory_space<vmem>>[vector<16xi32>, vector<16xi32>], vector<16xf32>,
        %parallel_loop3A_656 = arith.constant 0 : i32
        %parallel_loop3A_657 = arith.constant 0 : i32
        %parallel_loop3A_658 = tpu.memref_slice %arg7[%rem3A_121, %parallel_loop3A_656, %parallel_loop3A_657] : memref<2x64x256xf32, #tpu.memory_space<vmem>> -> memref<1x64x256xf32, #tpu.memory_space<vmem>>
        %parallel_loop3A_659 = tpu.memref_squeeze %parallel_loop3A_658 : memref<1x64x256xf32, #tpu.memory_space<vmem>> -> memref<64x256xf32, #tpu.memory_space<vmem>>
        tpu.vector_store_idx %parallel_loop3A_659[%parallel_loop3A_650, %parallel_loop3A_281], %parallel_loop3A_655 : memref<64x256xf32, #tpu.memory_space<vmem>>[vector<16xi32>, vector<16xi32>], vector<16xf32>,
        %parallel_loop3A_660 = arith.constant 5 : i32
        %parallel_loop3A_661 = vector.broadcast %parallel_loop3A_660 : i32 to vector<16xi32>
        %parallel_loop3A_662 = arith.addi %iota3A, %parallel_loop3A_661 : vector<16xi32>
        %parallel_loop3A_663 = arith.constant 15 : i32
        %parallel_loop3A_664 = vector.broadcast %parallel_loop3A_663 : i32 to vector<16xi32>
        %parallel_loop3A_665 = arith.andi %parallel_loop3A_662, %parallel_loop3A_664 : vector<16xi32>
        %parallel_loop3A_666 = arith.constant 16 : i32
        %parallel_loop3A_667 = vector.broadcast %parallel_loop3A_666 : i32 to vector<16xi32>
        %parallel_loop3A_668 = arith.addi %parallel_loop3A_665, %parallel_loop3A_667 : vector<16xi32>
        %parallel_loop3A_669 = arith.constant 0 : i32
        %parallel_loop3A_670 = arith.constant 0 : i32
        %parallel_loop3A_671 = tpu.memref_slice %arg6[%rem3A_121, %parallel_loop3A_669, %parallel_loop3A_670] : memref<2x256x128xf32, #tpu.memory_space<vmem>> -> memref<1x256x128xf32, #tpu.memory_space<vmem>>
        %parallel_loop3A_672 = tpu.memref_squeeze %parallel_loop3A_671 : memref<1x256x128xf32, #tpu.memory_space<vmem>> -> memref<256x128xf32, #tpu.memory_space<vmem>>
        %parallel_loop3A_673 = tpu.vector_load_idx %parallel_loop3A_672[%parallel_loop3A_281, %parallel_loop3A_668] : memref<256x128xf32, #tpu.memory_space<vmem>>[vector<16xi32>, vector<16xi32>], vector<16xf32>,
        %parallel_loop3A_674 = arith.constant 0 : i32
        %parallel_loop3A_675 = arith.constant 0 : i32
        %parallel_loop3A_676 = tpu.memref_slice %arg7[%rem3A_121, %parallel_loop3A_674, %parallel_loop3A_675] : memref<2x64x256xf32, #tpu.memory_space<vmem>> -> memref<1x64x256xf32, #tpu.memory_space<vmem>>
        %parallel_loop3A_677 = tpu.memref_squeeze %parallel_loop3A_676 : memref<1x64x256xf32, #tpu.memory_space<vmem>> -> memref<64x256xf32, #tpu.memory_space<vmem>>
        tpu.vector_store_idx %parallel_loop3A_677[%parallel_loop3A_668, %parallel_loop3A_281], %parallel_loop3A_673 : memref<64x256xf32, #tpu.memory_space<vmem>>[vector<16xi32>, vector<16xi32>], vector<16xf32>,
        %parallel_loop3A_678 = arith.constant 6 : i32
        %parallel_loop3A_679 = vector.broadcast %parallel_loop3A_678 : i32 to vector<16xi32>
        %parallel_loop3A_680 = arith.addi %iota3A, %parallel_loop3A_679 : vector<16xi32>
        %parallel_loop3A_681 = arith.constant 15 : i32
        %parallel_loop3A_682 = vector.broadcast %parallel_loop3A_681 : i32 to vector<16xi32>
        %parallel_loop3A_683 = arith.andi %parallel_loop3A_680, %parallel_loop3A_682 : vector<16xi32>
        %parallel_loop3A_684 = arith.constant 16 : i32
        %parallel_loop3A_685 = vector.broadcast %parallel_loop3A_684 : i32 to vector<16xi32>
        %parallel_loop3A_686 = arith.addi %parallel_loop3A_683, %parallel_loop3A_685 : vector<16xi32>
        %parallel_loop3A_687 = arith.constant 0 : i32
        %parallel_loop3A_688 = arith.constant 0 : i32
        %parallel_loop3A_689 = tpu.memref_slice %arg6[%rem3A_121, %parallel_loop3A_687, %parallel_loop3A_688] : memref<2x256x128xf32, #tpu.memory_space<vmem>> -> memref<1x256x128xf32, #tpu.memory_space<vmem>>
        %parallel_loop3A_690 = tpu.memref_squeeze %parallel_loop3A_689 : memref<1x256x128xf32, #tpu.memory_space<vmem>> -> memref<256x128xf32, #tpu.memory_space<vmem>>
        %parallel_loop3A_691 = tpu.vector_load_idx %parallel_loop3A_690[%parallel_loop3A_281, %parallel_loop3A_686] : memref<256x128xf32, #tpu.memory_space<vmem>>[vector<16xi32>, vector<16xi32>], vector<16xf32>,
        %parallel_loop3A_692 = arith.constant 0 : i32
        %parallel_loop3A_693 = arith.constant 0 : i32
        %parallel_loop3A_694 = tpu.memref_slice %arg7[%rem3A_121, %parallel_loop3A_692, %parallel_loop3A_693] : memref<2x64x256xf32, #tpu.memory_space<vmem>> -> memref<1x64x256xf32, #tpu.memory_space<vmem>>
        %parallel_loop3A_695 = tpu.memref_squeeze %parallel_loop3A_694 : memref<1x64x256xf32, #tpu.memory_space<vmem>> -> memref<64x256xf32, #tpu.memory_space<vmem>>
        tpu.vector_store_idx %parallel_loop3A_695[%parallel_loop3A_686, %parallel_loop3A_281], %parallel_loop3A_691 : memref<64x256xf32, #tpu.memory_space<vmem>>[vector<16xi32>, vector<16xi32>], vector<16xf32>,
        %parallel_loop3A_696 = arith.constant 7 : i32
        %parallel_loop3A_697 = vector.broadcast %parallel_loop3A_696 : i32 to vector<16xi32>
        %parallel_loop3A_698 = arith.addi %iota3A, %parallel_loop3A_697 : vector<16xi32>
        %parallel_loop3A_699 = arith.constant 15 : i32
        %parallel_loop3A_700 = vector.broadcast %parallel_loop3A_699 : i32 to vector<16xi32>
        %parallel_loop3A_701 = arith.andi %parallel_loop3A_698, %parallel_loop3A_700 : vector<16xi32>
        %parallel_loop3A_702 = arith.constant 16 : i32
        %parallel_loop3A_703 = vector.broadcast %parallel_loop3A_702 : i32 to vector<16xi32>
        %parallel_loop3A_704 = arith.addi %parallel_loop3A_701, %parallel_loop3A_703 : vector<16xi32>
        %parallel_loop3A_705 = arith.constant 0 : i32
        %parallel_loop3A_706 = arith.constant 0 : i32
        %parallel_loop3A_707 = tpu.memref_slice %arg6[%rem3A_121, %parallel_loop3A_705, %parallel_loop3A_706] : memref<2x256x128xf32, #tpu.memory_space<vmem>> -> memref<1x256x128xf32, #tpu.memory_space<vmem>>
        %parallel_loop3A_708 = tpu.memref_squeeze %parallel_loop3A_707 : memref<1x256x128xf32, #tpu.memory_space<vmem>> -> memref<256x128xf32, #tpu.memory_space<vmem>>
        %parallel_loop3A_709 = tpu.vector_load_idx %parallel_loop3A_708[%parallel_loop3A_281, %parallel_loop3A_704] : memref<256x128xf32, #tpu.memory_space<vmem>>[vector<16xi32>, vector<16xi32>], vector<16xf32>,
        %parallel_loop3A_710 = arith.constant 0 : i32
        %parallel_loop3A_711 = arith.constant 0 : i32
        %parallel_loop3A_712 = tpu.memref_slice %arg7[%rem3A_121, %parallel_loop3A_710, %parallel_loop3A_711] : memref<2x64x256xf32, #tpu.memory_space<vmem>> -> memref<1x64x256xf32, #tpu.memory_space<vmem>>
        %parallel_loop3A_713 = tpu.memref_squeeze %parallel_loop3A_712 : memref<1x64x256xf32, #tpu.memory_space<vmem>> -> memref<64x256xf32, #tpu.memory_space<vmem>>
        tpu.vector_store_idx %parallel_loop3A_713[%parallel_loop3A_704, %parallel_loop3A_281], %parallel_loop3A_709 : memref<64x256xf32, #tpu.memory_space<vmem>>[vector<16xi32>, vector<16xi32>], vector<16xf32>,
        %parallel_loop3A_714 = arith.constant 8 : i32
        %parallel_loop3A_715 = vector.broadcast %parallel_loop3A_714 : i32 to vector<16xi32>
        %parallel_loop3A_716 = arith.addi %iota3A, %parallel_loop3A_715 : vector<16xi32>
        %parallel_loop3A_717 = arith.constant 15 : i32
        %parallel_loop3A_718 = vector.broadcast %parallel_loop3A_717 : i32 to vector<16xi32>
        %parallel_loop3A_719 = arith.andi %parallel_loop3A_716, %parallel_loop3A_718 : vector<16xi32>
        %parallel_loop3A_720 = arith.constant 16 : i32
        %parallel_loop3A_721 = vector.broadcast %parallel_loop3A_720 : i32 to vector<16xi32>
        %parallel_loop3A_722 = arith.addi %parallel_loop3A_719, %parallel_loop3A_721 : vector<16xi32>
        %parallel_loop3A_723 = arith.constant 0 : i32
        %parallel_loop3A_724 = arith.constant 0 : i32
        %parallel_loop3A_725 = tpu.memref_slice %arg6[%rem3A_121, %parallel_loop3A_723, %parallel_loop3A_724] : memref<2x256x128xf32, #tpu.memory_space<vmem>> -> memref<1x256x128xf32, #tpu.memory_space<vmem>>
        %parallel_loop3A_726 = tpu.memref_squeeze %parallel_loop3A_725 : memref<1x256x128xf32, #tpu.memory_space<vmem>> -> memref<256x128xf32, #tpu.memory_space<vmem>>
        %parallel_loop3A_727 = tpu.vector_load_idx %parallel_loop3A_726[%parallel_loop3A_281, %parallel_loop3A_722] : memref<256x128xf32, #tpu.memory_space<vmem>>[vector<16xi32>, vector<16xi32>], vector<16xf32>,
        %parallel_loop3A_728 = arith.constant 0 : i32
        %parallel_loop3A_729 = arith.constant 0 : i32
        %parallel_loop3A_730 = tpu.memref_slice %arg7[%rem3A_121, %parallel_loop3A_728, %parallel_loop3A_729] : memref<2x64x256xf32, #tpu.memory_space<vmem>> -> memref<1x64x256xf32, #tpu.memory_space<vmem>>
        %parallel_loop3A_731 = tpu.memref_squeeze %parallel_loop3A_730 : memref<1x64x256xf32, #tpu.memory_space<vmem>> -> memref<64x256xf32, #tpu.memory_space<vmem>>
        tpu.vector_store_idx %parallel_loop3A_731[%parallel_loop3A_722, %parallel_loop3A_281], %parallel_loop3A_727 : memref<64x256xf32, #tpu.memory_space<vmem>>[vector<16xi32>, vector<16xi32>], vector<16xf32>,
        %parallel_loop3A_732 = arith.constant 9 : i32
        %parallel_loop3A_733 = vector.broadcast %parallel_loop3A_732 : i32 to vector<16xi32>
        %parallel_loop3A_734 = arith.addi %iota3A, %parallel_loop3A_733 : vector<16xi32>
        %parallel_loop3A_735 = arith.constant 15 : i32
        %parallel_loop3A_736 = vector.broadcast %parallel_loop3A_735 : i32 to vector<16xi32>
        %parallel_loop3A_737 = arith.andi %parallel_loop3A_734, %parallel_loop3A_736 : vector<16xi32>
        %parallel_loop3A_738 = arith.constant 16 : i32
        %parallel_loop3A_739 = vector.broadcast %parallel_loop3A_738 : i32 to vector<16xi32>
        %parallel_loop3A_740 = arith.addi %parallel_loop3A_737, %parallel_loop3A_739 : vector<16xi32>
        %parallel_loop3A_741 = arith.constant 0 : i32
        %parallel_loop3A_742 = arith.constant 0 : i32
        %parallel_loop3A_743 = tpu.memref_slice %arg6[%rem3A_121, %parallel_loop3A_741, %parallel_loop3A_742] : memref<2x256x128xf32, #tpu.memory_space<vmem>> -> memref<1x256x128xf32, #tpu.memory_space<vmem>>
        %parallel_loop3A_744 = tpu.memref_squeeze %parallel_loop3A_743 : memref<1x256x128xf32, #tpu.memory_space<vmem>> -> memref<256x128xf32, #tpu.memory_space<vmem>>
        %parallel_loop3A_745 = tpu.vector_load_idx %parallel_loop3A_744[%parallel_loop3A_281, %parallel_loop3A_740] : memref<256x128xf32, #tpu.memory_space<vmem>>[vector<16xi32>, vector<16xi32>], vector<16xf32>,
        %parallel_loop3A_746 = arith.constant 0 : i32
        %parallel_loop3A_747 = arith.constant 0 : i32
        %parallel_loop3A_748 = tpu.memref_slice %arg7[%rem3A_121, %parallel_loop3A_746, %parallel_loop3A_747] : memref<2x64x256xf32, #tpu.memory_space<vmem>> -> memref<1x64x256xf32, #tpu.memory_space<vmem>>
        %parallel_loop3A_749 = tpu.memref_squeeze %parallel_loop3A_748 : memref<1x64x256xf32, #tpu.memory_space<vmem>> -> memref<64x256xf32, #tpu.memory_space<vmem>>
        tpu.vector_store_idx %parallel_loop3A_749[%parallel_loop3A_740, %parallel_loop3A_281], %parallel_loop3A_745 : memref<64x256xf32, #tpu.memory_space<vmem>>[vector<16xi32>, vector<16xi32>], vector<16xf32>,
        %parallel_loop3A_750 = arith.constant 10 : i32
        %parallel_loop3A_751 = vector.broadcast %parallel_loop3A_750 : i32 to vector<16xi32>
        %parallel_loop3A_752 = arith.addi %iota3A, %parallel_loop3A_751 : vector<16xi32>
        %parallel_loop3A_753 = arith.constant 15 : i32
        %parallel_loop3A_754 = vector.broadcast %parallel_loop3A_753 : i32 to vector<16xi32>
        %parallel_loop3A_755 = arith.andi %parallel_loop3A_752, %parallel_loop3A_754 : vector<16xi32>
        %parallel_loop3A_756 = arith.constant 16 : i32
        %parallel_loop3A_757 = vector.broadcast %parallel_loop3A_756 : i32 to vector<16xi32>
        %parallel_loop3A_758 = arith.addi %parallel_loop3A_755, %parallel_loop3A_757 : vector<16xi32>
        %parallel_loop3A_759 = arith.constant 0 : i32
        %parallel_loop3A_760 = arith.constant 0 : i32
        %parallel_loop3A_761 = tpu.memref_slice %arg6[%rem3A_121, %parallel_loop3A_759, %parallel_loop3A_760] : memref<2x256x128xf32, #tpu.memory_space<vmem>> -> memref<1x256x128xf32, #tpu.memory_space<vmem>>
        %parallel_loop3A_762 = tpu.memref_squeeze %parallel_loop3A_761 : memref<1x256x128xf32, #tpu.memory_space<vmem>> -> memref<256x128xf32, #tpu.memory_space<vmem>>
        %parallel_loop3A_763 = tpu.vector_load_idx %parallel_loop3A_762[%parallel_loop3A_281, %parallel_loop3A_758] : memref<256x128xf32, #tpu.memory_space<vmem>>[vector<16xi32>, vector<16xi32>], vector<16xf32>,
        %parallel_loop3A_764 = arith.constant 0 : i32
        %parallel_loop3A_765 = arith.constant 0 : i32
        %parallel_loop3A_766 = tpu.memref_slice %arg7[%rem3A_121, %parallel_loop3A_764, %parallel_loop3A_765] : memref<2x64x256xf32, #tpu.memory_space<vmem>> -> memref<1x64x256xf32, #tpu.memory_space<vmem>>
        %parallel_loop3A_767 = tpu.memref_squeeze %parallel_loop3A_766 : memref<1x64x256xf32, #tpu.memory_space<vmem>> -> memref<64x256xf32, #tpu.memory_space<vmem>>
        tpu.vector_store_idx %parallel_loop3A_767[%parallel_loop3A_758, %parallel_loop3A_281], %parallel_loop3A_763 : memref<64x256xf32, #tpu.memory_space<vmem>>[vector<16xi32>, vector<16xi32>], vector<16xf32>,
        %parallel_loop3A_768 = arith.constant 11 : i32
        %parallel_loop3A_769 = vector.broadcast %parallel_loop3A_768 : i32 to vector<16xi32>
        %parallel_loop3A_770 = arith.addi %iota3A, %parallel_loop3A_769 : vector<16xi32>
        %parallel_loop3A_771 = arith.constant 15 : i32
        %parallel_loop3A_772 = vector.broadcast %parallel_loop3A_771 : i32 to vector<16xi32>
        %parallel_loop3A_773 = arith.andi %parallel_loop3A_770, %parallel_loop3A_772 : vector<16xi32>
        %parallel_loop3A_774 = arith.constant 16 : i32
        %parallel_loop3A_775 = vector.broadcast %parallel_loop3A_774 : i32 to vector<16xi32>
        %parallel_loop3A_776 = arith.addi %parallel_loop3A_773, %parallel_loop3A_775 : vector<16xi32>
        %parallel_loop3A_777 = arith.constant 0 : i32
        %parallel_loop3A_778 = arith.constant 0 : i32
        %parallel_loop3A_779 = tpu.memref_slice %arg6[%rem3A_121, %parallel_loop3A_777, %parallel_loop3A_778] : memref<2x256x128xf32, #tpu.memory_space<vmem>> -> memref<1x256x128xf32, #tpu.memory_space<vmem>>
        %parallel_loop3A_780 = tpu.memref_squeeze %parallel_loop3A_779 : memref<1x256x128xf32, #tpu.memory_space<vmem>> -> memref<256x128xf32, #tpu.memory_space<vmem>>
        %parallel_loop3A_781 = tpu.vector_load_idx %parallel_loop3A_780[%parallel_loop3A_281, %parallel_loop3A_776] : memref<256x128xf32, #tpu.memory_space<vmem>>[vector<16xi32>, vector<16xi32>], vector<16xf32>,
        %parallel_loop3A_782 = arith.constant 0 : i32
        %parallel_loop3A_783 = arith.constant 0 : i32
        %parallel_loop3A_784 = tpu.memref_slice %arg7[%rem3A_121, %parallel_loop3A_782, %parallel_loop3A_783] : memref<2x64x256xf32, #tpu.memory_space<vmem>> -> memref<1x64x256xf32, #tpu.memory_space<vmem>>
        %parallel_loop3A_785 = tpu.memref_squeeze %parallel_loop3A_784 : memref<1x64x256xf32, #tpu.memory_space<vmem>> -> memref<64x256xf32, #tpu.memory_space<vmem>>
        tpu.vector_store_idx %parallel_loop3A_785[%parallel_loop3A_776, %parallel_loop3A_281], %parallel_loop3A_781 : memref<64x256xf32, #tpu.memory_space<vmem>>[vector<16xi32>, vector<16xi32>], vector<16xf32>,
        %parallel_loop3A_786 = arith.constant 12 : i32
        %parallel_loop3A_787 = vector.broadcast %parallel_loop3A_786 : i32 to vector<16xi32>
        %parallel_loop3A_788 = arith.addi %iota3A, %parallel_loop3A_787 : vector<16xi32>
        %parallel_loop3A_789 = arith.constant 15 : i32
        %parallel_loop3A_790 = vector.broadcast %parallel_loop3A_789 : i32 to vector<16xi32>
        %parallel_loop3A_791 = arith.andi %parallel_loop3A_788, %parallel_loop3A_790 : vector<16xi32>
        %parallel_loop3A_792 = arith.constant 16 : i32
        %parallel_loop3A_793 = vector.broadcast %parallel_loop3A_792 : i32 to vector<16xi32>
        %parallel_loop3A_794 = arith.addi %parallel_loop3A_791, %parallel_loop3A_793 : vector<16xi32>
        %parallel_loop3A_795 = arith.constant 0 : i32
        %parallel_loop3A_796 = arith.constant 0 : i32
        %parallel_loop3A_797 = tpu.memref_slice %arg6[%rem3A_121, %parallel_loop3A_795, %parallel_loop3A_796] : memref<2x256x128xf32, #tpu.memory_space<vmem>> -> memref<1x256x128xf32, #tpu.memory_space<vmem>>
        %parallel_loop3A_798 = tpu.memref_squeeze %parallel_loop3A_797 : memref<1x256x128xf32, #tpu.memory_space<vmem>> -> memref<256x128xf32, #tpu.memory_space<vmem>>
        %parallel_loop3A_799 = tpu.vector_load_idx %parallel_loop3A_798[%parallel_loop3A_281, %parallel_loop3A_794] : memref<256x128xf32, #tpu.memory_space<vmem>>[vector<16xi32>, vector<16xi32>], vector<16xf32>,
        %parallel_loop3A_800 = arith.constant 0 : i32
        %parallel_loop3A_801 = arith.constant 0 : i32
        %parallel_loop3A_802 = tpu.memref_slice %arg7[%rem3A_121, %parallel_loop3A_800, %parallel_loop3A_801] : memref<2x64x256xf32, #tpu.memory_space<vmem>> -> memref<1x64x256xf32, #tpu.memory_space<vmem>>
        %parallel_loop3A_803 = tpu.memref_squeeze %parallel_loop3A_802 : memref<1x64x256xf32, #tpu.memory_space<vmem>> -> memref<64x256xf32, #tpu.memory_space<vmem>>
        tpu.vector_store_idx %parallel_loop3A_803[%parallel_loop3A_794, %parallel_loop3A_281], %parallel_loop3A_799 : memref<64x256xf32, #tpu.memory_space<vmem>>[vector<16xi32>, vector<16xi32>], vector<16xf32>,
        %parallel_loop3A_804 = arith.constant 13 : i32
        %parallel_loop3A_805 = vector.broadcast %parallel_loop3A_804 : i32 to vector<16xi32>
        %parallel_loop3A_806 = arith.addi %iota3A, %parallel_loop3A_805 : vector<16xi32>
        %parallel_loop3A_807 = arith.constant 15 : i32
        %parallel_loop3A_808 = vector.broadcast %parallel_loop3A_807 : i32 to vector<16xi32>
        %parallel_loop3A_809 = arith.andi %parallel_loop3A_806, %parallel_loop3A_808 : vector<16xi32>
        %parallel_loop3A_810 = arith.constant 16 : i32
        %parallel_loop3A_811 = vector.broadcast %parallel_loop3A_810 : i32 to vector<16xi32>
        %parallel_loop3A_812 = arith.addi %parallel_loop3A_809, %parallel_loop3A_811 : vector<16xi32>
        %parallel_loop3A_813 = arith.constant 0 : i32
        %parallel_loop3A_814 = arith.constant 0 : i32
        %parallel_loop3A_815 = tpu.memref_slice %arg6[%rem3A_121, %parallel_loop3A_813, %parallel_loop3A_814] : memref<2x256x128xf32, #tpu.memory_space<vmem>> -> memref<1x256x128xf32, #tpu.memory_space<vmem>>
        %parallel_loop3A_816 = tpu.memref_squeeze %parallel_loop3A_815 : memref<1x256x128xf32, #tpu.memory_space<vmem>> -> memref<256x128xf32, #tpu.memory_space<vmem>>
        %parallel_loop3A_817 = tpu.vector_load_idx %parallel_loop3A_816[%parallel_loop3A_281, %parallel_loop3A_812] : memref<256x128xf32, #tpu.memory_space<vmem>>[vector<16xi32>, vector<16xi32>], vector<16xf32>,
        %parallel_loop3A_818 = arith.constant 0 : i32
        %parallel_loop3A_819 = arith.constant 0 : i32
        %parallel_loop3A_820 = tpu.memref_slice %arg7[%rem3A_121, %parallel_loop3A_818, %parallel_loop3A_819] : memref<2x64x256xf32, #tpu.memory_space<vmem>> -> memref<1x64x256xf32, #tpu.memory_space<vmem>>
        %parallel_loop3A_821 = tpu.memref_squeeze %parallel_loop3A_820 : memref<1x64x256xf32, #tpu.memory_space<vmem>> -> memref<64x256xf32, #tpu.memory_space<vmem>>
        tpu.vector_store_idx %parallel_loop3A_821[%parallel_loop3A_812, %parallel_loop3A_281], %parallel_loop3A_817 : memref<64x256xf32, #tpu.memory_space<vmem>>[vector<16xi32>, vector<16xi32>], vector<16xf32>,
        %parallel_loop3A_822 = arith.constant 14 : i32
        %parallel_loop3A_823 = vector.broadcast %parallel_loop3A_822 : i32 to vector<16xi32>
        %parallel_loop3A_824 = arith.addi %iota3A, %parallel_loop3A_823 : vector<16xi32>
        %parallel_loop3A_825 = arith.constant 15 : i32
        %parallel_loop3A_826 = vector.broadcast %parallel_loop3A_825 : i32 to vector<16xi32>
        %parallel_loop3A_827 = arith.andi %parallel_loop3A_824, %parallel_loop3A_826 : vector<16xi32>
        %parallel_loop3A_828 = arith.constant 16 : i32
        %parallel_loop3A_829 = vector.broadcast %parallel_loop3A_828 : i32 to vector<16xi32>
        %parallel_loop3A_830 = arith.addi %parallel_loop3A_827, %parallel_loop3A_829 : vector<16xi32>
        %parallel_loop3A_831 = arith.constant 0 : i32
        %parallel_loop3A_832 = arith.constant 0 : i32
        %parallel_loop3A_833 = tpu.memref_slice %arg6[%rem3A_121, %parallel_loop3A_831, %parallel_loop3A_832] : memref<2x256x128xf32, #tpu.memory_space<vmem>> -> memref<1x256x128xf32, #tpu.memory_space<vmem>>
        %parallel_loop3A_834 = tpu.memref_squeeze %parallel_loop3A_833 : memref<1x256x128xf32, #tpu.memory_space<vmem>> -> memref<256x128xf32, #tpu.memory_space<vmem>>
        %parallel_loop3A_835 = tpu.vector_load_idx %parallel_loop3A_834[%parallel_loop3A_281, %parallel_loop3A_830] : memref<256x128xf32, #tpu.memory_space<vmem>>[vector<16xi32>, vector<16xi32>], vector<16xf32>,
        %parallel_loop3A_836 = arith.constant 0 : i32
        %parallel_loop3A_837 = arith.constant 0 : i32
        %parallel_loop3A_838 = tpu.memref_slice %arg7[%rem3A_121, %parallel_loop3A_836, %parallel_loop3A_837] : memref<2x64x256xf32, #tpu.memory_space<vmem>> -> memref<1x64x256xf32, #tpu.memory_space<vmem>>
        %parallel_loop3A_839 = tpu.memref_squeeze %parallel_loop3A_838 : memref<1x64x256xf32, #tpu.memory_space<vmem>> -> memref<64x256xf32, #tpu.memory_space<vmem>>
        tpu.vector_store_idx %parallel_loop3A_839[%parallel_loop3A_830, %parallel_loop3A_281], %parallel_loop3A_835 : memref<64x256xf32, #tpu.memory_space<vmem>>[vector<16xi32>, vector<16xi32>], vector<16xf32>,
        %parallel_loop3A_840 = arith.constant 15 : i32
        %parallel_loop3A_841 = vector.broadcast %parallel_loop3A_840 : i32 to vector<16xi32>
        %parallel_loop3A_842 = arith.addi %iota3A, %parallel_loop3A_841 : vector<16xi32>
        %parallel_loop3A_843 = arith.constant 15 : i32
        %parallel_loop3A_844 = vector.broadcast %parallel_loop3A_843 : i32 to vector<16xi32>
        %parallel_loop3A_845 = arith.andi %parallel_loop3A_842, %parallel_loop3A_844 : vector<16xi32>
        %parallel_loop3A_846 = arith.constant 16 : i32
        %parallel_loop3A_847 = vector.broadcast %parallel_loop3A_846 : i32 to vector<16xi32>
        %parallel_loop3A_848 = arith.addi %parallel_loop3A_845, %parallel_loop3A_847 : vector<16xi32>
        %parallel_loop3A_849 = arith.constant 0 : i32
        %parallel_loop3A_850 = arith.constant 0 : i32
        %parallel_loop3A_851 = tpu.memref_slice %arg6[%rem3A_121, %parallel_loop3A_849, %parallel_loop3A_850] : memref<2x256x128xf32, #tpu.memory_space<vmem>> -> memref<1x256x128xf32, #tpu.memory_space<vmem>>
        %parallel_loop3A_852 = tpu.memref_squeeze %parallel_loop3A_851 : memref<1x256x128xf32, #tpu.memory_space<vmem>> -> memref<256x128xf32, #tpu.memory_space<vmem>>
        %parallel_loop3A_853 = tpu.vector_load_idx %parallel_loop3A_852[%parallel_loop3A_281, %parallel_loop3A_848] : memref<256x128xf32, #tpu.memory_space<vmem>>[vector<16xi32>, vector<16xi32>], vector<16xf32>,
        %parallel_loop3A_854 = arith.constant 0 : i32
        %parallel_loop3A_855 = arith.constant 0 : i32
        %parallel_loop3A_856 = tpu.memref_slice %arg7[%rem3A_121, %parallel_loop3A_854, %parallel_loop3A_855] : memref<2x64x256xf32, #tpu.memory_space<vmem>> -> memref<1x64x256xf32, #tpu.memory_space<vmem>>
        %parallel_loop3A_857 = tpu.memref_squeeze %parallel_loop3A_856 : memref<1x64x256xf32, #tpu.memory_space<vmem>> -> memref<64x256xf32, #tpu.memory_space<vmem>>
        tpu.vector_store_idx %parallel_loop3A_857[%parallel_loop3A_848, %parallel_loop3A_281], %parallel_loop3A_853 : memref<64x256xf32, #tpu.memory_space<vmem>>[vector<16xi32>, vector<16xi32>], vector<16xf32>,
        %parallel_loop3A_858 = arith.constant 0 : i32
        %parallel_loop3A_859 = vector.broadcast %parallel_loop3A_858 : i32 to vector<16xi32>
        %parallel_loop3A_860 = arith.addi %iota3A, %parallel_loop3A_859 : vector<16xi32>
        %parallel_loop3A_861 = arith.constant 15 : i32
        %parallel_loop3A_862 = vector.broadcast %parallel_loop3A_861 : i32 to vector<16xi32>
        %parallel_loop3A_863 = arith.andi %parallel_loop3A_860, %parallel_loop3A_862 : vector<16xi32>
        %parallel_loop3A_864 = arith.constant 32 : i32
        %parallel_loop3A_865 = vector.broadcast %parallel_loop3A_864 : i32 to vector<16xi32>
        %parallel_loop3A_866 = arith.addi %parallel_loop3A_863, %parallel_loop3A_865 : vector<16xi32>
        %parallel_loop3A_867 = arith.constant 0 : i32
        %parallel_loop3A_868 = arith.constant 0 : i32
        %parallel_loop3A_869 = tpu.memref_slice %arg6[%rem3A_121, %parallel_loop3A_867, %parallel_loop3A_868] : memref<2x256x128xf32, #tpu.memory_space<vmem>> -> memref<1x256x128xf32, #tpu.memory_space<vmem>>
        %parallel_loop3A_870 = tpu.memref_squeeze %parallel_loop3A_869 : memref<1x256x128xf32, #tpu.memory_space<vmem>> -> memref<256x128xf32, #tpu.memory_space<vmem>>
        %parallel_loop3A_871 = tpu.vector_load_idx %parallel_loop3A_870[%parallel_loop3A_281, %parallel_loop3A_866] : memref<256x128xf32, #tpu.memory_space<vmem>>[vector<16xi32>, vector<16xi32>], vector<16xf32>,
        %parallel_loop3A_872 = arith.constant 0 : i32
        %parallel_loop3A_873 = arith.constant 0 : i32
        %parallel_loop3A_874 = tpu.memref_slice %arg7[%rem3A_121, %parallel_loop3A_872, %parallel_loop3A_873] : memref<2x64x256xf32, #tpu.memory_space<vmem>> -> memref<1x64x256xf32, #tpu.memory_space<vmem>>
        %parallel_loop3A_875 = tpu.memref_squeeze %parallel_loop3A_874 : memref<1x64x256xf32, #tpu.memory_space<vmem>> -> memref<64x256xf32, #tpu.memory_space<vmem>>
        tpu.vector_store_idx %parallel_loop3A_875[%parallel_loop3A_866, %parallel_loop3A_281], %parallel_loop3A_871 : memref<64x256xf32, #tpu.memory_space<vmem>>[vector<16xi32>, vector<16xi32>], vector<16xf32>,
        %parallel_loop3A_876 = arith.constant 1 : i32
        %parallel_loop3A_877 = vector.broadcast %parallel_loop3A_876 : i32 to vector<16xi32>
        %parallel_loop3A_878 = arith.addi %iota3A, %parallel_loop3A_877 : vector<16xi32>
        %parallel_loop3A_879 = arith.constant 15 : i32
        %parallel_loop3A_880 = vector.broadcast %parallel_loop3A_879 : i32 to vector<16xi32>
        %parallel_loop3A_881 = arith.andi %parallel_loop3A_878, %parallel_loop3A_880 : vector<16xi32>
        %parallel_loop3A_882 = arith.constant 32 : i32
        %parallel_loop3A_883 = vector.broadcast %parallel_loop3A_882 : i32 to vector<16xi32>
        %parallel_loop3A_884 = arith.addi %parallel_loop3A_881, %parallel_loop3A_883 : vector<16xi32>
        %parallel_loop3A_885 = arith.constant 0 : i32
        %parallel_loop3A_886 = arith.constant 0 : i32
        %parallel_loop3A_887 = tpu.memref_slice %arg6[%rem3A_121, %parallel_loop3A_885, %parallel_loop3A_886] : memref<2x256x128xf32, #tpu.memory_space<vmem>> -> memref<1x256x128xf32, #tpu.memory_space<vmem>>
        %parallel_loop3A_888 = tpu.memref_squeeze %parallel_loop3A_887 : memref<1x256x128xf32, #tpu.memory_space<vmem>> -> memref<256x128xf32, #tpu.memory_space<vmem>>
        %parallel_loop3A_889 = tpu.vector_load_idx %parallel_loop3A_888[%parallel_loop3A_281, %parallel_loop3A_884] : memref<256x128xf32, #tpu.memory_space<vmem>>[vector<16xi32>, vector<16xi32>], vector<16xf32>,
        %parallel_loop3A_890 = arith.constant 0 : i32
        %parallel_loop3A_891 = arith.constant 0 : i32
        %parallel_loop3A_892 = tpu.memref_slice %arg7[%rem3A_121, %parallel_loop3A_890, %parallel_loop3A_891] : memref<2x64x256xf32, #tpu.memory_space<vmem>> -> memref<1x64x256xf32, #tpu.memory_space<vmem>>
        %parallel_loop3A_893 = tpu.memref_squeeze %parallel_loop3A_892 : memref<1x64x256xf32, #tpu.memory_space<vmem>> -> memref<64x256xf32, #tpu.memory_space<vmem>>
        tpu.vector_store_idx %parallel_loop3A_893[%parallel_loop3A_884, %parallel_loop3A_281], %parallel_loop3A_889 : memref<64x256xf32, #tpu.memory_space<vmem>>[vector<16xi32>, vector<16xi32>], vector<16xf32>,
        %parallel_loop3A_894 = arith.constant 2 : i32
        %parallel_loop3A_895 = vector.broadcast %parallel_loop3A_894 : i32 to vector<16xi32>
        %parallel_loop3A_896 = arith.addi %iota3A, %parallel_loop3A_895 : vector<16xi32>
        %parallel_loop3A_897 = arith.constant 15 : i32
        %parallel_loop3A_898 = vector.broadcast %parallel_loop3A_897 : i32 to vector<16xi32>
        %parallel_loop3A_899 = arith.andi %parallel_loop3A_896, %parallel_loop3A_898 : vector<16xi32>
        %parallel_loop3A_900 = arith.constant 32 : i32
        %parallel_loop3A_901 = vector.broadcast %parallel_loop3A_900 : i32 to vector<16xi32>
        %parallel_loop3A_902 = arith.addi %parallel_loop3A_899, %parallel_loop3A_901 : vector<16xi32>
        %parallel_loop3A_903 = arith.constant 0 : i32
        %parallel_loop3A_904 = arith.constant 0 : i32
        %parallel_loop3A_905 = tpu.memref_slice %arg6[%rem3A_121, %parallel_loop3A_903, %parallel_loop3A_904] : memref<2x256x128xf32, #tpu.memory_space<vmem>> -> memref<1x256x128xf32, #tpu.memory_space<vmem>>
        %parallel_loop3A_906 = tpu.memref_squeeze %parallel_loop3A_905 : memref<1x256x128xf32, #tpu.memory_space<vmem>> -> memref<256x128xf32, #tpu.memory_space<vmem>>
        %parallel_loop3A_907 = tpu.vector_load_idx %parallel_loop3A_906[%parallel_loop3A_281, %parallel_loop3A_902] : memref<256x128xf32, #tpu.memory_space<vmem>>[vector<16xi32>, vector<16xi32>], vector<16xf32>,
        %parallel_loop3A_908 = arith.constant 0 : i32
        %parallel_loop3A_909 = arith.constant 0 : i32
        %parallel_loop3A_910 = tpu.memref_slice %arg7[%rem3A_121, %parallel_loop3A_908, %parallel_loop3A_909] : memref<2x64x256xf32, #tpu.memory_space<vmem>> -> memref<1x64x256xf32, #tpu.memory_space<vmem>>
        %parallel_loop3A_911 = tpu.memref_squeeze %parallel_loop3A_910 : memref<1x64x256xf32, #tpu.memory_space<vmem>> -> memref<64x256xf32, #tpu.memory_space<vmem>>
        tpu.vector_store_idx %parallel_loop3A_911[%parallel_loop3A_902, %parallel_loop3A_281], %parallel_loop3A_907 : memref<64x256xf32, #tpu.memory_space<vmem>>[vector<16xi32>, vector<16xi32>], vector<16xf32>,
        %parallel_loop3A_912 = arith.constant 3 : i32
        %parallel_loop3A_913 = vector.broadcast %parallel_loop3A_912 : i32 to vector<16xi32>
        %parallel_loop3A_914 = arith.addi %iota3A, %parallel_loop3A_913 : vector<16xi32>
        %parallel_loop3A_915 = arith.constant 15 : i32
        %parallel_loop3A_916 = vector.broadcast %parallel_loop3A_915 : i32 to vector<16xi32>
        %parallel_loop3A_917 = arith.andi %parallel_loop3A_914, %parallel_loop3A_916 : vector<16xi32>
        %parallel_loop3A_918 = arith.constant 32 : i32
        %parallel_loop3A_919 = vector.broadcast %parallel_loop3A_918 : i32 to vector<16xi32>
        %parallel_loop3A_920 = arith.addi %parallel_loop3A_917, %parallel_loop3A_919 : vector<16xi32>
        %parallel_loop3A_921 = arith.constant 0 : i32
        %parallel_loop3A_922 = arith.constant 0 : i32
        %parallel_loop3A_923 = tpu.memref_slice %arg6[%rem3A_121, %parallel_loop3A_921, %parallel_loop3A_922] : memref<2x256x128xf32, #tpu.memory_space<vmem>> -> memref<1x256x128xf32, #tpu.memory_space<vmem>>
        %parallel_loop3A_924 = tpu.memref_squeeze %parallel_loop3A_923 : memref<1x256x128xf32, #tpu.memory_space<vmem>> -> memref<256x128xf32, #tpu.memory_space<vmem>>
        %parallel_loop3A_925 = tpu.vector_load_idx %parallel_loop3A_924[%parallel_loop3A_281, %parallel_loop3A_920] : memref<256x128xf32, #tpu.memory_space<vmem>>[vector<16xi32>, vector<16xi32>], vector<16xf32>,
        %parallel_loop3A_926 = arith.constant 0 : i32
        %parallel_loop3A_927 = arith.constant 0 : i32
        %parallel_loop3A_928 = tpu.memref_slice %arg7[%rem3A_121, %parallel_loop3A_926, %parallel_loop3A_927] : memref<2x64x256xf32, #tpu.memory_space<vmem>> -> memref<1x64x256xf32, #tpu.memory_space<vmem>>
        %parallel_loop3A_929 = tpu.memref_squeeze %parallel_loop3A_928 : memref<1x64x256xf32, #tpu.memory_space<vmem>> -> memref<64x256xf32, #tpu.memory_space<vmem>>
        tpu.vector_store_idx %parallel_loop3A_929[%parallel_loop3A_920, %parallel_loop3A_281], %parallel_loop3A_925 : memref<64x256xf32, #tpu.memory_space<vmem>>[vector<16xi32>, vector<16xi32>], vector<16xf32>,
        %parallel_loop3A_930 = arith.constant 4 : i32
        %parallel_loop3A_931 = vector.broadcast %parallel_loop3A_930 : i32 to vector<16xi32>
        %parallel_loop3A_932 = arith.addi %iota3A, %parallel_loop3A_931 : vector<16xi32>
        %parallel_loop3A_933 = arith.constant 15 : i32
        %parallel_loop3A_934 = vector.broadcast %parallel_loop3A_933 : i32 to vector<16xi32>
        %parallel_loop3A_935 = arith.andi %parallel_loop3A_932, %parallel_loop3A_934 : vector<16xi32>
        %parallel_loop3A_936 = arith.constant 32 : i32
        %parallel_loop3A_937 = vector.broadcast %parallel_loop3A_936 : i32 to vector<16xi32>
        %parallel_loop3A_938 = arith.addi %parallel_loop3A_935, %parallel_loop3A_937 : vector<16xi32>
        %parallel_loop3A_939 = arith.constant 0 : i32
        %parallel_loop3A_940 = arith.constant 0 : i32
        %parallel_loop3A_941 = tpu.memref_slice %arg6[%rem3A_121, %parallel_loop3A_939, %parallel_loop3A_940] : memref<2x256x128xf32, #tpu.memory_space<vmem>> -> memref<1x256x128xf32, #tpu.memory_space<vmem>>
        %parallel_loop3A_942 = tpu.memref_squeeze %parallel_loop3A_941 : memref<1x256x128xf32, #tpu.memory_space<vmem>> -> memref<256x128xf32, #tpu.memory_space<vmem>>
        %parallel_loop3A_943 = tpu.vector_load_idx %parallel_loop3A_942[%parallel_loop3A_281, %parallel_loop3A_938] : memref<256x128xf32, #tpu.memory_space<vmem>>[vector<16xi32>, vector<16xi32>], vector<16xf32>,
        %parallel_loop3A_944 = arith.constant 0 : i32
        %parallel_loop3A_945 = arith.constant 0 : i32
        %parallel_loop3A_946 = tpu.memref_slice %arg7[%rem3A_121, %parallel_loop3A_944, %parallel_loop3A_945] : memref<2x64x256xf32, #tpu.memory_space<vmem>> -> memref<1x64x256xf32, #tpu.memory_space<vmem>>
        %parallel_loop3A_947 = tpu.memref_squeeze %parallel_loop3A_946 : memref<1x64x256xf32, #tpu.memory_space<vmem>> -> memref<64x256xf32, #tpu.memory_space<vmem>>
        tpu.vector_store_idx %parallel_loop3A_947[%parallel_loop3A_938, %parallel_loop3A_281], %parallel_loop3A_943 : memref<64x256xf32, #tpu.memory_space<vmem>>[vector<16xi32>, vector<16xi32>], vector<16xf32>,
        %parallel_loop3A_948 = arith.constant 5 : i32
        %parallel_loop3A_949 = vector.broadcast %parallel_loop3A_948 : i32 to vector<16xi32>
        %parallel_loop3A_950 = arith.addi %iota3A, %parallel_loop3A_949 : vector<16xi32>
        %parallel_loop3A_951 = arith.constant 15 : i32
        %parallel_loop3A_952 = vector.broadcast %parallel_loop3A_951 : i32 to vector<16xi32>
        %parallel_loop3A_953 = arith.andi %parallel_loop3A_950, %parallel_loop3A_952 : vector<16xi32>
        %parallel_loop3A_954 = arith.constant 32 : i32
        %parallel_loop3A_955 = vector.broadcast %parallel_loop3A_954 : i32 to vector<16xi32>
        %parallel_loop3A_956 = arith.addi %parallel_loop3A_953, %parallel_loop3A_955 : vector<16xi32>
        %parallel_loop3A_957 = arith.constant 0 : i32
        %parallel_loop3A_958 = arith.constant 0 : i32
        %parallel_loop3A_959 = tpu.memref_slice %arg6[%rem3A_121, %parallel_loop3A_957, %parallel_loop3A_958] : memref<2x256x128xf32, #tpu.memory_space<vmem>> -> memref<1x256x128xf32, #tpu.memory_space<vmem>>
        %parallel_loop3A_960 = tpu.memref_squeeze %parallel_loop3A_959 : memref<1x256x128xf32, #tpu.memory_space<vmem>> -> memref<256x128xf32, #tpu.memory_space<vmem>>
        %parallel_loop3A_961 = tpu.vector_load_idx %parallel_loop3A_960[%parallel_loop3A_281, %parallel_loop3A_956] : memref<256x128xf32, #tpu.memory_space<vmem>>[vector<16xi32>, vector<16xi32>], vector<16xf32>,
        %parallel_loop3A_962 = arith.constant 0 : i32
        %parallel_loop3A_963 = arith.constant 0 : i32
        %parallel_loop3A_964 = tpu.memref_slice %arg7[%rem3A_121, %parallel_loop3A_962, %parallel_loop3A_963] : memref<2x64x256xf32, #tpu.memory_space<vmem>> -> memref<1x64x256xf32, #tpu.memory_space<vmem>>
        %parallel_loop3A_965 = tpu.memref_squeeze %parallel_loop3A_964 : memref<1x64x256xf32, #tpu.memory_space<vmem>> -> memref<64x256xf32, #tpu.memory_space<vmem>>
        tpu.vector_store_idx %parallel_loop3A_965[%parallel_loop3A_956, %parallel_loop3A_281], %parallel_loop3A_961 : memref<64x256xf32, #tpu.memory_space<vmem>>[vector<16xi32>, vector<16xi32>], vector<16xf32>,
        %parallel_loop3A_966 = arith.constant 6 : i32
        %parallel_loop3A_967 = vector.broadcast %parallel_loop3A_966 : i32 to vector<16xi32>
        %parallel_loop3A_968 = arith.addi %iota3A, %parallel_loop3A_967 : vector<16xi32>
        %parallel_loop3A_969 = arith.constant 15 : i32
        %parallel_loop3A_970 = vector.broadcast %parallel_loop3A_969 : i32 to vector<16xi32>
        %parallel_loop3A_971 = arith.andi %parallel_loop3A_968, %parallel_loop3A_970 : vector<16xi32>
        %parallel_loop3A_972 = arith.constant 32 : i32
        %parallel_loop3A_973 = vector.broadcast %parallel_loop3A_972 : i32 to vector<16xi32>
        %parallel_loop3A_974 = arith.addi %parallel_loop3A_971, %parallel_loop3A_973 : vector<16xi32>
        %parallel_loop3A_975 = arith.constant 0 : i32
        %parallel_loop3A_976 = arith.constant 0 : i32
        %parallel_loop3A_977 = tpu.memref_slice %arg6[%rem3A_121, %parallel_loop3A_975, %parallel_loop3A_976] : memref<2x256x128xf32, #tpu.memory_space<vmem>> -> memref<1x256x128xf32, #tpu.memory_space<vmem>>
        %parallel_loop3A_978 = tpu.memref_squeeze %parallel_loop3A_977 : memref<1x256x128xf32, #tpu.memory_space<vmem>> -> memref<256x128xf32, #tpu.memory_space<vmem>>
        %parallel_loop3A_979 = tpu.vector_load_idx %parallel_loop3A_978[%parallel_loop3A_281, %parallel_loop3A_974] : memref<256x128xf32, #tpu.memory_space<vmem>>[vector<16xi32>, vector<16xi32>], vector<16xf32>,
        %parallel_loop3A_980 = arith.constant 0 : i32
        %parallel_loop3A_981 = arith.constant 0 : i32
        %parallel_loop3A_982 = tpu.memref_slice %arg7[%rem3A_121, %parallel_loop3A_980, %parallel_loop3A_981] : memref<2x64x256xf32, #tpu.memory_space<vmem>> -> memref<1x64x256xf32, #tpu.memory_space<vmem>>
        %parallel_loop3A_983 = tpu.memref_squeeze %parallel_loop3A_982 : memref<1x64x256xf32, #tpu.memory_space<vmem>> -> memref<64x256xf32, #tpu.memory_space<vmem>>
        tpu.vector_store_idx %parallel_loop3A_983[%parallel_loop3A_974, %parallel_loop3A_281], %parallel_loop3A_979 : memref<64x256xf32, #tpu.memory_space<vmem>>[vector<16xi32>, vector<16xi32>], vector<16xf32>,
        %parallel_loop3A_984 = arith.constant 7 : i32
        %parallel_loop3A_985 = vector.broadcast %parallel_loop3A_984 : i32 to vector<16xi32>
        %parallel_loop3A_986 = arith.addi %iota3A, %parallel_loop3A_985 : vector<16xi32>
        %parallel_loop3A_987 = arith.constant 15 : i32
        %parallel_loop3A_988 = vector.broadcast %parallel_loop3A_987 : i32 to vector<16xi32>
        %parallel_loop3A_989 = arith.andi %parallel_loop3A_986, %parallel_loop3A_988 : vector<16xi32>
        %parallel_loop3A_990 = arith.constant 32 : i32
        %parallel_loop3A_991 = vector.broadcast %parallel_loop3A_990 : i32 to vector<16xi32>
        %parallel_loop3A_992 = arith.addi %parallel_loop3A_989, %parallel_loop3A_991 : vector<16xi32>
        %parallel_loop3A_993 = arith.constant 0 : i32
        %parallel_loop3A_994 = arith.constant 0 : i32
        %parallel_loop3A_995 = tpu.memref_slice %arg6[%rem3A_121, %parallel_loop3A_993, %parallel_loop3A_994] : memref<2x256x128xf32, #tpu.memory_space<vmem>> -> memref<1x256x128xf32, #tpu.memory_space<vmem>>
        %parallel_loop3A_996 = tpu.memref_squeeze %parallel_loop3A_995 : memref<1x256x128xf32, #tpu.memory_space<vmem>> -> memref<256x128xf32, #tpu.memory_space<vmem>>
        %parallel_loop3A_997 = tpu.vector_load_idx %parallel_loop3A_996[%parallel_loop3A_281, %parallel_loop3A_992] : memref<256x128xf32, #tpu.memory_space<vmem>>[vector<16xi32>, vector<16xi32>], vector<16xf32>,
        %parallel_loop3A_998 = arith.constant 0 : i32
        %parallel_loop3A_999 = arith.constant 0 : i32
        %parallel_loop3A_1000 = tpu.memref_slice %arg7[%rem3A_121, %parallel_loop3A_998, %parallel_loop3A_999] : memref<2x64x256xf32, #tpu.memory_space<vmem>> -> memref<1x64x256xf32, #tpu.memory_space<vmem>>
        %parallel_loop3A_1001 = tpu.memref_squeeze %parallel_loop3A_1000 : memref<1x64x256xf32, #tpu.memory_space<vmem>> -> memref<64x256xf32, #tpu.memory_space<vmem>>
        tpu.vector_store_idx %parallel_loop3A_1001[%parallel_loop3A_992, %parallel_loop3A_281], %parallel_loop3A_997 : memref<64x256xf32, #tpu.memory_space<vmem>>[vector<16xi32>, vector<16xi32>], vector<16xf32>,
        %parallel_loop3A_1002 = arith.constant 8 : i32
        %parallel_loop3A_1003 = vector.broadcast %parallel_loop3A_1002 : i32 to vector<16xi32>
        %parallel_loop3A_1004 = arith.addi %iota3A, %parallel_loop3A_1003 : vector<16xi32>
        %parallel_loop3A_1005 = arith.constant 15 : i32
        %parallel_loop3A_1006 = vector.broadcast %parallel_loop3A_1005 : i32 to vector<16xi32>
        %parallel_loop3A_1007 = arith.andi %parallel_loop3A_1004, %parallel_loop3A_1006 : vector<16xi32>
        %parallel_loop3A_1008 = arith.constant 32 : i32
        %parallel_loop3A_1009 = vector.broadcast %parallel_loop3A_1008 : i32 to vector<16xi32>
        %parallel_loop3A_1010 = arith.addi %parallel_loop3A_1007, %parallel_loop3A_1009 : vector<16xi32>
        %parallel_loop3A_1011 = arith.constant 0 : i32
        %parallel_loop3A_1012 = arith.constant 0 : i32
        %parallel_loop3A_1013 = tpu.memref_slice %arg6[%rem3A_121, %parallel_loop3A_1011, %parallel_loop3A_1012] : memref<2x256x128xf32, #tpu.memory_space<vmem>> -> memref<1x256x128xf32, #tpu.memory_space<vmem>>
        %parallel_loop3A_1014 = tpu.memref_squeeze %parallel_loop3A_1013 : memref<1x256x128xf32, #tpu.memory_space<vmem>> -> memref<256x128xf32, #tpu.memory_space<vmem>>
        %parallel_loop3A_1015 = tpu.vector_load_idx %parallel_loop3A_1014[%parallel_loop3A_281, %parallel_loop3A_1010] : memref<256x128xf32, #tpu.memory_space<vmem>>[vector<16xi32>, vector<16xi32>], vector<16xf32>,
        %parallel_loop3A_1016 = arith.constant 0 : i32
        %parallel_loop3A_1017 = arith.constant 0 : i32
        %parallel_loop3A_1018 = tpu.memref_slice %arg7[%rem3A_121, %parallel_loop3A_1016, %parallel_loop3A_1017] : memref<2x64x256xf32, #tpu.memory_space<vmem>> -> memref<1x64x256xf32, #tpu.memory_space<vmem>>
        %parallel_loop3A_1019 = tpu.memref_squeeze %parallel_loop3A_1018 : memref<1x64x256xf32, #tpu.memory_space<vmem>> -> memref<64x256xf32, #tpu.memory_space<vmem>>
        tpu.vector_store_idx %parallel_loop3A_1019[%parallel_loop3A_1010, %parallel_loop3A_281], %parallel_loop3A_1015 : memref<64x256xf32, #tpu.memory_space<vmem>>[vector<16xi32>, vector<16xi32>], vector<16xf32>,
        %parallel_loop3A_1020 = arith.constant 9 : i32
        %parallel_loop3A_1021 = vector.broadcast %parallel_loop3A_1020 : i32 to vector<16xi32>
        %parallel_loop3A_1022 = arith.addi %iota3A, %parallel_loop3A_1021 : vector<16xi32>
        %parallel_loop3A_1023 = arith.constant 15 : i32
        %parallel_loop3A_1024 = vector.broadcast %parallel_loop3A_1023 : i32 to vector<16xi32>
        %parallel_loop3A_1025 = arith.andi %parallel_loop3A_1022, %parallel_loop3A_1024 : vector<16xi32>
        %parallel_loop3A_1026 = arith.constant 32 : i32
        %parallel_loop3A_1027 = vector.broadcast %parallel_loop3A_1026 : i32 to vector<16xi32>
        %parallel_loop3A_1028 = arith.addi %parallel_loop3A_1025, %parallel_loop3A_1027 : vector<16xi32>
        %parallel_loop3A_1029 = arith.constant 0 : i32
        %parallel_loop3A_1030 = arith.constant 0 : i32
        %parallel_loop3A_1031 = tpu.memref_slice %arg6[%rem3A_121, %parallel_loop3A_1029, %parallel_loop3A_1030] : memref<2x256x128xf32, #tpu.memory_space<vmem>> -> memref<1x256x128xf32, #tpu.memory_space<vmem>>
        %parallel_loop3A_1032 = tpu.memref_squeeze %parallel_loop3A_1031 : memref<1x256x128xf32, #tpu.memory_space<vmem>> -> memref<256x128xf32, #tpu.memory_space<vmem>>
        %parallel_loop3A_1033 = tpu.vector_load_idx %parallel_loop3A_1032[%parallel_loop3A_281, %parallel_loop3A_1028] : memref<256x128xf32, #tpu.memory_space<vmem>>[vector<16xi32>, vector<16xi32>], vector<16xf32>,
        %parallel_loop3A_1034 = arith.constant 0 : i32
        %parallel_loop3A_1035 = arith.constant 0 : i32
        %parallel_loop3A_1036 = tpu.memref_slice %arg7[%rem3A_121, %parallel_loop3A_1034, %parallel_loop3A_1035] : memref<2x64x256xf32, #tpu.memory_space<vmem>> -> memref<1x64x256xf32, #tpu.memory_space<vmem>>
        %parallel_loop3A_1037 = tpu.memref_squeeze %parallel_loop3A_1036 : memref<1x64x256xf32, #tpu.memory_space<vmem>> -> memref<64x256xf32, #tpu.memory_space<vmem>>
        tpu.vector_store_idx %parallel_loop3A_1037[%parallel_loop3A_1028, %parallel_loop3A_281], %parallel_loop3A_1033 : memref<64x256xf32, #tpu.memory_space<vmem>>[vector<16xi32>, vector<16xi32>], vector<16xf32>,
        %parallel_loop3A_1038 = arith.constant 10 : i32
        %parallel_loop3A_1039 = vector.broadcast %parallel_loop3A_1038 : i32 to vector<16xi32>
        %parallel_loop3A_1040 = arith.addi %iota3A, %parallel_loop3A_1039 : vector<16xi32>
        %parallel_loop3A_1041 = arith.constant 15 : i32
        %parallel_loop3A_1042 = vector.broadcast %parallel_loop3A_1041 : i32 to vector<16xi32>
        %parallel_loop3A_1043 = arith.andi %parallel_loop3A_1040, %parallel_loop3A_1042 : vector<16xi32>
        %parallel_loop3A_1044 = arith.constant 32 : i32
        %parallel_loop3A_1045 = vector.broadcast %parallel_loop3A_1044 : i32 to vector<16xi32>
        %parallel_loop3A_1046 = arith.addi %parallel_loop3A_1043, %parallel_loop3A_1045 : vector<16xi32>
        %parallel_loop3A_1047 = arith.constant 0 : i32
        %parallel_loop3A_1048 = arith.constant 0 : i32
        %parallel_loop3A_1049 = tpu.memref_slice %arg6[%rem3A_121, %parallel_loop3A_1047, %parallel_loop3A_1048] : memref<2x256x128xf32, #tpu.memory_space<vmem>> -> memref<1x256x128xf32, #tpu.memory_space<vmem>>
        %parallel_loop3A_1050 = tpu.memref_squeeze %parallel_loop3A_1049 : memref<1x256x128xf32, #tpu.memory_space<vmem>> -> memref<256x128xf32, #tpu.memory_space<vmem>>
        %parallel_loop3A_1051 = tpu.vector_load_idx %parallel_loop3A_1050[%parallel_loop3A_281, %parallel_loop3A_1046] : memref<256x128xf32, #tpu.memory_space<vmem>>[vector<16xi32>, vector<16xi32>], vector<16xf32>,
        %parallel_loop3A_1052 = arith.constant 0 : i32
        %parallel_loop3A_1053 = arith.constant 0 : i32
        %parallel_loop3A_1054 = tpu.memref_slice %arg7[%rem3A_121, %parallel_loop3A_1052, %parallel_loop3A_1053] : memref<2x64x256xf32, #tpu.memory_space<vmem>> -> memref<1x64x256xf32, #tpu.memory_space<vmem>>
        %parallel_loop3A_1055 = tpu.memref_squeeze %parallel_loop3A_1054 : memref<1x64x256xf32, #tpu.memory_space<vmem>> -> memref<64x256xf32, #tpu.memory_space<vmem>>
        tpu.vector_store_idx %parallel_loop3A_1055[%parallel_loop3A_1046, %parallel_loop3A_281], %parallel_loop3A_1051 : memref<64x256xf32, #tpu.memory_space<vmem>>[vector<16xi32>, vector<16xi32>], vector<16xf32>,
        %parallel_loop3A_1056 = arith.constant 11 : i32
        %parallel_loop3A_1057 = vector.broadcast %parallel_loop3A_1056 : i32 to vector<16xi32>
        %parallel_loop3A_1058 = arith.addi %iota3A, %parallel_loop3A_1057 : vector<16xi32>
        %parallel_loop3A_1059 = arith.constant 15 : i32
        %parallel_loop3A_1060 = vector.broadcast %parallel_loop3A_1059 : i32 to vector<16xi32>
        %parallel_loop3A_1061 = arith.andi %parallel_loop3A_1058, %parallel_loop3A_1060 : vector<16xi32>
        %parallel_loop3A_1062 = arith.constant 32 : i32
        %parallel_loop3A_1063 = vector.broadcast %parallel_loop3A_1062 : i32 to vector<16xi32>
        %parallel_loop3A_1064 = arith.addi %parallel_loop3A_1061, %parallel_loop3A_1063 : vector<16xi32>
        %parallel_loop3A_1065 = arith.constant 0 : i32
        %parallel_loop3A_1066 = arith.constant 0 : i32
        %parallel_loop3A_1067 = tpu.memref_slice %arg6[%rem3A_121, %parallel_loop3A_1065, %parallel_loop3A_1066] : memref<2x256x128xf32, #tpu.memory_space<vmem>> -> memref<1x256x128xf32, #tpu.memory_space<vmem>>
        %parallel_loop3A_1068 = tpu.memref_squeeze %parallel_loop3A_1067 : memref<1x256x128xf32, #tpu.memory_space<vmem>> -> memref<256x128xf32, #tpu.memory_space<vmem>>
        %parallel_loop3A_1069 = tpu.vector_load_idx %parallel_loop3A_1068[%parallel_loop3A_281, %parallel_loop3A_1064] : memref<256x128xf32, #tpu.memory_space<vmem>>[vector<16xi32>, vector<16xi32>], vector<16xf32>,
        %parallel_loop3A_1070 = arith.constant 0 : i32
        %parallel_loop3A_1071 = arith.constant 0 : i32
        %parallel_loop3A_1072 = tpu.memref_slice %arg7[%rem3A_121, %parallel_loop3A_1070, %parallel_loop3A_1071] : memref<2x64x256xf32, #tpu.memory_space<vmem>> -> memref<1x64x256xf32, #tpu.memory_space<vmem>>
        %parallel_loop3A_1073 = tpu.memref_squeeze %parallel_loop3A_1072 : memref<1x64x256xf32, #tpu.memory_space<vmem>> -> memref<64x256xf32, #tpu.memory_space<vmem>>
        tpu.vector_store_idx %parallel_loop3A_1073[%parallel_loop3A_1064, %parallel_loop3A_281], %parallel_loop3A_1069 : memref<64x256xf32, #tpu.memory_space<vmem>>[vector<16xi32>, vector<16xi32>], vector<16xf32>,
        %parallel_loop3A_1074 = arith.constant 12 : i32
        %parallel_loop3A_1075 = vector.broadcast %parallel_loop3A_1074 : i32 to vector<16xi32>
        %parallel_loop3A_1076 = arith.addi %iota3A, %parallel_loop3A_1075 : vector<16xi32>
        %parallel_loop3A_1077 = arith.constant 15 : i32
        %parallel_loop3A_1078 = vector.broadcast %parallel_loop3A_1077 : i32 to vector<16xi32>
        %parallel_loop3A_1079 = arith.andi %parallel_loop3A_1076, %parallel_loop3A_1078 : vector<16xi32>
        %parallel_loop3A_1080 = arith.constant 32 : i32
        %parallel_loop3A_1081 = vector.broadcast %parallel_loop3A_1080 : i32 to vector<16xi32>
        %parallel_loop3A_1082 = arith.addi %parallel_loop3A_1079, %parallel_loop3A_1081 : vector<16xi32>
        %parallel_loop3A_1083 = arith.constant 0 : i32
        %parallel_loop3A_1084 = arith.constant 0 : i32
        %parallel_loop3A_1085 = tpu.memref_slice %arg6[%rem3A_121, %parallel_loop3A_1083, %parallel_loop3A_1084] : memref<2x256x128xf32, #tpu.memory_space<vmem>> -> memref<1x256x128xf32, #tpu.memory_space<vmem>>
        %parallel_loop3A_1086 = tpu.memref_squeeze %parallel_loop3A_1085 : memref<1x256x128xf32, #tpu.memory_space<vmem>> -> memref<256x128xf32, #tpu.memory_space<vmem>>
        %parallel_loop3A_1087 = tpu.vector_load_idx %parallel_loop3A_1086[%parallel_loop3A_281, %parallel_loop3A_1082] : memref<256x128xf32, #tpu.memory_space<vmem>>[vector<16xi32>, vector<16xi32>], vector<16xf32>,
        %parallel_loop3A_1088 = arith.constant 0 : i32
        %parallel_loop3A_1089 = arith.constant 0 : i32
        %parallel_loop3A_1090 = tpu.memref_slice %arg7[%rem3A_121, %parallel_loop3A_1088, %parallel_loop3A_1089] : memref<2x64x256xf32, #tpu.memory_space<vmem>> -> memref<1x64x256xf32, #tpu.memory_space<vmem>>
        %parallel_loop3A_1091 = tpu.memref_squeeze %parallel_loop3A_1090 : memref<1x64x256xf32, #tpu.memory_space<vmem>> -> memref<64x256xf32, #tpu.memory_space<vmem>>
        tpu.vector_store_idx %parallel_loop3A_1091[%parallel_loop3A_1082, %parallel_loop3A_281], %parallel_loop3A_1087 : memref<64x256xf32, #tpu.memory_space<vmem>>[vector<16xi32>, vector<16xi32>], vector<16xf32>,
        %parallel_loop3A_1092 = arith.constant 13 : i32
        %parallel_loop3A_1093 = vector.broadcast %parallel_loop3A_1092 : i32 to vector<16xi32>
        %parallel_loop3A_1094 = arith.addi %iota3A, %parallel_loop3A_1093 : vector<16xi32>
        %parallel_loop3A_1095 = arith.constant 15 : i32
        %parallel_loop3A_1096 = vector.broadcast %parallel_loop3A_1095 : i32 to vector<16xi32>
        %parallel_loop3A_1097 = arith.andi %parallel_loop3A_1094, %parallel_loop3A_1096 : vector<16xi32>
        %parallel_loop3A_1098 = arith.constant 32 : i32
        %parallel_loop3A_1099 = vector.broadcast %parallel_loop3A_1098 : i32 to vector<16xi32>
        %parallel_loop3A_1100 = arith.addi %parallel_loop3A_1097, %parallel_loop3A_1099 : vector<16xi32>
        %parallel_loop3A_1101 = arith.constant 0 : i32
        %parallel_loop3A_1102 = arith.constant 0 : i32
        %parallel_loop3A_1103 = tpu.memref_slice %arg6[%rem3A_121, %parallel_loop3A_1101, %parallel_loop3A_1102] : memref<2x256x128xf32, #tpu.memory_space<vmem>> -> memref<1x256x128xf32, #tpu.memory_space<vmem>>
        %parallel_loop3A_1104 = tpu.memref_squeeze %parallel_loop3A_1103 : memref<1x256x128xf32, #tpu.memory_space<vmem>> -> memref<256x128xf32, #tpu.memory_space<vmem>>
        %parallel_loop3A_1105 = tpu.vector_load_idx %parallel_loop3A_1104[%parallel_loop3A_281, %parallel_loop3A_1100] : memref<256x128xf32, #tpu.memory_space<vmem>>[vector<16xi32>, vector<16xi32>], vector<16xf32>,
        %parallel_loop3A_1106 = arith.constant 0 : i32
        %parallel_loop3A_1107 = arith.constant 0 : i32
        %parallel_loop3A_1108 = tpu.memref_slice %arg7[%rem3A_121, %parallel_loop3A_1106, %parallel_loop3A_1107] : memref<2x64x256xf32, #tpu.memory_space<vmem>> -> memref<1x64x256xf32, #tpu.memory_space<vmem>>
        %parallel_loop3A_1109 = tpu.memref_squeeze %parallel_loop3A_1108 : memref<1x64x256xf32, #tpu.memory_space<vmem>> -> memref<64x256xf32, #tpu.memory_space<vmem>>
        tpu.vector_store_idx %parallel_loop3A_1109[%parallel_loop3A_1100, %parallel_loop3A_281], %parallel_loop3A_1105 : memref<64x256xf32, #tpu.memory_space<vmem>>[vector<16xi32>, vector<16xi32>], vector<16xf32>,
        %parallel_loop3A_1110 = arith.constant 14 : i32
        %parallel_loop3A_1111 = vector.broadcast %parallel_loop3A_1110 : i32 to vector<16xi32>
        %parallel_loop3A_1112 = arith.addi %iota3A, %parallel_loop3A_1111 : vector<16xi32>
        %parallel_loop3A_1113 = arith.constant 15 : i32
        %parallel_loop3A_1114 = vector.broadcast %parallel_loop3A_1113 : i32 to vector<16xi32>
        %parallel_loop3A_1115 = arith.andi %parallel_loop3A_1112, %parallel_loop3A_1114 : vector<16xi32>
        %parallel_loop3A_1116 = arith.constant 32 : i32
        %parallel_loop3A_1117 = vector.broadcast %parallel_loop3A_1116 : i32 to vector<16xi32>
        %parallel_loop3A_1118 = arith.addi %parallel_loop3A_1115, %parallel_loop3A_1117 : vector<16xi32>
        %parallel_loop3A_1119 = arith.constant 0 : i32
        %parallel_loop3A_1120 = arith.constant 0 : i32
        %parallel_loop3A_1121 = tpu.memref_slice %arg6[%rem3A_121, %parallel_loop3A_1119, %parallel_loop3A_1120] : memref<2x256x128xf32, #tpu.memory_space<vmem>> -> memref<1x256x128xf32, #tpu.memory_space<vmem>>
        %parallel_loop3A_1122 = tpu.memref_squeeze %parallel_loop3A_1121 : memref<1x256x128xf32, #tpu.memory_space<vmem>> -> memref<256x128xf32, #tpu.memory_space<vmem>>
        %parallel_loop3A_1123 = tpu.vector_load_idx %parallel_loop3A_1122[%parallel_loop3A_281, %parallel_loop3A_1118] : memref<256x128xf32, #tpu.memory_space<vmem>>[vector<16xi32>, vector<16xi32>], vector<16xf32>,
        %parallel_loop3A_1124 = arith.constant 0 : i32
        %parallel_loop3A_1125 = arith.constant 0 : i32
        %parallel_loop3A_1126 = tpu.memref_slice %arg7[%rem3A_121, %parallel_loop3A_1124, %parallel_loop3A_1125] : memref<2x64x256xf32, #tpu.memory_space<vmem>> -> memref<1x64x256xf32, #tpu.memory_space<vmem>>
        %parallel_loop3A_1127 = tpu.memref_squeeze %parallel_loop3A_1126 : memref<1x64x256xf32, #tpu.memory_space<vmem>> -> memref<64x256xf32, #tpu.memory_space<vmem>>
        tpu.vector_store_idx %parallel_loop3A_1127[%parallel_loop3A_1118, %parallel_loop3A_281], %parallel_loop3A_1123 : memref<64x256xf32, #tpu.memory_space<vmem>>[vector<16xi32>, vector<16xi32>], vector<16xf32>,
        %parallel_loop3A_1128 = arith.constant 15 : i32
        %parallel_loop3A_1129 = vector.broadcast %parallel_loop3A_1128 : i32 to vector<16xi32>
        %parallel_loop3A_1130 = arith.addi %iota3A, %parallel_loop3A_1129 : vector<16xi32>
        %parallel_loop3A_1131 = arith.constant 15 : i32
        %parallel_loop3A_1132 = vector.broadcast %parallel_loop3A_1131 : i32 to vector<16xi32>
        %parallel_loop3A_1133 = arith.andi %parallel_loop3A_1130, %parallel_loop3A_1132 : vector<16xi32>
        %parallel_loop3A_1134 = arith.constant 32 : i32
        %parallel_loop3A_1135 = vector.broadcast %parallel_loop3A_1134 : i32 to vector<16xi32>
        %parallel_loop3A_1136 = arith.addi %parallel_loop3A_1133, %parallel_loop3A_1135 : vector<16xi32>
        %parallel_loop3A_1137 = arith.constant 0 : i32
        %parallel_loop3A_1138 = arith.constant 0 : i32
        %parallel_loop3A_1139 = tpu.memref_slice %arg6[%rem3A_121, %parallel_loop3A_1137, %parallel_loop3A_1138] : memref<2x256x128xf32, #tpu.memory_space<vmem>> -> memref<1x256x128xf32, #tpu.memory_space<vmem>>
        %parallel_loop3A_1140 = tpu.memref_squeeze %parallel_loop3A_1139 : memref<1x256x128xf32, #tpu.memory_space<vmem>> -> memref<256x128xf32, #tpu.memory_space<vmem>>
        %parallel_loop3A_1141 = tpu.vector_load_idx %parallel_loop3A_1140[%parallel_loop3A_281, %parallel_loop3A_1136] : memref<256x128xf32, #tpu.memory_space<vmem>>[vector<16xi32>, vector<16xi32>], vector<16xf32>,
        %parallel_loop3A_1142 = arith.constant 0 : i32
        %parallel_loop3A_1143 = arith.constant 0 : i32
        %parallel_loop3A_1144 = tpu.memref_slice %arg7[%rem3A_121, %parallel_loop3A_1142, %parallel_loop3A_1143] : memref<2x64x256xf32, #tpu.memory_space<vmem>> -> memref<1x64x256xf32, #tpu.memory_space<vmem>>
        %parallel_loop3A_1145 = tpu.memref_squeeze %parallel_loop3A_1144 : memref<1x64x256xf32, #tpu.memory_space<vmem>> -> memref<64x256xf32, #tpu.memory_space<vmem>>
        tpu.vector_store_idx %parallel_loop3A_1145[%parallel_loop3A_1136, %parallel_loop3A_281], %parallel_loop3A_1141 : memref<64x256xf32, #tpu.memory_space<vmem>>[vector<16xi32>, vector<16xi32>], vector<16xf32>,
        %parallel_loop3A_1146 = arith.constant 0 : i32
        %parallel_loop3A_1147 = vector.broadcast %parallel_loop3A_1146 : i32 to vector<16xi32>
        %parallel_loop3A_1148 = arith.addi %iota3A, %parallel_loop3A_1147 : vector<16xi32>
        %parallel_loop3A_1149 = arith.constant 15 : i32
        %parallel_loop3A_1150 = vector.broadcast %parallel_loop3A_1149 : i32 to vector<16xi32>
        %parallel_loop3A_1151 = arith.andi %parallel_loop3A_1148, %parallel_loop3A_1150 : vector<16xi32>
        %parallel_loop3A_1152 = arith.constant 48 : i32
        %parallel_loop3A_1153 = vector.broadcast %parallel_loop3A_1152 : i32 to vector<16xi32>
        %parallel_loop3A_1154 = arith.addi %parallel_loop3A_1151, %parallel_loop3A_1153 : vector<16xi32>
        %parallel_loop3A_1155 = arith.constant 0 : i32
        %parallel_loop3A_1156 = arith.constant 0 : i32
        %parallel_loop3A_1157 = tpu.memref_slice %arg6[%rem3A_121, %parallel_loop3A_1155, %parallel_loop3A_1156] : memref<2x256x128xf32, #tpu.memory_space<vmem>> -> memref<1x256x128xf32, #tpu.memory_space<vmem>>
        %parallel_loop3A_1158 = tpu.memref_squeeze %parallel_loop3A_1157 : memref<1x256x128xf32, #tpu.memory_space<vmem>> -> memref<256x128xf32, #tpu.memory_space<vmem>>
        %parallel_loop3A_1159 = tpu.vector_load_idx %parallel_loop3A_1158[%parallel_loop3A_281, %parallel_loop3A_1154] : memref<256x128xf32, #tpu.memory_space<vmem>>[vector<16xi32>, vector<16xi32>], vector<16xf32>,
        %parallel_loop3A_1160 = arith.constant 0 : i32
        %parallel_loop3A_1161 = arith.constant 0 : i32
        %parallel_loop3A_1162 = tpu.memref_slice %arg7[%rem3A_121, %parallel_loop3A_1160, %parallel_loop3A_1161] : memref<2x64x256xf32, #tpu.memory_space<vmem>> -> memref<1x64x256xf32, #tpu.memory_space<vmem>>
        %parallel_loop3A_1163 = tpu.memref_squeeze %parallel_loop3A_1162 : memref<1x64x256xf32, #tpu.memory_space<vmem>> -> memref<64x256xf32, #tpu.memory_space<vmem>>
        tpu.vector_store_idx %parallel_loop3A_1163[%parallel_loop3A_1154, %parallel_loop3A_281], %parallel_loop3A_1159 : memref<64x256xf32, #tpu.memory_space<vmem>>[vector<16xi32>, vector<16xi32>], vector<16xf32>,
        %parallel_loop3A_1164 = arith.constant 1 : i32
        %parallel_loop3A_1165 = vector.broadcast %parallel_loop3A_1164 : i32 to vector<16xi32>
        %parallel_loop3A_1166 = arith.addi %iota3A, %parallel_loop3A_1165 : vector<16xi32>
        %parallel_loop3A_1167 = arith.constant 15 : i32
        %parallel_loop3A_1168 = vector.broadcast %parallel_loop3A_1167 : i32 to vector<16xi32>
        %parallel_loop3A_1169 = arith.andi %parallel_loop3A_1166, %parallel_loop3A_1168 : vector<16xi32>
        %parallel_loop3A_1170 = arith.constant 48 : i32
        %parallel_loop3A_1171 = vector.broadcast %parallel_loop3A_1170 : i32 to vector<16xi32>
        %parallel_loop3A_1172 = arith.addi %parallel_loop3A_1169, %parallel_loop3A_1171 : vector<16xi32>
        %parallel_loop3A_1173 = arith.constant 0 : i32
        %parallel_loop3A_1174 = arith.constant 0 : i32
        %parallel_loop3A_1175 = tpu.memref_slice %arg6[%rem3A_121, %parallel_loop3A_1173, %parallel_loop3A_1174] : memref<2x256x128xf32, #tpu.memory_space<vmem>> -> memref<1x256x128xf32, #tpu.memory_space<vmem>>
        %parallel_loop3A_1176 = tpu.memref_squeeze %parallel_loop3A_1175 : memref<1x256x128xf32, #tpu.memory_space<vmem>> -> memref<256x128xf32, #tpu.memory_space<vmem>>
        %parallel_loop3A_1177 = tpu.vector_load_idx %parallel_loop3A_1176[%parallel_loop3A_281, %parallel_loop3A_1172] : memref<256x128xf32, #tpu.memory_space<vmem>>[vector<16xi32>, vector<16xi32>], vector<16xf32>,
        %parallel_loop3A_1178 = arith.constant 0 : i32
        %parallel_loop3A_1179 = arith.constant 0 : i32
        %parallel_loop3A_1180 = tpu.memref_slice %arg7[%rem3A_121, %parallel_loop3A_1178, %parallel_loop3A_1179] : memref<2x64x256xf32, #tpu.memory_space<vmem>> -> memref<1x64x256xf32, #tpu.memory_space<vmem>>
        %parallel_loop3A_1181 = tpu.memref_squeeze %parallel_loop3A_1180 : memref<1x64x256xf32, #tpu.memory_space<vmem>> -> memref<64x256xf32, #tpu.memory_space<vmem>>
        tpu.vector_store_idx %parallel_loop3A_1181[%parallel_loop3A_1172, %parallel_loop3A_281], %parallel_loop3A_1177 : memref<64x256xf32, #tpu.memory_space<vmem>>[vector<16xi32>, vector<16xi32>], vector<16xf32>,
        %parallel_loop3A_1182 = arith.constant 2 : i32
        %parallel_loop3A_1183 = vector.broadcast %parallel_loop3A_1182 : i32 to vector<16xi32>
        %parallel_loop3A_1184 = arith.addi %iota3A, %parallel_loop3A_1183 : vector<16xi32>
        %parallel_loop3A_1185 = arith.constant 15 : i32
        %parallel_loop3A_1186 = vector.broadcast %parallel_loop3A_1185 : i32 to vector<16xi32>
        %parallel_loop3A_1187 = arith.andi %parallel_loop3A_1184, %parallel_loop3A_1186 : vector<16xi32>
        %parallel_loop3A_1188 = arith.constant 48 : i32
        %parallel_loop3A_1189 = vector.broadcast %parallel_loop3A_1188 : i32 to vector<16xi32>
        %parallel_loop3A_1190 = arith.addi %parallel_loop3A_1187, %parallel_loop3A_1189 : vector<16xi32>
        %parallel_loop3A_1191 = arith.constant 0 : i32
        %parallel_loop3A_1192 = arith.constant 0 : i32
        %parallel_loop3A_1193 = tpu.memref_slice %arg6[%rem3A_121, %parallel_loop3A_1191, %parallel_loop3A_1192] : memref<2x256x128xf32, #tpu.memory_space<vmem>> -> memref<1x256x128xf32, #tpu.memory_space<vmem>>
        %parallel_loop3A_1194 = tpu.memref_squeeze %parallel_loop3A_1193 : memref<1x256x128xf32, #tpu.memory_space<vmem>> -> memref<256x128xf32, #tpu.memory_space<vmem>>
        %parallel_loop3A_1195 = tpu.vector_load_idx %parallel_loop3A_1194[%parallel_loop3A_281, %parallel_loop3A_1190] : memref<256x128xf32, #tpu.memory_space<vmem>>[vector<16xi32>, vector<16xi32>], vector<16xf32>,
        %parallel_loop3A_1196 = arith.constant 0 : i32
        %parallel_loop3A_1197 = arith.constant 0 : i32
        %parallel_loop3A_1198 = tpu.memref_slice %arg7[%rem3A_121, %parallel_loop3A_1196, %parallel_loop3A_1197] : memref<2x64x256xf32, #tpu.memory_space<vmem>> -> memref<1x64x256xf32, #tpu.memory_space<vmem>>
        %parallel_loop3A_1199 = tpu.memref_squeeze %parallel_loop3A_1198 : memref<1x64x256xf32, #tpu.memory_space<vmem>> -> memref<64x256xf32, #tpu.memory_space<vmem>>
        tpu.vector_store_idx %parallel_loop3A_1199[%parallel_loop3A_1190, %parallel_loop3A_281], %parallel_loop3A_1195 : memref<64x256xf32, #tpu.memory_space<vmem>>[vector<16xi32>, vector<16xi32>], vector<16xf32>,
        %parallel_loop3A_1200 = arith.constant 3 : i32
        %parallel_loop3A_1201 = vector.broadcast %parallel_loop3A_1200 : i32 to vector<16xi32>
        %parallel_loop3A_1202 = arith.addi %iota3A, %parallel_loop3A_1201 : vector<16xi32>
        %parallel_loop3A_1203 = arith.constant 15 : i32
        %parallel_loop3A_1204 = vector.broadcast %parallel_loop3A_1203 : i32 to vector<16xi32>
        %parallel_loop3A_1205 = arith.andi %parallel_loop3A_1202, %parallel_loop3A_1204 : vector<16xi32>
        %parallel_loop3A_1206 = arith.constant 48 : i32
        %parallel_loop3A_1207 = vector.broadcast %parallel_loop3A_1206 : i32 to vector<16xi32>
        %parallel_loop3A_1208 = arith.addi %parallel_loop3A_1205, %parallel_loop3A_1207 : vector<16xi32>
        %parallel_loop3A_1209 = arith.constant 0 : i32
        %parallel_loop3A_1210 = arith.constant 0 : i32
        %parallel_loop3A_1211 = tpu.memref_slice %arg6[%rem3A_121, %parallel_loop3A_1209, %parallel_loop3A_1210] : memref<2x256x128xf32, #tpu.memory_space<vmem>> -> memref<1x256x128xf32, #tpu.memory_space<vmem>>
        %parallel_loop3A_1212 = tpu.memref_squeeze %parallel_loop3A_1211 : memref<1x256x128xf32, #tpu.memory_space<vmem>> -> memref<256x128xf32, #tpu.memory_space<vmem>>
        %parallel_loop3A_1213 = tpu.vector_load_idx %parallel_loop3A_1212[%parallel_loop3A_281, %parallel_loop3A_1208] : memref<256x128xf32, #tpu.memory_space<vmem>>[vector<16xi32>, vector<16xi32>], vector<16xf32>,
        %parallel_loop3A_1214 = arith.constant 0 : i32
        %parallel_loop3A_1215 = arith.constant 0 : i32
        %parallel_loop3A_1216 = tpu.memref_slice %arg7[%rem3A_121, %parallel_loop3A_1214, %parallel_loop3A_1215] : memref<2x64x256xf32, #tpu.memory_space<vmem>> -> memref<1x64x256xf32, #tpu.memory_space<vmem>>
        %parallel_loop3A_1217 = tpu.memref_squeeze %parallel_loop3A_1216 : memref<1x64x256xf32, #tpu.memory_space<vmem>> -> memref<64x256xf32, #tpu.memory_space<vmem>>
        tpu.vector_store_idx %parallel_loop3A_1217[%parallel_loop3A_1208, %parallel_loop3A_281], %parallel_loop3A_1213 : memref<64x256xf32, #tpu.memory_space<vmem>>[vector<16xi32>, vector<16xi32>], vector<16xf32>,
        %parallel_loop3A_1218 = arith.constant 4 : i32
        %parallel_loop3A_1219 = vector.broadcast %parallel_loop3A_1218 : i32 to vector<16xi32>
        %parallel_loop3A_1220 = arith.addi %iota3A, %parallel_loop3A_1219 : vector<16xi32>
        %parallel_loop3A_1221 = arith.constant 15 : i32
        %parallel_loop3A_1222 = vector.broadcast %parallel_loop3A_1221 : i32 to vector<16xi32>
        %parallel_loop3A_1223 = arith.andi %parallel_loop3A_1220, %parallel_loop3A_1222 : vector<16xi32>
        %parallel_loop3A_1224 = arith.constant 48 : i32
        %parallel_loop3A_1225 = vector.broadcast %parallel_loop3A_1224 : i32 to vector<16xi32>
        %parallel_loop3A_1226 = arith.addi %parallel_loop3A_1223, %parallel_loop3A_1225 : vector<16xi32>
        %parallel_loop3A_1227 = arith.constant 0 : i32
        %parallel_loop3A_1228 = arith.constant 0 : i32
        %parallel_loop3A_1229 = tpu.memref_slice %arg6[%rem3A_121, %parallel_loop3A_1227, %parallel_loop3A_1228] : memref<2x256x128xf32, #tpu.memory_space<vmem>> -> memref<1x256x128xf32, #tpu.memory_space<vmem>>
        %parallel_loop3A_1230 = tpu.memref_squeeze %parallel_loop3A_1229 : memref<1x256x128xf32, #tpu.memory_space<vmem>> -> memref<256x128xf32, #tpu.memory_space<vmem>>
        %parallel_loop3A_1231 = tpu.vector_load_idx %parallel_loop3A_1230[%parallel_loop3A_281, %parallel_loop3A_1226] : memref<256x128xf32, #tpu.memory_space<vmem>>[vector<16xi32>, vector<16xi32>], vector<16xf32>,
        %parallel_loop3A_1232 = arith.constant 0 : i32
        %parallel_loop3A_1233 = arith.constant 0 : i32
        %parallel_loop3A_1234 = tpu.memref_slice %arg7[%rem3A_121, %parallel_loop3A_1232, %parallel_loop3A_1233] : memref<2x64x256xf32, #tpu.memory_space<vmem>> -> memref<1x64x256xf32, #tpu.memory_space<vmem>>
        %parallel_loop3A_1235 = tpu.memref_squeeze %parallel_loop3A_1234 : memref<1x64x256xf32, #tpu.memory_space<vmem>> -> memref<64x256xf32, #tpu.memory_space<vmem>>
        tpu.vector_store_idx %parallel_loop3A_1235[%parallel_loop3A_1226, %parallel_loop3A_281], %parallel_loop3A_1231 : memref<64x256xf32, #tpu.memory_space<vmem>>[vector<16xi32>, vector<16xi32>], vector<16xf32>,
        %parallel_loop3A_1236 = arith.constant 5 : i32
        %parallel_loop3A_1237 = vector.broadcast %parallel_loop3A_1236 : i32 to vector<16xi32>
        %parallel_loop3A_1238 = arith.addi %iota3A, %parallel_loop3A_1237 : vector<16xi32>
        %parallel_loop3A_1239 = arith.constant 15 : i32
        %parallel_loop3A_1240 = vector.broadcast %parallel_loop3A_1239 : i32 to vector<16xi32>
        %parallel_loop3A_1241 = arith.andi %parallel_loop3A_1238, %parallel_loop3A_1240 : vector<16xi32>
        %parallel_loop3A_1242 = arith.constant 48 : i32
        %parallel_loop3A_1243 = vector.broadcast %parallel_loop3A_1242 : i32 to vector<16xi32>
        %parallel_loop3A_1244 = arith.addi %parallel_loop3A_1241, %parallel_loop3A_1243 : vector<16xi32>
        %parallel_loop3A_1245 = arith.constant 0 : i32
        %parallel_loop3A_1246 = arith.constant 0 : i32
        %parallel_loop3A_1247 = tpu.memref_slice %arg6[%rem3A_121, %parallel_loop3A_1245, %parallel_loop3A_1246] : memref<2x256x128xf32, #tpu.memory_space<vmem>> -> memref<1x256x128xf32, #tpu.memory_space<vmem>>
        %parallel_loop3A_1248 = tpu.memref_squeeze %parallel_loop3A_1247 : memref<1x256x128xf32, #tpu.memory_space<vmem>> -> memref<256x128xf32, #tpu.memory_space<vmem>>
        %parallel_loop3A_1249 = tpu.vector_load_idx %parallel_loop3A_1248[%parallel_loop3A_281, %parallel_loop3A_1244] : memref<256x128xf32, #tpu.memory_space<vmem>>[vector<16xi32>, vector<16xi32>], vector<16xf32>,
        %parallel_loop3A_1250 = arith.constant 0 : i32
        %parallel_loop3A_1251 = arith.constant 0 : i32
        %parallel_loop3A_1252 = tpu.memref_slice %arg7[%rem3A_121, %parallel_loop3A_1250, %parallel_loop3A_1251] : memref<2x64x256xf32, #tpu.memory_space<vmem>> -> memref<1x64x256xf32, #tpu.memory_space<vmem>>
        %parallel_loop3A_1253 = tpu.memref_squeeze %parallel_loop3A_1252 : memref<1x64x256xf32, #tpu.memory_space<vmem>> -> memref<64x256xf32, #tpu.memory_space<vmem>>
        tpu.vector_store_idx %parallel_loop3A_1253[%parallel_loop3A_1244, %parallel_loop3A_281], %parallel_loop3A_1249 : memref<64x256xf32, #tpu.memory_space<vmem>>[vector<16xi32>, vector<16xi32>], vector<16xf32>,
        %parallel_loop3A_1254 = arith.constant 6 : i32
        %parallel_loop3A_1255 = vector.broadcast %parallel_loop3A_1254 : i32 to vector<16xi32>
        %parallel_loop3A_1256 = arith.addi %iota3A, %parallel_loop3A_1255 : vector<16xi32>
        %parallel_loop3A_1257 = arith.constant 15 : i32
        %parallel_loop3A_1258 = vector.broadcast %parallel_loop3A_1257 : i32 to vector<16xi32>
        %parallel_loop3A_1259 = arith.andi %parallel_loop3A_1256, %parallel_loop3A_1258 : vector<16xi32>
        %parallel_loop3A_1260 = arith.constant 48 : i32
        %parallel_loop3A_1261 = vector.broadcast %parallel_loop3A_1260 : i32 to vector<16xi32>
        %parallel_loop3A_1262 = arith.addi %parallel_loop3A_1259, %parallel_loop3A_1261 : vector<16xi32>
        %parallel_loop3A_1263 = arith.constant 0 : i32
        %parallel_loop3A_1264 = arith.constant 0 : i32
        %parallel_loop3A_1265 = tpu.memref_slice %arg6[%rem3A_121, %parallel_loop3A_1263, %parallel_loop3A_1264] : memref<2x256x128xf32, #tpu.memory_space<vmem>> -> memref<1x256x128xf32, #tpu.memory_space<vmem>>
        %parallel_loop3A_1266 = tpu.memref_squeeze %parallel_loop3A_1265 : memref<1x256x128xf32, #tpu.memory_space<vmem>> -> memref<256x128xf32, #tpu.memory_space<vmem>>
        %parallel_loop3A_1267 = tpu.vector_load_idx %parallel_loop3A_1266[%parallel_loop3A_281, %parallel_loop3A_1262] : memref<256x128xf32, #tpu.memory_space<vmem>>[vector<16xi32>, vector<16xi32>], vector<16xf32>,
        %parallel_loop3A_1268 = arith.constant 0 : i32
        %parallel_loop3A_1269 = arith.constant 0 : i32
        %parallel_loop3A_1270 = tpu.memref_slice %arg7[%rem3A_121, %parallel_loop3A_1268, %parallel_loop3A_1269] : memref<2x64x256xf32, #tpu.memory_space<vmem>> -> memref<1x64x256xf32, #tpu.memory_space<vmem>>
        %parallel_loop3A_1271 = tpu.memref_squeeze %parallel_loop3A_1270 : memref<1x64x256xf32, #tpu.memory_space<vmem>> -> memref<64x256xf32, #tpu.memory_space<vmem>>
        tpu.vector_store_idx %parallel_loop3A_1271[%parallel_loop3A_1262, %parallel_loop3A_281], %parallel_loop3A_1267 : memref<64x256xf32, #tpu.memory_space<vmem>>[vector<16xi32>, vector<16xi32>], vector<16xf32>,
        %parallel_loop3A_1272 = arith.constant 7 : i32
        %parallel_loop3A_1273 = vector.broadcast %parallel_loop3A_1272 : i32 to vector<16xi32>
        %parallel_loop3A_1274 = arith.addi %iota3A, %parallel_loop3A_1273 : vector<16xi32>
        %parallel_loop3A_1275 = arith.constant 15 : i32
        %parallel_loop3A_1276 = vector.broadcast %parallel_loop3A_1275 : i32 to vector<16xi32>
        %parallel_loop3A_1277 = arith.andi %parallel_loop3A_1274, %parallel_loop3A_1276 : vector<16xi32>
        %parallel_loop3A_1278 = arith.constant 48 : i32
        %parallel_loop3A_1279 = vector.broadcast %parallel_loop3A_1278 : i32 to vector<16xi32>
        %parallel_loop3A_1280 = arith.addi %parallel_loop3A_1277, %parallel_loop3A_1279 : vector<16xi32>
        %parallel_loop3A_1281 = arith.constant 0 : i32
        %parallel_loop3A_1282 = arith.constant 0 : i32
        %parallel_loop3A_1283 = tpu.memref_slice %arg6[%rem3A_121, %parallel_loop3A_1281, %parallel_loop3A_1282] : memref<2x256x128xf32, #tpu.memory_space<vmem>> -> memref<1x256x128xf32, #tpu.memory_space<vmem>>
        %parallel_loop3A_1284 = tpu.memref_squeeze %parallel_loop3A_1283 : memref<1x256x128xf32, #tpu.memory_space<vmem>> -> memref<256x128xf32, #tpu.memory_space<vmem>>
        %parallel_loop3A_1285 = tpu.vector_load_idx %parallel_loop3A_1284[%parallel_loop3A_281, %parallel_loop3A_1280] : memref<256x128xf32, #tpu.memory_space<vmem>>[vector<16xi32>, vector<16xi32>], vector<16xf32>,
        %parallel_loop3A_1286 = arith.constant 0 : i32
        %parallel_loop3A_1287 = arith.constant 0 : i32
        %parallel_loop3A_1288 = tpu.memref_slice %arg7[%rem3A_121, %parallel_loop3A_1286, %parallel_loop3A_1287] : memref<2x64x256xf32, #tpu.memory_space<vmem>> -> memref<1x64x256xf32, #tpu.memory_space<vmem>>
        %parallel_loop3A_1289 = tpu.memref_squeeze %parallel_loop3A_1288 : memref<1x64x256xf32, #tpu.memory_space<vmem>> -> memref<64x256xf32, #tpu.memory_space<vmem>>
        tpu.vector_store_idx %parallel_loop3A_1289[%parallel_loop3A_1280, %parallel_loop3A_281], %parallel_loop3A_1285 : memref<64x256xf32, #tpu.memory_space<vmem>>[vector<16xi32>, vector<16xi32>], vector<16xf32>,
        %parallel_loop3A_1290 = arith.constant 8 : i32
        %parallel_loop3A_1291 = vector.broadcast %parallel_loop3A_1290 : i32 to vector<16xi32>
        %parallel_loop3A_1292 = arith.addi %iota3A, %parallel_loop3A_1291 : vector<16xi32>
        %parallel_loop3A_1293 = arith.constant 15 : i32
        %parallel_loop3A_1294 = vector.broadcast %parallel_loop3A_1293 : i32 to vector<16xi32>
        %parallel_loop3A_1295 = arith.andi %parallel_loop3A_1292, %parallel_loop3A_1294 : vector<16xi32>
        %parallel_loop3A_1296 = arith.constant 48 : i32
        %parallel_loop3A_1297 = vector.broadcast %parallel_loop3A_1296 : i32 to vector<16xi32>
        %parallel_loop3A_1298 = arith.addi %parallel_loop3A_1295, %parallel_loop3A_1297 : vector<16xi32>
        %parallel_loop3A_1299 = arith.constant 0 : i32
        %parallel_loop3A_1300 = arith.constant 0 : i32
        %parallel_loop3A_1301 = tpu.memref_slice %arg6[%rem3A_121, %parallel_loop3A_1299, %parallel_loop3A_1300] : memref<2x256x128xf32, #tpu.memory_space<vmem>> -> memref<1x256x128xf32, #tpu.memory_space<vmem>>
        %parallel_loop3A_1302 = tpu.memref_squeeze %parallel_loop3A_1301 : memref<1x256x128xf32, #tpu.memory_space<vmem>> -> memref<256x128xf32, #tpu.memory_space<vmem>>
        %parallel_loop3A_1303 = tpu.vector_load_idx %parallel_loop3A_1302[%parallel_loop3A_281, %parallel_loop3A_1298] : memref<256x128xf32, #tpu.memory_space<vmem>>[vector<16xi32>, vector<16xi32>], vector<16xf32>,
        %parallel_loop3A_1304 = arith.constant 0 : i32
        %parallel_loop3A_1305 = arith.constant 0 : i32
        %parallel_loop3A_1306 = tpu.memref_slice %arg7[%rem3A_121, %parallel_loop3A_1304, %parallel_loop3A_1305] : memref<2x64x256xf32, #tpu.memory_space<vmem>> -> memref<1x64x256xf32, #tpu.memory_space<vmem>>
        %parallel_loop3A_1307 = tpu.memref_squeeze %parallel_loop3A_1306 : memref<1x64x256xf32, #tpu.memory_space<vmem>> -> memref<64x256xf32, #tpu.memory_space<vmem>>
        tpu.vector_store_idx %parallel_loop3A_1307[%parallel_loop3A_1298, %parallel_loop3A_281], %parallel_loop3A_1303 : memref<64x256xf32, #tpu.memory_space<vmem>>[vector<16xi32>, vector<16xi32>], vector<16xf32>,
        %parallel_loop3A_1308 = arith.constant 9 : i32
        %parallel_loop3A_1309 = vector.broadcast %parallel_loop3A_1308 : i32 to vector<16xi32>
        %parallel_loop3A_1310 = arith.addi %iota3A, %parallel_loop3A_1309 : vector<16xi32>
        %parallel_loop3A_1311 = arith.constant 15 : i32
        %parallel_loop3A_1312 = vector.broadcast %parallel_loop3A_1311 : i32 to vector<16xi32>
        %parallel_loop3A_1313 = arith.andi %parallel_loop3A_1310, %parallel_loop3A_1312 : vector<16xi32>
        %parallel_loop3A_1314 = arith.constant 48 : i32
        %parallel_loop3A_1315 = vector.broadcast %parallel_loop3A_1314 : i32 to vector<16xi32>
        %parallel_loop3A_1316 = arith.addi %parallel_loop3A_1313, %parallel_loop3A_1315 : vector<16xi32>
        %parallel_loop3A_1317 = arith.constant 0 : i32
        %parallel_loop3A_1318 = arith.constant 0 : i32
        %parallel_loop3A_1319 = tpu.memref_slice %arg6[%rem3A_121, %parallel_loop3A_1317, %parallel_loop3A_1318] : memref<2x256x128xf32, #tpu.memory_space<vmem>> -> memref<1x256x128xf32, #tpu.memory_space<vmem>>
        %parallel_loop3A_1320 = tpu.memref_squeeze %parallel_loop3A_1319 : memref<1x256x128xf32, #tpu.memory_space<vmem>> -> memref<256x128xf32, #tpu.memory_space<vmem>>
        %parallel_loop3A_1321 = tpu.vector_load_idx %parallel_loop3A_1320[%parallel_loop3A_281, %parallel_loop3A_1316] : memref<256x128xf32, #tpu.memory_space<vmem>>[vector<16xi32>, vector<16xi32>], vector<16xf32>,
        %parallel_loop3A_1322 = arith.constant 0 : i32
        %parallel_loop3A_1323 = arith.constant 0 : i32
        %parallel_loop3A_1324 = tpu.memref_slice %arg7[%rem3A_121, %parallel_loop3A_1322, %parallel_loop3A_1323] : memref<2x64x256xf32, #tpu.memory_space<vmem>> -> memref<1x64x256xf32, #tpu.memory_space<vmem>>
        %parallel_loop3A_1325 = tpu.memref_squeeze %parallel_loop3A_1324 : memref<1x64x256xf32, #tpu.memory_space<vmem>> -> memref<64x256xf32, #tpu.memory_space<vmem>>
        tpu.vector_store_idx %parallel_loop3A_1325[%parallel_loop3A_1316, %parallel_loop3A_281], %parallel_loop3A_1321 : memref<64x256xf32, #tpu.memory_space<vmem>>[vector<16xi32>, vector<16xi32>], vector<16xf32>,
        %parallel_loop3A_1326 = arith.constant 10 : i32
        %parallel_loop3A_1327 = vector.broadcast %parallel_loop3A_1326 : i32 to vector<16xi32>
        %parallel_loop3A_1328 = arith.addi %iota3A, %parallel_loop3A_1327 : vector<16xi32>
        %parallel_loop3A_1329 = arith.constant 15 : i32
        %parallel_loop3A_1330 = vector.broadcast %parallel_loop3A_1329 : i32 to vector<16xi32>
        %parallel_loop3A_1331 = arith.andi %parallel_loop3A_1328, %parallel_loop3A_1330 : vector<16xi32>
        %parallel_loop3A_1332 = arith.constant 48 : i32
        %parallel_loop3A_1333 = vector.broadcast %parallel_loop3A_1332 : i32 to vector<16xi32>
        %parallel_loop3A_1334 = arith.addi %parallel_loop3A_1331, %parallel_loop3A_1333 : vector<16xi32>
        %parallel_loop3A_1335 = arith.constant 0 : i32
        %parallel_loop3A_1336 = arith.constant 0 : i32
        %parallel_loop3A_1337 = tpu.memref_slice %arg6[%rem3A_121, %parallel_loop3A_1335, %parallel_loop3A_1336] : memref<2x256x128xf32, #tpu.memory_space<vmem>> -> memref<1x256x128xf32, #tpu.memory_space<vmem>>
        %parallel_loop3A_1338 = tpu.memref_squeeze %parallel_loop3A_1337 : memref<1x256x128xf32, #tpu.memory_space<vmem>> -> memref<256x128xf32, #tpu.memory_space<vmem>>
        %parallel_loop3A_1339 = tpu.vector_load_idx %parallel_loop3A_1338[%parallel_loop3A_281, %parallel_loop3A_1334] : memref<256x128xf32, #tpu.memory_space<vmem>>[vector<16xi32>, vector<16xi32>], vector<16xf32>,
        %parallel_loop3A_1340 = arith.constant 0 : i32
        %parallel_loop3A_1341 = arith.constant 0 : i32
        %parallel_loop3A_1342 = tpu.memref_slice %arg7[%rem3A_121, %parallel_loop3A_1340, %parallel_loop3A_1341] : memref<2x64x256xf32, #tpu.memory_space<vmem>> -> memref<1x64x256xf32, #tpu.memory_space<vmem>>
        %parallel_loop3A_1343 = tpu.memref_squeeze %parallel_loop3A_1342 : memref<1x64x256xf32, #tpu.memory_space<vmem>> -> memref<64x256xf32, #tpu.memory_space<vmem>>
        tpu.vector_store_idx %parallel_loop3A_1343[%parallel_loop3A_1334, %parallel_loop3A_281], %parallel_loop3A_1339 : memref<64x256xf32, #tpu.memory_space<vmem>>[vector<16xi32>, vector<16xi32>], vector<16xf32>,
        %parallel_loop3A_1344 = arith.constant 11 : i32
        %parallel_loop3A_1345 = vector.broadcast %parallel_loop3A_1344 : i32 to vector<16xi32>
        %parallel_loop3A_1346 = arith.addi %iota3A, %parallel_loop3A_1345 : vector<16xi32>
        %parallel_loop3A_1347 = arith.constant 15 : i32
        %parallel_loop3A_1348 = vector.broadcast %parallel_loop3A_1347 : i32 to vector<16xi32>
        %parallel_loop3A_1349 = arith.andi %parallel_loop3A_1346, %parallel_loop3A_1348 : vector<16xi32>
        %parallel_loop3A_1350 = arith.constant 48 : i32
        %parallel_loop3A_1351 = vector.broadcast %parallel_loop3A_1350 : i32 to vector<16xi32>
        %parallel_loop3A_1352 = arith.addi %parallel_loop3A_1349, %parallel_loop3A_1351 : vector<16xi32>
        %parallel_loop3A_1353 = arith.constant 0 : i32
        %parallel_loop3A_1354 = arith.constant 0 : i32
        %parallel_loop3A_1355 = tpu.memref_slice %arg6[%rem3A_121, %parallel_loop3A_1353, %parallel_loop3A_1354] : memref<2x256x128xf32, #tpu.memory_space<vmem>> -> memref<1x256x128xf32, #tpu.memory_space<vmem>>
        %parallel_loop3A_1356 = tpu.memref_squeeze %parallel_loop3A_1355 : memref<1x256x128xf32, #tpu.memory_space<vmem>> -> memref<256x128xf32, #tpu.memory_space<vmem>>
        %parallel_loop3A_1357 = tpu.vector_load_idx %parallel_loop3A_1356[%parallel_loop3A_281, %parallel_loop3A_1352] : memref<256x128xf32, #tpu.memory_space<vmem>>[vector<16xi32>, vector<16xi32>], vector<16xf32>,
        %parallel_loop3A_1358 = arith.constant 0 : i32
        %parallel_loop3A_1359 = arith.constant 0 : i32
        %parallel_loop3A_1360 = tpu.memref_slice %arg7[%rem3A_121, %parallel_loop3A_1358, %parallel_loop3A_1359] : memref<2x64x256xf32, #tpu.memory_space<vmem>> -> memref<1x64x256xf32, #tpu.memory_space<vmem>>
        %parallel_loop3A_1361 = tpu.memref_squeeze %parallel_loop3A_1360 : memref<1x64x256xf32, #tpu.memory_space<vmem>> -> memref<64x256xf32, #tpu.memory_space<vmem>>
        tpu.vector_store_idx %parallel_loop3A_1361[%parallel_loop3A_1352, %parallel_loop3A_281], %parallel_loop3A_1357 : memref<64x256xf32, #tpu.memory_space<vmem>>[vector<16xi32>, vector<16xi32>], vector<16xf32>,
        %parallel_loop3A_1362 = arith.constant 12 : i32
        %parallel_loop3A_1363 = vector.broadcast %parallel_loop3A_1362 : i32 to vector<16xi32>
        %parallel_loop3A_1364 = arith.addi %iota3A, %parallel_loop3A_1363 : vector<16xi32>
        %parallel_loop3A_1365 = arith.constant 15 : i32
        %parallel_loop3A_1366 = vector.broadcast %parallel_loop3A_1365 : i32 to vector<16xi32>
        %parallel_loop3A_1367 = arith.andi %parallel_loop3A_1364, %parallel_loop3A_1366 : vector<16xi32>
        %parallel_loop3A_1368 = arith.constant 48 : i32
        %parallel_loop3A_1369 = vector.broadcast %parallel_loop3A_1368 : i32 to vector<16xi32>
        %parallel_loop3A_1370 = arith.addi %parallel_loop3A_1367, %parallel_loop3A_1369 : vector<16xi32>
        %parallel_loop3A_1371 = arith.constant 0 : i32
        %parallel_loop3A_1372 = arith.constant 0 : i32
        %parallel_loop3A_1373 = tpu.memref_slice %arg6[%rem3A_121, %parallel_loop3A_1371, %parallel_loop3A_1372] : memref<2x256x128xf32, #tpu.memory_space<vmem>> -> memref<1x256x128xf32, #tpu.memory_space<vmem>>
        %parallel_loop3A_1374 = tpu.memref_squeeze %parallel_loop3A_1373 : memref<1x256x128xf32, #tpu.memory_space<vmem>> -> memref<256x128xf32, #tpu.memory_space<vmem>>
        %parallel_loop3A_1375 = tpu.vector_load_idx %parallel_loop3A_1374[%parallel_loop3A_281, %parallel_loop3A_1370] : memref<256x128xf32, #tpu.memory_space<vmem>>[vector<16xi32>, vector<16xi32>], vector<16xf32>,
        %parallel_loop3A_1376 = arith.constant 0 : i32
        %parallel_loop3A_1377 = arith.constant 0 : i32
        %parallel_loop3A_1378 = tpu.memref_slice %arg7[%rem3A_121, %parallel_loop3A_1376, %parallel_loop3A_1377] : memref<2x64x256xf32, #tpu.memory_space<vmem>> -> memref<1x64x256xf32, #tpu.memory_space<vmem>>
        %parallel_loop3A_1379 = tpu.memref_squeeze %parallel_loop3A_1378 : memref<1x64x256xf32, #tpu.memory_space<vmem>> -> memref<64x256xf32, #tpu.memory_space<vmem>>
        tpu.vector_store_idx %parallel_loop3A_1379[%parallel_loop3A_1370, %parallel_loop3A_281], %parallel_loop3A_1375 : memref<64x256xf32, #tpu.memory_space<vmem>>[vector<16xi32>, vector<16xi32>], vector<16xf32>,
        %parallel_loop3A_1380 = arith.constant 13 : i32
        %parallel_loop3A_1381 = vector.broadcast %parallel_loop3A_1380 : i32 to vector<16xi32>
        %parallel_loop3A_1382 = arith.addi %iota3A, %parallel_loop3A_1381 : vector<16xi32>
        %parallel_loop3A_1383 = arith.constant 15 : i32
        %parallel_loop3A_1384 = vector.broadcast %parallel_loop3A_1383 : i32 to vector<16xi32>
        %parallel_loop3A_1385 = arith.andi %parallel_loop3A_1382, %parallel_loop3A_1384 : vector<16xi32>
        %parallel_loop3A_1386 = arith.constant 48 : i32
        %parallel_loop3A_1387 = vector.broadcast %parallel_loop3A_1386 : i32 to vector<16xi32>
        %parallel_loop3A_1388 = arith.addi %parallel_loop3A_1385, %parallel_loop3A_1387 : vector<16xi32>
        %parallel_loop3A_1389 = arith.constant 0 : i32
        %parallel_loop3A_1390 = arith.constant 0 : i32
        %parallel_loop3A_1391 = tpu.memref_slice %arg6[%rem3A_121, %parallel_loop3A_1389, %parallel_loop3A_1390] : memref<2x256x128xf32, #tpu.memory_space<vmem>> -> memref<1x256x128xf32, #tpu.memory_space<vmem>>
        %parallel_loop3A_1392 = tpu.memref_squeeze %parallel_loop3A_1391 : memref<1x256x128xf32, #tpu.memory_space<vmem>> -> memref<256x128xf32, #tpu.memory_space<vmem>>
        %parallel_loop3A_1393 = tpu.vector_load_idx %parallel_loop3A_1392[%parallel_loop3A_281, %parallel_loop3A_1388] : memref<256x128xf32, #tpu.memory_space<vmem>>[vector<16xi32>, vector<16xi32>], vector<16xf32>,
        %parallel_loop3A_1394 = arith.constant 0 : i32
        %parallel_loop3A_1395 = arith.constant 0 : i32
        %parallel_loop3A_1396 = tpu.memref_slice %arg7[%rem3A_121, %parallel_loop3A_1394, %parallel_loop3A_1395] : memref<2x64x256xf32, #tpu.memory_space<vmem>> -> memref<1x64x256xf32, #tpu.memory_space<vmem>>
        %parallel_loop3A_1397 = tpu.memref_squeeze %parallel_loop3A_1396 : memref<1x64x256xf32, #tpu.memory_space<vmem>> -> memref<64x256xf32, #tpu.memory_space<vmem>>
        tpu.vector_store_idx %parallel_loop3A_1397[%parallel_loop3A_1388, %parallel_loop3A_281], %parallel_loop3A_1393 : memref<64x256xf32, #tpu.memory_space<vmem>>[vector<16xi32>, vector<16xi32>], vector<16xf32>,
        %parallel_loop3A_1398 = arith.constant 14 : i32
        %parallel_loop3A_1399 = vector.broadcast %parallel_loop3A_1398 : i32 to vector<16xi32>
        %parallel_loop3A_1400 = arith.addi %iota3A, %parallel_loop3A_1399 : vector<16xi32>
        %parallel_loop3A_1401 = arith.constant 15 : i32
        %parallel_loop3A_1402 = vector.broadcast %parallel_loop3A_1401 : i32 to vector<16xi32>
        %parallel_loop3A_1403 = arith.andi %parallel_loop3A_1400, %parallel_loop3A_1402 : vector<16xi32>
        %parallel_loop3A_1404 = arith.constant 48 : i32
        %parallel_loop3A_1405 = vector.broadcast %parallel_loop3A_1404 : i32 to vector<16xi32>
        %parallel_loop3A_1406 = arith.addi %parallel_loop3A_1403, %parallel_loop3A_1405 : vector<16xi32>
        %parallel_loop3A_1407 = arith.constant 0 : i32
        %parallel_loop3A_1408 = arith.constant 0 : i32
        %parallel_loop3A_1409 = tpu.memref_slice %arg6[%rem3A_121, %parallel_loop3A_1407, %parallel_loop3A_1408] : memref<2x256x128xf32, #tpu.memory_space<vmem>> -> memref<1x256x128xf32, #tpu.memory_space<vmem>>
        %parallel_loop3A_1410 = tpu.memref_squeeze %parallel_loop3A_1409 : memref<1x256x128xf32, #tpu.memory_space<vmem>> -> memref<256x128xf32, #tpu.memory_space<vmem>>
        %parallel_loop3A_1411 = tpu.vector_load_idx %parallel_loop3A_1410[%parallel_loop3A_281, %parallel_loop3A_1406] : memref<256x128xf32, #tpu.memory_space<vmem>>[vector<16xi32>, vector<16xi32>], vector<16xf32>,
        %parallel_loop3A_1412 = arith.constant 0 : i32
        %parallel_loop3A_1413 = arith.constant 0 : i32
        %parallel_loop3A_1414 = tpu.memref_slice %arg7[%rem3A_121, %parallel_loop3A_1412, %parallel_loop3A_1413] : memref<2x64x256xf32, #tpu.memory_space<vmem>> -> memref<1x64x256xf32, #tpu.memory_space<vmem>>
        %parallel_loop3A_1415 = tpu.memref_squeeze %parallel_loop3A_1414 : memref<1x64x256xf32, #tpu.memory_space<vmem>> -> memref<64x256xf32, #tpu.memory_space<vmem>>
        tpu.vector_store_idx %parallel_loop3A_1415[%parallel_loop3A_1406, %parallel_loop3A_281], %parallel_loop3A_1411 : memref<64x256xf32, #tpu.memory_space<vmem>>[vector<16xi32>, vector<16xi32>], vector<16xf32>,
        %parallel_loop3A_1416 = arith.constant 15 : i32
        %parallel_loop3A_1417 = vector.broadcast %parallel_loop3A_1416 : i32 to vector<16xi32>
        %parallel_loop3A_1418 = arith.addi %iota3A, %parallel_loop3A_1417 : vector<16xi32>
        %parallel_loop3A_1419 = arith.constant 15 : i32
        %parallel_loop3A_1420 = vector.broadcast %parallel_loop3A_1419 : i32 to vector<16xi32>
        %parallel_loop3A_1421 = arith.andi %parallel_loop3A_1418, %parallel_loop3A_1420 : vector<16xi32>
        %parallel_loop3A_1422 = arith.constant 48 : i32
        %parallel_loop3A_1423 = vector.broadcast %parallel_loop3A_1422 : i32 to vector<16xi32>
        %parallel_loop3A_1424 = arith.addi %parallel_loop3A_1421, %parallel_loop3A_1423 : vector<16xi32>
        %parallel_loop3A_1425 = arith.constant 0 : i32
        %parallel_loop3A_1426 = arith.constant 0 : i32
        %parallel_loop3A_1427 = tpu.memref_slice %arg6[%rem3A_121, %parallel_loop3A_1425, %parallel_loop3A_1426] : memref<2x256x128xf32, #tpu.memory_space<vmem>> -> memref<1x256x128xf32, #tpu.memory_space<vmem>>
        %parallel_loop3A_1428 = tpu.memref_squeeze %parallel_loop3A_1427 : memref<1x256x128xf32, #tpu.memory_space<vmem>> -> memref<256x128xf32, #tpu.memory_space<vmem>>
        %parallel_loop3A_1429 = tpu.vector_load_idx %parallel_loop3A_1428[%parallel_loop3A_281, %parallel_loop3A_1424] : memref<256x128xf32, #tpu.memory_space<vmem>>[vector<16xi32>, vector<16xi32>], vector<16xf32>,
        %parallel_loop3A_1430 = arith.constant 0 : i32
        %parallel_loop3A_1431 = arith.constant 0 : i32
        %parallel_loop3A_1432 = tpu.memref_slice %arg7[%rem3A_121, %parallel_loop3A_1430, %parallel_loop3A_1431] : memref<2x64x256xf32, #tpu.memory_space<vmem>> -> memref<1x64x256xf32, #tpu.memory_space<vmem>>
        %parallel_loop3A_1433 = tpu.memref_squeeze %parallel_loop3A_1432 : memref<1x64x256xf32, #tpu.memory_space<vmem>> -> memref<64x256xf32, #tpu.memory_space<vmem>>
        tpu.vector_store_idx %parallel_loop3A_1433[%parallel_loop3A_1424, %parallel_loop3A_281], %parallel_loop3A_1429 : memref<64x256xf32, #tpu.memory_space<vmem>>[vector<16xi32>, vector<16xi32>], vector<16xf32>,
      } {sc.loop_unroll_factor = 2 : i64, sc.parallel_access}
      %jit3A_215 = arith.constant 2 : i32
      %div3A_216 = arith.divsi %scan3A_119, %jit3A_215 : i32
      %sign3A_217 = arith.constant 0 : i32
      %sign3A_218 = arith.cmpi sgt, %scan3A_119, %sign3A_217 : i32
      %sign3A_219 = arith.extui %sign3A_218 : i1 to i32
      %sign3A_220 = arith.constant 0 : i32
      %sign3A_221 = arith.cmpi slt, %scan3A_119, %sign3A_220 : i32
      %sign3A_222 = arith.extui %sign3A_221 : i1 to i32
      %sign3A_223 = arith.subi %sign3A_219, %sign3A_222 : i32
      %sign3A_224 = arith.constant 0 : i32
      %sign3A_225 = arith.cmpi sgt, %jit3A_215, %sign3A_224 : i32
      %sign3A_226 = arith.extui %sign3A_225 : i1 to i32
      %sign3A_227 = arith.constant 0 : i32
      %sign3A_228 = arith.cmpi slt, %jit3A_215, %sign3A_227 : i32
      %sign3A_229 = arith.extui %sign3A_228 : i1 to i32
      %sign3A_230 = arith.subi %sign3A_226, %sign3A_229 : i32
      %ne3A_231 = arith.cmpi ne, %sign3A_223, %sign3A_230 : i32
      %rem3A_232 = arith.remsi %scan3A_119, %jit3A_215 : i32
      %ne3A_233 = arith.constant 0 : i32
      %ne3A_234 = arith.cmpi ne, %rem3A_232, %ne3A_233 : i32
      %and3A_235 = arith.andi %ne3A_231, %ne3A_234 : i1
      %sub3A_236 = arith.constant 1 : i32
      %sub3A_237 = arith.subi %div3A_216, %sub3A_236 : i32
      %select_n3A_238 = arith.select %and3A_235, %sub3A_237, %div3A_216 : i32
      %jit3A_239 = arith.constant 2 : i32
      %eq3A_240 = arith.constant 0 : i32
      %eq3A_241 = arith.cmpi eq, %jit3A_239, %eq3A_240 : i32
      %jit3A_242 = arith.constant 1 : i32
      %select_n3A_243 = arith.select %eq3A_241, %jit3A_242, %jit3A_239 : i32
      %rem3A_244 = arith.remsi %scan3A_119, %select_n3A_243 : i32
      %ne3A_245 = arith.constant 0 : i32
      %ne3A_246 = arith.cmpi ne, %rem3A_244, %ne3A_245 : i32
      %lt3A_247 = arith.constant 0 : i32
      %lt3A_248 = arith.cmpi slt, %rem3A_244, %lt3A_247 : i32
      %lt3A_249 = arith.constant 0 : i32
      %lt3A_250 = arith.cmpi slt, %select_n3A_243, %lt3A_249 : i32
      %ne3A_251 = arith.xori %lt3A_248, %lt3A_250 : i1
      %and3A_252 = arith.andi %ne3A_251, %ne3A_246 : i1
      %add3A_253 = arith.addi %rem3A_244, %select_n3A_243 : i32
      %select_n3A_254 = arith.select %and3A_252, %add3A_253, %rem3A_244 : i32
      %mul3A_255 = arith.constant 4 : i32
      %mul3A_256 = arith.muli %mul3A_255, %select_n3A_238 : i32
      %add3A_257 = arith.addi %select_n3A_30, %mul3A_256 : i32
      %mul3A_258 = arith.constant 256 : i32
      %mul3A_259 = arith.muli %select_n3A_254, %mul3A_258 : i32
      %add3A_260 = arith.addi %mul3A_32, %mul3A_259 : i32
      %dma_start3A_261 = arith.constant 0 : i32
      %dma_start3A_262 = arith.constant 0 : i32
      %dma_start3A_263 = tpu.memref_slice %arg7[%rem3A_121, %dma_start3A_261, %dma_start3A_262] : memref<2x64x256xf32, #tpu.memory_space<vmem>> -> memref<1x64x256xf32, #tpu.memory_space<vmem>>
      %dma_start3A_264 = tpu.memref_squeeze %dma_start3A_263 : memref<1x64x256xf32, #tpu.memory_space<vmem>> -> memref<64x256xf32, #tpu.memory_space<vmem>>
      %dma_start3A_265 = arith.constant 0 : i32
      %dma_start3A_266 = tpu.memref_slice %arg4[%add3A_257, %dma_start3A_265, %add3A_260] : memref<200x64x4096xf32, #tpu.memory_space<hbm>> -> memref<1x64x256xf32, #tpu.memory_space<hbm>>
      %dma_start3A_267 = tpu.memref_squeeze %dma_start3A_266 : memref<1x64x256xf32, #tpu.memory_space<hbm>> -> memref<64x256xf32, #tpu.memory_space<hbm>>
      %dma_start3A_268 = tpu.memref_slice %arg9[%rem3A_121] : memref<2x!tpu.dma_semaphore, #tpu.memory_space<semaphore_mem>> -> memref<1x!tpu.dma_semaphore, #tpu.memory_space<semaphore_mem>>
      %dma_start3A_269 = tpu.memref_squeeze %dma_start3A_268 : memref<1x!tpu.dma_semaphore, #tpu.memory_space<semaphore_mem>> -> memref<!tpu.dma_semaphore, #tpu.memory_space<semaphore_mem>>
      %dma_start3A_270 = arith.constant 0 : i32
      %dma_start3A_271 = tpu.memref_slice %arg4[%add3A_257, %dma_start3A_270, %add3A_260] : memref<200x64x4096xf32, #tpu.memory_space<hbm>> -> memref<1x64x256xf32, #tpu.memory_space<hbm>>
      %dma_start3A_272 = tpu.memref_squeeze %dma_start3A_271 : memref<1x64x256xf32, #tpu.memory_space<hbm>> -> memref<64x256xf32, #tpu.memory_space<hbm>>
      %dma_start3A_273 = arith.constant 0 : i32
      %dma_start3A_274 = arith.constant 0 : i32
      %dma_start3A_275 = tpu.memref_slice %arg7[%rem3A_121, %dma_start3A_273, %dma_start3A_274] : memref<2x64x256xf32, #tpu.memory_space<vmem>> -> memref<1x64x256xf32, #tpu.memory_space<vmem>>
      %dma_start3A_276 = tpu.memref_squeeze %dma_start3A_275 : memref<1x64x256xf32, #tpu.memory_space<vmem>> -> memref<64x256xf32, #tpu.memory_space<vmem>>
      tpu.enqueue_dma source(%dma_start3A_276 : memref<64x256xf32, #tpu.memory_space<vmem>>) target(%dma_start3A_272 : memref<64x256xf32, #tpu.memory_space<hbm>>) target_semaphore(%dma_start3A_269 : memref<!tpu.dma_semaphore, #tpu.memory_space<semaphore_mem>>)
    }
    %scan3A_75 = arith.constant 100 : i32
    %add3A_76 = arith.constant 196 : i32
    %add3A_77 = arith.addi %select_n3A_30, %add3A_76 : i32
    %add3A_78 = arith.constant 0 : i32
    %add3A_79 = arith.addi %mul3A_32, %add3A_78 : i32
    %dma_wait3A = arith.constant 0 : i32
    %dma_wait3A_80 = arith.constant 0 : i32
    %dma_wait3A_81 = arith.constant 0 : i32
    %dma_wait3A_82 = arith.constant 0 : i32
    %dma_wait3A_83 = tpu.memref_slice %arg7[%dma_wait3A, %dma_wait3A_81, %dma_wait3A_82] : memref<2x64x256xf32, #tpu.memory_space<vmem>> -> memref<1x64x256xf32, #tpu.memory_space<vmem>>
    %dma_wait3A_84 = tpu.memref_squeeze %dma_wait3A_83 : memref<1x64x256xf32, #tpu.memory_space<vmem>> -> memref<64x256xf32, #tpu.memory_space<vmem>>
    %dma_wait3A_85 = arith.constant 0 : i32
    %dma_wait3A_86 = tpu.memref_slice %arg4[%add3A_77, %dma_wait3A_85, %add3A_79] : memref<200x64x4096xf32, #tpu.memory_space<hbm>> -> memref<1x64x256xf32, #tpu.memory_space<hbm>>
    %dma_wait3A_87 = tpu.memref_squeeze %dma_wait3A_86 : memref<1x64x256xf32, #tpu.memory_space<hbm>> -> memref<64x256xf32, #tpu.memory_space<hbm>>
    %dma_wait3A_88 = tpu.memref_slice %arg9[%dma_wait3A_80] : memref<2x!tpu.dma_semaphore, #tpu.memory_space<semaphore_mem>> -> memref<1x!tpu.dma_semaphore, #tpu.memory_space<semaphore_mem>>
    %dma_wait3A_89 = tpu.memref_squeeze %dma_wait3A_88 : memref<1x!tpu.dma_semaphore, #tpu.memory_space<semaphore_mem>> -> memref<!tpu.dma_semaphore, #tpu.memory_space<semaphore_mem>>
    %dma_wait3A_90 = arith.constant 0 : i32
    %dma_wait3A_91 = tpu.memref_slice %arg4[%add3A_77, %dma_wait3A_90, %add3A_79] : memref<200x64x4096xf32, #tpu.memory_space<hbm>> -> memref<1x64x256xf32, #tpu.memory_space<hbm>>
    %dma_wait3A_92 = tpu.memref_squeeze %dma_wait3A_91 : memref<1x64x256xf32, #tpu.memory_space<hbm>> -> memref<64x256xf32, #tpu.memory_space<hbm>>
    %dma_wait3A_93 = arith.constant 0 : i32
    %dma_wait3A_94 = arith.constant 0 : i32
    %dma_wait3A_95 = tpu.memref_slice %arg7[%dma_wait3A, %dma_wait3A_93, %dma_wait3A_94] : memref<2x64x256xf32, #tpu.memory_space<vmem>> -> memref<1x64x256xf32, #tpu.memory_space<vmem>>
    %dma_wait3A_96 = tpu.memref_squeeze %dma_wait3A_95 : memref<1x64x256xf32, #tpu.memory_space<vmem>> -> memref<64x256xf32, #tpu.memory_space<vmem>>
    tpu.wait_dma2 semaphore(%dma_wait3A_89 : memref<!tpu.dma_semaphore, #tpu.memory_space<semaphore_mem>>) src(%dma_wait3A_96 : memref<64x256xf32, #tpu.memory_space<vmem>>) dst(%dma_wait3A_92 : memref<64x256xf32, #tpu.memory_space<hbm>>)
    %add3A_97 = arith.constant 196 : i32
    %add3A_98 = arith.addi %select_n3A_30, %add3A_97 : i32
    %add3A_99 = arith.constant 256 : i32
    %add3A_100 = arith.addi %mul3A_32, %add3A_99 : i32
    %dma_wait3A_101 = arith.constant 1 : i32
    %dma_wait3A_102 = arith.constant 1 : i32
    %dma_wait3A_103 = arith.constant 0 : i32
    %dma_wait3A_104 = arith.constant 0 : i32
    %dma_wait3A_105 = tpu.memref_slice %arg7[%dma_wait3A_101, %dma_wait3A_103, %dma_wait3A_104] : memref<2x64x256xf32, #tpu.memory_space<vmem>> -> memref<1x64x256xf32, #tpu.memory_space<vmem>>
    %dma_wait3A_106 = tpu.memref_squeeze %dma_wait3A_105 : memref<1x64x256xf32, #tpu.memory_space<vmem>> -> memref<64x256xf32, #tpu.memory_space<vmem>>
    %dma_wait3A_107 = arith.constant 0 : i32
    %dma_wait3A_108 = tpu.memref_slice %arg4[%add3A_98, %dma_wait3A_107, %add3A_100] : memref<200x64x4096xf32, #tpu.memory_space<hbm>> -> memref<1x64x256xf32, #tpu.memory_space<hbm>>
    %dma_wait3A_109 = tpu.memref_squeeze %dma_wait3A_108 : memref<1x64x256xf32, #tpu.memory_space<hbm>> -> memref<64x256xf32, #tpu.memory_space<hbm>>
    %dma_wait3A_110 = tpu.memref_slice %arg9[%dma_wait3A_102] : memref<2x!tpu.dma_semaphore, #tpu.memory_space<semaphore_mem>> -> memref<1x!tpu.dma_semaphore, #tpu.memory_space<semaphore_mem>>
    %dma_wait3A_111 = tpu.memref_squeeze %dma_wait3A_110 : memref<1x!tpu.dma_semaphore, #tpu.memory_space<semaphore_mem>> -> memref<!tpu.dma_semaphore, #tpu.memory_space<semaphore_mem>>
    %dma_wait3A_112 = arith.constant 0 : i32
    %dma_wait3A_113 = tpu.memref_slice %arg4[%add3A_98, %dma_wait3A_112, %add3A_100] : memref<200x64x4096xf32, #tpu.memory_space<hbm>> -> memref<1x64x256xf32, #tpu.memory_space<hbm>>
    %dma_wait3A_114 = tpu.memref_squeeze %dma_wait3A_113 : memref<1x64x256xf32, #tpu.memory_space<hbm>> -> memref<64x256xf32, #tpu.memory_space<hbm>>
    %dma_wait3A_115 = arith.constant 0 : i32
    %dma_wait3A_116 = arith.constant 0 : i32
    %dma_wait3A_117 = tpu.memref_slice %arg7[%dma_wait3A_101, %dma_wait3A_115, %dma_wait3A_116] : memref<2x64x256xf32, #tpu.memory_space<vmem>> -> memref<1x64x256xf32, #tpu.memory_space<vmem>>
    %dma_wait3A_118 = tpu.memref_squeeze %dma_wait3A_117 : memref<1x64x256xf32, #tpu.memory_space<vmem>> -> memref<64x256xf32, #tpu.memory_space<vmem>>
    tpu.wait_dma2 semaphore(%dma_wait3A_111 : memref<!tpu.dma_semaphore, #tpu.memory_space<semaphore_mem>>) src(%dma_wait3A_118 : memref<64x256xf32, #tpu.memory_space<vmem>>) dst(%dma_wait3A_114 : memref<64x256xf32, #tpu.memory_space<hbm>>)
    return
  }
}

module attributes {stable_mosaic.version = 14 : i64} {
  func.func @_fuse_body(%arg0: i32, %arg1: memref<2000x8xf32, #tpu.memory_space<vmem>>, %arg2: memref<2000x64xf32, #tpu.memory_space<vmem>>, %arg3: memref<64x8xf32, #tpu.memory_space<vmem>>, %arg4: memref<2000x128xf32, #tpu.memory_space<vmem>>) attributes {dimension_semantics = [#tpu.dimension_semantics<arbitrary>], iteration_bounds = array<i64: 50>, scalar_prefetch = 0 : i64, scratch_operands = 0 : i64, tpu.core_type = #tpu.core_type<tc>, window_params = [{transform_indices = @transform_0, window_bounds = array<i64: 2000, 8>}, {transform_indices = @transform_1, window_bounds = array<i64: 2000, 64>}, {pipeline_mode = #tpu.pipeline_mode<synchronous>, transform_indices = @transform_2, window_bounds = array<i64: 64, 8>}, {transform_indices = @transform_3, window_bounds = array<i64: 2000, 128>}]} {
    %get3A = arith.constant 0 : index
    %get3A_0 = arith.constant 0 : index
    %get3A_1 = vector.load %arg1[%get3A, %get3A_0] : memref<2000x8xf32, #tpu.memory_space<vmem>>, vector<2000x8xf32>
    %get3A_2 = arith.constant 0 : index
    %get3A_3 = arith.constant 0 : index
    %get3A_4 = vector.load %arg3[%get3A_2, %get3A_3] : memref<64x8xf32, #tpu.memory_space<vmem>>, vector<64x8xf32>
    %dot_general3A = arith.constant dense<0.000000e+00> : vector<2000x64xf32>
    %dot_general3A_5 = tpu.matmul %get3A_1, %get3A_4, %dot_general3A {dimension_numbers = #tpu.dot_dimension_numbers<[1], [1], [0], [0], [0, 0, 1, 0], [], []>, transpose_lhs_hint = false} : vector<2000x8xf32>, vector<64x8xf32>, vector<2000x64xf32> -> vector<2000x64xf32>
    %get3A_6 = arith.constant 0 : index
    %get3A_7 = arith.constant 0 : index
    %get3A_8 = vector.load %arg2[%get3A_6, %get3A_7] : memref<2000x64xf32, #tpu.memory_space<vmem>>, vector<2000x64xf32>
    %mul3A = arith.constant 2.000000e+00 : f32
    %mul3A_9 = vector.broadcast %mul3A : f32 to vector<2000x64xf32>
    %mul3A_10 = arith.mulf %mul3A_9, %dot_general3A_5 : vector<2000x64xf32>
    %add3A = arith.addf %get3A_8, %mul3A_10 : vector<2000x64xf32>
    %swap3A = arith.constant 0 : index
    %swap3A_11 = arith.constant 0 : index
    %swap3A_12 = vector.load %arg4[%swap3A, %swap3A_11] : memref<2000x128xf32, #tpu.memory_space<vmem>>, vector<2000x64xf32>
    tpu.vector_store %arg4[%swap3A, %swap3A_11], %add3A {strides = array<i32>} : memref<2000x128xf32, #tpu.memory_space<vmem>>, vector<2000x64xf32>,
    %broadcast_in_dim3A = arith.constant 0.000000e+00 : f32
    %broadcast_in_dim3A_13 = vector.broadcast %broadcast_in_dim3A : f32 to vector<2000x64xf32>
    %swap3A_14 = arith.constant 0 : index
    %swap3A_15 = arith.constant 64 : index
    %swap3A_16 = vector.load %arg4[%swap3A_14, %swap3A_15] : memref<2000x128xf32, #tpu.memory_space<vmem>>, vector<2000x64xf32>
    tpu.vector_store %arg4[%swap3A_14, %swap3A_15], %broadcast_in_dim3A_13 {strides = array<i32>} : memref<2000x128xf32, #tpu.memory_space<vmem>>, vector<2000x64xf32>,
    return
  }
  func.func @transform_0(%arg0: i32) -> (i32, i32) {
    %c0_i32 = arith.constant 0 : i32
    %c0_i32_0 = arith.constant 0 : i32
    return %arg0, %c0_i32 : i32, i32
  }
  func.func @transform_1(%arg0: i32) -> (i32, i32) {
    %c0_i32 = arith.constant 0 : i32
    %c0_i32_0 = arith.constant 0 : i32
    return %arg0, %c0_i32 : i32, i32
  }
  func.func @transform_2(%arg0: i32) -> (i32, i32) {
    %c0_i32 = arith.constant 0 : i32
    %c0_i32_0 = arith.constant 0 : i32
    %c0_i32_1 = arith.constant 0 : i32
    return %c0_i32, %c0_i32_0 : i32, i32
  }
  func.func @transform_3(%arg0: i32) -> (i32, i32) {
    %c0_i32 = arith.constant 0 : i32
    %c0_i32_0 = arith.constant 0 : i32
    return %arg0, %c0_i32 : i32, i32
  }
}

</mosaic_0001>

<sc_bundles>
// kernel: kernel.4.cloned.1.call-start
scs
__scs_entry_jumppad:
0x0: {  	(pc) =	sbr.rel $0x88, $3  }
0x1: {  	(tag) =	ssettag $0x0;
	lr =	simm.s32 $0x1  }
0x2: {  	[smem:$0x3F9D] =	sst lr;
	_ =	strace $0xD0000000  }
0x3: {  	_ = 	snop  }
0x4: {  	_ = 	snop  }
0x5: {  	_ = 	snop  }
0x6: {  	_ = 	snop  }
0x7: {  	_ = 	snop  }
__scs_overlays_trampoline_lowered:
0x8: {  	[smem:$0x3FAC] =	sst s0  }
0x9: {  	[smem:$0x3FAD] =	sst s1  }
0xa: {  	[smem:$0x3FAE] =	sst s2  }
0xb: {  	[smem:$0x3FAF] =	sst s3  }
0xc: {  	[smem:$0x3FB0] =	sst s4  }
0xd: {  	[smem:$0x3FB1] =	sst s5  }
0xe: {  	[smem:$0x3FB2] =	sst s6  }
0xf: {  	[smem:$0x3FB3] =	sst s7  }
0x10: {  	[smem:$0x3FB4] =	sst s8  }
0x11: {  	[smem:$0x3FB5] =	sst s9;
	s0 =	simm.s32 @!p0 $0x0  }
0x12: {  	s1 =	sld [smem:$0x3F9B];
	s0 =	simm.s32 @p0 $0x1  }
0x13: {  	[smem:$0x3FB6] =	sst s0;
	s0 =	simm.s32 @!p1 $0x0  }
0x14: {  	s2 =	sld [smem:$0x3F9A];
	s0 =	simm.s32 @p1 $0x1  }
0x15: {  	[smem:$0x3FB7] =	sst s0;
	s0 =	simm.s32 @!p2 $0x0  }
0x16: {  	s3 =	sld [smem:$0x3FDB];
	s0 =	simm.s32 @p2 $0x1  }
0x17: {  	s4 =	simm.s32 $0x1BF5;
	[smem:$0x3FB9] =	sst s0  }
0x18: {  	s0 =	sld [smem:$0x3F9C];
	_ =	swait.ge [sflag:s4], $0x0  }
0x19: {  	s7 =	sld [smem:$0x3F9D]  }
0x1a: {  	s8 =	sadd.s32 $0xFFFFE003, lr  }
0x1b: {  	s9 =	sadd.s32 $0xFFFFFEF7, lr;
	s5 =	simm.s32 $0xFFFFFFFF;
	p2 =	slt.u32 s8, $0xFFFFF086  }
0x1c: {  	p1 =	slt.u32 s9, $0xF7A;
	s5 =	simm.s32 @!p2 $0x0  }
0x1d: {  	s5 =	simm.s32 @p1 $0x1;
	p0 =	seq.s32 s7, s2  }
0x1e: {  	s7 =	smul.u32 @!p0 $0xF7A, s2;
	p2 =	seq.s32 @!p0 s5, $0x0  }
0x1f: {  	s9 =	smul.u32 $0xF7A, s1;
	s8 =	simm.s32 @!p0 $0x1BF5;
	p2 =	por !p2, p0  }
0x20: {  	[sflag:s8] =	ssyncset.s32 @!p0 $0xFFFFF086;
	s6 =	sadd.s32 @!p0 s3, s7;
	s7 =	simm.s32 @!p0 $0x108  }
0x21: {  	s3 =	sadd.s32 s3, s9;
	s6 =	sadd.s32 @!p0 $0x88, s6;
	s7 =	simm.s32 @p2 $0x1082  }
0x22: {  	[simem:s7], [sflag:s8] =	dma.local @!p0 [hbm:s6], $0xF7A  }
0x23: {  	s9 =	sor.u32 $0xD0000000, s2;
	s6 =	simm.s32 $0x108;
	_ =	swait.ge @!p0 [sflag:s8], $0x0  }
0x24: {  	s3 =	sadd.s32 $0x88, s3;
	s6 =	simm.s32 @!p1 $0x1082;
	[sflag:s4] =	ssyncset.s32 $0xFFFFF086  }
0x25: {  	[simem:s6], [sflag:s4] =	dma.local [hbm:s3], $0xF7A  }
0x26: {  	[smem:$0x3F9D] =	sst s1;
	(tag) =	ssettag s2;
	_ =	strace s9  }
0x27: {  	s1 =	sld [smem:$0x3FAD]  }
0x28: {  	s2 =	sld [smem:$0x3FAE]  }
0x29: {  	s4 =	sld [smem:$0x3FB0]  }
0x2a: {  	p0 =	seq.s32 s5, $0x0;
	s5 =	sld [smem:$0x3FB1]  }
0x2b: {  	s6 =	sld [smem:$0x3FB2]  }
0x2c: {  	s7 =	sld [smem:$0x3FB3]  }
0x2d: {  	s3 =	simm.s32 $0x108;
	s8 =	sld [smem:$0x3FB4]  }
0x2e: {  	s3 =	simm.s32 @!p0 $0x1082;
	s9 =	sld [smem:$0x3FB5]  }
0x2f: {  	lr =	sadd.s32 s0, s3;
	s0 =	sld [smem:$0x3FAC]  }
0x30: {  	s3 =	sld [smem:$0x3FAF]  }
0x31: {  	[smem:$0x3FB8] =	sst s10  }
0x32: {  	s10 =	sld [smem:$0x3FB6];
	_ =	sdelay $0x3  }
0x33: {  	p0 =	seq.s32 s10, $0x1;
	s10 =	sld [smem:$0x3FB8];
	_ =	sdelay $0x3  }
0x34: {  	[smem:$0x3FB8] =	sst s10  }
0x35: {  	s10 =	sld [smem:$0x3FB7];
	_ =	sdelay $0x3  }
0x36: {  	p1 =	seq.s32 s10, $0x1;
	s10 =	sld [smem:$0x3FB8];
	_ =	sdelay $0x3  }
0x37: {  	[smem:$0x3FB8] =	sst s10  }
0x38: {  	s10 =	sld [smem:$0x3FB9]  }
0x39: {  	_ = 	snop;
	(pc) =	sbr.ind lr, $3  }
0x3a: {  	_ = 	snop  }
0x3b: {  	_ = 	snop  }
0x3c: {  	p2 =	seq.s32 s10, $0x1;
	s10 =	sld [smem:$0x3FB8]  }
0x3d: {  	_ =	shalt  }
0x3e: {  	_ =	shalt  }
0x3f: {  	_ =	shalt  }
0x40: {  	_ =	shalt  }
0x41: {  	_ =	shalt  }
0x42: {  	_ =	shalt  }
0x43: {  	_ =	shalt  }
0x44: {  	_ =	shalt  }
0x45: {  	_ =	shalt  }
0x46: {  	_ =	shalt  }
0x47: {  	_ =	shalt  }
0x48: {  	_ =	shalt  }
0x49: {  	_ =	shalt  }
0x4a: {  	_ =	shalt  }
0x4b: {  	_ =	shalt  }
0x4c: {  	_ =	shalt  }
0x4d: {  	_ =	shalt  }
0x4e: {  	_ =	shalt  }
0x4f: {  	_ =	shalt  }
0x50: {  	_ =	shalt  }
0x51: {  	_ =	shalt  }
0x52: {  	_ =	shalt  }
0x53: {  	_ =	shalt  }
0x54: {  	_ =	shalt  }
0x55: {  	_ =	shalt  }
0x56: {  	_ =	shalt  }
0x57: {  	_ =	shalt  }
0x58: {  	_ =	shalt  }
0x59: {  	_ =	shalt  }
0x5a: {  	_ =	shalt  }
0x5b: {  	_ =	shalt  }
0x5c: {  	_ =	shalt  }
0x5d: {  	_ =	shalt  }
0x5e: {  	_ =	shalt  }
0x5f: {  	_ =	shalt  }
0x60: {  	_ =	shalt  }
0x61: {  	_ =	shalt  }
0x62: {  	_ =	shalt  }
0x63: {  	_ =	shalt  }
0x64: {  	_ =	shalt  }
0x65: {  	_ =	shalt  }
0x66: {  	_ =	shalt  }
0x67: {  	_ =	shalt  }
0x68: {  	_ =	shalt  }
0x69: {  	_ =	shalt  }
0x6a: {  	_ =	shalt  }
0x6b: {  	_ =	shalt  }
0x6c: {  	_ =	shalt  }
0x6d: {  	_ =	shalt  }
0x6e: {  	_ =	shalt  }
0x6f: {  	_ =	shalt  }
0x70: {  	_ =	shalt  }
0x71: {  	_ =	shalt  }
0x72: {  	_ =	shalt  }
0x73: {  	_ =	shalt  }
0x74: {  	_ =	shalt  }
0x75: {  	_ =	shalt  }
0x76: {  	_ =	shalt  }
0x77: {  	_ =	shalt  }
0x78: {  	_ =	shalt  }
0x79: {  	_ =	shalt  }
0x7a: {  	_ =	shalt  }
0x7b: {  	_ =	shalt  }
0x7c: {  	_ =	shalt  }
0x7d: {  	_ =	shalt  }
0x7e: {  	_ =	shalt  }
0x7f: {  	_ =	shalt  }
0x80: {  	_ =	shalt  }
0x81: {  	_ =	shalt  }
0x82: {  	_ =	shalt  }
0x83: {  	_ =	shalt  }
0x84: {  	_ =	shalt  }
0x85: {  	_ =	shalt  }
0x86: {  	_ =	shalt  }
0x87: {  	_ =	shalt  }
.Lfunc_end0:
.L_simem_size_0:
called_computation_lowered:
.L_overlay_start_0:
0x88: {  	s2 =	sld [smem:$0x3FD9]  }
0x89: {  	s3 =	sld [smem:$0x3FFE];
	_ =	sdelay $0x1  }
0x8a: {  	s1 =	srdreg.scid  }
0x8b: {  	s0 =	sand.u32 $0x1, s1  }
0x8c: {  	s17 =	sshll.u32 s0, $0xA;
	s2 =	sadd.s32 s3, s2  }
0x8d: {  	s2 =	sadd.s32 s2, s17  }
0x8e: {  	[smem:$0x3FC4] =	sst s2  }
0x8f: {  	_ = 	snop  }
0x90: {  	s2 =	sld [smem:$0x3FC9]  }
0x91: {  	s18 =	sld [smem:$0x3FD0];
	(tm) =	ssettm $0x1  }
0x92: {  	s4 =	sld [smem:$0x3FFB];
	_ =	sdelay $0x3  }
0x93: {  	_ =	strace s4  }
0x94: {  	s4 =	sld [smem:$0x3FFC];
	_ =	sdelay $0x3  }
0x95: {  	_ =	strace s4  }
0x96: {  	s4 =	sld [smem:$0x3FFD];
	_ =	sdelay $0x3  }
0x97: {  	_ =	strace s4  }
0x98: {  	_ =	strace $0x8FFFFFFF  }
0x99: {  	s19 =	sld [smem:$0x3FDB];
	_ =	sdelay $0x1  }
0x9a: {  	s5 =	simm.s32 $_scs_section_size  }
0x9b: {  	s6 =	simm.s32 $_size__tile_overlayer_lowered;
	s7 =	simm.s32 $_tile_overlayer_lowered  }
0x9c: {  	s22 =	simm.s32 $0x1BFF;
	s21 =	sshll.u32 s7, $0x1;
	s4 =	sadd.s32 s5, s19  }
0x9d: {  	s8 =	simm.s32 $0x0;
	s20 =	sshll.u32 s6, $0x1;
	s6 =	sadd.s32 s21, s4  }
0x9e: {  	[timem:s8], [sflag:s22] =	dma.local [hbm:s6], s20  }
0x9f: {  	_ =	swait.ge [sflag:s22], s20  }
0xa0: {  	s5 =	ssub.s32 $0x0, s20;
	[sflag:s22] =	ssyncset.done $0x0  }
0xa1: {  	[sflag:s22] =	ssyncadd.s32 s5;
	_ =	sdelay $0x1  }
0xa2: {  	s23 =	simm.s32 $0x1B8B  }
0xa3: {  	_ =	swait.ge [sflag:s23], $0x1  }
0xa4: {  	[sflag:s23] =	ssyncset.done $0x0  }
0xa5: {  	s25 =	simm.s32 $0x1B8E;
	s24 =	sld [smem:$0x3FFE];
	[sflag:s23] =	ssyncadd.s32 $0xFFFFFFFF  }
0xa6: {  	s26 =	simm.s32 $execute0_lowered;
	[smem:$0x3FD2] =	sst s25  }
0xa7: {  	s6 =	sshll.u32 s26, $0x1;
	_ =	strace $0x80000046;
	[dreg:$0x1] =	wrdreg $0xFFFFFFFF  }
0xa8: {  	s28 =	simm.s32 $_size_execute0_lowered;
	s4 =	sadd.s32 s4, s6;
	[dreg:$0x0] =	wrdreg $0x0  }
0xa9: {  	s6 =	sshll.u32 s28, $0x1;
	[dreg:$0x2] =	wrdreg s4  }
0xaa: {  	[dreg:$0x3] =	wrdreg s6  }
0xab: {  	[dreg:$0x4] =	wrdreg $0xC0  }
0xac: {  	_ =	task [dreg:s8], $0x5FFFF  }
0xad: {  	[dreg:$0x1] =	wrdreg $0xFFFFFFFF  }
0xae: {  	[dreg:$0x0] =	wrdreg $0x60  }
0xaf: {  	[dreg:$0x2] =	wrdreg s24  }
0xb0: {  	[dreg:$0x3] =	wrdreg s2  }
0xb1: {  	[dreg:$0x4] =	wrdreg s18  }
0xb2: {  	[dreg:$0x5] =	wrdreg $0x9  }
0xb3: {  	_ =	task.clear_ibuf [dreg:s8], $0x6FFFF;
	_ =	strace $0x90000046  }
0xb4: {  	s29 =	simm.s32 $0x9;
	_ =	strace $0x80000048  }
0xb5: {  	_ =	swait.ge [sflag:s29], $0x1  }
0xb6: {  	[sflag:s29] =	ssyncadd.s32 $0xFFFFFFFF  }
0xb7: {  	_ =	strace $0x90000048  }
0xb8: {  	_ =	sfence  }
0xb9: {  	s30 =	sld [smem:$0x0];
	_ =	sdelay $0x2  }
0xba: {  	s31 =	sshll.u32 s1, $0xD;
	s1 =	sshrl.u32 s1, $0x2  }
0xbb: {  	s3 =	sand.u32 $0x4000, s31;
	s1 =	sadd.s32 s1, s30  }
0xbc: {  	s0 =	sor.u32 s3, s0;
	s1 =	sshll.u32 s1, $0x11  }
0xbd: {  	s0 =	sor.u32 s1, s0  }
0xbe: {  	s0 =	sadd.s32 $0x8F2B, s0  }
0xbf: {  	[sflag:s0] =	ssyncadd.remote.s32 $0x1  }
0xc0: {  	_ =	sfence.sel $0xFFFF  }
0xc1: {  	[dreg:$0x0] =	wrdreg $0xFFFFFFFF;
	(pc) =	sbr.abs _section_cstart, $3  }
0xc2: {  	[dreg:$0x1] =	wrdreg $0xFFFFFFFF  }
0xc3: {  	_ =	task.clear_ibuf [dreg:s8], $0x2FFFF;
	_ =	strace $0x9FFFFFFF  }
0xc4: {  	(tm) =	ssettm $0x7FFFFFFF  }
0xc5: {  	_ =	shalt  }
tec
execute0_lowered:
.L_overlay_start_1:
0x0: {  	(tag) =	ssettag $0x1  }
0x1: {  	vm14 =	vcmask $0x300;
	v0 =	vimm.s32 $0xB80;
	vm13 =	vcmask $0x704  }
0x2: {  	vm12 =	vcmask $0xB08;
	vm11 =	vcmask $0xF0C;
	vm10 =	vcmask $0x1310  }
0x3: {  	vm9 =	vcmask $0x1714;
	vm8 =	vcmask $0x1B18;
	vm7 =	vcmask $0x1F1C  }
0x4: {  	vm5 =	vcmask $0x2320;
	v1 =	vimm.s32 $0x0;
	vm6 =	vcmask $0x2724  }
0x5: {  	vm4 =	vcmask $0x2B28;
	vm1 =	vcmask $0x2F2C;
	vm2 =	vcmask $0x3330  }
0x6: {  	vm3 =	vcmask $0x3734;
	v26 =	vimm.s32 $0xFEDCBA9;
	v3 =	vimm.s32 $0x87654321  }
0x7: {  	v4 =	vimm.s32 $0x80;
	vm0 =	vcmask $0x3B38;
	v32 =	vimm.s32 $0x10FEDCBA  }
0x8: {  	v33 =	vimm.s32 $0x100;
	v34 =	vimm.s32 $0x98765432;
	v37 =	vimm.s32 $0x210FEDCB  }
0x9: {  	v7 =	vimm.s32 $0xA9876543;
	v42 =	vimm.s32 $0x3210FEDC;
	v10 =	vimm.s32 $0x200  }
0xa: {  	v13 =	vimm.s32 $0x280;
	v15 =	vimm.s32 $0xEDCBA987;
	v45 =	vimm.s32 $0xFEDCBA98  }
0xb: {  	v46 =	vimm.s32 $0x76543210;
	v47 =	vimm.s32 $0x800;
	v48 =	vimm.s32 $0x880  }
0xc: {  	v58 =	vimm.s32 $0x980;
	v20 =	vimm.s32 $0xA00;
	v24 =	vimm.s32 $0xA80  }
0xd: {  	v0 =	vsel vm14, $0x0, v0;
	v1 =	vsel vm14, $0x80, v1;
	v3 =	vunpack.c.l.s4.s8 v3  }
0xe: {  	v4 =	vsel vm14, $0x100, v4;
	v7 =	vunpack.c.l.s4.s8 v7;
	v10 =	vsel vm14, $0x280, v10  }
0xf: {  	v15 =	vunpack.c.l.s4.s8 v15;
	v0 =	vsel vm13, $0x80, v0;
	v1 =	vsel vm13, $0x100, v1  }
0x10: {  	v4 =	vsel vm13, $0x180, v4;
	v10 =	vsel vm13, $0x300, v10;
	v0 =	vsel vm12, $0x100, v0  }
0x11: {  	v1 =	vsel vm12, $0x180, v1;
	v27 =	vunpack.c.0.s8.s32 v3;
	v4 =	vsel vm12, $0x200, v4  }
0x12: {  	v7 =	vunpack.c.0.s8.s32 v7;
	v10 =	vsel vm12, $0x380, v10;
	v0 =	vsel vm11, $0x180, v0  }
0x13: {  	v1 =	vsel vm11, $0x200, v1;
	v4 =	vsel vm11, $0x280, v4;
	v10 =	vsel vm11, $0x800, v10  }
0x14: {  	v0 =	vsel vm10, $0x200, v0;
	v1 =	vsel vm10, $0x280, v1;
	v31 =	vsel vm10, $0x300, v4  }
0x15: {  	v4 =	vsel vm14, $0x180, v33;
	v0 =	vsel vm9, $0x280, v0;
	v1 =	vsel vm9, $0x300, v1  }
0x16: {  	v4 =	vsel vm13, $0x200, v4;
	v0 =	vsel vm8, $0x300, v0;
	v1 =	vsel vm8, $0x380, v1  }
0x17: {  	v6 =	vsel vm12, $0x280, v4;
	v0 =	vsel vm7, $0x380, v0;
	v1 =	vsel vm7, $0x800, v1  }
0x18: {  	v36 =	vsel vm11, $0x300, v6;
	v6 =	vunpack.c.l.s4.s8 v37;
	v0 =	vsel vm5, $0x800, v0  }
0x19: {  	v37 =	vimm.s32 $0x1000;
	v5 =	vsel vm5, $0x880, v1;
	v0 =	vsel vm6, $0x880, v0  }
0x1a: {  	v28 =	vsel vm6, $0x900, v5;
	v5 =	vunpack.c.l.s4.s8 v34;
	v0 =	vsel vm4, $0x900, v0  }
0x1b: {  	v38 =	vunpack.c.0.s8.s32 v6;
	v3 =	vsel vm4, $0x980, v28;
	v0 =	vsel vm1, $0x980, v0  }
0x1c: {  	v3 =	vsel vm1, $0xA00, v3;
	v35 =	vunpack.c.0.s8.s32 v5;
	v5 =	vsel vm10, $0x380, v36  }
0x1d: {  	v0 =	vsel vm2, $0xA00, v0;
	v30 =	vsel vm2, $0xA80, v3;
	v3 =	vsel vm9, $0x380, v31  }
0x1e: {  	v5 =	vsel vm9, $0x800, v5;
	v31 =	vimm.s32 $0xB00;
	v2 =	vsel vm3, $0xA80, v0  }
0x1f: {  	v0 =	vunpack.c.l.s4.s8 v26;
	v3 =	vsel vm8, $0x800, v3;
	v9 =	vsel vm8, $0x880, v5  }
0x20: {  	v59 =	vsel vm0, $0xB00, v2;
	v2 =	vsel vm3, $0xB00, v30;
	v3 =	vsel vm7, $0x880, v3  }
0x21: {  	v39 =	vsel vm7, $0x900, v9;
	v9 =	vimm.s32 $0x180;
	v0 =	vunpack.c.0.s8.s32 v0  }
0x22: {  	v61 =	vsel vm0, $0xB80, v2;
	v2 =	vunpack.c.l.s4.s8 v32;
	v3 =	vsel vm5, $0x900, v3  }
0x23: {  	v6 =	vsel vm5, $0x980, v39;
	v41 =	vsel vm14, $0x200, v9;
	v9 =	vimm.s32 $0xBA987654  }
0x24: {  	v32 =	vimm.s32 $0x1B80;
	v39 =	vimm.s32 $0x1C1B1A19;
	v3 =	vsel vm6, $0x980, v3  }
0x25: {  	v6 =	vsel vm6, $0xA00, v6;
	v9 =	vunpack.c.l.s4.s8 v9;
	v29 =	vcombine.low v27, v0  }
0x26: {  	v2 =	vunpack.c.0.s8.s32 v2;
	v3 =	vsel vm4, $0xA00, v3;
	v40 =	vsel vm4, $0xA80, v6  }
0x27: {  	v6 =	vsel vm13, $0x280, v41;
	v0 =	vcombine.low v0, v27;
	v3 =	vsel vm1, $0xA80, v3  }
0x28: {  	v6 =	vsel vm12, $0x300, v6;
	v43 =	vunpack.c.0.s8.s32 v9;
	v60 =	vand.u32 $0xF, v29  }
0x29: {  	v8 =	vcombine.low v35, v2;
	v3 =	vsel vm2, $0xB00, v3;
	v6 =	vsel vm11, $0x380, v6  }
0x2a: {  	v0 =	vand.u32 $0xF, v0;
	v2 =	vcombine.low v2, v35;
	v3 =	vsel vm3, $0xB80, v3  }
0x2b: {  	v6 =	vsel vm10, $0x800, v6;
	v62 =	vand.u32 $0xF, v8;
	v8 =	vcombine.low v7, v38  }
0x2c: {  	v63 =	vsel vm0, $0x0, v3;
	v3 =	vsel vm1, $0xB00, v40;
	v11 =	vsel vm9, $0x880, v6  }
0x2d: {  	v2 =	vand.u32 $0xF, v2;
	v40 =	vimm.s32 $0x1080;
	v9 =	vsel vm8, $0x900, v11  }
0x2e: {  	[tilespmem:$0x1F830] =	vst v2;
	v2 =	vsel vm14, $0xA00, v58;
	v41 =	vsel vm14, $0x1100, v40;
	v8 =	vand.u32 $0xF, v8  }
0x2f: {  	v40 =	vimm.s32 $0x3800;
	[tilespmem:$0x1FB50] =	vst v8;
	v8 =	vsel vm2, $0xB80, v3;
	v3 =	vunpack.c.l.s4.s8 v42  }
0x30: {  	v9 =	vsel vm7, $0x980, v9;
	v40 =	vsel vm14, $0x3880, v40;
	v8 =	vsel vm3, $0x0, v8  }
0x31: {  	v9 =	vsel vm5, $0xA00, v9;
	v3 =	vunpack.c.0.s8.s32 v3;
	v8 =	vsel vm0, $0x80, v8  }
0x32: {  	v42 =	vimm.s32 $0x101F1E1D;
	v40 =	vsel vm13, $0x3900, v40;
	[tilespmem:$0x1FB70] =	vst v8;
	v8 =	vsel vm6, $0xA80, v9  }
0x33: {  	v9 =	vsel vm10, $0x880, v10;
	v11 =	vcombine.low v43, v3;
	v8 =	vsel vm4, $0xB00, v8  }
0x34: {  	v9 =	vsel vm9, $0x900, v9;
	v3 =	vcombine.low v3, v43;
	v43 =	vimm.s32 $0x1100  }
0x35: {  	v8 =	vsel vm1, $0xB80, v8;
	v9 =	vsel vm8, $0x980, v9;
	v10 =	vand.u32 $0xF, v11  }
0x36: {  	v11 =	vimm.s32 $0xCBA98765;
	v9 =	vsel vm7, $0xA00, v9;
	v12 =	vsel vm2, $0x0, v8  }
0x37: {  	v23 =	vand.u32 $0xF, v3;
	[tilespmem:$0x1FBA0] =	vst v10;
	v10 =	vimm.s32 $0x43210FED;
	v11 =	vunpack.c.l.s4.s8 v11  }
0x38: {  	v12 =	vsel vm3, $0x80, v12;
	[tilespmem:$0x1F860] =	vst v23;
	v23 =	vimm.s32 $0x2380;
	v10 =	vunpack.c.l.s4.s8 v10  }
0x39: {  	v9 =	vsel vm5, $0xA80, v9;
	v12 =	vsel vm0, $0x100, v12;
	v23 =	vsel vm14, $0x2800, v23  }
0x3a: {  	v8 =	vunpack.c.0.s8.s32 v10;
	v10 =	vsel vm6, $0xB00, v9;
	v9 =	vunpack.c.0.s8.s32 v11  }
0x3b: {  	v23 =	vsel vm13, $0x2880, v23;
	v11 =	vsel vm14, $0x300, v13;
	v10 =	vsel vm4, $0xB80, v10  }
0x3c: {  	v11 =	vsel vm13, $0x380, v11;
	v10 =	vsel vm1, $0x0, v10;
	v13 =	vcombine.low v9, v8  }
0x3d: {  	v11 =	vsel vm12, $0x800, v11;
	v27 =	vcombine.low v8, v9;
	v8 =	vimm.s32 $0x1800  }
0x3e: {  	v9 =	vimm.s32 $0x1880;
	v10 =	vsel vm2, $0x80, v10;
	v11 =	vsel vm11, $0x880, v11  }
0x3f: {  	v8 =	vsel vm14, $0x1880, v8;
	v9 =	vsel vm14, $0x1900, v9;
	v10 =	vsel vm3, $0x100, v10  }
0x40: {  	[tilespmem:$0x1FBC0] =	vst v12;
	v12 =	vand.u32 $0xF, v13;
	v13 =	vimm.s32 $0xDCBA9876;
	v8 =	vsel vm13, $0x1900, v8  }
0x41: {  	v9 =	vsel vm13, $0x1980, v9;
	[tilespmem:$0x1FBE0] =	vst v12;
	v10 =	vsel vm0, $0x180, v10;
	v12 =	vimm.s32 $0x300  }
0x42: {  	v13 =	vunpack.c.l.s4.s8 v13;
	[tilespmem:$0x1FBF0] =	vst v10;
	v10 =	vsel vm10, $0x900, v11;
	v11 =	vimm.s32 $0x543210FE  }
0x43: {  	v12 =	vsel vm14, $0x380, v12;
	v10 =	vsel vm9, $0x980, v10;
	v11 =	vunpack.c.l.s4.s8 v11  }
0x44: {  	v12 =	vsel vm13, $0x800, v12;
	v13 =	vunpack.c.0.s8.s32 v13;
	v10 =	vsel vm8, $0xA00, v10  }
0x45: {  	v14 =	vsel vm12, $0x880, v12;
	v10 =	vsel vm7, $0xA80, v10;
	v12 =	vunpack.c.0.s8.s32 v11  }
0x46: {  	v11 =	vsel vm11, $0x900, v14;
	v14 =	vimm.s32 $0x6543210F;
	v10 =	vsel vm5, $0xB00, v10  }
0x47: {  	v11 =	vsel vm10, $0x980, v11;
	v14 =	vunpack.c.l.s4.s8 v14;
	v10 =	vsel vm6, $0xB80, v10  }
0x48: {  	v11 =	vsel vm9, $0xA00, v11;
	v16 =	vcombine.low v13, v12;
	v28 =	vcombine.low v12, v13  }
0x49: {  	v12 =	vimm.s32 $0x1A00;
	v13 =	vimm.s32 $0x1A80;
	v10 =	vsel vm4, $0x0, v10  }
0x4a: {  	v11 =	vsel vm8, $0xA80, v11;
	v12 =	vsel vm14, $0x1A80, v12;
	v13 =	vsel vm14, $0x1B00, v13  }
0x4b: {  	v17 =	vsel vm1, $0x80, v10;
	v18 =	vsel vm7, $0xB00, v11;
	v10 =	vunpack.c.0.s8.s32 v14  }
0x4c: {  	v11 =	vunpack.c.0.s8.s32 v15;
	v15 =	vand.u32 $0xF, v16;
	v16 =	vunpack.c.l.s4.s8 v45  }
0x4d: {  	v29 =	vand.u32 $0xF, v28;
	v45 =	vimm.s32 $0x1200;
	v28 =	vimm.s32 $0x2A00  }
0x4e: {  	v12 =	vsel vm13, $0x1B00, v12;
	v13 =	vsel vm13, $0x1B80, v13;
	v14 =	vsel vm5, $0xB80, v18  }
0x4f: {  	[tilespmem:$0x1FC00] =	vst v15;
	v15 =	vsel vm2, $0x100, v17;
	v17 =	vsel vm14, $0x880, v47;
	v18 =	vsel vm13, $0xA80, v2  }
0x50: {  	v2 =	vsel vm14, $0xA80, v20;
	v4 =	vsel vm14, $0x1280, v45;
	v47 =	vimm.s32 $0x1300  }
0x51: {  	[tilespmem:$0x1F890] =	vst v29;
	v20 =	vimm.s32 $0x2200;
	v28 =	vsel vm14, $0x2A80, v28;
	v29 =	vimm.s32 $0x2A80  }
0x52: {  	v45 =	vimm.s32 $0x3A80;
	v14 =	vsel vm6, $0x0, v14;
	v15 =	vsel vm3, $0x180, v15  }
0x53: {  	v44 =	vcombine.low v11, v10;
	v16 =	vunpack.c.0.s8.s32 v16;
	v17 =	vsel vm13, $0x900, v17  }
0x54: {  	v2 =	vsel vm13, $0xB00, v2;
	v33 =	vcombine.low v10, v11;
	v6 =	vsel vm14, $0x1380, v47  }
0x55: {  	v10 =	vimm.s32 $0x1900;
	v11 =	vimm.s32 $0x1980;
	v20 =	vsel vm14, $0x2280, v20  }
0x56: {  	v29 =	vsel vm14, $0x2B00, v29;
	v45 =	vsel vm14, $0x3B00, v45;
	v47 =	vimm.s32 $0x14131211  }
0x57: {  	v4 =	vsel vm13, $0x1300, v4;
	v28 =	vsel vm13, $0x2B00, v28;
	v14 =	vsel vm4, $0x80, v14  }
0x58: {  	v15 =	vsel vm0, $0x200, v15;
	v2 =	vsel vm12, $0xB80, v2;
	v10 =	vsel vm14, $0x1980, v10  }
0x59: {  	v11 =	vsel vm14, $0x1A00, v11;
	v58 =	vunpack.c.0.s8.s32 v47;
	v6 =	vsel vm13, $0x1800, v6  }
0x5a: {  	v20 =	vsel vm13, $0x2300, v20;
	v29 =	vsel vm13, $0x2B80, v29;
	v45 =	vsel vm13, $0x3B80, v45  }
0x5b: {  	[tilespmem:$0x1F800] =	vst v15;
	v14 =	vsel vm1, $0x100, v14;
	v15 =	vimm.s32 $0x380;
	v51 =	vand.u32 $0xF, v44  }
0x5c: {  	v16 =	vand.u32 $0xF, v16;
	v2 =	vsel vm11, $0x0, v2;
	v36 =	vand.u32 $0xF, v33  }
0x5d: {  	v44 =	vimm.s32 $0x1180;
	v33 =	vimm.s32 $0x3080;
	v10 =	vsel vm13, $0x1A00, v10  }
0x5e: {  	v11 =	vsel vm13, $0x1A80, v11;
	v14 =	vsel vm2, $0x180, v14;
	v15 =	vsel vm14, $0x800, v15  }
0x5f: {  	v2 =	vsel vm10, $0x80, v2;
	v3 =	vsel vm14, $0x1200, v44;
	v33 =	vsel vm14, $0x3100, v33  }
0x60: {  	[tilespmem:$0x1F8B0] =	vst v36;
	v36 =	vimm.s32 $0x3200;
	v44 =	vimm.s32 $0x3A00;
	v14 =	vsel vm3, $0x200, v14  }
0x61: {  	v15 =	vsel vm13, $0x880, v15;
	v2 =	vsel vm9, $0x100, v2;
	v36 =	vsel vm14, $0x3280, v36  }
0x62: {  	v44 =	vsel vm14, $0x3A80, v44;
	v3 =	vsel vm13, $0x1280, v3;
	v33 =	vsel vm13, $0x3180, v33  }
0x63: {  	v15 =	vsel vm12, $0x900, v15;
	v56 =	vsel vm0, $0x280, v14;
	v14 =	vunpack.c.l.s4.s8 v46  }
0x64: {  	v22 =	vsel vm8, $0x180, v2;
	v2 =	vsel vm14, $0xB00, v24;
	v46 =	vimm.s32 $0x1280  }
0x65: {  	v24 =	vimm.s32 $0x2800;
	v36 =	vsel vm13, $0x3300, v36;
	v44 =	vsel vm13, $0x3B00, v44  }
0x66: {  	v15 =	vsel vm11, $0x980, v15;
	v26 =	vsel vm13, $0xB80, v2;
	v2 =	vand.u32 $0xF, v27  }
0x67: {  	v5 =	vsel vm14, $0x1300, v46;
	v24 =	vsel vm14, $0x2880, v24;
	v27 =	vimm.s32 $0x2980  }
0x68: {  	v46 =	vimm.s32 $0x3B00;
	v15 =	vsel vm10, $0xA00, v15;
	v14 =	vunpack.c.0.s8.s32 v14  }
0x69: {  	[tilespmem:$0x1F880] =	vst v2;
	v2 =	vsel vm14, $0x1000, v32;
	v27 =	vsel vm14, $0x2A00, v27;
	v32 =	vimm.s32 $0x3000  }
0x6a: {  	v46 =	vsel vm14, $0x3B80, v46;
	v5 =	vsel vm13, $0x1380, v5;
	v24 =	vsel vm13, $0x2900, v24  }
0x6b: {  	v15 =	vsel vm9, $0xA80, v15;
	v2 =	vsel vm13, $0x1080, v2;
	v32 =	vsel vm14, $0x3080, v32  }
0x6c: {  	v27 =	vsel vm13, $0x2A80, v27;
	v46 =	vsel vm13, $0x3000, v46;
	v15 =	vsel vm8, $0xB00, v15  }
0x6d: {  	v14 =	vcombine.low v16, v14;
	v16 =	vsel vm14, $0x900, v48;
	v2 =	vsel vm12, $0x1100, v2  }
0x6e: {  	v48 =	vimm.s32 $0x1380;
	v32 =	vsel vm13, $0x3100, v32;
	v16 =	vsel vm13, $0x980, v16  }
0x6f: {  	v2 =	vsel vm11, $0x1180, v2;
	[tilespmem:$0x1FE70] =	vst v14;
	v14 =	vsel vm7, $0xB80, v15;
	v15 =	vsel vm12, $0x980, v17  }
0x70: {  	v16 =	vsel vm12, $0xA00, v16;
	v2 =	vsel vm10, $0x1200, v2;
	v14 =	vsel vm5, $0x0, v14  }
0x71: {  	v15 =	vsel vm11, $0xA00, v15;
	v16 =	vsel vm11, $0xA80, v16;
	v2 =	vsel vm9, $0x1280, v2  }
0x72: {  	v14 =	vsel vm6, $0x80, v14;
	v15 =	vsel vm10, $0xA80, v15;
	v16 =	vsel vm10, $0xB00, v16  }
0x73: {  	v2 =	vsel vm8, $0x1300, v2;
	v14 =	vsel vm4, $0x100, v14;
	v15 =	vsel vm9, $0xB00, v15  }
0x74: {  	v2 =	vsel vm7, $0x1380, v2;
	v14 =	vsel vm1, $0x180, v14;
	v15 =	vsel vm8, $0xB80, v15  }
0x75: {  	v35 =	vsel vm5, $0x1800, v2;
	v2 =	vsel vm14, $0x1080, v37;
	v37 =	vimm.s32 $0x3280  }
0x76: {  	v14 =	vsel vm2, $0x200, v14;
	v15 =	vsel vm7, $0x0, v15;
	v2 =	vsel vm13, $0x1100, v2  }
0x77: {  	v37 =	vsel vm14, $0x3300, v37;
	v14 =	vsel vm3, $0x280, v14;
	v15 =	vsel vm5, $0x80, v15  }
0x78: {  	v2 =	vsel vm12, $0x1180, v2;
	v37 =	vsel vm13, $0x3380, v37;
	v49 =	vsel vm6, $0x100, v15  }
0x79: {  	v15 =	vsel vm9, $0xB80, v16;
	v52 =	vsel vm0, $0x300, v14;
	v16 =	vcombine.low v38, v7  }
0x7a: {  	v38 =	vsel vm11, $0x1200, v2;
	v2 =	vunpack.c.0.s8.s32 v42;
	v7 =	vsel vm14, $0x1800, v48  }
0x7b: {  	v42 =	vimm.s32 $0x3900;
	v48 =	vsel vm12, $0x3000, v45;
	v1 =	vsel vm4, $0x180, v49  }
0x7c: {  	v14 =	vsel vm8, $0x0, v15;
	v15 =	vimm.s32 $0x2B80;
	v49 =	vimm.s32 $0x2000  }
0x7d: {  	v42 =	vsel vm14, $0x3980, v42;
	v7 =	vsel vm13, $0x1880, v7;
	v50 =	vsel vm1, $0x200, v1  }
0x7e: {  	v53 =	vsel vm7, $0x80, v14;
	v14 =	vimm.s32 $0x900;
	v19 =	vand.u32 $0xF, v16  }
0x7f: {  	[tilespmem:$0x1FE20] =	vst v2;
	v2 =	vsel vm14, $0x1180, v43;
	v15 =	vsel vm14, $0x2000, v15;
	v16 =	vsel vm14, $0x2080, v49  }
0x80: {  	[tilespmem:$0x1F810] =	vst v0;
	v43 =	vimm.s32 $0x3980;
	v42 =	vsel vm13, $0x3A00, v42;
	v0 =	vsel vm2, $0x280, v50  }
0x81: {  	v1 =	vsel vm5, $0x100, v53;
	v14 =	vsel vm14, $0x980, v14;
	v50 =	vimm.s32 $0x2080  }
0x82: {  	[tilespmem:$0x1F840] =	vst v19;
	v53 =	vimm.s32 $0x2100;
	v19 =	vimm.s32 $0x2180;
	v43 =	vsel vm14, $0x3A00, v43  }
0x83: {  	v2 =	vsel vm13, $0x1200, v2;
	v15 =	vsel vm13, $0x2080, v15;
	v16 =	vsel vm13, $0x2100, v16  }
0x84: {  	v0 =	vsel vm3, $0x300, v0;
	v1 =	vsel vm6, $0x180, v1;
	v54 =	vsel vm13, $0xA00, v14  }
0x85: {  	v14 =	vimm.s32 $0x1B00;
	v19 =	vsel vm14, $0x2200, v19;
	v43 =	vsel vm13, $0x3A80, v43  }
0x86: {  	v2 =	vsel vm12, $0x1280, v2;
	v1 =	vsel vm4, $0x200, v1;
	v0 =	vsel vm0, $0x380, v0  }
0x87: {  	v57 =	vsel vm12, $0xA80, v54;
	v14 =	vsel vm14, $0x1B80, v14;
	v19 =	vsel vm13, $0x2280, v19  }
0x88: {  	v2 =	vsel vm11, $0x1300, v2;
	v55 =	vsel vm1, $0x280, v1;
	v1 =	vsel vm11, $0xB00, v57  }
0x89: {  	[tilespmem:$0x1F820] =	vst v0;
	v14 =	vsel vm13, $0x1000, v14;
	v0 =	vsel vm2, $0x300, v55;
	v1 =	vsel vm10, $0xB80, v1  }
0x8a: {  	v55 =	vunpack.c.0.s8.s32 v39;
	v39 =	vimm.s32 $0x3380;
	v0 =	vsel vm3, $0x380, v0  }
0x8b: {  	v1 =	vsel vm9, $0x0, v1;
	v39 =	vsel vm14, $0x3800, v39;
	v0 =	vsel vm0, $0x800, v0  }
0x8c: {  	v17 =	vsel vm8, $0x80, v1;
	v1 =	vsel vm12, $0xB00, v18;
	v18 =	vsel vm14, $0x2180, v53  }
0x8d: {  	v39 =	vsel vm13, $0x3880, v39;
	[tilespmem:$0x1F960] =	vst v0;
	v0 =	vsel vm7, $0x100, v17;
	v1 =	vsel vm11, $0xB80, v1  }
0x8e: {  	v17 =	vsel vm14, $0x2100, v50;
	v0 =	vsel vm5, $0x180, v0;
	v1 =	vsel vm10, $0x0, v1  }
0x8f: {  	v18 =	vsel vm13, $0x2200, v18;
	v0 =	vsel vm6, $0x200, v0;
	v1 =	vsel vm9, $0x80, v1  }
0x90: {  	v50 =	vsel vm12, $0x3080, v46;
	v0 =	vsel vm4, $0x280, v0;
	v1 =	vsel vm8, $0x100, v1  }
0x91: {  	v46 =	vimm.s32 $0x19181716;
	v0 =	vsel vm1, $0x300, v0;
	v1 =	vsel vm7, $0x180, v1  }
0x92: {  	v17 =	vsel vm13, $0x2180, v17;
	v0 =	vsel vm2, $0x380, v0;
	v1 =	vsel vm5, $0x200, v1  }
0x93: {  	v45 =	vsel vm11, $0x3100, v50;
	v0 =	vsel vm3, $0x800, v0;
	v1 =	vsel vm6, $0x280, v1  }
0x94: {  	v47 =	vunpack.c.0.s8.s32 v46;
	v0 =	vsel vm0, $0x880, v0;
	v21 =	vsel vm4, $0x300, v1  }
0x95: {  	v46 =	vimm.s32 $0x1E1D1C1B;
	v1 =	vsel vm7, $0x200, v22;
	[tilespmem:$0x1F850] =	vst v0;
	v0 =	vsel vm1, $0x380, v21  }
0x96: {  	v45 =	vsel vm10, $0x3180, v45;
	v1 =	vsel vm5, $0x280, v1;
	v0 =	vsel vm2, $0x800, v0  }
0x97: {  	v46 =	vunpack.c.0.s8.s32 v46;
	v1 =	vsel vm6, $0x300, v1;
	v0 =	vsel vm3, $0x880, v0  }
0x98: {  	v45 =	vsel vm9, $0x3200, v45;
	v25 =	vsel vm4, $0x380, v1;
	v0 =	vsel vm0, $0x900, v0  }
0x99: {  	v45 =	vsel vm8, $0x3280, v45;
	v1 =	vsel vm12, $0x0, v26;
	[tilespmem:$0x1F870] =	vst v0;
	v0 =	vsel vm1, $0x800, v25  }
0x9a: {  	[tilespmem:$0x1F8E0] =	vst v46;
	v46 =	vimm.s32 $0x1A191817;
	v1 =	vsel vm11, $0x80, v1;
	v0 =	vsel vm2, $0x880, v0  }
0x9b: {  	v22 =	vimm.s32 $0x2300;
	v1 =	vsel vm10, $0x100, v1;
	v0 =	vsel vm3, $0x900, v0  }
0x9c: {  	v21 =	vimm.s32 $0x2280;
	v30 =	vsel vm9, $0x180, v1;
	v0 =	vsel vm0, $0x980, v0  }
0x9d: {  	v22 =	vsel vm14, $0x2380, v22;
	v1 =	vsel vm14, $0xB80, v31;
	[tilespmem:$0x1FB30] =	vst v0;
	v0 =	vsel vm8, $0x200, v30  }
0x9e: {  	v21 =	vsel vm14, $0x2300, v21;
	v1 =	vsel vm13, $0x0, v1;
	v0 =	vsel vm7, $0x280, v0  }
0x9f: {  	v22 =	vsel vm13, $0x2800, v22;
	v1 =	vsel vm12, $0x80, v1;
	v0 =	vsel vm5, $0x300, v0  }
0xa0: {  	v26 =	vimm.s32 $0x2900;
	v1 =	vsel vm11, $0x100, v1;
	v0 =	vsel vm6, $0x380, v0  }
0xa1: {  	v21 =	vsel vm13, $0x2380, v21;
	v1 =	vsel vm10, $0x180, v1;
	v0 =	vsel vm4, $0x800, v0  }
0xa2: {  	v26 =	vsel vm14, $0x2980, v26;
	v1 =	vsel vm9, $0x200, v1;
	v0 =	vsel vm1, $0x880, v0  }
0xa3: {  	v25 =	vimm.s32 $0x2880;
	v1 =	vsel vm8, $0x280, v1;
	v0 =	vsel vm2, $0x900, v0  }
0xa4: {  	v26 =	vsel vm13, $0x2A00, v26;
	v1 =	vsel vm7, $0x300, v1;
	v0 =	vsel vm3, $0x980, v0  }
0xa5: {  	v31 =	vimm.s32 $0x3B80;
	v34 =	vsel vm5, $0x380, v1;
	v0 =	vsel vm0, $0xA00, v0  }
0xa6: {  	v25 =	vsel vm14, $0x2900, v25;
	v31 =	vsel vm14, $0x3000, v31;
	[tilespmem:$0x1F8A0] =	vst v0;
	v0 =	vsel vm6, $0x800, v34  }
0xa7: {  	v25 =	vsel vm13, $0x2980, v25;
	v30 =	vimm.s32 $0x2B00;
	v0 =	vsel vm4, $0x880, v0  }
0xa8: {  	v31 =	vsel vm13, $0x3080, v31;
	v30 =	vsel vm14, $0x2B80, v30;
	v0 =	vsel vm1, $0x900, v0  }
0xa9: {  	v30 =	vsel vm13, $0x2000, v30;
	v1 =	vsel vm6, $0x1880, v35;
	v0 =	vsel vm2, $0x980, v0  }
0xaa: {  	v35 =	vimm.s32 $0x3180;
	v1 =	vsel vm4, $0x1900, v1;
	v0 =	vsel vm3, $0xA00, v0  }
0xab: {  	v35 =	vsel vm14, $0x3200, v35;
	v1 =	vsel vm1, $0x1980, v1;
	v0 =	vsel vm0, $0xA80, v0  }
0xac: {  	v35 =	vsel vm13, $0x3280, v35;
	v1 =	vsel vm2, $0x1A00, v1;
	[tilespmem:$0x1F8C0] =	vst v0;
	v0 =	vsel vm10, $0x1280, v38  }
0xad: {  	v1 =	vsel vm3, $0x1A80, v1;
	v34 =	vimm.s32 $0x3100;
	v0 =	vsel vm9, $0x1300, v0  }
0xae: {  	v54 =	vsel vm0, $0x1B00, v1;
	v1 =	vsel vm13, $0x1180, v41;
	v0 =	vsel vm8, $0x1380, v0  }
0xaf: {  	v34 =	vsel vm14, $0x3180, v34;
	v1 =	vsel vm12, $0x1200, v1;
	v0 =	vsel vm7, $0x1800, v0  }
0xb0: {  	v41 =	vimm.s32 $0x3880;
	v1 =	vsel vm11, $0x1280, v1;
	v0 =	vsel vm5, $0x1880, v0  }
0xb1: {  	v41 =	vsel vm14, $0x3900, v41;
	v1 =	vsel vm10, $0x1300, v1;
	v0 =	vsel vm6, $0x1900, v0  }
0xb2: {  	v34 =	vsel vm13, $0x3200, v34;
	v1 =	vsel vm9, $0x1380, v1;
	v0 =	vsel vm4, $0x1980, v0  }
0xb3: {  	v41 =	vsel vm13, $0x3980, v41;
	v1 =	vsel vm8, $0x1800, v1;
	v0 =	vsel vm1, $0x1A00, v0  }
0xb4: {  	v38 =	vimm.s32 $0x3300;
	v1 =	vsel vm7, $0x1880, v1;
	v0 =	vsel vm2, $0x1A80, v0  }
0xb5: {  	v38 =	vsel vm14, $0x3380, v38;
	v1 =	vsel vm5, $0x1900, v1;
	v0 =	vsel vm3, $0x1B00, v0  }
0xb6: {  	v38 =	vsel vm13, $0x3800, v38;
	v53 =	vsel vm0, $0x1B80, v0;
	v0 =	vsel vm6, $0x1980, v1  }
0xb7: {  	v1 =	vsel vm10, $0x1380, v2;
	v2 =	vsel vm12, $0x1300, v3;
	v3 =	vsel vm12, $0x1380, v4  }
0xb8: {  	v4 =	vsel vm12, $0x1800, v5;
	v5 =	vsel vm12, $0x1880, v6;
	v6 =	vsel vm12, $0x1900, v7  }
0xb9: {  	v7 =	vsel vm12, $0x1980, v8;
	v8 =	vsel vm12, $0x1A00, v9;
	v9 =	vsel vm12, $0x1A80, v10  }
0xba: {  	v10 =	vsel vm12, $0x1B00, v11;
	v11 =	vsel vm12, $0x1B80, v12;
	v12 =	vsel vm12, $0x1000, v13  }
0xbb: {  	v13 =	vsel vm12, $0x1080, v14;
	v14 =	vsel vm12, $0x2100, v15;
	v15 =	vsel vm12, $0x2180, v16  }
0xbc: {  	v16 =	vsel vm12, $0x2200, v17;
	v17 =	vsel vm12, $0x2280, v18;
	v18 =	vsel vm12, $0x2300, v19  }
0xbd: {  	v19 =	vsel vm12, $0x2380, v20;
	v20 =	vsel vm12, $0x2800, v21;
	v21 =	vsel vm12, $0x2880, v22  }
0xbe: {  	v22 =	vsel vm12, $0x2900, v23;
	v23 =	vsel vm12, $0x2980, v24;
	v24 =	vsel vm12, $0x2A00, v25  }
0xbf: {  	v25 =	vsel vm12, $0x2A80, v26;
	v26 =	vsel vm12, $0x2B00, v27;
	v27 =	vsel vm12, $0x2B80, v28  }
0xc0: {  	v28 =	vsel vm12, $0x2000, v29;
	v29 =	vsel vm12, $0x2080, v30;
	v30 =	vsel vm12, $0x3100, v31  }
0xc1: {  	v31 =	vsel vm12, $0x3180, v32;
	v32 =	vsel vm12, $0x3200, v33;
	v33 =	vsel vm12, $0x3280, v34  }
0xc2: {  	v34 =	vsel vm12, $0x3300, v35;
	v35 =	vsel vm12, $0x3380, v36;
	v36 =	vsel vm12, $0x3800, v37  }
0xc3: {  	v37 =	vsel vm12, $0x3880, v38;
	v38 =	vsel vm12, $0x3900, v39;
	v39 =	vsel vm12, $0x3980, v40  }
0xc4: {  	v40 =	vsel vm12, $0x3A00, v41;
	v41 =	vsel vm12, $0x3A80, v42;
	v42 =	vsel vm12, $0x3B00, v43  }
0xc5: {  	v43 =	vsel vm12, $0x3B80, v44;
	v44 =	vsel vm11, $0x3080, v48;
	v0 =	vsel vm4, $0x1A00, v0  }
0xc6: {  	v1 =	vsel vm9, $0x1800, v1;
	v2 =	vsel vm11, $0x1380, v2;
	v3 =	vsel vm11, $0x1800, v3  }
0xc7: {  	v4 =	vsel vm11, $0x1880, v4;
	v5 =	vsel vm11, $0x1900, v5;
	v6 =	vsel vm11, $0x1980, v6  }
0xc8: {  	v7 =	vsel vm11, $0x1A00, v7;
	v8 =	vsel vm11, $0x1A80, v8;
	v9 =	vsel vm11, $0x1B00, v9  }
0xc9: {  	v10 =	vsel vm11, $0x1B80, v10;
	v11 =	vsel vm11, $0x1000, v11;
	v12 =	vsel vm11, $0x1080, v12  }
0xca: {  	v13 =	vsel vm11, $0x1100, v13;
	v14 =	vsel vm11, $0x2180, v14;
	v15 =	vsel vm11, $0x2200, v15  }
0xcb: {  	v16 =	vsel vm11, $0x2280, v16;
	v17 =	vsel vm11, $0x2300, v17;
	v18 =	vsel vm11, $0x2380, v18  }
0xcc: {  	v19 =	vsel vm11, $0x2800, v19;
	v20 =	vsel vm11, $0x2880, v20;
	v21 =	vsel vm11, $0x2900, v21  }
0xcd: {  	v22 =	vsel vm11, $0x2980, v22;
	v23 =	vsel vm11, $0x2A00, v23;
	v24 =	vsel vm11, $0x2A80, v24  }
0xce: {  	v25 =	vsel vm11, $0x2B00, v25;
	v26 =	vsel vm11, $0x2B80, v26;
	v27 =	vsel vm11, $0x2000, v27  }
0xcf: {  	v28 =	vsel vm11, $0x2080, v28;
	v29 =	vsel vm11, $0x2100, v29;
	v30 =	vsel vm11, $0x3180, v30  }
0xd0: {  	v31 =	vsel vm11, $0x3200, v31;
	v32 =	vsel vm11, $0x3280, v32;
	v33 =	vsel vm11, $0x3300, v33  }
0xd1: {  	v34 =	vsel vm11, $0x3380, v34;
	v35 =	vsel vm11, $0x3800, v35;
	v36 =	vsel vm11, $0x3880, v36  }
0xd2: {  	v37 =	vsel vm11, $0x3900, v37;
	v38 =	vsel vm11, $0x3980, v38;
	v39 =	vsel vm11, $0x3A00, v39  }
0xd3: {  	v40 =	vsel vm11, $0x3A80, v40;
	v41 =	vsel vm11, $0x3B00, v41;
	v42 =	vsel vm11, $0x3B80, v42  }
0xd4: {  	v43 =	vsel vm11, $0x3000, v43;
	v44 =	vsel vm10, $0x3100, v44;
	v0 =	vsel vm1, $0x1A80, v0  }
0xd5: {  	v1 =	vsel vm8, $0x1880, v1;
	v2 =	vsel vm10, $0x1800, v2;
	v3 =	vsel vm10, $0x1880, v3  }
0xd6: {  	v4 =	vsel vm10, $0x1900, v4;
	v5 =	vsel vm10, $0x1980, v5;
	v6 =	vsel vm10, $0x1A00, v6  }
0xd7: {  	v7 =	vsel vm10, $0x1A80, v7;
	v8 =	vsel vm10, $0x1B00, v8;
	v9 =	vsel vm10, $0x1B80, v9  }
0xd8: {  	v10 =	vsel vm10, $0x1000, v10;
	v11 =	vsel vm10, $0x1080, v11;
	v12 =	vsel vm10, $0x1100, v12  }
0xd9: {  	v13 =	vsel vm10, $0x1180, v13;
	v14 =	vsel vm10, $0x2200, v14;
	v15 =	vsel vm10, $0x2280, v15  }
0xda: {  	v16 =	vsel vm10, $0x2300, v16;
	v17 =	vsel vm10, $0x2380, v17;
	v18 =	vsel vm10, $0x2800, v18  }
0xdb: {  	v19 =	vsel vm10, $0x2880, v19;
	v20 =	vsel vm10, $0x2900, v20;
	v21 =	vsel vm10, $0x2980, v21  }
0xdc: {  	v22 =	vsel vm10, $0x2A00, v22;
	v23 =	vsel vm10, $0x2A80, v23;
	v24 =	vsel vm10, $0x2B00, v24  }
0xdd: {  	v25 =	vsel vm10, $0x2B80, v25;
	v26 =	vsel vm10, $0x2000, v26;
	v27 =	vsel vm10, $0x2080, v27  }
0xde: {  	v28 =	vsel vm10, $0x2100, v28;
	v29 =	vsel vm10, $0x2180, v29;
	v30 =	vsel vm10, $0x3200, v30  }
0xdf: {  	v31 =	vsel vm10, $0x3280, v31;
	v32 =	vsel vm10, $0x3300, v32;
	v33 =	vsel vm10, $0x3380, v33  }
0xe0: {  	v34 =	vsel vm10, $0x3800, v34;
	v35 =	vsel vm10, $0x3880, v35;
	v36 =	vsel vm10, $0x3900, v36  }
0xe1: {  	v37 =	vsel vm10, $0x3980, v37;
	v38 =	vsel vm10, $0x3A00, v38;
	v39 =	vsel vm10, $0x3A80, v39  }
0xe2: {  	v40 =	vsel vm10, $0x3B00, v40;
	v41 =	vsel vm10, $0x3B80, v41;
	v42 =	vsel vm10, $0x3000, v42  }
0xe3: {  	v43 =	vsel vm10, $0x3080, v43;
	v44 =	vsel vm9, $0x3180, v44;
	v0 =	vsel vm2, $0x1B00, v0  }
0xe4: {  	v1 =	vsel vm7, $0x1900, v1;
	v2 =	vsel vm9, $0x1880, v2;
	v3 =	vsel vm9, $0x1900, v3  }
0xe5: {  	v4 =	vsel vm9, $0x1980, v4;
	v5 =	vsel vm9, $0x1A00, v5;
	v6 =	vsel vm9, $0x1A80, v6  }
0xe6: {  	v7 =	vsel vm9, $0x1B00, v7;
	v8 =	vsel vm9, $0x1B80, v8;
	v9 =	vsel vm9, $0x1000, v9  }
0xe7: {  	v10 =	vsel vm9, $0x1080, v10;
	v11 =	vsel vm9, $0x1100, v11;
	v12 =	vsel vm9, $0x1180, v12  }
0xe8: {  	v13 =	vsel vm9, $0x1200, v13;
	v14 =	vsel vm9, $0x2280, v14;
	v15 =	vsel vm9, $0x2300, v15  }
0xe9: {  	v16 =	vsel vm9, $0x2380, v16;
	v17 =	vsel vm9, $0x2800, v17;
	v18 =	vsel vm9, $0x2880, v18  }
0xea: {  	v19 =	vsel vm9, $0x2900, v19;
	v20 =	vsel vm9, $0x2980, v20;
	v21 =	vsel vm9, $0x2A00, v21  }
0xeb: {  	v22 =	vsel vm9, $0x2A80, v22;
	v23 =	vsel vm9, $0x2B00, v23;
	v24 =	vsel vm9, $0x2B80, v24  }
0xec: {  	v25 =	vsel vm9, $0x2000, v25;
	v26 =	vsel vm9, $0x2080, v26;
	v27 =	vsel vm9, $0x2100, v27  }
0xed: {  	v28 =	vsel vm9, $0x2180, v28;
	v29 =	vsel vm9, $0x2200, v29;
	v30 =	vsel vm9, $0x3280, v30  }
0xee: {  	v31 =	vsel vm9, $0x3300, v31;
	v32 =	vsel vm9, $0x3380, v32;
	v33 =	vsel vm9, $0x3800, v33  }
0xef: {  	v34 =	vsel vm9, $0x3880, v34;
	v35 =	vsel vm9, $0x3900, v35;
	v36 =	vsel vm9, $0x3980, v36  }
0xf0: {  	v37 =	vsel vm9, $0x3A00, v37;
	v38 =	vsel vm9, $0x3A80, v38;
	v39 =	vsel vm9, $0x3B00, v39  }
0xf1: {  	v40 =	vsel vm9, $0x3B80, v40;
	v41 =	vsel vm9, $0x3000, v41;
	v42 =	vsel vm9, $0x3080, v42  }
0xf2: {  	v43 =	vsel vm9, $0x3100, v43;
	v44 =	vsel vm8, $0x3200, v44;
	v0 =	vsel vm3, $0x1B80, v0  }
0xf3: {  	v1 =	vsel vm5, $0x1980, v1;
	v2 =	vsel vm8, $0x1900, v2;
	v3 =	vsel vm8, $0x1980, v3  }
0xf4: {  	v4 =	vsel vm8, $0x1A00, v4;
	v5 =	vsel vm8, $0x1A80, v5;
	v6 =	vsel vm8, $0x1B00, v6  }
0xf5: {  	v7 =	vsel vm8, $0x1B80, v7;
	v8 =	vsel vm8, $0x1000, v8;
	v9 =	vsel vm8, $0x1080, v9  }
0xf6: {  	v10 =	vsel vm8, $0x1100, v10;
	v11 =	vsel vm8, $0x1180, v11;
	v12 =	vsel vm8, $0x1200, v12  }
0xf7: {  	v13 =	vsel vm8, $0x1280, v13;
	v14 =	vsel vm8, $0x2300, v14;
	v15 =	vsel vm8, $0x2380, v15  }
0xf8: {  	v16 =	vsel vm8, $0x2800, v16;
	v17 =	vsel vm8, $0x2880, v17;
	v18 =	vsel vm8, $0x2900, v18  }
0xf9: {  	v19 =	vsel vm8, $0x2980, v19;
	v20 =	vsel vm8, $0x2A00, v20;
	v21 =	vsel vm8, $0x2A80, v21  }
0xfa: {  	v22 =	vsel vm8, $0x2B00, v22;
	v23 =	vsel vm8, $0x2B80, v23;
	v24 =	vsel vm8, $0x2000, v24  }
0xfb: {  	v25 =	vsel vm8, $0x2080, v25;
	v26 =	vsel vm8, $0x2100, v26;
	v27 =	vsel vm8, $0x2180, v27  }
0xfc: {  	v28 =	vsel vm8, $0x2200, v28;
	v29 =	vsel vm8, $0x2280, v29;
	v30 =	vsel vm8, $0x3300, v30  }
0xfd: {  	v31 =	vsel vm8, $0x3380, v31;
	v32 =	vsel vm8, $0x3800, v32;
	v33 =	vsel vm8, $0x3880, v33  }
0xfe: {  	v34 =	vsel vm8, $0x3900, v34;
	v35 =	vsel vm8, $0x3980, v35;
	v36 =	vsel vm8, $0x3A00, v36  }
0xff: {  	v37 =	vsel vm8, $0x3A80, v37;
	v38 =	vsel vm8, $0x3B00, v38;
	v39 =	vsel vm8, $0x3B80, v39  }
0x100: {  	v40 =	vsel vm8, $0x3000, v40;
	v41 =	vsel vm8, $0x3080, v41;
	v0 =	vsel vm0, $0x1000, v0  }
0x101: {  	v42 =	vsel vm8, $0x3100, v42;
	v43 =	vsel vm8, $0x3180, v43;
	[tilespmem:$0x1F8D0] =	vst v0;
	v0 =	vsel vm6, $0x1A00, v1  }
0x102: {  	v1 =	vsel vm7, $0x1980, v2;
	v2 =	vsel vm7, $0x1A00, v3;
	v3 =	vsel vm7, $0x1A80, v4  }
0x103: {  	v4 =	vsel vm7, $0x1B00, v5;
	v5 =	vsel vm7, $0x1B80, v6;
	v6 =	vsel vm7, $0x1000, v7  }
0x104: {  	v7 =	vsel vm7, $0x1080, v8;
	v8 =	vsel vm7, $0x1100, v9;
	v9 =	vsel vm7, $0x1180, v10  }
0x105: {  	v10 =	vsel vm7, $0x1200, v11;
	v11 =	vsel vm7, $0x1280, v12;
	v12 =	vsel vm7, $0x1300, v13  }
0x106: {  	v13 =	vsel vm7, $0x2380, v14;
	v14 =	vsel vm7, $0x2800, v15;
	v15 =	vsel vm7, $0x2880, v16  }
0x107: {  	v16 =	vsel vm7, $0x2900, v17;
	v17 =	vsel vm7, $0x2980, v18;
	v18 =	vsel vm7, $0x2A00, v19  }
0x108: {  	v19 =	vsel vm7, $0x2A80, v20;
	v20 =	vsel vm7, $0x2B00, v21;
	v21 =	vsel vm7, $0x2B80, v22  }
0x109: {  	v22 =	vsel vm7, $0x2000, v23;
	v23 =	vsel vm7, $0x2080, v24;
	v24 =	vsel vm7, $0x2100, v25  }
0x10a: {  	v25 =	vsel vm7, $0x2180, v26;
	v26 =	vsel vm7, $0x2200, v27;
	v27 =	vsel vm7, $0x2280, v28  }
0x10b: {  	v28 =	vsel vm7, $0x2300, v29;
	v29 =	vsel vm7, $0x3380, v30;
	v30 =	vsel vm7, $0x3800, v31  }
0x10c: {  	v31 =	vsel vm7, $0x3880, v32;
	v32 =	vsel vm7, $0x3900, v33;
	v33 =	vsel vm7, $0x3980, v34  }
0x10d: {  	v34 =	vsel vm7, $0x3A00, v35;
	v35 =	vsel vm7, $0x3A80, v36;
	v36 =	vsel vm7, $0x3B00, v37  }
0x10e: {  	v37 =	vsel vm7, $0x3B80, v38;
	v38 =	vsel vm7, $0x3000, v39;
	v39 =	vsel vm7, $0x3080, v40  }
0x10f: {  	v40 =	vsel vm7, $0x3100, v41;
	v41 =	vsel vm7, $0x3180, v42;
	v42 =	vsel vm7, $0x3200, v43  }
0x110: {  	v43 =	vsel vm7, $0x3280, v44;
	v44 =	vsel vm7, $0x3300, v45;
	v45 =	vimm.s32 $0x1211101F  }
0x111: {  	v45 =	vunpack.c.0.s8.s32 v45;
	v0 =	vsel vm4, $0x1A80, v0;
	v1 =	vsel vm5, $0x1A00, v1  }
0x112: {  	v2 =	vsel vm5, $0x1A80, v2;
	v3 =	vsel vm5, $0x1B00, v3;
	v4 =	vsel vm5, $0x1B80, v4  }
0x113: {  	v5 =	vsel vm5, $0x1000, v5;
	v6 =	vsel vm5, $0x1080, v6;
	v7 =	vsel vm5, $0x1100, v7  }
0x114: {  	v8 =	vsel vm5, $0x1180, v8;
	v9 =	vsel vm5, $0x1200, v9;
	v10 =	vsel vm5, $0x1280, v10  }
0x115: {  	v11 =	vsel vm5, $0x1300, v11;
	v12 =	vsel vm5, $0x1380, v12;
	v13 =	vsel vm5, $0x2800, v13  }
0x116: {  	v14 =	vsel vm5, $0x2880, v14;
	v15 =	vsel vm5, $0x2900, v15;
	v16 =	vsel vm5, $0x2980, v16  }
0x117: {  	v17 =	vsel vm5, $0x2A00, v17;
	v18 =	vsel vm5, $0x2A80, v18;
	v19 =	vsel vm5, $0x2B00, v19  }
0x118: {  	v20 =	vsel vm5, $0x2B80, v20;
	v21 =	vsel vm5, $0x2000, v21;
	v22 =	vsel vm5, $0x2080, v22  }
0x119: {  	v23 =	vsel vm5, $0x2100, v23;
	v24 =	vsel vm5, $0x2180, v24;
	v25 =	vsel vm5, $0x2200, v25  }
0x11a: {  	v26 =	vsel vm5, $0x2280, v26;
	v27 =	vsel vm5, $0x2300, v27;
	v28 =	vsel vm5, $0x2380, v28  }
0x11b: {  	v29 =	vsel vm5, $0x3800, v29;
	v30 =	vsel vm5, $0x3880, v30;
	v31 =	vsel vm5, $0x3900, v31  }
0x11c: {  	v32 =	vsel vm5, $0x3980, v32;
	v33 =	vsel vm5, $0x3A00, v33;
	v34 =	vsel vm5, $0x3A80, v34  }
0x11d: {  	v35 =	vsel vm5, $0x3B00, v35;
	v36 =	vsel vm5, $0x3B80, v36;
	v37 =	vsel vm5, $0x3000, v37  }
0x11e: {  	v38 =	vsel vm5, $0x3080, v38;
	v39 =	vsel vm5, $0x3100, v39;
	v40 =	vsel vm5, $0x3180, v40  }
0x11f: {  	v41 =	vsel vm5, $0x3200, v41;
	v42 =	vsel vm5, $0x3280, v42;
	v43 =	vsel vm5, $0x3300, v43  }
0x120: {  	v44 =	vsel vm5, $0x3380, v44;
	v0 =	vsel vm1, $0x1B00, v0;
	v1 =	vsel vm6, $0x1A80, v1  }
0x121: {  	v2 =	vsel vm6, $0x1B00, v2;
	v3 =	vsel vm6, $0x1B80, v3;
	v4 =	vsel vm6, $0x1000, v4  }
0x122: {  	v5 =	vsel vm6, $0x1080, v5;
	v6 =	vsel vm6, $0x1100, v6;
	v7 =	vsel vm6, $0x1180, v7  }
0x123: {  	v8 =	vsel vm6, $0x1200, v8;
	v9 =	vsel vm6, $0x1280, v9;
	v10 =	vsel vm6, $0x1300, v10  }
0x124: {  	v11 =	vsel vm6, $0x1380, v11;
	v12 =	vsel vm6, $0x1800, v12;
	v13 =	vsel vm6, $0x2880, v13  }
0x125: {  	v14 =	vsel vm6, $0x2900, v14;
	v15 =	vsel vm6, $0x2980, v15;
	v16 =	vsel vm6, $0x2A00, v16  }
0x126: {  	v17 =	vsel vm6, $0x2A80, v17;
	v18 =	vsel vm6, $0x2B00, v18;
	v19 =	vsel vm6, $0x2B80, v19  }
0x127: {  	v20 =	vsel vm6, $0x2000, v20;
	v21 =	vsel vm6, $0x2080, v21;
	v22 =	vsel vm6, $0x2100, v22  }
0x128: {  	v23 =	vsel vm6, $0x2180, v23;
	v24 =	vsel vm6, $0x2200, v24;
	v25 =	vsel vm6, $0x2280, v25  }
0x129: {  	v26 =	vsel vm6, $0x2300, v26;
	v27 =	vsel vm6, $0x2380, v27;
	v28 =	vsel vm6, $0x2800, v28  }
0x12a: {  	v29 =	vsel vm6, $0x3880, v29;
	v30 =	vsel vm6, $0x3900, v30;
	v31 =	vsel vm6, $0x3980, v31  }
0x12b: {  	v32 =	vsel vm6, $0x3A00, v32;
	v33 =	vsel vm6, $0x3A80, v33;
	v34 =	vsel vm6, $0x3B00, v34  }
0x12c: {  	v35 =	vsel vm6, $0x3B80, v35;
	v36 =	vsel vm6, $0x3000, v36;
	v37 =	vsel vm6, $0x3080, v37  }
0x12d: {  	v38 =	vsel vm6, $0x3100, v38;
	v39 =	vsel vm6, $0x3180, v39;
	v40 =	vsel vm6, $0x3200, v40  }
0x12e: {  	v41 =	vsel vm6, $0x3280, v41;
	v42 =	vsel vm6, $0x3300, v42;
	[tilespmem:$0x1F8F0] =	vst v45;
	v45 =	vimm.s32 $0x16151413  }
0x12f: {  	v43 =	vsel vm6, $0x3380, v43;
	v0 =	vsel vm2, $0x1B80, v0;
	v45 =	vunpack.c.0.s8.s32 v45  }
0x130: {  	v44 =	vsel vm6, $0x3800, v44;
	v1 =	vsel vm4, $0x1B00, v1;
	v0 =	vsel vm3, $0x1000, v0  }
0x131: {  	v0 =	vsel vm0, $0x1080, v0;
	[tilespmem:$0x1F900] =	vst v45;
	v45 =	vunpack.c.0.s8.s32 v46;
	v46 =	vsel vm1, $0x1B80, v1  }
0x132: {  	v2 =	vsel vm4, $0x1B80, v2;
	[tilespmem:$0x1F920] =	vst v0;
	v0 =	vsel vm2, $0x1000, v46;
	v46 =	vimm.s32 $0x1B1A1918  }
0x133: {  	[tilespmem:$0x1F910] =	vst v45;
	v45 =	vsel vm1, $0x1000, v2;
	v2 =	vsel vm4, $0x1000, v3;
	v3 =	vsel vm4, $0x1080, v4  }
0x134: {  	v4 =	vsel vm4, $0x1100, v5;
	v5 =	vsel vm4, $0x1180, v6;
	v6 =	vsel vm4, $0x1200, v7  }
0x135: {  	v7 =	vsel vm4, $0x1280, v8;
	v8 =	vsel vm4, $0x1300, v9;
	v9 =	vsel vm4, $0x1380, v10  }
0x136: {  	v10 =	vsel vm4, $0x1800, v11;
	v11 =	vsel vm4, $0x1880, v12;
	v12 =	vsel vm4, $0x2900, v13  }
0x137: {  	v13 =	vsel vm4, $0x2980, v14;
	v14 =	vsel vm4, $0x2A00, v15;
	v15 =	vsel vm4, $0x2A80, v16  }
0x138: {  	v16 =	vsel vm4, $0x2B00, v17;
	v17 =	vsel vm4, $0x2B80, v18;
	v18 =	vsel vm4, $0x2000, v19  }
0x139: {  	v19 =	vsel vm4, $0x2080, v20;
	v20 =	vsel vm4, $0x2100, v21;
	v21 =	vsel vm4, $0x2180, v22  }
0x13a: {  	v22 =	vsel vm4, $0x2200, v23;
	v23 =	vsel vm4, $0x2280, v24;
	v24 =	vsel vm4, $0x2300, v25  }
0x13b: {  	v25 =	vsel vm4, $0x2380, v26;
	v26 =	vsel vm4, $0x2800, v27;
	v27 =	vsel vm4, $0x2880, v28  }
0x13c: {  	v28 =	vsel vm4, $0x3900, v29;
	v29 =	vsel vm4, $0x3980, v30;
	v30 =	vsel vm4, $0x3A00, v31  }
0x13d: {  	v31 =	vsel vm4, $0x3A80, v32;
	v32 =	vsel vm4, $0x3B00, v33;
	v33 =	vsel vm4, $0x3B80, v34  }
0x13e: {  	v34 =	vsel vm4, $0x3000, v35;
	v35 =	vsel vm4, $0x3080, v36;
	v36 =	vsel vm4, $0x3100, v37  }
0x13f: {  	v37 =	vsel vm4, $0x3180, v38;
	v38 =	vsel vm4, $0x3200, v39;
	v39 =	vsel vm4, $0x3280, v40  }
0x140: {  	v40 =	vsel vm4, $0x3300, v41;
	v41 =	vsel vm4, $0x3380, v42;
	v42 =	vsel vm4, $0x3800, v43  }
0x141: {  	v43 =	vsel vm4, $0x3880, v44;
	v44 =	vimm.s32 $0x1F1E1D1C;
	v0 =	vsel vm3, $0x1080, v0  }
0x142: {  	v46 =	vunpack.c.0.s8.s32 v46;
	v1 =	vsel vm2, $0x1080, v45;
	v44 =	vunpack.c.0.s8.s32 v44  }
0x143: {  	v2 =	vsel vm1, $0x1080, v2;
	v3 =	vsel vm1, $0x1100, v3;
	v4 =	vsel vm1, $0x1180, v4  }
0x144: {  	v5 =	vsel vm1, $0x1200, v5;
	v6 =	vsel vm1, $0x1280, v6;
	v7 =	vsel vm1, $0x1300, v7  }
0x145: {  	v8 =	vsel vm1, $0x1380, v8;
	v9 =	vsel vm1, $0x1800, v9;
	v10 =	vsel vm1, $0x1880, v10  }
0x146: {  	v11 =	vsel vm1, $0x1900, v11;
	v12 =	vsel vm1, $0x2980, v12;
	v13 =	vsel vm1, $0x2A00, v13  }
0x147: {  	v14 =	vsel vm1, $0x2A80, v14;
	v15 =	vsel vm1, $0x2B00, v15;
	v16 =	vsel vm1, $0x2B80, v16  }
0x148: {  	v17 =	vsel vm1, $0x2000, v17;
	v18 =	vsel vm1, $0x2080, v18;
	v19 =	vsel vm1, $0x2100, v19  }
0x149: {  	v20 =	vsel vm1, $0x2180, v20;
	v21 =	vsel vm1, $0x2200, v21;
	v22 =	vsel vm1, $0x2280, v22  }
0x14a: {  	v23 =	vsel vm1, $0x2300, v23;
	v24 =	vsel vm1, $0x2380, v24;
	v25 =	vsel vm1, $0x2800, v25  }
0x14b: {  	v26 =	vsel vm1, $0x2880, v26;
	v27 =	vsel vm1, $0x2900, v27;
	v28 =	vsel vm1, $0x3980, v28  }
0x14c: {  	v29 =	vsel vm1, $0x3A00, v29;
	v30 =	vsel vm1, $0x3A80, v30;
	v31 =	vsel vm1, $0x3B00, v31  }
0x14d: {  	v32 =	vsel vm1, $0x3B80, v32;
	v33 =	vsel vm1, $0x3000, v33;
	v34 =	vsel vm1, $0x3080, v34  }
0x14e: {  	v35 =	vsel vm1, $0x3100, v35;
	v36 =	vsel vm1, $0x3180, v36;
	v37 =	vsel vm1, $0x3200, v37  }
0x14f: {  	v38 =	vsel vm1, $0x3280, v38;
	v39 =	vsel vm1, $0x3300, v39;
	v41 =	vsel vm1, $0x3800, v41  }
0x150: {  	v43 =	vsel vm1, $0x3900, v43;
	v45 =	vimm.s32 $0x17161514;
	v1 =	vsel vm3, $0x1100, v1  }
0x151: {  	v2 =	vsel vm2, $0x1100, v2;
	v3 =	vsel vm2, $0x1180, v3;
	v4 =	vsel vm2, $0x1200, v4  }
0x152: {  	v5 =	vsel vm2, $0x1280, v5;
	v6 =	vsel vm2, $0x1300, v6;
	v7 =	vsel vm2, $0x1380, v7  }
0x153: {  	v8 =	vsel vm2, $0x1800, v8;
	v9 =	vsel vm2, $0x1880, v9;
	v10 =	vsel vm2, $0x1900, v10  }
0x154: {  	v11 =	vsel vm2, $0x1980, v11;
	v12 =	vsel vm2, $0x2A00, v12;
	v13 =	vsel vm2, $0x2A80, v13  }
0x155: {  	v14 =	vsel vm2, $0x2B00, v14;
	v15 =	vsel vm2, $0x2B80, v15;
	v45 =	vunpack.c.0.s8.s32 v45;
	[tilespmem:$0x1F970] =	vst v46  }
0x156: {  	v16 =	vsel vm2, $0x2000, v16;
	v17 =	vsel vm2, $0x2080, v17;
	v18 =	vsel vm2, $0x2100, v18;
	[tilespmem:$0x1F930] =	vst v44  }
0x157: {  	v19 =	vsel vm2, $0x2180, v19;
	v2 =	vsel vm3, $0x1180, v2;
	v46 =	vsel vm0, $0x1180, v1;
	[tilespmem:$0x1F950] =	vst v45  }
0x158: {  	v20 =	vsel vm2, $0x2200, v20;
	v4 =	vsel vm3, $0x1280, v4;
	[tilespmem:$0x1F980] =	vst v46;
	v46 =	vsel vm0, $0x1200, v2  }
0x159: {  	v21 =	vsel vm2, $0x2280, v21;
	v5 =	vsel vm3, $0x1300, v5;
	v4 =	vsel vm0, $0x1300, v4;
	[tilespmem:$0x1F990] =	vst v46  }
0x15a: {  	v22 =	vsel vm2, $0x2300, v22;
	v16 =	vsel vm3, $0x2080, v16;
	v5 =	vsel vm0, $0x1380, v5;
	[tilespmem:$0x1F9B0] =	vst v4  }
0x15b: {  	v23 =	vsel vm2, $0x2380, v23;
	v17 =	vsel vm3, $0x2100, v17;
	v16 =	vsel vm0, $0x2100, v16;
	[tilespmem:$0x1F9C0] =	vst v5  }
0x15c: {  	v24 =	vsel vm2, $0x2800, v24;
	v18 =	vsel vm3, $0x2180, v18;
	v17 =	vsel vm0, $0x2180, v17;
	[tilespmem:$0x1FA70] =	vst v16  }
0x15d: {  	v25 =	vsel vm2, $0x2880, v25;
	v19 =	vsel vm3, $0x2200, v19;
	v18 =	vsel vm0, $0x2200, v18;
	[tilespmem:$0x1FA80] =	vst v17  }
0x15e: {  	v26 =	vsel vm2, $0x2900, v26;
	v20 =	vsel vm3, $0x2280, v20;
	v19 =	vsel vm0, $0x2280, v19;
	[tilespmem:$0x1FA90] =	vst v18  }
0x15f: {  	v21 =	vsel vm3, $0x2300, v21;
	v44 =	vimm.s32 $0x13121110;
	v20 =	vsel vm0, $0x2300, v20;
	[tilespmem:$0x1FAA0] =	vst v19  }
0x160: {  	v27 =	vsel vm2, $0x2980, v27;
	v44 =	vunpack.c.0.s8.s32 v44;
	v21 =	vsel vm0, $0x2380, v21;
	[tilespmem:$0x1FAB0] =	vst v20  }
0x161: {  	v28 =	vsel vm2, $0x3A00, v28;
	v29 =	vsel vm2, $0x3A80, v29;
	v3 =	vsel vm3, $0x1200, v3;
	[tilespmem:$0x1FAC0] =	vst v21  }
0x162: {  	v30 =	vsel vm2, $0x3B00, v30;
	v7 =	vsel vm3, $0x1800, v7;
	v46 =	vsel vm0, $0x1280, v3;
	[tilespmem:$0x1F940] =	vst v44  }
0x163: {  	v31 =	vsel vm2, $0x3B80, v31;
	v8 =	vsel vm3, $0x1880, v8;
	v4 =	vsel vm0, $0x1880, v7;
	[tilespmem:$0x1F9A0] =	vst v46  }
0x164: {  	v32 =	vsel vm2, $0x3000, v32;
	v10 =	vsel vm3, $0x1980, v10;
	v5 =	vsel vm0, $0x1900, v8;
	[tilespmem:$0x1F9E0] =	vst v4  }
0x165: {  	v33 =	vsel vm2, $0x3080, v33;
	v27 =	vsel vm3, $0x2A00, v27;
	v7 =	vsel vm0, $0x1A00, v10;
	[tilespmem:$0x1F9F0] =	vst v5  }
0x166: {  	v34 =	vsel vm2, $0x3100, v34;
	v28 =	vsel vm3, $0x3A80, v28;
	v17 =	vsel vm0, $0x2A80, v27;
	[tilespmem:$0x1FA10] =	vst v7  }
0x167: {  	v35 =	vsel vm2, $0x3180, v35;
	v30 =	vsel vm3, $0x3B80, v30;
	v18 =	vsel vm0, $0x3B00, v28;
	[tilespmem:$0x1FAD0] =	vst v17  }
0x168: {  	v38 =	vsel vm2, $0x3300, v38;
	v31 =	vsel vm3, $0x3000, v31;
	v19 =	vsel vm0, $0x3000, v30;
	[tilespmem:$0x1FAE0] =	vst v18  }
0x169: {  	v39 =	vsel vm2, $0x3380, v39;
	v32 =	vsel vm3, $0x3080, v32;
	v20 =	vsel vm0, $0x3080, v31;
	[tilespmem:$0x1FAF0] =	vst v19  }
0x16a: {  	v24 =	vsel vm3, $0x2880, v24;
	v35 =	vsel vm3, $0x3200, v35;
	v21 =	vsel vm0, $0x3100, v32;
	[tilespmem:$0x1FB00] =	vst v20  }
0x16b: {  	v38 =	vsel vm3, $0x3380, v38;
	v16 =	vsel vm0, $0x2900, v24;
	v24 =	vsel vm0, $0x3280, v35;
	[tilespmem:$0x1FB10] =	vst v21  }
0x16c: {  	v36 =	vsel vm2, $0x3200, v36;
	v39 =	vsel vm3, $0x3800, v39;
	v27 =	vsel vm0, $0x3800, v38;
	[tilespmem:$0x1FB60] =	vst v24  }
0x16d: {  	v37 =	vsel vm2, $0x3280, v37;
	v6 =	vsel vm3, $0x1380, v6;
	v28 =	vsel vm0, $0x3880, v39;
	[tilespmem:$0x1FBB0] =	vst v27  }
0x16e: {  	v43 =	vsel vm2, $0x3980, v43;
	v9 =	vsel vm3, $0x1900, v9;
	v46 =	vsel vm0, $0x1800, v6;
	[tilespmem:$0x1FBD0] =	vst v28  }
0x16f: {  	v12 =	vsel vm3, $0x2A80, v12;
	v13 =	vsel vm3, $0x2B00, v13;
	v6 =	vsel vm0, $0x1980, v9;
	[tilespmem:$0x1F9D0] =	vst v46  }
0x170: {  	v15 =	vsel vm3, $0x2000, v15;
	v29 =	vsel vm3, $0x3B00, v29;
	v4 =	vsel vm0, $0x2B00, v12;
	[tilespmem:$0x1FA00] =	vst v6  }
0x171: {  	v5 =	vsel vm0, $0x2B80, v13;
	v13 =	vsel vm0, $0x3B80, v29;
	v29 =	vimm.s32 $0x2C2B2A29;
	[tilespmem:$0x1FA30] =	vst v4  }
0x172: {  	v7 =	vsel vm0, $0x2080, v15;
	[tilespmem:$0x1FA40] =	vst v5;
	v44 =	vmovc v52;
	v52 =	vsel vm0, $0x1100, v0;
	v0 =	vunpack.c.0.s8.s32 v29  }
0x173: {  	v11 =	vsel vm3, $0x1A00, v11;
	v14 =	vsel vm3, $0x2B80, v14;
	v30 =	vimm.s32 $0x202F2E2D;
	[tilespmem:$0x1FA60] =	vst v7  }
0x174: {  	v43 =	vsel vm3, $0x3A00, v43;
	v46 =	vsel vm0, $0x1A80, v11;
	[tilespmem:$0x1FC10] =	vst v0;
	v0 =	vunpack.c.0.s8.s32 v30  }
0x175: {  	v23 =	vsel vm3, $0x2800, v23;
	v9 =	vsel vm0, $0x3A80, v43;
	v43 =	vimm.s32 $0x28272625;
	[tilespmem:$0x1FA20] =	vst v46  }
0x176: {  	v6 =	vsel vm0, $0x2000, v14;
	v46 =	vsel vm0, $0x2880, v23;
	[tilespmem:$0x1FC20] =	vst v0;
	v0 =	vunpack.c.0.s8.s32 v43  }
0x177: {  	v26 =	vsel vm3, $0x2980, v26;
	v37 =	vsel vm3, $0x3300, v37;
	[tilespmem:$0x1FA50] =	vst v6;
	v5 =	vmovc v46;
	v46 =	vimm.s32 $0x2D2C2B2A  }
0x178: {  	v7 =	vsel vm0, $0x2A00, v26;
	v26 =	vsel vm0, $0x3380, v37;
	[tilespmem:$0x1FC40] =	vst v0;
	v0 =	vunpack.c.0.s8.s32 v46  }
0x179: {  	v41 =	vsel vm2, $0x3880, v41;
	v34 =	vsel vm3, $0x3180, v34;
	v18 =	vimm.s32 $0x25242322;
	[tilespmem:$0x1FB90] =	vst v26  }
0x17a: {  	v22 =	vsel vm3, $0x2380, v22;
	v23 =	vsel vm0, $0x3200, v34;
	[tilespmem:$0x1FC50] =	vst v0;
	v0 =	vunpack.c.0.s8.s32 v18  }
0x17b: {  	v33 =	vsel vm3, $0x3100, v33;
	v22 =	vsel vm0, $0x2800, v22;
	v19 =	vimm.s32 $0x29282726;
	[tilespmem:$0x1FB40] =	vst v23  }
0x17c: {  	v25 =	vsel vm3, $0x2900, v25;
	v4 =	vmovc v22;
	v22 =	vsel vm0, $0x3180, v33;
	[tilespmem:$0x1FC70] =	vst v0;
	v0 =	vunpack.c.0.s8.s32 v19  }
0x17d: {  	v36 =	vsel vm3, $0x3280, v36;
	v20 =	vimm.s32 $0x2E2D2C2B;
	[tilespmem:$0x1FB20] =	vst v22;
	v22 =	vimm.s32 $0x2221202F  }
0x17e: {  	v6 =	vsel vm0, $0x2980, v25;
	v25 =	vsel vm0, $0x3300, v36;
	[tilespmem:$0x1FC80] =	vst v0;
	v0 =	vunpack.c.0.s8.s32 v22  }
0x17f: {  	v41 =	vsel vm3, $0x3900, v41;
	v21 =	vunpack.c.0.s8.s32 v20;
	[tilespmem:$0x1FB80] =	vst v25;
	v23 =	vimm.s32 $0x26252423  }
0x180: {  	v32 =	vimm.s32 $0x24232221;
	[tilespmem:$0x1FCA0] =	vst v0;
	v0 =	vunpack.c.0.s8.s32 v23  }
0x181: {  	v36 =	vunpack.c.0.s8.s32 v32;
	v26 =	vimm.s32 $0x2F2E2D2C;
	[tilespmem:$0x1FC90] =	vst v21  }
0x182: {  	v14 =	vsel vm0, $0x3980, v41;
	v41 =	vmovc v16;
	v16 =	vimm.s32 $0x21202F2E;
	[tilespmem:$0x1FCB0] =	vst v0;
	v0 =	vunpack.c.0.s8.s32 v26  }
0x183: {  	v27 =	vimm.s32 $0x23222120;
	v17 =	vunpack.c.0.s8.s32 v16;
	[tilespmem:$0x1FC30] =	vst v36  }
0x184: {  	v28 =	vimm.s32 $0x27262524;
	[tilespmem:$0x1FCD0] =	vst v0;
	v0 =	vunpack.c.0.s8.s32 v27  }
0x185: {  	v40 =	vsel vm1, $0x3380, v40;
	v29 =	vunpack.c.0.s8.s32 v28;
	[tilespmem:$0x1FC60] =	vst v17;
	v30 =	vimm.s32 $0x2B2A2928  }
0x186: {  	v42 =	vsel vm1, $0x3880, v42;
	v24 =	vimm.s32 $0x2A292827;
	[tilespmem:$0x1FCE0] =	vst v0;
	v0 =	vunpack.c.0.s8.s32 v30  }
0x187: {  	v40 =	vsel vm2, $0x3800, v40;
	v45 =	vld [tilespmem:$0x1F960];
	v32 =	vimm.s32 $0x3C3B3A39;
	v25 =	vunpack.c.0.s8.s32 v24;
	[tilespmem:$0x1FCF0] =	vst v29  }
0x188: {  	v42 =	vsel vm2, $0x3900, v42;
	v35 =	vld [tilespmem:$0x1FB70];
	v36 =	vimm.s32 $0x303F3E3D;
	[tilespmem:$0x1FD00] =	vst v0;
	v0 =	vunpack.c.0.s8.s32 v32  }
0x189: {  	v40 =	vsel vm3, $0x3880, v40;
	v38 =	vld [tilespmem:$0x1FBC0];
	[tilespmem:$0x1FCC0] =	vst v25;
	v43 =	vunpack.c.0.s8.s32 v36;
	v46 =	vimm.s32 $0x34333231  }
0x18a: {  	v42 =	vsel vm3, $0x3980, v42;
	v39 =	vld [tilespmem:$0x1FBE0];
	v17 =	vimm.s32 $0x3D3C3B3A;
	[tilespmem:$0x1FD10] =	vst v0;
	v0 =	vunpack.c.0.s8.s32 v46  }
0x18b: {  	v31 =	vsel vm0, $0x3900, v40;
	v40 =	vld [tilespmem:$0x1FBF0];
	v16 =	vimm.s32 $0x38373635;
	[tilespmem:$0x1FD20] =	vst v43;
	v18 =	vunpack.c.0.s8.s32 v17  }
0x18c: {  	s7 =	rddreg [dreg:$0x0];
	v8 =	vsel vm0, $0x3A00, v42;
	v42 =	vld [tilespmem:$0x1FC00];
	v21 =	vimm.s32 $0x39383736;
	[tilespmem:$0x1FD30] =	vst v0;
	v0 =	vunpack.c.0.s8.s32 v16  }
0x18d: {  	s1 =	rddreg [dreg:$0x1];
	s5 =	simm.s32 $0x0;
	v37 =	vld [tilespmem:$0x1FBA0];
	v25 =	vimm.s32 $0x36353433;
	[tilespmem:$0x1FD50] =	vst v18;
	v22 =	vunpack.c.0.s8.s32 v21  }
0x18e: {  	[smem:$0x7FF] =	sst s5;
	v34 =	vld [tilespmem:$0x1FB50];
	v29 =	vimm.s32 $0x33323130;
	v26 =	vunpack.c.0.s8.s32 v25;
	[tilespmem:$0x1FD40] =	vst v0  }
0x18f: {  	s4 =	rddreg [dreg:$0x2];
	v33 =	vld [tilespmem:$0x1FB30];
	v30 =	vunpack.c.0.s8.s32 v29;
	_ =	strace $0x80000047;
	[tilespmem:$0x1FD80] =	vst v22  }
0x190: {  	[tilespmem:$0x1FDB0] =	vst v26  }
0x191: {  	v57 =	vimm.s32 $0x18171615;
	[tilespmem:$0x1FDE0] =	vst v30  }
0x192: {  	v49 =	vunpack.c.0.s8.s32 v57;
	v57 =	vimm.s32 $0x1D1C1B1A;
	[tilespmem:$0x1FE10] =	vst v55  }
0x193: {  	v57 =	vunpack.c.0.s8.s32 v57;
	v48 =	vimm.s32 $0x11101F1E;
	[tilespmem:$0x1FE30] =	vst v58  }
0x194: {  	v50 =	vimm.s32 $0x15141312;
	v48 =	vunpack.c.0.s8.s32 v48;
	[tilespmem:$0x1FE40] =	vst v49  }
0x195: {  	v50 =	vunpack.c.0.s8.s32 v50;
	[tilespmem:$0x1FE50] =	vst v57  }
0x196: {  	[tilespmem:$0x1FE60] =	vst v48  }
0x197: {  	[tilespmem:$0x1FE80] =	vst v50  }
0x198: {  	v46 =	vlaneseq.u32;
	[tilespmem:$0x1FE90] =	vst v47  }
0x199: {  	v10 =	vor.u32 $0x10, v46;
	[tilespmem:$0x1FEE0] =	vst v44  }
0x19a: {  	[tilespmem:$0x1FEF0] =	vst v10  }
0x19b: {  	[tilespmem:$0x1FF00] =	vst v8  }
0x19c: {  	[tilespmem:$0x1FF20] =	vst v9  }
0x19d: {  	[tilespmem:$0x1FF40] =	vst v14  }
0x19e: {  	[tilespmem:$0x1FF50] =	vst v31  }
0x19f: {  	[tilespmem:$0x1FF60] =	vst v13  }
0x1a0: {  	v19 =	vimm.s32 $0x31303F3E;
	[tilespmem:$0x1FF70] =	vst v7  }
0x1a1: {  	v0 =	vunpack.c.0.s8.s32 v19;
	[tilespmem:$0x1FF80] =	vst v6  }
0x1a2: {  	v20 =	vimm.s32 $0x35343332;
	[tilespmem:$0x1FF90] =	vst v5  }
0x1a3: {  	[tilespmem:$0x1FD60] =	vst v0;
	v0 =	vunpack.c.0.s8.s32 v20  }
0x1a4: {  	v23 =	vimm.s32 $0x3E3D3C3B;
	[tilespmem:$0x1FFA0] =	vst v41  }
0x1a5: {  	[tilespmem:$0x1FD70] =	vst v0;
	v0 =	vunpack.c.0.s8.s32 v23  }
0x1a6: {  	v24 =	vimm.s32 $0x3231303F;
	[tilespmem:$0x1FFB0] =	vst v52  }
0x1a7: {  	[tilespmem:$0x1FD90] =	vst v0;
	v0 =	vunpack.c.0.s8.s32 v24  }
0x1a8: {  	v27 =	vimm.s32 $0x3A393837;
	[tilespmem:$0x1FFC0] =	vst v4  }
0x1a9: {  	s0 =	srdreg.scid;
	s29 =	stileid.u32;
	[tilespmem:$0x1FDA0] =	vst v0;
	v0 =	vunpack.c.0.s8.s32 v27  }
0x1aa: {  	s8 =	simm.s32 $0x1;
	s14 =	simm.s32 $0x100;
	s3 =	sand.u32 $0x1, s0;
	v28 =	vimm.s32 $0x3F3E3D3C;
	[tilespmem:$0x1FFD0] =	vst v51  }
0x1ab: {  	s15 =	simm.s32 $0x200;
	s16 =	simm.s32 $0x300;
	s2 =	sshll.u32 s3, $0x4;
	[tilespmem:$0x1FDC0] =	vst v0;
	v0 =	vunpack.c.0.s8.s32 v28  }
0x1ac: {  	s17 =	simm.s32 $0x5;
	s6 =	sor.u32 s29, s2;
	s2 =	sand.u32 $0x3, s29;
	v32 =	vimm.s32 $0x37363534;
	[tilespmem:$0x1FFE0] =	vst v56;
	v43 =	vld [tilespmem:$0x1FE20]  }
0x1ad: {  	s18 =	simm.s32 $0x80;
	p0 =	seq.s32 s6, $0x0;
	p1 =	sne.s32 s2, $0x0;
	[tilespmem:$0x1FDD0] =	vst v0;
	v0 =	vunpack.c.0.s8.s32 v32  }
0x1ae: {  	s19 =	simm.s32 $0x400;
	s20 =	simm.s32 $0x4400;
	p0 =	por !p1, !p0;
	vm0 =	vcmask $0x1F10;
	v36 =	vimm.s32 $0x3B3A3938;
	[tilespmem:$0x1FFF0] =	vst v54  }
0x1af: {  	s21 =	simm.s32 $0x800;
	s22 =	simm.s32 $0x8000;
	p0 =	por !p0, !p0;
	v49 =	vsel vm0, v49, v58;
	[tilespmem:$0x1FDF0] =	vst v0;
	v0 =	vunpack.c.0.s8.s32 v36  }
0x1b0: {  	s23 =	simm.s32 $0x3;
	s6 =	sshrl.u32 s6, $0x2;
	s8 =	simm.s32 @!p0 $0x0;
	[tilespmem:$0x1FEB0] =	vst v49  }
0x1b1: {  	s24 =	simm.s32 $0x4;
	s25 =	simm.s32 $0x0;
	s6 =	ssub.s32 s6, s8;
	[tilespmem:$0x1FE00] =	vst v0;
	v0 =	vsel vm0, v43, v55  }
0x1b2: {  	s3 =	ssub.s32 $0x2, s3;
	s30 =	sshll.u32 s2, $0x7;
	s6 =	sshll.u32 s6, $0xC;
	v55 =	vsel vm0, v48, v57;
	[tilespmem:$0x1FEA0] =	vst v0  }
0x1b3: {  	s7 =	sadd.s32 $0x187000, s7;
	s9 =	sshrl.u32 s3, $0x1;
	s8 =	sor.u32 s30, s6;
	v57 =	vsel vm0, v47, v50;
	v11 =	vcombine.low v49, v0;
	[tilespmem:$0x1FEC0] =	vst v55  }
0x1b4: {  	s3 =	ssub.s32 s3, s9;
	s31 =	sshll.u32 s2, $0x12;
	s8 =	sshrl.u32 s8, $0x3;
	[tilespmem:$0x1FED0] =	vst v57;
	v12 =	vcombine.low v57, v55  }
0x1b5: {  	s10 =	smax.u32 s3, $0x1;
	s9 =	sadd.s32 s31, s6;
	s8 =	sadd.s32 s1, s8;
	[tilespmem:$0x1FF10] =	vst v11  }
0x1b6: {  	s11 =	sadd.s32 $0x80, s8;
	s12 =	sadd.s32 $0x100, s8;
	s13 =	sadd.s32 $0x180, s8;
	v58 =	vld [tilespmem:$0x1FE70];
	[tilespmem:$0x1FF30] =	vst v12  }
.LBB2_1:
0x1b7: {  	[tilespmem:s5], [sflag:$0x5] =	stream.linear.gather [hbm4b:s8+s5], $0x80, $0x38;
	[tilespmem:$0x18400] =	vst v63  }
0x1b8: {  	_ = 	snop  }
0x1b9: {  	[tilespmem:s14], [sflag:$0x5] =	stream.linear.gather [hbm4b:s11+s5], $0x80, $0x38;
	[tilespmem:$0x18400] =	vst v63  }
0x1ba: {  	_ = 	snop  }
0x1bb: {  	[tilespmem:s15], [sflag:$0x5] =	stream.linear.gather [hbm4b:s12+s5], $0x80, $0x38;
	[tilespmem:$0x18400] =	vst v63  }
0x1bc: {  	_ = 	snop  }
0x1bd: {  	[tilespmem:s16], [sflag:$0x5] =	stream.linear.gather [hbm4b:s13+s5], $0x80, $0x38;
	[tilespmem:$0x18400] =	vst v63  }
0x1be: {  	_ =	swait.ge [sflag:s17], $0x200  }
0x1bf: {  	[sflag:s17] =	ssyncset.done $0x0  }
0x1c0: {  	v47 =	vld [tilespmem:$0x1F8D0];
	[sflag:s17] =	ssyncadd.s32 $0xFFFFFE00  }
0x1c1: {  	v49 =	vld [tilespmem:$0x1F920];
	[tilespmem:s19], [sflag:$0x1] =	stream.indirect.gather [hbm4b:s7+s18], $0x80, s5, s18, $0xb8  }
0x1c2: {  	s26 =	simm.s32 $0x0;
	v29 =	vld [tilespmem:$0x1FAB0]  }
0x1c3: {  	v50 =	vld [tilespmem:$0x1FCD0];
	[tilespmem:s20], [sflag:$0x1] =	stream.indirect.gather [hbm4b:s7+s18], $0x80, s14, s18, $0xb8  }
.LBB2_2:
0x1c4: {  	s28 =	sand.u32 $0x1, s26  }
0x1c5: {  	p0 =	seq.s32 s26, $0x63;
	p1 =	seq.s32 s28, $0x1  }
0x1c6: {  	p1 =	por !p1, p0  }
0x1c7: {  	s3 =	sshrl.u32 @!p1 s26, $0x1  }
0x1c8: {  	s3 =	sadd.s32 @!p1 $0x1, s3  }
0x1c9: {  	s29 =	sshll.u32 @!p1 s3, $0x2  }
0x1ca: {  	s30 =	sshll.u32 @!p1 s3, $0xE;
	s29 =	sand.u32 @!p1 $0x4, s29  }
0x1cb: {  	s30 =	sand.u32 @!p1 $0x1F8000, s30;
	s29 =	sor.u32 @!p1 s2, s29  }
0x1cc: {  	s30 =	sadd.s32 @!p1 s6, s30;
	s29 =	sshll.u32 @!p1 s29, $0x7  }
0x1cd: {  	s29 =	sor.u32 @!p1 s30, s29  }
0x1ce: {  	s3 =	sshll.u32 @!p1 s3, $0x7;
	s29 =	sshrl.u32 @!p1 s29, $0x3  }
0x1cf: {  	s3 =	sand.u32 @!p1 $0x80, s3;
	s30 =	simm.s32 @!p1 $0x0;
	s29 =	sadd.s32 @!p1 s1, s29  }
0x1d0: {  	[tilespmem:s3], [sflag:$0x5] =	stream.linear.gather @!p1 [hbm4b:s29+s30], $0x80, $0x38;
	[tilespmem:$0x18400] =	vst v63  }
0x1d1: {  	s0 =	sor.u32 @!p1 $0x100, s3;
	s31 =	sadd.s32 @!p1 $0x80, s29  }
0x1d2: {  	[tilespmem:s0], [sflag:$0x5] =	stream.linear.gather @!p1 [hbm4b:s31+s30], $0x80, $0x38;
	[tilespmem:$0x18400] =	vst v63  }
0x1d3: {  	s0 =	sadd.s32 @!p1 $0x100, s29;
	s31 =	sor.u32 @!p1 $0x200, s3  }
0x1d4: {  	[tilespmem:s31], [sflag:$0x5] =	stream.linear.gather @!p1 [hbm4b:s0+s30], $0x80, $0x38;
	[tilespmem:$0x18400] =	vst v63  }
0x1d5: {  	s3 =	sor.u32 @!p1 $0x300, s3;
	s0 =	sadd.s32 @!p1 $0x180, s29  }
0x1d6: {  	[tilespmem:s3], [sflag:$0x5] =	stream.linear.gather @!p1 [hbm4b:s0+s30], $0x80, $0x38;
	[tilespmem:$0x18400] =	vst v63  }
0x1d7: {  	s0 =	simm.s32 @!p1 $0x5  }
0x1d8: {  	_ =	swait.ge @!p1 [sflag:s0], $0x200  }
0x1d9: {  	[sflag:s0] =	ssyncset.done @!p1 $0x0  }
0x1da: {  	s3 =	sxor.u32 @!p0 $0x1, s28;
	[sflag:s0] =	ssyncadd.s32 @!p1 $0xFFFFFE00;
	s0 =	sadd.s32 @!p0 $0x1, s26  }
0x1db: {  	s29 =	sshll.u32 @!p0 s3, $0xF;
	s30 =	sshll.u32 @!p0 s0, $0x6;
	s0 =	sshll.u32 @!p0 s0, $0x9  }
0x1dc: {  	s3 =	sadd.s32 @!p0 $0x1, s3;
	s30 =	sand.u32 @!p0 $0x80, s30;
	s0 =	sand.u32 @!p0 $0x200, s0  }
0x1dd: {  	s31 =	sor.u32 @!p0 $0x400, s29;
	s0 =	sor.u32 @!p0 s30, s0;
	s30 =	simm.s32 @!p0 $0x80  }
0x1de: {  	[tilespmem:s31], [sflag:s3] =	stream.indirect.gather @!p0 [hbm4b:s7+s30], $0x80, s0, s30, $0xb8;
	[tilespmem:$0x18400] =	vst v63  }
0x1df: {  	s29 =	sor.u32 @!p0 $0x4400, s29;
	s0 =	sor.u32 @!p0 $0x100, s0  }
0x1e0: {  	[tilespmem:s29], [sflag:s3] =	stream.indirect.gather @!p0 [hbm4b:s7+s30], $0x80, s0, s30, $0xb8;
	[tilespmem:$0x18400] =	vst v63  }
0x1e1: {  	s0 =	sadd.s32 $0x1, s28  }
0x1e2: {  	_ =	swait.ge [sflag:s0], $0x4000  }
0x1e3: {  	s3 =	simm.s32 $0x0;
	[sflag:s0] =	ssyncset.done $0x0  }
0x1e4: {  	s29 =	simm.s32 $0x10;
	v0 =	vor.u32 s3, v46;
	[sflag:s0] =	ssyncadd.s32 $0xFFFFC000  }
0x1e5: {  	v1 =	vor.u32 s29, v46;
	v27 =	vshll.u32 v0, $0x7;
	_ =	swait.ge [sflag:s0], $0x4000  }
0x1e6: {  	p0 =	slt.u32 s26, $0x2;
	v26 =	vshll.u32 v1, $0x7;
	v2 =	vor.u32 v46, v27;
	[sflag:s0] =	ssyncset.done $0x0  }
0x1e7: {  	v3 =	vmov s3;
	v4 =	vor.u32 v46, v26;
	[sflag:s0] =	ssyncadd.s32 $0xFFFFC000;
	s0 =	sadd.s32 @!p0 $0x3, s28  }
0x1e8: {  	v5 =	vmov s29;
	v3 =	vshll.u32 v3, $0x3;
	_ =	swait.ge @!p0 [sflag:s0], $0x4000  }
0x1e9: {  	s3 =	sshll.u32 s28, $0xF;
	v5 =	vshll.u32 v5, $0x3;
	v0 =	vand.u32 $0x6F, v0;
	v3 =	vand.u32 $0x400, v3;
	[sflag:s0] =	ssyncset.done @!p0 $0x0  }
0x1ea: {  	s30 =	sor.u32 $0x400, s3;
	v48 =	vand.u32 $0x7F, v1;
	v55 =	vand.u32 $0x400, v5;
	v6 =	vor.u32 v3, v0;
	[sflag:s0] =	ssyncadd.s32 @!p0 $0xFFFFC000  }
0x1eb: {  	v5 =	vor.u32 v55, v48;
	v32 =	vor.u32 v59, v6;
	v57 =	vld.idx.msk [tilespmem:v2+s30+$0x0], $0xffff  }
0x1ec: {  	v3 =	vor.u32 v59, v5;
	v36 =	vld.idx.msk [tilespmem:v4+s30+$0x0], $0xffff;
	v4 =	vor.u32 v60, v27  }
0x1ed: {  	v7 =	vor.u32 v60, v26  }
0x1ee: {  	s3 =	sshll.u32 s28, $0xE  }
0x1ef: {  	s29 =	sor.u32 $0x10400, s3  }
0x1f0: {  	[tilespmem:v32+s29+$0x0] =	vst.idx.msk $0xffff, v57  }
0x1f1: {  	v41 =	vor.u32 v61, v6;
	[tilespmem:v3+s29+$0x0] =	vst.idx.msk $0xffff, v36;
	v0 =	vld.idx.msk [tilespmem:v4+s30+$0x0], $0xffff  }
0x1f2: {  	v3 =	vor.u32 v61, v5;
	v2 =	vld.idx.msk [tilespmem:v7+s30+$0x0], $0xffff;
	v4 =	vor.u32 v62, v27  }
0x1f3: {  	v7 =	vor.u32 v62, v26;
	_ =	sdelay $0x2  }
0x1f4: {  	[tilespmem:v41+s29+$0x0] =	vst.idx.msk $0xffff, v0  }
0x1f5: {  	v43 =	vor.u32 v63, v6;
	[tilespmem:v3+s29+$0x0] =	vst.idx.msk $0xffff, v2;
	v0 =	vld.idx.msk [tilespmem:v4+s30+$0x0], $0xffff  }
0x1f6: {  	v3 =	vor.u32 v63, v5;
	v2 =	vld.idx.msk [tilespmem:v7+s30+$0x0], $0xffff;
	v4 =	vor.u32 v34, v27  }
0x1f7: {  	v7 =	vor.u32 v34, v26;
	_ =	sdelay $0x2  }
0x1f8: {  	[tilespmem:v43+s29+$0x0] =	vst.idx.msk $0xffff, v0  }
0x1f9: {  	v48 =	vor.u32 v35, v6;
	[tilespmem:v3+s29+$0x0] =	vst.idx.msk $0xffff, v2;
	v0 =	vld.idx.msk [tilespmem:v4+s30+$0x0], $0xffff  }
0x1fa: {  	v3 =	vor.u32 v35, v5;
	v2 =	vld.idx.msk [tilespmem:v7+s30+$0x0], $0xffff;
	v4 =	vor.u32 v37, v27  }
0x1fb: {  	v7 =	vor.u32 v37, v26;
	_ =	sdelay $0x2  }
0x1fc: {  	[tilespmem:v48+s29+$0x0] =	vst.idx.msk $0xffff, v0  }
0x1fd: {  	v55 =	vor.u32 v38, v6;
	[tilespmem:v3+s29+$0x0] =	vst.idx.msk $0xffff, v2;
	v0 =	vld.idx.msk [tilespmem:v4+s30+$0x0], $0xffff  }
0x1fe: {  	v3 =	vor.u32 v38, v5;
	v2 =	vld.idx.msk [tilespmem:v7+s30+$0x0], $0xffff;
	v4 =	vor.u32 v39, v27  }
0x1ff: {  	v7 =	vor.u32 v39, v26;
	_ =	sdelay $0x2  }
0x200: {  	[tilespmem:v55+s29+$0x0] =	vst.idx.msk $0xffff, v0  }
0x201: {  	v57 =	vor.u32 v40, v6;
	[tilespmem:v3+s29+$0x0] =	vst.idx.msk $0xffff, v2;
	v0 =	vld.idx.msk [tilespmem:v4+s30+$0x0], $0xffff  }
0x202: {  	v3 =	vor.u32 v40, v5;
	v2 =	vld.idx.msk [tilespmem:v7+s30+$0x0], $0xffff;
	_ =	sdelay $0x3  }
0x203: {  	[tilespmem:v57+s29+$0x0] =	vst.idx.msk $0xffff, v0  }
0x204: {  	[tilespmem:v3+s29+$0x0] =	vst.idx.msk $0xffff, v2  }
0x205: {  	v4 =	vor.u32 v42, v27;
	v41 =	vld [tilespmem:$0x1F800]  }
0x206: {  	v7 =	vor.u32 v42, v26;
	_ =	sdelay $0x3  }
0x207: {  	v0 =	vld.idx.msk [tilespmem:v4+s30+$0x0], $0xffff;
	v32 =	vor.u32 v41, v6  }
0x208: {  	v2 =	vld.idx.msk [tilespmem:v7+s30+$0x0], $0xffff;
	v4 =	vor.u32 v51, v27;
	v3 =	vor.u32 v41, v5  }
0x209: {  	v7 =	vor.u32 v51, v26;
	_ =	sdelay $0x2  }
0x20a: {  	[tilespmem:v32+s29+$0x0] =	vst.idx.msk $0xffff, v0  }
0x20b: {  	v36 =	vor.u32 v56, v6;
	[tilespmem:v3+s29+$0x0] =	vst.idx.msk $0xffff, v2;
	v0 =	vld.idx.msk [tilespmem:v4+s30+$0x0], $0xffff  }
0x20c: {  	v3 =	vor.u32 v56, v5;
	v2 =	vld.idx.msk [tilespmem:v7+s30+$0x0], $0xffff;
	v4 =	vor.u32 v58, v27  }
0x20d: {  	v7 =	vor.u32 v58, v26;
	_ =	sdelay $0x2  }
0x20e: {  	[tilespmem:v36+s29+$0x0] =	vst.idx.msk $0xffff, v0  }
0x20f: {  	v43 =	vor.u32 v44, v6;
	[tilespmem:v3+s29+$0x0] =	vst.idx.msk $0xffff, v2;
	v0 =	vld.idx.msk [tilespmem:v4+s30+$0x0], $0xffff  }
0x210: {  	v3 =	vor.u32 v44, v5;
	v2 =	vld.idx.msk [tilespmem:v7+s30+$0x0], $0xffff  }
0x211: {  	v31 =	vld [tilespmem:$0x1F810];
	_ =	sdelay $0x2  }
0x212: {  	[tilespmem:v43+s29+$0x0] =	vst.idx.msk $0xffff, v0  }
0x213: {  	[tilespmem:v3+s29+$0x0] =	vst.idx.msk $0xffff, v2  }
0x214: {  	v4 =	vor.u32 v31, v27;
	v43 =	vld [tilespmem:$0x1F820]  }
0x215: {  	v7 =	vor.u32 v31, v26;
	v30 =	vld [tilespmem:$0x1F830];
	_ =	sdelay $0x3  }
0x216: {  	v48 =	vmov v51;
	v0 =	vld.idx.msk [tilespmem:v4+s30+$0x0], $0xffff;
	v51 =	vor.u32 v43, v6  }
0x217: {  	v2 =	vld.idx.msk [tilespmem:v7+s30+$0x0], $0xffff;
	v3 =	vor.u32 v43, v5;
	v4 =	vor.u32 v30, v27  }
0x218: {  	v7 =	vor.u32 v30, v26;
	_ =	sdelay $0x2  }
0x219: {  	[tilespmem:v51+s29+$0x0] =	vst.idx.msk $0xffff, v0  }
0x21a: {  	v55 =	vor.u32 v45, v6;
	[tilespmem:v3+s29+$0x0] =	vst.idx.msk $0xffff, v2;
	v0 =	vld.idx.msk [tilespmem:v4+s30+$0x0], $0xffff  }
0x21b: {  	v3 =	vor.u32 v45, v5;
	v2 =	vld.idx.msk [tilespmem:v7+s30+$0x0], $0xffff  }
0x21c: {  	v36 =	vld [tilespmem:$0x1F840];
	_ =	sdelay $0x2  }
0x21d: {  	[tilespmem:v55+s29+$0x0] =	vst.idx.msk $0xffff, v0  }
0x21e: {  	[tilespmem:v3+s29+$0x0] =	vst.idx.msk $0xffff, v2  }
0x21f: {  	v4 =	vor.u32 v36, v27;
	v32 =	vld [tilespmem:$0x1F850]  }
0x220: {  	v7 =	vor.u32 v36, v26;
	_ =	sdelay $0x1  }
0x221: {  	v28 =	vld [tilespmem:$0x1F860];
	_ =	sdelay $0x1  }
0x222: {  	v0 =	vld.idx.msk [tilespmem:v4+s30+$0x0], $0xffff;
	v57 =	vor.u32 v32, v6  }
0x223: {  	v2 =	vld.idx.msk [tilespmem:v7+s30+$0x0], $0xffff;
	v3 =	vor.u32 v32, v5;
	_ =	sdelay $0x1  }
0x224: {  	v7 =	vor.u32 v28, v26;
	_ =	sdelay $0x1  }
0x225: {  	[tilespmem:v57+s29+$0x0] =	vst.idx.msk $0xffff, v0  }
0x226: {  	[tilespmem:v3+s29+$0x0] =	vst.idx.msk $0xffff, v2  }
0x227: {  	v3 =	vld [tilespmem:$0x1F870]  }
0x228: {  	v4 =	vor.u32 v28, v27;
	v2 =	vld.idx.msk [tilespmem:v7+s30+$0x0], $0xffff  }
0x229: {  	v7 =	vld [tilespmem:$0x1F880];
	_ =	sdelay $0x3  }
0x22a: {  	v0 =	vld.idx.msk [tilespmem:v4+s30+$0x0], $0xffff;
	v51 =	vor.u32 v3, v6  }
0x22b: {  	v3 =	vor.u32 v3, v5;
	v4 =	vor.u32 v7, v27  }
0x22c: {  	v7 =	vor.u32 v7, v26;
	_ =	sdelay $0x2  }
0x22d: {  	[tilespmem:v51+s29+$0x0] =	vst.idx.msk $0xffff, v0  }
0x22e: {  	v55 =	vor.u32 v33, v6;
	[tilespmem:v3+s29+$0x0] =	vst.idx.msk $0xffff, v2;
	v0 =	vld.idx.msk [tilespmem:v4+s30+$0x0], $0xffff  }
0x22f: {  	v3 =	vor.u32 v33, v5;
	v2 =	vld.idx.msk [tilespmem:v7+s30+$0x0], $0xffff  }
0x230: {  	v7 =	vld [tilespmem:$0x1F890];
	_ =	sdelay $0x2  }
0x231: {  	[tilespmem:v55+s29+$0x0] =	vst.idx.msk $0xffff, v0  }
0x232: {  	[tilespmem:v3+s29+$0x0] =	vst.idx.msk $0xffff, v2  }
0x233: {  	v4 =	vor.u32 v7, v27;
	v3 =	vld [tilespmem:$0x1F8A0]  }
0x234: {  	v7 =	vor.u32 v7, v26;
	_ =	sdelay $0x3  }
0x235: {  	v0 =	vld.idx.msk [tilespmem:v4+s30+$0x0], $0xffff;
	v57 =	vor.u32 v3, v6  }
0x236: {  	v2 =	vld.idx.msk [tilespmem:v7+s30+$0x0], $0xffff;
	v3 =	vor.u32 v3, v5  }
0x237: {  	v7 =	vld [tilespmem:$0x1F8B0];
	_ =	sdelay $0x2  }
0x238: {  	[tilespmem:v57+s29+$0x0] =	vst.idx.msk $0xffff, v0  }
0x239: {  	[tilespmem:v3+s29+$0x0] =	vst.idx.msk $0xffff, v2  }
0x23a: {  	v4 =	vor.u32 v7, v27;
	v3 =	vld [tilespmem:$0x1F8C0]  }
0x23b: {  	v7 =	vor.u32 v7, v26;
	_ =	sdelay $0x3  }
0x23c: {  	v0 =	vld.idx.msk [tilespmem:v4+s30+$0x0], $0xffff;
	v51 =	vor.u32 v3, v6  }
0x23d: {  	v2 =	vld.idx.msk [tilespmem:v7+s30+$0x0], $0xffff;
	v4 =	vor.u32 v10, v27;
	v3 =	vor.u32 v3, v5  }
0x23e: {  	v7 =	vor.u32 v10, v26;
	_ =	sdelay $0x2  }
0x23f: {  	[tilespmem:v51+s29+$0x0] =	vst.idx.msk $0xffff, v0  }
0x240: {  	v55 =	vor.u32 v54, v6;
	[tilespmem:v3+s29+$0x0] =	vst.idx.msk $0xffff, v2;
	v0 =	vld.idx.msk [tilespmem:v4+s30+$0x0], $0xffff  }
0x241: {  	v3 =	vor.u32 v54, v5;
	v2 =	vld.idx.msk [tilespmem:v7+s30+$0x0], $0xffff;
	_ =	sdelay $0x3  }
0x242: {  	[tilespmem:v55+s29+$0x0] =	vst.idx.msk $0xffff, v0  }
0x243: {  	[tilespmem:v3+s29+$0x0] =	vst.idx.msk $0xffff, v2  }
0x244: {  	v4 =	vor.u32 v11, v27;
	v18 =	vld [tilespmem:$0x1F8E0]  }
0x245: {  	v19 =	vld [tilespmem:$0x1F8F0]  }
0x246: {  	v7 =	vor.u32 v11, v26;
	v20 =	vld [tilespmem:$0x1F900]  }
0x247: {  	v21 =	vld [tilespmem:$0x1F910];
	_ =	sdelay $0x1  }
0x248: {  	v57 =	vor.u32 v53, v6;
	v0 =	vld.idx.msk [tilespmem:v4+s30+$0x0], $0xffff;
	_ =	sdelay $0x1  }
0x249: {  	v3 =	vld.idx.msk [tilespmem:v7+s30+$0x0], $0xffff;
	v4 =	vor.u32 v53, v5  }
0x24a: {  	v10 =	vsel vm0, v19, v18;
	v11 =	vsel vm0, v21, v20  }
0x24b: {  	v8 =	vcombine.low v11, v10  }
0x24c: {  	[tilespmem:v57+s29+$0x0] =	vst.idx.msk $0xffff, v0  }
0x24d: {  	[tilespmem:$0x1F4A0] =	vst v8  }
0x24e: {  	[tilespmem:v4+s29+$0x0] =	vst.idx.msk $0xffff, v3  }
0x24f: {  	v51 =	vor.u32 v12, v27;
	v22 =	vld [tilespmem:$0x1F930]  }
0x250: {  	v23 =	vld [tilespmem:$0x1F940]  }
0x251: {  	v7 =	vor.u32 v12, v26;
	v24 =	vld [tilespmem:$0x1F950]  }
0x252: {  	v25 =	vld [tilespmem:$0x1F970];
	_ =	sdelay $0x1  }
0x253: {  	v55 =	vor.u32 v47, v6;
	v0 =	vld.idx.msk [tilespmem:v51+s30+$0x0], $0xffff;
	_ =	sdelay $0x1  }
0x254: {  	v3 =	vor.u32 v47, v5;
	v4 =	vor.u32 v8, v27;
	v57 =	vld.idx.msk [tilespmem:v7+s30+$0x0], $0xffff  }
0x255: {  	v7 =	vor.u32 v8, v26;
	v8 =	vsel vm0, v23, v22;
	v9 =	vsel vm0, v25, v24  }
0x256: {  	v13 =	vcombine.low v9, v8  }
0x257: {  	[tilespmem:v55+s29+$0x0] =	vst.idx.msk $0xffff, v0  }
0x258: {  	[tilespmem:$0x1F4B0] =	vst v13  }
0x259: {  	v0 =	vld.idx.msk [tilespmem:v4+s30+$0x0], $0xffff;
	[tilespmem:v3+s29+$0x0] =	vst.idx.msk $0xffff, v57  }
0x25a: {  	v2 =	vld.idx.msk [tilespmem:v7+s30+$0x0], $0xffff  }
0x25b: {  	v4 =	vld [tilespmem:$0x1FE20]  }
0x25c: {  	v47 =	vor.u32 v49, v6;
	v7 =	vld [tilespmem:$0x1FE30]  }
0x25d: {  	v3 =	vor.u32 v49, v5;
	_ =	sdelay $0x2  }
0x25e: {  	v14 =	vld [tilespmem:$0x1FE40]  }
0x25f: {  	v4 =	vsel vm0, v7, v4;
	v7 =	vld [tilespmem:$0x1FE10];
	[tilespmem:v47+s29+$0x0] =	vst.idx.msk $0xffff, v0  }
0x260: {  	[tilespmem:v3+s29+$0x0] =	vst.idx.msk $0xffff, v2  }
0x261: {  	v55 =	vld [tilespmem:$0x1FE60]  }
0x262: {  	v3 =	vld [tilespmem:$0x1FE80];
	_ =	sdelay $0x1  }
0x263: {  	v12 =	vor.u32 v13, v27;
	_ =	sdelay $0x1  }
0x264: {  	v13 =	vor.u32 v13, v26;
	v16 =	vld [tilespmem:$0x1FE90]  }
0x265: {  	v2 =	vsel vm0, v3, v55;
	v3 =	vld [tilespmem:$0x1FE50];
	_ =	sdelay $0x1  }
0x266: {  	v51 =	vor.u32 v52, v6;
	v0 =	vld.idx.msk [tilespmem:v12+s30+$0x0], $0xffff  }
0x267: {  	v7 =	vsel vm0, v7, v14  }
0x268: {  	v12 =	vld.idx.msk [tilespmem:v13+s30+$0x0], $0xffff;
	v13 =	vor.u32 v52, v5;
	v14 =	vcombine.low v7, v4  }
0x269: {  	v3 =	vsel vm0, v3, v16  }
0x26a: {  	[tilespmem:$0x1F4F0] =	vst v14;
	v57 =	vcombine.low v3, v2  }
0x26b: {  	[tilespmem:v51+s29+$0x0] =	vst.idx.msk $0xffff, v0  }
0x26c: {  	[tilespmem:$0x1F520] =	vst v57  }
0x26d: {  	[tilespmem:v13+s29+$0x0] =	vst.idx.msk $0xffff, v12  }
0x26e: {  	v52 =	vmov v14;
	v14 =	vor.u32 v14, v27;
	v1 =	vld [tilespmem:$0x1F980]  }
0x26f: {  	v15 =	vor.u32 v52, v26;
	_ =	sdelay $0x3  }
0x270: {  	v14 =	vld.idx.msk [tilespmem:v14+s30+$0x0], $0xffff;
	v12 =	vor.u32 v1, v6  }
0x271: {  	v16 =	vor.u32 v57, v27;
	v13 =	vld.idx.msk [tilespmem:v15+s30+$0x0], $0xffff  }
0x272: {  	v15 =	vor.u32 v1, v5;
	v1 =	vsel vm0, v18, v21;
	v21 =	vld [tilespmem:$0x1F990]  }
0x273: {  	v0 =	vsel vm0, v20, v19;
	v17 =	vor.u32 v57, v26  }
0x274: {  	v20 =	vcombine.low v1, v0  }
0x275: {  	[tilespmem:v12+s29+$0x0] =	vst.idx.msk $0xffff, v14  }
0x276: {  	v16 =	vld.idx.msk [tilespmem:v16+s30+$0x0], $0xffff;
	[tilespmem:$0x1F570] =	vst v20  }
0x277: {  	v18 =	vor.u32 v21, v6;
	[tilespmem:v15+s29+$0x0] =	vst.idx.msk $0xffff, v13  }
0x278: {  	v12 =	vsel vm0, v24, v23;
	v14 =	vsel vm0, v22, v25;
	v15 =	vld.idx.msk [tilespmem:v17+s30+$0x0], $0xffff;
	v17 =	vor.u32 v21, v5  }
0x279: {  	v55 =	vcombine.low v14, v12;
	_ =	sdelay $0x1  }
0x27a: {  	[tilespmem:$0x1F580] =	vst v55  }
0x27b: {  	[tilespmem:v18+s29+$0x0] =	vst.idx.msk $0xffff, v16  }
0x27c: {  	[tilespmem:v17+s29+$0x0] =	vst.idx.msk $0xffff, v15  }
0x27d: {  	v19 =	vmov v20;
	v20 =	vor.u32 v20, v27;
	v17 =	vld [tilespmem:$0x1F9A0];
	_ =	sdelay $0x4  }
0x27e: {  	v16 =	vld.idx.msk [tilespmem:v20+s30+$0x0], $0xffff;
	v15 =	vor.u32 v17, v6;
	_ =	sdelay $0x4  }
0x27f: {  	s0 =	simm.s32 $0x20;
	v13 =	vor.u32 v19, v26;
	[tilespmem:v15+s29+$0x0] =	vst.idx.msk $0xffff, v16  }
0x280: {  	s3 =	simm.s32 $0x30;
	v19 =	vor.u32 s0, v46;
	v15 =	vld [tilespmem:$0x1FEA0]  }
0x281: {  	v24 =	vor.u32 s3, v46;
	v22 =	vshll.u32 v19, $0x7;
	v16 =	vld [tilespmem:$0x1FEB0]  }
0x282: {  	v21 =	vshll.u32 v24, $0x7;
	v25 =	vor.u32 v46, v22  }
0x283: {  	v51 =	vmov v26;
	v26 =	vor.u32 v46, v21  }
0x284: {  	v49 =	vmov v27;
	v27 =	vmov s3;
	v13 =	vld.idx.msk [tilespmem:v13+s30+$0x0], $0xffff;
	v17 =	vor.u32 v17, v5  }
0x285: {  	v12 =	vshll.u32 v27, $0x3  }
0x286: {  	v14 =	vand.u32 $0x7F, v24;
	v12 =	vand.u32 $0x400, v12;
	v47 =	vcombine.low v15, v16  }
0x287: {  	v20 =	vor.u32 v12, v14;
	v12 =	vld.idx.msk [tilespmem:v25+s30+$0x0], $0xffff  }
0x288: {  	v24 =	vld.idx.msk [tilespmem:v26+s30+$0x0], $0xffff;
	[tilespmem:$0x1F5A0] =	vst v47  }
0x289: {  	v23 =	vmov s0;
	[tilespmem:v17+s29+$0x0] =	vst.idx.msk $0xffff, v13  }
0x28a: {  	v23 =	vshll.u32 v23, $0x3;
	v18 =	vor.u32 v55, v49;
	v16 =	vld [tilespmem:$0x1F9B0]  }
0x28b: {  	v23 =	vand.u32 $0x400, v23;
	v19 =	vand.u32 $0x6F, v19  }
0x28c: {  	v19 =	vor.u32 v23, v19  }
0x28d: {  	v23 =	vor.u32 v59, v19  }
0x28e: {  	v25 =	vor.u32 v59, v20  }
0x28f: {  	v15 =	vld.idx.msk [tilespmem:v18+s30+$0x0], $0xffff;
	v13 =	vor.u32 v16, v6;
	_ =	sdelay $0x2  }
0x290: {  	[tilespmem:v23+s29+$0x0] =	vst.idx.msk $0xffff, v12  }
0x291: {  	[tilespmem:v25+s29+$0x0] =	vst.idx.msk $0xffff, v24  }
0x292: {  	v14 =	vor.u32 v55, v51;
	[tilespmem:v13+s29+$0x0] =	vst.idx.msk $0xffff, v15  }
0x293: {  	v13 =	vld [tilespmem:$0x1FEC0]  }
0x294: {  	v15 =	vld [tilespmem:$0x1FED0]  }
0x295: {  	v26 =	vor.u32 v60, v22  }
0x296: {  	v27 =	vor.u32 v60, v21  }
0x297: {  	v12 =	vld.idx.msk [tilespmem:v14+s30+$0x0], $0xffff;
	v14 =	vor.u32 v16, v5;
	_ =	sdelay $0x1  }
0x298: {  	v57 =	vcombine.low v13, v15  }
0x299: {  	v17 =	vld.idx.msk [tilespmem:v26+s30+$0x0], $0xffff  }
0x29a: {  	v24 =	vld.idx.msk [tilespmem:v27+s30+$0x0], $0xffff;
	[tilespmem:$0x1F5C0] =	vst v57  }
0x29b: {  	[tilespmem:v14+s29+$0x0] =	vst.idx.msk $0xffff, v12  }
0x29c: {  	v16 =	vor.u32 v47, v49;
	v15 =	vld [tilespmem:$0x1F9C0]  }
0x29d: {  	v18 =	vor.u32 v47, v51  }
0x29e: {  	v23 =	vor.u32 v61, v19  }
0x29f: {  	v25 =	vor.u32 v61, v20;
	v26 =	vor.u32 v62, v22  }
0x2a0: {  	v27 =	vor.u32 v62, v21  }
0x2a1: {  	v13 =	vld.idx.msk [tilespmem:v16+s30+$0x0], $0xffff;
	v12 =	vor.u32 v15, v6  }
0x2a2: {  	v14 =	vld.idx.msk [tilespmem:v18+s30+$0x0], $0xffff;
	v15 =	vor.u32 v15, v5  }
0x2a3: {  	v47 =	vcombine.low v10, v11;
	[tilespmem:v23+s29+$0x0] =	vst.idx.msk $0xffff, v17  }
0x2a4: {  	[tilespmem:v25+s29+$0x0] =	vst.idx.msk $0xffff, v24;
	v17 =	vld.idx.msk [tilespmem:v26+s30+$0x0], $0xffff  }
0x2a5: {  	v24 =	vld.idx.msk [tilespmem:v27+s30+$0x0], $0xffff;
	[tilespmem:$0x1F5E0] =	vst v47  }
0x2a6: {  	[tilespmem:v12+s29+$0x0] =	vst.idx.msk $0xffff, v13  }
0x2a7: {  	[tilespmem:v15+s29+$0x0] =	vst.idx.msk $0xffff, v14  }
0x2a8: {  	v16 =	vor.u32 v57, v49;
	v13 =	vld [tilespmem:$0x1F9D0];
	_ =	sdelay $0x1  }
0x2a9: {  	v18 =	vor.u32 v57, v51  }
0x2aa: {  	v23 =	vor.u32 v63, v19  }
0x2ab: {  	v25 =	vor.u32 v63, v20;
	v26 =	vor.u32 v34, v22  }
0x2ac: {  	v10 =	vld.idx.msk [tilespmem:v16+s30+$0x0], $0xffff;
	v11 =	vor.u32 v13, v6  }
0x2ad: {  	v27 =	vor.u32 v34, v21  }
0x2ae: {  	v12 =	vld.idx.msk [tilespmem:v18+s30+$0x0], $0xffff;
	v13 =	vor.u32 v13, v5  }
0x2af: {  	[tilespmem:v23+s29+$0x0] =	vst.idx.msk $0xffff, v17  }
0x2b0: {  	[tilespmem:v25+s29+$0x0] =	vst.idx.msk $0xffff, v24;
	v16 =	vld.idx.msk [tilespmem:v26+s30+$0x0], $0xffff;
	v26 =	vcombine.low v8, v9  }
0x2b1: {  	[tilespmem:v11+s29+$0x0] =	vst.idx.msk $0xffff, v10  }
0x2b2: {  	v18 =	vld.idx.msk [tilespmem:v27+s30+$0x0], $0xffff;
	[tilespmem:$0x1F600] =	vst v26  }
0x2b3: {  	[tilespmem:v13+s29+$0x0] =	vst.idx.msk $0xffff, v12  }
0x2b4: {  	v14 =	vor.u32 v47, v49;
	v11 =	vld [tilespmem:$0x1F9E0];
	_ =	sdelay $0x1  }
0x2b5: {  	v15 =	vor.u32 v47, v51  }
0x2b6: {  	v17 =	vor.u32 v35, v19  }
0x2b7: {  	v23 =	vor.u32 v35, v20;
	v24 =	vor.u32 v37, v22  }
0x2b8: {  	v8 =	vld.idx.msk [tilespmem:v14+s30+$0x0], $0xffff;
	v9 =	vor.u32 v11, v6  }
0x2b9: {  	v25 =	vor.u32 v37, v21  }
0x2ba: {  	v10 =	vld.idx.msk [tilespmem:v15+s30+$0x0], $0xffff;
	v11 =	vor.u32 v11, v5  }
0x2bb: {  	[tilespmem:v17+s29+$0x0] =	vst.idx.msk $0xffff, v16  }
0x2bc: {  	[tilespmem:v23+s29+$0x0] =	vst.idx.msk $0xffff, v18;
	v13 =	vld.idx.msk [tilespmem:v24+s30+$0x0], $0xffff;
	v24 =	vcombine.low v4, v7  }
0x2bd: {  	[tilespmem:v9+s29+$0x0] =	vst.idx.msk $0xffff, v8  }
0x2be: {  	v16 =	vld.idx.msk [tilespmem:v25+s30+$0x0], $0xffff;
	[tilespmem:$0x1F620] =	vst v24  }
0x2bf: {  	[tilespmem:v11+s29+$0x0] =	vst.idx.msk $0xffff, v10  }
0x2c0: {  	v12 =	vor.u32 v26, v49;
	v9 =	vld [tilespmem:$0x1F9F0]  }
0x2c1: {  	v14 =	vor.u32 v26, v51;
	v15 =	vor.u32 v38, v19  }
0x2c2: {  	v18 =	vor.u32 v39, v22  }
0x2c3: {  	v17 =	vor.u32 v38, v20  }
0x2c4: {  	v23 =	vor.u32 v39, v21  }
0x2c5: {  	v4 =	vld.idx.msk [tilespmem:v12+s30+$0x0], $0xffff;
	v7 =	vor.u32 v9, v6  }
0x2c6: {  	[tilespmem:v15+s29+$0x0] =	vst.idx.msk $0xffff, v13;
	v8 =	vld.idx.msk [tilespmem:v14+s30+$0x0], $0xffff;
	v9 =	vor.u32 v9, v5  }
0x2c7: {  	v11 =	vld.idx.msk [tilespmem:v18+s30+$0x0], $0xffff;
	v18 =	vcombine.low v2, v3  }
0x2c8: {  	[tilespmem:v17+s29+$0x0] =	vst.idx.msk $0xffff, v16  }
0x2c9: {  	v14 =	vld.idx.msk [tilespmem:v23+s30+$0x0], $0xffff;
	[tilespmem:$0x1F640] =	vst v18  }
0x2ca: {  	[tilespmem:v7+s29+$0x0] =	vst.idx.msk $0xffff, v4  }
0x2cb: {  	[tilespmem:v9+s29+$0x0] =	vst.idx.msk $0xffff, v8  }
0x2cc: {  	v10 =	vor.u32 v24, v49;
	v8 =	vld [tilespmem:$0x1FA00]  }
0x2cd: {  	v12 =	vor.u32 v24, v51;
	v13 =	vor.u32 v40, v19  }
0x2ce: {  	v16 =	vor.u32 v42, v22  }
0x2cf: {  	v15 =	vor.u32 v40, v20  }
0x2d0: {  	v17 =	vor.u32 v42, v21  }
0x2d1: {  	v55 =	vld.idx.msk [tilespmem:v10+s30+$0x0], $0xffff;
	v3 =	vor.u32 v8, v6  }
0x2d2: {  	v4 =	vor.u32 v18, v49;
	[tilespmem:v13+s29+$0x0] =	vst.idx.msk $0xffff, v11;
	v7 =	vld.idx.msk [tilespmem:v12+s30+$0x0], $0xffff;
	v8 =	vor.u32 v8, v5  }
0x2d3: {  	v9 =	vld.idx.msk [tilespmem:v16+s30+$0x0], $0xffff;
	v16 =	vcombine.low v0, v1  }
0x2d4: {  	[tilespmem:v15+s29+$0x0] =	vst.idx.msk $0xffff, v14  }
0x2d5: {  	v12 =	vld.idx.msk [tilespmem:v17+s30+$0x0], $0xffff;
	[tilespmem:$0x1F660] =	vst v16  }
0x2d6: {  	[tilespmem:v3+s29+$0x0] =	vst.idx.msk $0xffff, v55  }
0x2d7: {  	[tilespmem:v8+s29+$0x0] =	vst.idx.msk $0xffff, v7;
	v57 =	vld.idx.msk [tilespmem:v4+s30+$0x0], $0xffff  }
0x2d8: {  	v4 =	vld [tilespmem:$0x1FA10];
	_ =	sdelay $0x1  }
0x2d9: {  	v10 =	vor.u32 v18, v51;
	v11 =	vor.u32 v41, v19  }
0x2da: {  	v13 =	vor.u32 v41, v20;
	v14 =	vor.u32 v48, v22  }
0x2db: {  	v15 =	vor.u32 v48, v21  }
0x2dc: {  	v41 =	vor.u32 v4, v6  }
0x2dd: {  	v47 =	vor.u32 v16, v49  }
0x2de: {  	[tilespmem:v11+s29+$0x0] =	vst.idx.msk $0xffff, v9;
	v3 =	vld.idx.msk [tilespmem:v10+s30+$0x0], $0xffff;
	v4 =	vor.u32 v4, v5  }
0x2df: {  	[tilespmem:v13+s29+$0x0] =	vst.idx.msk $0xffff, v12;
	v9 =	vor.u32 v56, v19;
	v8 =	vld.idx.msk [tilespmem:v14+s30+$0x0], $0xffff  }
0x2e0: {  	v11 =	vor.u32 v56, v20;
	v12 =	vor.u32 v58, v22;
	v10 =	vld.idx.msk [tilespmem:v15+s30+$0x0], $0xffff  }
0x2e1: {  	v48 =	vor.u32 $0x20, v46;
	v13 =	vor.u32 v58, v21;
	[tilespmem:v41+s29+$0x0] =	vst.idx.msk $0xffff, v57  }
0x2e2: {  	v1 =	vld.idx.msk [tilespmem:v47+s30+$0x0], $0xffff;
	[tilespmem:$0x1F680] =	vst v48  }
0x2e3: {  	[tilespmem:v4+s29+$0x0] =	vst.idx.msk $0xffff, v3  }
0x2e4: {  	v52 =	vld [tilespmem:$0x1FA20];
	[tilespmem:v9+s29+$0x0] =	vst.idx.msk $0xffff, v8  }
0x2e5: {  	[tilespmem:v11+s29+$0x0] =	vst.idx.msk $0xffff, v10;
	v9 =	vld.idx.msk [tilespmem:v12+s30+$0x0], $0xffff  }
0x2e6: {  	v12 =	vld.idx.msk [tilespmem:v13+s30+$0x0], $0xffff  }
0x2e7: {  	v26 =	vld [tilespmem:$0x1FC10]  }
0x2e8: {  	v27 =	vld [tilespmem:$0x1FC20]  }
0x2e9: {  	v7 =	vor.u32 v16, v51;
	v11 =	vor.u32 v44, v19;
	v13 =	vor.u32 v44, v20;
	v44 =	vld [tilespmem:$0x1FC30]  }
0x2ea: {  	v47 =	vld [tilespmem:$0x1FC40];
	_ =	sdelay $0x1  }
0x2eb: {  	v3 =	vor.u32 v52, v6;
	_ =	sdelay $0x1  }
0x2ec: {  	v4 =	vld.idx.msk [tilespmem:v7+s30+$0x0], $0xffff;
	v8 =	vor.u32 v48, v49;
	v7 =	vor.u32 v52, v5  }
0x2ed: {  	v58 =	vsel vm0, v27, v26;
	v41 =	vsel vm0, v47, v44  }
0x2ee: {  	v10 =	vor.u32 v48, v51;
	v55 =	vcombine.low v41, v58  }
0x2ef: {  	v14 =	vor.u32 v31, v22;
	[tilespmem:v3+s29+$0x0] =	vst.idx.msk $0xffff, v1  }
0x2f0: {  	v15 =	vor.u32 v31, v21;
	[tilespmem:$0x1F6A0] =	vst v55  }
0x2f1: {  	v1 =	vld.idx.msk [tilespmem:v8+s30+$0x0], $0xffff;
	[tilespmem:v7+s29+$0x0] =	vst.idx.msk $0xffff, v4  }
0x2f2: {  	v56 =	vld [tilespmem:$0x1FA30]  }
0x2f3: {  	[tilespmem:v11+s29+$0x0] =	vst.idx.msk $0xffff, v9;
	v8 =	vld.idx.msk [tilespmem:v10+s30+$0x0], $0xffff  }
0x2f4: {  	[tilespmem:v13+s29+$0x0] =	vst.idx.msk $0xffff, v12;
	v11 =	vld.idx.msk [tilespmem:v14+s30+$0x0], $0xffff  }
0x2f5: {  	v14 =	vld.idx.msk [tilespmem:v15+s30+$0x0], $0xffff  }
0x2f6: {  	v3 =	vld [tilespmem:$0x1FC50]  }
0x2f7: {  	v10 =	vor.u32 v55, v49;
	v12 =	vor.u32 v55, v51;
	v55 =	vld [tilespmem:$0x1FC60]  }
0x2f8: {  	v52 =	vld [tilespmem:$0x1FC80]  }
0x2f9: {  	v7 =	vor.u32 v56, v6;
	v9 =	vor.u32 v56, v5;
	v56 =	vld [tilespmem:$0x1FC70];
	_ =	sdelay $0x4  }
0x2fa: {  	v13 =	vor.u32 v43, v19;
	v31 =	vsel vm0, v55, v3;
	v4 =	vsel vm0, v52, v56  }
0x2fb: {  	v15 =	vor.u32 v43, v20;
	v57 =	vcombine.low v4, v31  }
0x2fc: {  	[tilespmem:v7+s29+$0x0] =	vst.idx.msk $0xffff, v1  }
0x2fd: {  	[tilespmem:$0x1F6E0] =	vst v57  }
0x2fe: {  	v1 =	vld.idx.msk [tilespmem:v10+s30+$0x0], $0xffff;
	[tilespmem:v9+s29+$0x0] =	vst.idx.msk $0xffff, v8  }
0x2ff: {  	v43 =	vld [tilespmem:$0x1FA40];
	[tilespmem:v13+s29+$0x0] =	vst.idx.msk $0xffff, v11  }
0x300: {  	v10 =	vld.idx.msk [tilespmem:v12+s30+$0x0], $0xffff;
	[tilespmem:v15+s29+$0x0] =	vst.idx.msk $0xffff, v14  }
0x301: {  	v2 =	vld [tilespmem:$0x1FC90]  }
0x302: {  	v23 =	vor.u32 v36, v21;
	v18 =	vor.u32 v36, v22;
	v36 =	vld [tilespmem:$0x1FCA0]  }
0x303: {  	v12 =	vor.u32 v57, v49;
	v14 =	vor.u32 v57, v51;
	v57 =	vld [tilespmem:$0x1FCC0]  }
0x304: {  	v16 =	vor.u32 v30, v22;
	v9 =	vor.u32 v43, v6;
	v11 =	vor.u32 v43, v5;
	v43 =	vld [tilespmem:$0x1FCB0]  }
0x305: {  	v17 =	vor.u32 v30, v21;
	_ =	sdelay $0x3  }
0x306: {  	v15 =	vor.u32 v45, v19;
	v13 =	vld.idx.msk [tilespmem:v16+s30+$0x0], $0xffff;
	v7 =	vsel vm0, v36, v2;
	v8 =	vsel vm0, v57, v43  }
0x307: {  	v16 =	vld.idx.msk [tilespmem:v17+s30+$0x0], $0xffff;
	v17 =	vor.u32 v45, v20;
	v48 =	vcombine.low v8, v7  }
0x308: {  	[tilespmem:v9+s29+$0x0] =	vst.idx.msk $0xffff, v1  }
0x309: {  	[tilespmem:$0x1F720] =	vst v48  }
0x30a: {  	v1 =	vld.idx.msk [tilespmem:v12+s30+$0x0], $0xffff;
	[tilespmem:v11+s29+$0x0] =	vst.idx.msk $0xffff, v10  }
0x30b: {  	v11 =	vld [tilespmem:$0x1FA50];
	[tilespmem:v15+s29+$0x0] =	vst.idx.msk $0xffff, v13  }
0x30c: {  	v10 =	vld.idx.msk [tilespmem:v14+s30+$0x0], $0xffff;
	[tilespmem:v17+s29+$0x0] =	vst.idx.msk $0xffff, v16  }
0x30d: {  	v15 =	vor.u32 v32, v19;
	v17 =	vor.u32 v32, v20;
	v32 =	vld [tilespmem:$0x1FCE0]  }
0x30e: {  	v0 =	vld [tilespmem:$0x1FD00]  }
0x30f: {  	v12 =	vor.u32 v48, v49;
	v14 =	vor.u32 v48, v51;
	v48 =	vld [tilespmem:$0x1FCF0]  }
0x310: {  	v9 =	vor.u32 v11, v6;
	_ =	sdelay $0x1  }
0x311: {  	v13 =	vld.idx.msk [tilespmem:v18+s30+$0x0], $0xffff  }
0x312: {  	v16 =	vld.idx.msk [tilespmem:v23+s30+$0x0], $0xffff;
	v18 =	vor.u32 v28, v22;
	v11 =	vor.u32 v11, v5  }
0x313: {  	v23 =	vor.u32 v28, v21;
	v28 =	vmovc v50;
	v45 =	vsel vm0, v32, v50;
	v50 =	vsel vm0, v0, v48  }
0x314: {  	[tilespmem:v9+s29+$0x0] =	vst.idx.msk $0xffff, v1;
	v9 =	vcombine.low v50, v45;
	_ =	sdelay $0x1  }
0x315: {  	[tilespmem:$0x1F740] =	vst v9  }
0x316: {  	v1 =	vld.idx.msk [tilespmem:v12+s30+$0x0], $0xffff;
	[tilespmem:v11+s29+$0x0] =	vst.idx.msk $0xffff, v10  }
0x317: {  	v10 =	vld [tilespmem:$0x1FA60];
	[tilespmem:v15+s29+$0x0] =	vst.idx.msk $0xffff, v13  }
0x318: {  	v12 =	vld.idx.msk [tilespmem:v14+s30+$0x0], $0xffff;
	[tilespmem:v17+s29+$0x0] =	vst.idx.msk $0xffff, v16  }
0x319: {  	v14 =	vor.u32 v9, v49;
	v16 =	vor.u32 v9, v51;
	v9 =	vld [tilespmem:$0x1F870];
	_ =	sdelay $0x2  }
0x31a: {  	v15 =	vld.idx.msk [tilespmem:v18+s30+$0x0], $0xffff  }
0x31b: {  	v18 =	vld.idx.msk [tilespmem:v23+s30+$0x0], $0xffff  }
0x31c: {  	v17 =	vor.u32 v9, v19;
	v23 =	vor.u32 v9, v20;
	v9 =	vld [tilespmem:$0x1F880];
	_ =	sdelay $0x1  }
0x31d: {  	v11 =	vor.u32 v10, v6;
	_ =	sdelay $0x1  }
0x31e: {  	v30 =	vsel vm0, v44, v27;
	v13 =	vor.u32 v10, v5  }
0x31f: {  	v24 =	vor.u32 v9, v22;
	v25 =	vor.u32 v9, v21;
	v9 =	vsel vm0, v26, v47  }
0x320: {  	v10 =	vcombine.low v9, v30  }
0x321: {  	[tilespmem:v11+s29+$0x0] =	vst.idx.msk $0xffff, v1  }
0x322: {  	[tilespmem:$0x1F760] =	vst v10  }
0x323: {  	[tilespmem:v13+s29+$0x0] =	vst.idx.msk $0xffff, v12  }
0x324: {  	v13 =	vld [tilespmem:$0x1FA70];
	_ =	sdelay $0x4  }
0x325: {  	v1 =	vld.idx.msk [tilespmem:v14+s30+$0x0], $0xffff;
	v11 =	vor.u32 v13, v6  }
0x326: {  	v44 =	vsel vm0, v3, v52;
	v14 =	vor.u32 v10, v49;
	[tilespmem:v17+s29+$0x0] =	vst.idx.msk $0xffff, v15  }
0x327: {  	v12 =	vld.idx.msk [tilespmem:v16+s30+$0x0], $0xffff;
	[tilespmem:v23+s29+$0x0] =	vst.idx.msk $0xffff, v18;
	v16 =	vor.u32 v10, v51;
	v13 =	vor.u32 v13, v5  }
0x328: {  	v17 =	vor.u32 v33, v19;
	v23 =	vor.u32 v33, v20;
	v33 =	vsel vm0, v56, v55;
	v10 =	vld [tilespmem:$0x1F890]  }
0x329: {  	v3 =	vcombine.low v44, v33  }
0x32a: {  	v15 =	vld.idx.msk [tilespmem:v24+s30+$0x0], $0xffff;
	[tilespmem:v11+s29+$0x0] =	vst.idx.msk $0xffff, v1  }
0x32b: {  	v18 =	vld.idx.msk [tilespmem:v25+s30+$0x0], $0xffff;
	[tilespmem:$0x1F780] =	vst v3  }
0x32c: {  	[tilespmem:v13+s29+$0x0] =	vst.idx.msk $0xffff, v12  }
0x32d: {  	v24 =	vor.u32 v10, v22;
	v25 =	vor.u32 v10, v21;
	v10 =	vld [tilespmem:$0x1FA80];
	_ =	sdelay $0x2  }
0x32e: {  	v1 =	vld.idx.msk [tilespmem:v14+s30+$0x0], $0xffff;
	[tilespmem:v17+s29+$0x0] =	vst.idx.msk $0xffff, v15  }
0x32f: {  	v12 =	vld.idx.msk [tilespmem:v16+s30+$0x0], $0xffff;
	[tilespmem:v23+s29+$0x0] =	vst.idx.msk $0xffff, v18  }
0x330: {  	v14 =	vor.u32 v3, v49;
	v16 =	vor.u32 v3, v51;
	v3 =	vld [tilespmem:$0x1F8A0];
	v11 =	vor.u32 v10, v6;
	_ =	sdelay $0x1  }
0x331: {  	v13 =	vor.u32 v10, v5  }
0x332: {  	v47 =	vsel vm0, v43, v36;
	v10 =	vsel vm0, v2, v57  }
0x333: {  	v15 =	vld.idx.msk [tilespmem:v24+s30+$0x0], $0xffff;
	v56 =	vcombine.low v10, v47  }
0x334: {  	v17 =	vor.u32 v3, v19;
	v23 =	vor.u32 v3, v20;
	v3 =	vld [tilespmem:$0x1F8B0];
	[tilespmem:v11+s29+$0x0] =	vst.idx.msk $0xffff, v1  }
0x335: {  	v18 =	vld.idx.msk [tilespmem:v25+s30+$0x0], $0xffff;
	[tilespmem:$0x1F7A0] =	vst v56  }
0x336: {  	[tilespmem:v13+s29+$0x0] =	vst.idx.msk $0xffff, v12  }
0x337: {  	v57 =	vld [tilespmem:$0x1FA90];
	_ =	sdelay $0x1  }
0x338: {  	[tilespmem:v17+s29+$0x0] =	vst.idx.msk $0xffff, v15  }
0x339: {  	[tilespmem:v23+s29+$0x0] =	vst.idx.msk $0xffff, v18  }
0x33a: {  	v24 =	vor.u32 v3, v22;
	v36 =	vld [tilespmem:$0x1F8C0]  }
0x33b: {  	v25 =	vor.u32 v3, v21;
	v11 =	vld.idx.msk [tilespmem:v14+s30+$0x0], $0xffff;
	v12 =	vor.u32 v57, v6  }
0x33c: {  	v13 =	vld.idx.msk [tilespmem:v16+s30+$0x0], $0xffff  }
0x33d: {  	v43 =	vld [tilespmem:$0x1FEF0];
	v14 =	vor.u32 v57, v5  }
0x33e: {  	v27 =	vsel vm0, v48, v32;
	v28 =	vsel vm0, v28, v0  }
0x33f: {  	v0 =	vcombine.low v28, v27;
	v16 =	vld.idx.msk [tilespmem:v24+s30+$0x0], $0xffff;
	v18 =	vor.u32 v36, v19  }
0x340: {  	v23 =	vld.idx.msk [tilespmem:v25+s30+$0x0], $0xffff;
	v24 =	vor.u32 v36, v20;
	[tilespmem:v12+s29+$0x0] =	vst.idx.msk $0xffff, v11  }
0x341: {  	[tilespmem:$0x1F7C0] =	vst v0  }
0x342: {  	v25 =	vor.u32 v43, v22;
	[tilespmem:v14+s29+$0x0] =	vst.idx.msk $0xffff, v13  }
0x343: {  	v15 =	vor.u32 v56, v49;
	v48 =	vld [tilespmem:$0x1FAA0]  }
0x344: {  	v17 =	vor.u32 v56, v51;
	[tilespmem:v18+s29+$0x0] =	vst.idx.msk $0xffff, v16  }
0x345: {  	[tilespmem:v24+s29+$0x0] =	vst.idx.msk $0xffff, v23  }
0x346: {  	v52 =	vld [tilespmem:$0x1FF10]  }
0x347: {  	v26 =	vor.u32 v43, v21;
	v18 =	vor.u32 v54, v19;
	v16 =	vld.idx.msk [tilespmem:v25+s30+$0x0], $0xffff  }
0x348: {  	v11 =	vld.idx.msk [tilespmem:v15+s30+$0x0], $0xffff;
	v12 =	vor.u32 v48, v6  }
0x349: {  	v15 =	vor.u32 v0, v49;
	v13 =	vld.idx.msk [tilespmem:v17+s30+$0x0], $0xffff;
	v14 =	vor.u32 v48, v5  }
0x34a: {  	v17 =	vor.u32 v0, v51  }
0x34b: {  	v25 =	vor.u32 v52, v22  }
0x34c: {  	v24 =	vor.u32 v54, v20;
	v23 =	vld.idx.msk [tilespmem:v26+s30+$0x0], $0xffff;
	[tilespmem:v18+s29+$0x0] =	vst.idx.msk $0xffff, v16  }
0x34d: {  	v55 =	vcombine.low v58, v41;
	v26 =	vor.u32 v52, v21;
	[tilespmem:v12+s29+$0x0] =	vst.idx.msk $0xffff, v11  }
0x34e: {  	v57 =	vor.u32 v29, v6;
	[tilespmem:v14+s29+$0x0] =	vst.idx.msk $0xffff, v13;
	v56 =	vld.idx.msk [tilespmem:v15+s30+$0x0], $0xffff  }
0x34f: {  	v12 =	vor.u32 v29, v5;
	v11 =	vld.idx.msk [tilespmem:v17+s30+$0x0], $0xffff;
	[tilespmem:$0x1F7D0] =	vst v55  }
0x350: {  	v16 =	vor.u32 v53, v19;
	v13 =	vor.u32 v55, v49;
	v15 =	vld.idx.msk [tilespmem:v25+s30+$0x0], $0xffff  }
0x351: {  	v14 =	vor.u32 v55, v51;
	[tilespmem:v24+s29+$0x0] =	vst.idx.msk $0xffff, v23  }
0x352: {  	v23 =	vor.u32 v53, v20;
	v18 =	vld.idx.msk [tilespmem:v26+s30+$0x0], $0xffff  }
0x353: {  	v58 =	vld [tilespmem:$0x1FF30];
	[tilespmem:v57+s29+$0x0] =	vst.idx.msk $0xffff, v56  }
0x354: {  	v25 =	vcombine.low v31, v4;
	v32 =	vld [tilespmem:$0x1FAC0];
	[tilespmem:v12+s29+$0x0] =	vst.idx.msk $0xffff, v11  }
0x355: {  	v2 =	vld.idx.msk [tilespmem:v13+s30+$0x0], $0xffff;
	[tilespmem:v16+s29+$0x0] =	vst.idx.msk $0xffff, v15  }
0x356: {  	v11 =	vld.idx.msk [tilespmem:v14+s30+$0x0], $0xffff;
	[tilespmem:$0x1F490] =	vst v25  }
0x357: {  	[tilespmem:v23+s29+$0x0] =	vst.idx.msk $0xffff, v18  }
0x358: {  	v17 =	vor.u32 v58, v22;
	v41 =	vld [tilespmem:$0x1F8D0];
	_ =	sdelay $0x1  }
0x359: {  	v24 =	vor.u32 v58, v21  }
0x35a: {  	v36 =	vor.u32 v32, v6  }
0x35b: {  	v4 =	vor.u32 v32, v5  }
0x35c: {  	v3 =	vor.u32 v25, v49;
	v13 =	vld.idx.msk [tilespmem:v17+s30+$0x0], $0xffff;
	v14 =	vor.u32 v41, v19  }
0x35d: {  	v12 =	vor.u32 v25, v51;
	v43 =	vld [tilespmem:$0x1F4A0]  }
0x35e: {  	v15 =	vld.idx.msk [tilespmem:v24+s30+$0x0], $0xffff;
	v16 =	vor.u32 v41, v20  }
0x35f: {  	[tilespmem:v36+s29+$0x0] =	vst.idx.msk $0xffff, v2  }
0x360: {  	v7 =	vcombine.low v7, v8;
	v48 =	vld [tilespmem:$0x1FFC0];
	[tilespmem:v4+s29+$0x0] =	vst.idx.msk $0xffff, v11  }
0x361: {  	v0 =	vld.idx.msk [tilespmem:v3+s30+$0x0], $0xffff;
	[tilespmem:v14+s29+$0x0] =	vst.idx.msk $0xffff, v13  }
0x362: {  	v4 =	vld.idx.msk [tilespmem:v12+s30+$0x0], $0xffff;
	[tilespmem:$0x1F7E0] =	vst v7  }
0x363: {  	v17 =	vor.u32 v43, v22;
	[tilespmem:v16+s29+$0x0] =	vst.idx.msk $0xffff, v15  }
0x364: {  	v18 =	vor.u32 v43, v21;
	v56 =	vld [tilespmem:$0x1F920];
	_ =	sdelay $0x1  }
0x365: {  	v52 =	vor.u32 v48, v6  }
0x366: {  	v55 =	vmov v7;
	v7 =	vor.u32 v7, v49  }
0x367: {  	v11 =	vld.idx.msk [tilespmem:v17+s30+$0x0], $0xffff;
	v3 =	vor.u32 v48, v5  }
0x368: {  	v13 =	vld.idx.msk [tilespmem:v18+s30+$0x0], $0xffff;
	[tilespmem:$0x1F4C0] =	vst v45;
	v12 =	vor.u32 v56, v19  }
0x369: {  	v57 =	vld [tilespmem:$0x1F4B0];
	[tilespmem:$0x1F4D0] =	vst v50;
	v14 =	vor.u32 v56, v20  }
0x36a: {  	[tilespmem:v52+s29+$0x0] =	vst.idx.msk $0xffff, v0  }
0x36b: {  	v0 =	vld.idx.msk [tilespmem:v7+s30+$0x0], $0xffff  }
0x36c: {  	v8 =	vor.u32 v55, v51;
	v7 =	vld [tilespmem:$0x1FF90];
	[tilespmem:v3+s29+$0x0] =	vst.idx.msk $0xffff, v4  }
0x36d: {  	[tilespmem:v12+s29+$0x0] =	vst.idx.msk $0xffff, v11  }
0x36e: {  	v15 =	vor.u32 v57, v22;
	[tilespmem:v14+s29+$0x0] =	vst.idx.msk $0xffff, v13  }
0x36f: {  	v16 =	vor.u32 v57, v21;
	v36 =	vld [tilespmem:$0x1FFB0];
	_ =	sdelay $0x1  }
0x370: {  	v58 =	vcombine.low v45, v50;
	v32 =	vor.u32 v7, v6;
	v4 =	vor.u32 v7, v5;
	v7 =	vld.idx.msk [tilespmem:v8+s30+$0x0], $0xffff  }
0x371: {  	v41 =	vld [tilespmem:$0x1F4F0]  }
0x372: {  	v8 =	vld.idx.msk [tilespmem:v15+s30+$0x0], $0xffff;
	[tilespmem:$0x1F4E0] =	vst v58  }
0x373: {  	v3 =	vor.u32 v58, v49;
	v13 =	vld.idx.msk [tilespmem:v16+s30+$0x0], $0xffff;
	v16 =	vcombine.low v30, v9;
	v12 =	vor.u32 v36, v19  }
0x374: {  	v11 =	vor.u32 v58, v51  }
0x375: {  	[tilespmem:$0x1F7F0] =	vst v16  }
0x376: {  	v14 =	vor.u32 v36, v20;
	v15 =	vor.u32 v41, v22;
	[tilespmem:v32+s29+$0x0] =	vst.idx.msk $0xffff, v0  }
0x377: {  	v45 =	vld [tilespmem:$0x1FFA0];
	[tilespmem:v4+s29+$0x0] =	vst.idx.msk $0xffff, v7  }
0x378: {  	v3 =	vld.idx.msk [tilespmem:v3+s30+$0x0], $0xffff;
	[tilespmem:v12+s29+$0x0] =	vst.idx.msk $0xffff, v8  }
0x379: {  	v9 =	vor.u32 v41, v21;
	v8 =	vld.idx.msk [tilespmem:v11+s30+$0x0], $0xffff;
	[tilespmem:$0x1F500] =	vst v47  }
0x37a: {  	[tilespmem:$0x1F510] =	vst v10  }
0x37b: {  	v50 =	vcombine.low v47, v10;
	v10 =	vld.idx.msk [tilespmem:v15+s30+$0x0], $0xffff;
	[tilespmem:v14+s29+$0x0] =	vst.idx.msk $0xffff, v13  }
0x37c: {  	v48 =	vor.u32 v45, v6;
	v12 =	vld [tilespmem:$0x1F980]  }
0x37d: {  	v18 =	vld [tilespmem:$0x1FF70]  }
0x37e: {  	v9 =	vld.idx.msk [tilespmem:v9+s30+$0x0], $0xffff;
	[tilespmem:$0x1F530] =	vst v50  }
0x37f: {  	[tilespmem:$0x1F540] =	vst v33  }
0x380: {  	v43 =	vor.u32 v16, v51;
	v7 =	vor.u32 v45, v5;
	[tilespmem:$0x1F550] =	vst v44  }
0x381: {  	v4 =	vor.u32 v16, v49;
	v16 =	vld [tilespmem:$0x1F520];
	[tilespmem:v48+s29+$0x0] =	vst.idx.msk $0xffff, v3;
	v11 =	vor.u32 v12, v19  }
0x382: {  	v17 =	vor.u32 v18, v6;
	v55 =	vor.u32 v18, v5;
	v18 =	vld [tilespmem:$0x1FF80];
	_ =	sdelay $0x2  }
0x383: {  	[tilespmem:v7+s29+$0x0] =	vst.idx.msk $0xffff, v8  }
0x384: {  	v12 =	vor.u32 v12, v20;
	[tilespmem:v11+s29+$0x0] =	vst.idx.msk $0xffff, v10  }
0x385: {  	v13 =	vor.u32 v16, v22;
	v3 =	vor.u32 v18, v6;
	v7 =	vor.u32 v18, v5;
	v18 =	vld [tilespmem:$0x1F990]  }
0x386: {  	v16 =	vor.u32 v16, v21  }
0x387: {  	v52 =	vcombine.low v33, v44  }
0x388: {  	v4 =	vld.idx.msk [tilespmem:v4+s30+$0x0], $0xffff  }
0x389: {  	v0 =	vld.idx.msk [tilespmem:v43+s30+$0x0], $0xffff;
	[tilespmem:$0x1F560] =	vst v52  }
0x38a: {  	v13 =	vld.idx.msk [tilespmem:v13+s30+$0x0], $0xffff;
	[tilespmem:v12+s29+$0x0] =	vst.idx.msk $0xffff, v9;
	v10 =	vor.u32 v18, v19  }
0x38b: {  	v12 =	vld.idx.msk [tilespmem:v16+s30+$0x0], $0xffff;
	v16 =	vor.u32 v18, v20  }
0x38c: {  	v56 =	vld [tilespmem:$0x1F570]  }
0x38d: {  	[tilespmem:v3+s29+$0x0] =	vst.idx.msk $0xffff, v4  }
0x38e: {  	[tilespmem:v7+s29+$0x0] =	vst.idx.msk $0xffff, v0  }
0x38f: {  	v8 =	vor.u32 v52, v49;
	[tilespmem:v10+s29+$0x0] =	vst.idx.msk $0xffff, v13  }
0x390: {  	v11 =	vor.u32 v52, v51;
	[tilespmem:v16+s29+$0x0] =	vst.idx.msk $0xffff, v12  }
0x391: {  	v9 =	vor.u32 v56, v22;
	v58 =	vld [tilespmem:$0x1F9A0];
	_ =	sdelay $0x2  }
0x392: {  	v7 =	vld.idx.msk [tilespmem:v8+s30+$0x0], $0xffff  }
0x393: {  	v10 =	vld.idx.msk [tilespmem:v11+s30+$0x0], $0xffff  }
0x394: {  	v9 =	vld.idx.msk [tilespmem:v9+s30+$0x0], $0xffff;
	v12 =	vor.u32 v58, v19  }
0x395: {  	s31 =	simm.s32 $0x50  }
0x396: {  	v23 =	vor.u32 s31, v46  }
0x397: {  	s3 =	simm.s32 $0x40;
	v26 =	vshll.u32 v23, $0x7;
	v32 =	vld [tilespmem:$0x1F580];
	[tilespmem:v17+s29+$0x0] =	vst.idx.msk $0xffff, v7  }
0x398: {  	v24 =	vmov s3;
	v18 =	vor.u32 s3, v46;
	v27 =	vor.u32 v56, v21;
	[tilespmem:v55+s29+$0x0] =	vst.idx.msk $0xffff, v10  }
0x399: {  	v24 =	vshll.u32 v24, $0x3;
	v57 =	vor.u32 v46, v26;
	v25 =	vshll.u32 v18, $0x7;
	v33 =	vld [tilespmem:$0x1FAD0];
	[tilespmem:v12+s29+$0x0] =	vst.idx.msk $0xffff, v9  }
0x39a: {  	v14 =	vor.u32 v50, v51;
	v4 =	vmov s31;
	v3 =	vor.u32 v46, v25;
	v44 =	vld [tilespmem:$0x1FD30]  }
0x39b: {  	v15 =	vor.u32 v50, v49;
	v4 =	vshll.u32 v4, $0x3;
	v8 =	vand.u32 $0x6F, v18;
	v47 =	vld [tilespmem:$0x1FD40]  }
0x39c: {  	v18 =	vand.u32 $0x400, v24;
	v4 =	vand.u32 $0x400, v4;
	v11 =	vand.u32 $0x7F, v23  }
0x39d: {  	v24 =	vor.u32 v18, v8;
	v23 =	vor.u32 v4, v11;
	v4 =	vld.idx.msk [tilespmem:v27+s30+$0x0], $0xffff;
	v8 =	vor.u32 v58, v20  }
0x39e: {  	v18 =	vld.idx.msk [tilespmem:v57+s30+$0x0], $0xffff  }
0x39f: {  	v16 =	vor.u32 v59, v24;
	v3 =	vld.idx.msk [tilespmem:v3+s30+$0x0], $0xffff  }
0x3a0: {  	v27 =	vor.u32 v59, v23;
	v15 =	vld.idx.msk [tilespmem:v15+s30+$0x0], $0xffff;
	v41 =	vsel vm0, v47, v44  }
0x3a1: {  	v9 =	vld.idx.msk [tilespmem:v14+s30+$0x0], $0xffff;
	[tilespmem:$0x1F6C0] =	vst v41  }
0x3a2: {  	v36 =	vor.u32 $0x30, v46;
	[tilespmem:v8+s29+$0x0] =	vst.idx.msk $0xffff, v4  }
0x3a3: {  	[tilespmem:$0x1F590] =	vst v36  }
0x3a4: {  	[tilespmem:v16+s29+$0x0] =	vst.idx.msk $0xffff, v3  }
0x3a5: {  	v43 =	vld [tilespmem:$0x1F9B0];
	[tilespmem:v27+s29+$0x0] =	vst.idx.msk $0xffff, v18  }
0x3a6: {  	v0 =	vld [tilespmem:$0x1FD10]  }
0x3a7: {  	v11 =	vor.u32 v32, v22;
	v4 =	vor.u32 v36, v49;
	v8 =	vor.u32 v36, v51;
	v36 =	vld [tilespmem:$0x1FD20]  }
0x3a8: {  	v13 =	vor.u32 v32, v21  }
0x3a9: {  	v10 =	vor.u32 v33, v6  }
0x3aa: {  	v12 =	vor.u32 v33, v5;
	_ =	sdelay $0x1  }
0x3ab: {  	v11 =	vld.idx.msk [tilespmem:v11+s30+$0x0], $0xffff;
	v27 =	vsel vm0, v36, v0  }
0x3ac: {  	v28 =	vor.u32 v60, v25;
	v13 =	vld.idx.msk [tilespmem:v13+s30+$0x0], $0xffff;
	[tilespmem:$0x1F6B0] =	vst v27  }
0x3ad: {  	v45 =	vld [tilespmem:$0x1F5A0];
	[tilespmem:v10+s29+$0x0] =	vst.idx.msk $0xffff, v15  }
0x3ae: {  	v7 =	vor.u32 v60, v26;
	[tilespmem:v12+s29+$0x0] =	vst.idx.msk $0xffff, v9  }
0x3af: {  	v3 =	vor.u32 v43, v19;
	v46 =	vld [tilespmem:$0x1FAE0]  }
0x3b0: {  	v14 =	vor.u32 v43, v20  }
0x3b1: {  	v18 =	vor.u32 v61, v24;
	v17 =	vld.idx.msk [tilespmem:v28+s30+$0x0], $0xffff  }
0x3b2: {  	v16 =	vor.u32 v45, v22  }
0x3b3: {  	v7 =	vld.idx.msk [tilespmem:v7+s30+$0x0], $0xffff;
	v15 =	vor.u32 v61, v23  }
0x3b4: {  	v4 =	vld.idx.msk [tilespmem:v4+s30+$0x0], $0xffff;
	[tilespmem:v3+s29+$0x0] =	vst.idx.msk $0xffff, v11;
	v12 =	vor.u32 v46, v6  }
0x3b5: {  	v28 =	vcombine.low v41, v27;
	v8 =	vld.idx.msk [tilespmem:v8+s30+$0x0], $0xffff;
	[tilespmem:v14+s29+$0x0] =	vst.idx.msk $0xffff, v13  }
0x3b6: {  	v48 =	vld [tilespmem:$0x1F9C0];
	[tilespmem:v18+s29+$0x0] =	vst.idx.msk $0xffff, v17  }
0x3b7: {  	v13 =	vld.idx.msk [tilespmem:v16+s30+$0x0], $0xffff;
	[tilespmem:$0x1F5B0] =	vst v28  }
0x3b8: {  	[tilespmem:v15+s29+$0x0] =	vst.idx.msk $0xffff, v7  }
0x3b9: {  	v50 =	vld [tilespmem:$0x1F5C0];
	[tilespmem:v12+s29+$0x0] =	vst.idx.msk $0xffff, v4  }
0x3ba: {  	v55 =	vld [tilespmem:$0x1FD70]  }
0x3bb: {  	v56 =	vld [tilespmem:$0x1FD80]  }
0x3bc: {  	v10 =	vor.u32 v45, v21  }
0x3bd: {  	v27 =	vor.u32 v46, v5  }
0x3be: {  	v16 =	vor.u32 v48, v19;
	_ =	sdelay $0x1  }
0x3bf: {  	v7 =	vsel vm0, v56, v55  }
0x3c0: {  	v10 =	vld.idx.msk [tilespmem:v10+s30+$0x0], $0xffff;
	[tilespmem:$0x1F700] =	vst v7  }
0x3c1: {  	[tilespmem:v27+s29+$0x0] =	vst.idx.msk $0xffff, v8  }
0x3c2: {  	[tilespmem:v16+s29+$0x0] =	vst.idx.msk $0xffff, v13  }
0x3c3: {  	v9 =	vor.u32 v62, v25;
	v15 =	vor.u32 v48, v20;
	v48 =	vld [tilespmem:$0x1FD50]  }
0x3c4: {  	v11 =	vor.u32 v62, v26;
	v18 =	vor.u32 v50, v22;
	v8 =	vor.u32 v50, v21;
	v50 =	vld [tilespmem:$0x1FD60];
	_ =	sdelay $0x3  }
0x3c5: {  	v4 =	vld.idx.msk [tilespmem:v9+s30+$0x0], $0xffff  }
0x3c6: {  	v11 =	vld.idx.msk [tilespmem:v11+s30+$0x0], $0xffff;
	v58 =	vsel vm0, v50, v48  }
0x3c7: {  	v14 =	vor.u32 v28, v49;
	v32 =	vld [tilespmem:$0x1FF60];
	[tilespmem:$0x1F6F0] =	vst v58  }
0x3c8: {  	v17 =	vor.u32 v28, v51;
	[tilespmem:v15+s29+$0x0] =	vst.idx.msk $0xffff, v10  }
0x3c9: {  	v9 =	vor.u32 v63, v24;
	v33 =	vld [tilespmem:$0x1F9D0]  }
0x3ca: {  	v12 =	vor.u32 v63, v23;
	_ =	sdelay $0x1  }
0x3cb: {  	v13 =	vld.idx.msk [tilespmem:v14+s30+$0x0], $0xffff;
	v14 =	vor.u32 v32, v6  }
0x3cc: {  	v27 =	vor.u32 v32, v5;
	v1 =	vcombine.low v7, v58;
	v16 =	vld.idx.msk [tilespmem:v17+s30+$0x0], $0xffff  }
0x3cd: {  	v17 =	vor.u32 v34, v25;
	v10 =	vld.idx.msk [tilespmem:v18+s30+$0x0], $0xffff;
	[tilespmem:v9+s29+$0x0] =	vst.idx.msk $0xffff, v4;
	v18 =	vor.u32 v33, v19  }
0x3ce: {  	[tilespmem:v12+s29+$0x0] =	vst.idx.msk $0xffff, v11  }
0x3cf: {  	[tilespmem:$0x1F5D0] =	vst v1  }
0x3d0: {  	v8 =	vld.idx.msk [tilespmem:v8+s30+$0x0], $0xffff;
	[tilespmem:v14+s29+$0x0] =	vst.idx.msk $0xffff, v13  }
0x3d1: {  	v41 =	vld [tilespmem:$0x1F5E0];
	[tilespmem:v27+s29+$0x0] =	vst.idx.msk $0xffff, v16  }
0x3d2: {  	v16 =	vld.idx.msk [tilespmem:v17+s30+$0x0], $0xffff;
	[tilespmem:v18+s29+$0x0] =	vst.idx.msk $0xffff, v10  }
0x3d3: {  	v3 =	vld [tilespmem:$0x1FFD0]  }
0x3d4: {  	v13 =	vor.u32 v33, v20;
	v7 =	vld [tilespmem:$0x1FDB0]  }
0x3d5: {  	v2 =	vld [tilespmem:$0x1F800]  }
0x3d6: {  	v15 =	vor.u32 v34, v26;
	v52 =	vld [tilespmem:$0x1FDC0]  }
0x3d7: {  	v57 =	vld [tilespmem:$0x1FD90]  }
0x3d8: {  	v4 =	vor.u32 v1, v49;
	v43 =	vld [tilespmem:$0x1FAF0]  }
0x3d9: {  	v12 =	vor.u32 v1, v51;
	v58 =	vld [tilespmem:$0x1FDA0];
	[tilespmem:v13+s29+$0x0] =	vst.idx.msk $0xffff, v8  }
0x3da: {  	v17 =	vor.u32 v35, v24;
	v14 =	vor.u32 v41, v22;
	v45 =	vld [tilespmem:$0x1F9E0]  }
0x3db: {  	v15 =	vld.idx.msk [tilespmem:v15+s30+$0x0], $0xffff;
	v18 =	vor.u32 v35, v23;
	_ =	sdelay $0x1  }
0x3dc: {  	v28 =	vor.u32 v37, v25;
	v4 =	vld.idx.msk [tilespmem:v4+s30+$0x0], $0xffff;
	v10 =	vor.u32 v41, v21;
	v27 =	vor.u32 v43, v6  }
0x3dd: {  	v12 =	vld.idx.msk [tilespmem:v12+s30+$0x0], $0xffff;
	v9 =	vsel vm0, v52, v7;
	v11 =	vsel vm0, v58, v57;
	v29 =	vor.u32 v43, v5  }
0x3de: {  	[tilespmem:v17+s29+$0x0] =	vst.idx.msk $0xffff, v16;
	v8 =	vld.idx.msk [tilespmem:v14+s30+$0x0], $0xffff;
	v30 =	vcombine.low v9, v11;
	v14 =	vor.u32 v45, v19  }
0x3df: {  	[tilespmem:v18+s29+$0x0] =	vst.idx.msk $0xffff, v15  }
0x3e0: {  	[tilespmem:$0x1F5F0] =	vst v30  }
0x3e1: {  	v46 =	vld.idx.msk [tilespmem:v10+s30+$0x0], $0xffff;
	[tilespmem:v27+s29+$0x0] =	vst.idx.msk $0xffff, v4  }
0x3e2: {  	v4 =	vld [tilespmem:$0x1F600];
	[tilespmem:v29+s29+$0x0] =	vst.idx.msk $0xffff, v12  }
0x3e3: {  	v12 =	vld.idx.msk [tilespmem:v28+s30+$0x0], $0xffff;
	[tilespmem:v14+s29+$0x0] =	vst.idx.msk $0xffff, v8  }
0x3e4: {  	v13 =	vor.u32 v37, v26;
	v10 =	vor.u32 v45, v20;
	v32 =	vld [tilespmem:$0x1FDD0]  }
0x3e5: {  	v33 =	vld [tilespmem:$0x1FDE0]  }
0x3e6: {  	v43 =	vld [tilespmem:$0x1FDF0]  }
0x3e7: {  	v16 =	vor.u32 v30, v49;
	v31 =	vld [tilespmem:$0x1FB00]  }
0x3e8: {  	v1 =	vld [tilespmem:$0x1FE00]  }
0x3e9: {  	v18 =	vor.u32 v38, v24;
	v15 =	vor.u32 v30, v51;
	v14 =	vld.idx.msk [tilespmem:v13+s30+$0x0], $0xffff;
	[tilespmem:v10+s29+$0x0] =	vst.idx.msk $0xffff, v46  }
0x3ea: {  	v27 =	vor.u32 v38, v23;
	v45 =	vld [tilespmem:$0x1F9F0];
	v17 =	vor.u32 v4, v22;
	_ =	sdelay $0x1  }
0x3eb: {  	v16 =	vld.idx.msk [tilespmem:v16+s30+$0x0], $0xffff;
	v28 =	vor.u32 v4, v21;
	v29 =	vor.u32 v31, v6  }
0x3ec: {  	v8 =	vsel vm0, v33, v32;
	v13 =	vsel vm0, v1, v43  }
0x3ed: {  	v15 =	vld.idx.msk [tilespmem:v15+s30+$0x0], $0xffff;
	[tilespmem:v18+s29+$0x0] =	vst.idx.msk $0xffff, v12;
	v31 =	vor.u32 v31, v5;
	v4 =	vcombine.low v13, v8  }
0x3ee: {  	v10 =	vor.u32 v39, v26;
	[tilespmem:v27+s29+$0x0] =	vst.idx.msk $0xffff, v14;
	v41 =	vld.idx.msk [tilespmem:v17+s30+$0x0], $0xffff;
	v17 =	vor.u32 v45, v19  }
0x3ef: {  	[tilespmem:$0x1F610] =	vst v4  }
0x3f0: {  	v30 =	vor.u32 v39, v25;
	v27 =	vor.u32 v45, v20;
	[tilespmem:v29+s29+$0x0] =	vst.idx.msk $0xffff, v16;
	v16 =	vld.idx.msk [tilespmem:v28+s30+$0x0], $0xffff  }
0x3f1: {  	v12 =	vor.u32 v4, v49;
	v18 =	vor.u32 v4, v51;
	v4 =	vld [tilespmem:$0x1F620]  }
0x3f2: {  	[tilespmem:v31+s29+$0x0] =	vst.idx.msk $0xffff, v15  }
0x3f3: {  	v46 =	vld.idx.msk [tilespmem:v10+s30+$0x0], $0xffff;
	[tilespmem:v17+s29+$0x0] =	vst.idx.msk $0xffff, v41  }
0x3f4: {  	v10 =	vsel vm0, v0, v47;
	v47 =	vld [tilespmem:$0x1FB10]  }
0x3f5: {  	v15 =	vld.idx.msk [tilespmem:v30+s30+$0x0], $0xffff;
	[tilespmem:v27+s29+$0x0] =	vst.idx.msk $0xffff, v16  }
0x3f6: {  	v14 =	vsel vm0, v44, v36;
	v29 =	vor.u32 v40, v24;
	v28 =	vor.u32 v4, v22;
	v44 =	vld [tilespmem:$0x1FA00]  }
0x3f7: {  	v17 =	vor.u32 v40, v23;
	_ =	sdelay $0x1  }
0x3f8: {  	v12 =	vld.idx.msk [tilespmem:v12+s30+$0x0], $0xffff;
	v30 =	vor.u32 v4, v21;
	v31 =	vor.u32 v47, v6  }
0x3f9: {  	v18 =	vld.idx.msk [tilespmem:v18+s30+$0x0], $0xffff;
	v41 =	vor.u32 v47, v5  }
0x3fa: {  	v4 =	vcombine.low v10, v14;
	[tilespmem:v29+s29+$0x0] =	vst.idx.msk $0xffff, v15;
	v16 =	vld.idx.msk [tilespmem:v28+s30+$0x0], $0xffff;
	v28 =	vor.u32 v44, v19  }
0x3fb: {  	[tilespmem:v17+s29+$0x0] =	vst.idx.msk $0xffff, v46  }
0x3fc: {  	v27 =	vor.u32 v42, v26;
	[tilespmem:$0x1F630] =	vst v4  }
0x3fd: {  	v36 =	vor.u32 v42, v25;
	[tilespmem:v31+s29+$0x0] =	vst.idx.msk $0xffff, v12;
	v12 =	vld.idx.msk [tilespmem:v30+s30+$0x0], $0xffff;
	v30 =	vor.u32 v44, v20  }
0x3fe: {  	v29 =	vor.u32 v4, v49;
	v0 =	vor.u32 v4, v51;
	v4 =	vld [tilespmem:$0x1F640];
	[tilespmem:v41+s29+$0x0] =	vst.idx.msk $0xffff, v18  }
0x3ff: {  	[tilespmem:v28+s29+$0x0] =	vst.idx.msk $0xffff, v16  }
0x400: {  	v16 =	vsel vm0, v55, v50;
	v50 =	vld [tilespmem:$0x1FB20]  }
0x401: {  	v27 =	vld.idx.msk [tilespmem:v27+s30+$0x0], $0xffff  }
0x402: {  	v31 =	vor.u32 v2, v24;
	v18 =	vld.idx.msk [tilespmem:v36+s30+$0x0], $0xffff;
	[tilespmem:v30+s29+$0x0] =	vst.idx.msk $0xffff, v12  }
0x403: {  	v28 =	vor.u32 v2, v23;
	v17 =	vor.u32 v4, v22;
	v36 =	vor.u32 v4, v21;
	v4 =	vld [tilespmem:$0x1FA10];
	_ =	sdelay $0x1  }
0x404: {  	v29 =	vld.idx.msk [tilespmem:v29+s30+$0x0], $0xffff;
	v41 =	vor.u32 v50, v6  }
0x405: {  	v15 =	vsel vm0, v48, v56;
	v56 =	vor.u32 v3, v25;
	v55 =	vld.idx.msk [tilespmem:v0+s30+$0x0], $0xffff;
	v50 =	vor.u32 v50, v5  }
0x406: {  	v48 =	vcombine.low v15, v16;
	[tilespmem:v31+s29+$0x0] =	vst.idx.msk $0xffff, v18  }
0x407: {  	[tilespmem:v28+s29+$0x0] =	vst.idx.msk $0xffff, v27;
	v12 =	vld.idx.msk [tilespmem:v17+s30+$0x0], $0xffff;
	v30 =	vor.u32 v4, v19  }
0x408: {  	[tilespmem:$0x1F650] =	vst v48  }
0x409: {  	[tilespmem:v41+s29+$0x0] =	vst.idx.msk $0xffff, v29;
	v28 =	vld.idx.msk [tilespmem:v36+s30+$0x0], $0xffff  }
0x40a: {  	[tilespmem:v50+s29+$0x0] =	vst.idx.msk $0xffff, v55;
	v31 =	vld.idx.msk [tilespmem:v56+s30+$0x0], $0xffff  }
0x40b: {  	v44 =	vld [tilespmem:$0x1FEE0]  }
0x40c: {  	v18 =	vor.u32 v48, v49;
	v55 =	vld [tilespmem:$0x1FFE0];
	[tilespmem:v30+s29+$0x0] =	vst.idx.msk $0xffff, v12  }
0x40d: {  	v17 =	vor.u32 v3, v26;
	v29 =	vor.u32 v4, v20;
	v56 =	vld [tilespmem:$0x1F660]  }
0x40e: {  	v27 =	vor.u32 v48, v51;
	v48 =	vld [tilespmem:$0x1FB40];
	_ =	sdelay $0x2  }
0x40f: {  	v4 =	vsel vm0, v7, v58;
	v18 =	vld.idx.msk [tilespmem:v18+s30+$0x0], $0xffff;
	v36 =	vor.u32 v55, v24  }
0x410: {  	v17 =	vld.idx.msk [tilespmem:v17+s30+$0x0], $0xffff;
	v12 =	vsel vm0, v57, v52;
	[tilespmem:v29+s29+$0x0] =	vst.idx.msk $0xffff, v28;
	v30 =	vor.u32 v55, v23  }
0x411: {  	v58 =	vor.u32 v56, v22;
	v50 =	vor.u32 v48, v6;
	v52 =	vor.u32 v56, v21;
	v56 =	vld [tilespmem:$0x1FE70];
	_ =	sdelay $0x1  }
0x412: {  	v27 =	vld.idx.msk [tilespmem:v27+s30+$0x0], $0xffff;
	v47 =	vor.u32 v48, v5  }
0x413: {  	[tilespmem:v36+s29+$0x0] =	vst.idx.msk $0xffff, v31  }
0x414: {  	v55 =	vcombine.low v12, v4;
	[tilespmem:v30+s29+$0x0] =	vst.idx.msk $0xffff, v17  }
0x415: {  	v28 =	vor.u32 v56, v25;
	[tilespmem:v50+s29+$0x0] =	vst.idx.msk $0xffff, v18;
	v18 =	vld.idx.msk [tilespmem:v58+s30+$0x0], $0xffff  }
0x416: {  	[tilespmem:$0x1F670] =	vst v55;
	v57 =	vld [tilespmem:$0x1FA20]  }
0x417: {  	[tilespmem:v47+s29+$0x0] =	vst.idx.msk $0xffff, v27  }
0x418: {  	v58 =	vsel vm0, v32, v1;
	v32 =	vld [tilespmem:$0x1F680]  }
0x419: {  	v17 =	vor.u32 v55, v49;
	v30 =	vor.u32 v55, v51;
	v29 =	vor.u32 v56, v26;
	v55 =	vld [tilespmem:$0x1F810]  }
0x41a: {  	v47 =	vor.u32 v44, v24;
	v28 =	vld.idx.msk [tilespmem:v28+s30+$0x0], $0xffff  }
0x41b: {  	v31 =	vor.u32 v57, v19;
	v36 =	vor.u32 v57, v20;
	v57 =	vld [tilespmem:$0x1FB60]  }
0x41c: {  	v27 =	vld.idx.msk [tilespmem:v52+s30+$0x0], $0xffff;
	_ =	sdelay $0x1  }
0x41d: {  	v43 =	vsel vm0, v43, v33;
	v50 =	vor.u32 v44, v23;
	v29 =	vld.idx.msk [tilespmem:v29+s30+$0x0], $0xffff;
	v46 =	vor.u32 v32, v22  }
0x41e: {  	v52 =	vcombine.low v58, v43;
	v48 =	vor.u32 v32, v21;
	v32 =	vld [tilespmem:$0x1F960];
	[tilespmem:v47+s29+$0x0] =	vst.idx.msk $0xffff, v28  }
0x41f: {  	v17 =	vld.idx.msk [tilespmem:v17+s30+$0x0], $0xffff;
	v56 =	vor.u32 v55, v25;
	v58 =	vor.u32 v57, v6;
	[tilespmem:v31+s29+$0x0] =	vst.idx.msk $0xffff, v18  }
0x420: {  	v18 =	vld.idx.msk [tilespmem:v30+s30+$0x0], $0xffff;
	[tilespmem:v36+s29+$0x0] =	vst.idx.msk $0xffff, v27  }
0x421: {  	v31 =	vor.u32 v57, v5;
	v43 =	vld [tilespmem:$0x1FA30]  }
0x422: {  	v28 =	vld.idx.msk [tilespmem:v46+s30+$0x0], $0xffff;
	[tilespmem:$0x1F690] =	vst v52  }
0x423: {  	[tilespmem:v50+s29+$0x0] =	vst.idx.msk $0xffff, v29;
	v29 =	vld.idx.msk [tilespmem:v48+s30+$0x0], $0xffff  }
0x424: {  	v33 =	vld.idx.msk [tilespmem:v56+s30+$0x0], $0xffff;
	[tilespmem:v58+s29+$0x0] =	vst.idx.msk $0xffff, v17  }
0x425: {  	v50 =	vld [tilespmem:$0x1F820]  }
0x426: {  	v47 =	vld [tilespmem:$0x1F6A0];
	[tilespmem:v31+s29+$0x0] =	vst.idx.msk $0xffff, v18  }
0x427: {  	v30 =	vor.u32 v55, v26;
	v27 =	vor.u32 v52, v49;
	v36 =	vor.u32 v52, v51;
	v52 =	vld [tilespmem:$0x1F6B0]  }
0x428: {  	v46 =	vor.u32 v43, v19;
	v56 =	vld [tilespmem:$0x1FB80]  }
0x429: {  	v48 =	vor.u32 v43, v20;
	v55 =	vld [tilespmem:$0x1F6C0]  }
0x42a: {  	v57 =	vld [tilespmem:$0x1F830];
	v41 =	vor.u32 v50, v24  }
0x42b: {  	v17 =	vor.u32 v47, v22  }
0x42c: {  	v18 =	vld.idx.msk [tilespmem:v30+s30+$0x0], $0xffff;
	v31 =	vor.u32 v50, v23  }
0x42d: {  	v2 =	vld.idx.msk [tilespmem:v27+s30+$0x0], $0xffff;
	v30 =	vor.u32 v47, v21;
	[tilespmem:v46+s29+$0x0] =	vst.idx.msk $0xffff, v28;
	v27 =	vor.u32 v56, v6  }
0x42e: {  	[tilespmem:v48+s29+$0x0] =	vst.idx.msk $0xffff, v29;
	v0 =	vcombine.low v52, v55  }
0x42f: {  	v28 =	vld.idx.msk [tilespmem:v36+s30+$0x0], $0xffff;
	v52 =	vor.u32 v57, v26;
	v55 =	vor.u32 v56, v5;
	[tilespmem:v41+s29+$0x0] =	vst.idx.msk $0xffff, v33  }
0x430: {  	v33 =	vld.idx.msk [tilespmem:v17+s30+$0x0], $0xffff;
	[tilespmem:$0x1F6D0] =	vst v0  }
0x431: {  	v56 =	vld [tilespmem:$0x1FA40];
	[tilespmem:v31+s29+$0x0] =	vst.idx.msk $0xffff, v18  }
0x432: {  	v18 =	vld.idx.msk [tilespmem:v30+s30+$0x0], $0xffff;
	[tilespmem:v27+s29+$0x0] =	vst.idx.msk $0xffff, v2  }
0x433: {  	v58 =	vor.u32 v57, v25;
	v47 =	vld [tilespmem:$0x1F6E0]  }
0x434: {  	[tilespmem:v55+s29+$0x0] =	vst.idx.msk $0xffff, v28;
	v28 =	vld.idx.msk [tilespmem:v52+s30+$0x0], $0xffff  }
0x435: {  	v29 =	vor.u32 v0, v49;
	v48 =	vld [tilespmem:$0x1F6F0]  }
0x436: {  	v52 =	vld [tilespmem:$0x1FB90];
	v57 =	vor.u32 v56, v19  }
0x437: {  	v50 =	vld [tilespmem:$0x1F700];
	v30 =	vor.u32 v56, v20  }
0x438: {  	v17 =	vor.u32 v0, v51;
	v58 =	vld.idx.msk [tilespmem:v58+s30+$0x0], $0xffff;
	v31 =	vor.u32 v32, v24  }
0x439: {  	v27 =	vor.u32 v47, v22  }
0x43a: {  	v46 =	vor.u32 v32, v23;
	v3 =	vld.idx.msk [tilespmem:v29+s30+$0x0], $0xffff  }
0x43b: {  	v55 =	vld [tilespmem:$0x1F840];
	v7 =	vor.u32 v52, v6;
	[tilespmem:v57+s29+$0x0] =	vst.idx.msk $0xffff, v33  }
0x43c: {  	v0 =	vcombine.low v48, v50;
	v33 =	vld [tilespmem:$0x1FB30];
	[tilespmem:v30+s29+$0x0] =	vst.idx.msk $0xffff, v18  }
0x43d: {  	v56 =	vld.idx.msk [tilespmem:v17+s30+$0x0], $0xffff;
	[tilespmem:v31+s29+$0x0] =	vst.idx.msk $0xffff, v58  }
0x43e: {  	v57 =	vor.u32 v52, v5;
	v58 =	vld.idx.msk [tilespmem:v27+s30+$0x0], $0xffff;
	[tilespmem:$0x1F710] =	vst v0  }
0x43f: {  	v45 =	vld [tilespmem:$0x1FA50];
	[tilespmem:v46+s29+$0x0] =	vst.idx.msk $0xffff, v28  }
0x440: {  	v36 =	vor.u32 v47, v21;
	[tilespmem:v7+s29+$0x0] =	vst.idx.msk $0xffff, v3  }
0x441: {  	v29 =	vor.u32 v55, v25;
	v48 =	vld [tilespmem:$0x1F850]  }
0x442: {  	v47 =	vld [tilespmem:$0x1F720]  }
0x443: {  	v17 =	vor.u32 v55, v26;
	[tilespmem:v57+s29+$0x0] =	vst.idx.msk $0xffff, v56  }
0x444: {  	v18 =	vor.u32 v0, v49;
	v41 =	vld [tilespmem:$0x1FBB0];
	v30 =	vor.u32 v45, v19  }
0x445: {  	v28 =	vld.idx.msk [tilespmem:v36+s30+$0x0], $0xffff;
	v31 =	vor.u32 v45, v20  }
0x446: {  	v27 =	vor.u32 v0, v51;
	v3 =	vld.idx.msk [tilespmem:v29+s30+$0x0], $0xffff;
	v29 =	vor.u32 v48, v24  }
0x447: {  	v56 =	vld [tilespmem:$0x1F860];
	v7 =	vor.u32 v47, v22  }
0x448: {  	v50 =	vld.idx.msk [tilespmem:v17+s30+$0x0], $0xffff;
	v52 =	vor.u32 v48, v23  }
0x449: {  	v55 =	vcombine.low v11, v9;
	v9 =	vld.idx.msk [tilespmem:v18+s30+$0x0], $0xffff;
	v11 =	vor.u32 v41, v6;
	[tilespmem:v30+s29+$0x0] =	vst.idx.msk $0xffff, v58  }
0x44a: {  	[tilespmem:v31+s29+$0x0] =	vst.idx.msk $0xffff, v28  }
0x44b: {  	v57 =	vld.idx.msk [tilespmem:v27+s30+$0x0], $0xffff;
	v17 =	vor.u32 v47, v21;
	[tilespmem:v29+s29+$0x0] =	vst.idx.msk $0xffff, v3  }
0x44c: {  	v18 =	vor.u32 v56, v25;
	v3 =	vld.idx.msk [tilespmem:v7+s30+$0x0], $0xffff;
	[tilespmem:$0x1F730] =	vst v55  }
0x44d: {  	v30 =	vor.u32 v41, v5;
	v58 =	vld [tilespmem:$0x1FA60];
	[tilespmem:v52+s29+$0x0] =	vst.idx.msk $0xffff, v50  }
0x44e: {  	[tilespmem:v11+s29+$0x0] =	vst.idx.msk $0xffff, v9  }
0x44f: {  	v41 =	vld [tilespmem:$0x1F870]  }
0x450: {  	v17 =	vld.idx.msk [tilespmem:v17+s30+$0x0], $0xffff  }
0x451: {  	v9 =	vld.idx.msk [tilespmem:v18+s30+$0x0], $0xffff  }
0x452: {  	v27 =	vor.u32 v56, v26;
	v36 =	vld [tilespmem:$0x1F740];
	[tilespmem:v30+s29+$0x0] =	vst.idx.msk $0xffff, v57;
	v29 =	vor.u32 v58, v19  }
0x453: {  	v46 =	vld [tilespmem:$0x1F880];
	v31 =	vor.u32 v58, v20  }
0x454: {  	v28 =	vor.u32 v55, v49;
	v32 =	vld [tilespmem:$0x1FBD0];
	v18 =	vor.u32 v41, v24;
	_ =	sdelay $0x1  }
0x455: {  	v7 =	vor.u32 v55, v51  }
0x456: {  	v43 =	vld.idx.msk [tilespmem:v27+s30+$0x0], $0xffff;
	v11 =	vor.u32 v36, v22;
	v30 =	vor.u32 v41, v23;
	[tilespmem:v29+s29+$0x0] =	vst.idx.msk $0xffff, v3  }
0x457: {  	v45 =	vcombine.low v8, v13;
	v27 =	vor.u32 v36, v21;
	[tilespmem:v31+s29+$0x0] =	vst.idx.msk $0xffff, v17  }
0x458: {  	v8 =	vld.idx.msk [tilespmem:v28+s30+$0x0], $0xffff;
	v13 =	vor.u32 v46, v25;
	v28 =	vor.u32 v32, v6;
	[tilespmem:v18+s29+$0x0] =	vst.idx.msk $0xffff, v9  }
0x459: {  	v47 =	vld [tilespmem:$0x1FA70]  }
0x45a: {  	v3 =	vld.idx.msk [tilespmem:v7+s30+$0x0], $0xffff;
	v29 =	vor.u32 v32, v5  }
0x45b: {  	v9 =	vld.idx.msk [tilespmem:v11+s30+$0x0], $0xffff;
	[tilespmem:v30+s29+$0x0] =	vst.idx.msk $0xffff, v43  }
0x45c: {  	v18 =	vld.idx.msk [tilespmem:v27+s30+$0x0], $0xffff;
	[tilespmem:$0x1F750] =	vst v45  }
0x45d: {  	[tilespmem:v28+s29+$0x0] =	vst.idx.msk $0xffff, v8;
	v8 =	vld.idx.msk [tilespmem:v13+s30+$0x0], $0xffff;
	v28 =	vor.u32 v33, v24  }
0x45e: {  	v7 =	vor.u32 v46, v26;
	v48 =	vld [tilespmem:$0x1F760];
	v11 =	vor.u32 v47, v19  }
0x45f: {  	v17 =	vor.u32 v45, v49;
	[tilespmem:v29+s29+$0x0] =	vst.idx.msk $0xffff, v3;
	v30 =	vor.u32 v47, v20  }
0x460: {  	v2 =	vld [tilespmem:$0x1FF50];
	_ =	sdelay $0x1  }
0x461: {  	v27 =	vor.u32 v45, v51;
	v52 =	vld [tilespmem:$0x1F890];
	[tilespmem:v28+s29+$0x0] =	vst.idx.msk $0xffff, v8  }
0x462: {  	v50 =	vcombine.low v14, v10;
	v3 =	vld.idx.msk [tilespmem:v7+s30+$0x0], $0xffff;
	v13 =	vor.u32 v48, v22;
	[tilespmem:v11+s29+$0x0] =	vst.idx.msk $0xffff, v9  }
0x463: {  	v29 =	vor.u32 v33, v23;
	v10 =	vld.idx.msk [tilespmem:v17+s30+$0x0], $0xffff;
	v7 =	vor.u32 v48, v21;
	[tilespmem:v30+s29+$0x0] =	vst.idx.msk $0xffff, v18  }
0x464: {  	v14 =	vor.u32 v2, v6;
	v55 =	vld [tilespmem:$0x1FA80];
	_ =	sdelay $0x1  }
0x465: {  	v11 =	vld.idx.msk [tilespmem:v27+s30+$0x0], $0xffff;
	v18 =	vor.u32 v2, v5  }
0x466: {  	v8 =	vld.idx.msk [tilespmem:v13+s30+$0x0], $0xffff;
	[tilespmem:$0x1F770] =	vst v50  }
0x467: {  	[tilespmem:v29+s29+$0x0] =	vst.idx.msk $0xffff, v3;
	v7 =	vld.idx.msk [tilespmem:v7+s30+$0x0], $0xffff  }
0x468: {  	v17 =	vor.u32 v52, v25;
	v56 =	vld [tilespmem:$0x1F780];
	[tilespmem:v14+s29+$0x0] =	vst.idx.msk $0xffff, v10;
	v28 =	vor.u32 v55, v19  }
0x469: {  	v9 =	vor.u32 v52, v26;
	v29 =	vor.u32 v55, v20;
	v57 =	vld [tilespmem:$0x1F8A0]  }
0x46a: {  	v32 =	vld [tilespmem:$0x1F8B0];
	[tilespmem:v18+s29+$0x0] =	vst.idx.msk $0xffff, v11  }
0x46b: {  	v27 =	vor.u32 v50, v49;
	v33 =	vld [tilespmem:$0x1FF40]  }
0x46c: {  	v13 =	vor.u32 v50, v51  }
0x46d: {  	v10 =	vld.idx.msk [tilespmem:v17+s30+$0x0], $0xffff;
	v30 =	vor.u32 v56, v22;
	[tilespmem:v28+s29+$0x0] =	vst.idx.msk $0xffff, v8  }
0x46e: {  	v9 =	vld.idx.msk [tilespmem:v9+s30+$0x0], $0xffff;
	v14 =	vor.u32 v56, v21;
	v17 =	vor.u32 v57, v24;
	[tilespmem:v29+s29+$0x0] =	vst.idx.msk $0xffff, v7  }
0x46f: {  	v58 =	vcombine.low v16, v15;
	v15 =	vor.u32 v57, v23;
	v36 =	vld [tilespmem:$0x1FA90]  }
0x470: {  	v11 =	vld.idx.msk [tilespmem:v27+s30+$0x0], $0xffff;
	v18 =	vor.u32 v33, v6  }
0x471: {  	v8 =	vld.idx.msk [tilespmem:v13+s30+$0x0], $0xffff;
	v13 =	vor.u32 v33, v5  }
0x472: {  	v7 =	vld.idx.msk [tilespmem:v30+s30+$0x0], $0xffff;
	[tilespmem:$0x1F790] =	vst v58  }
0x473: {  	[tilespmem:v17+s29+$0x0] =	vst.idx.msk $0xffff, v10;
	v10 =	vld.idx.msk [tilespmem:v14+s30+$0x0], $0xffff  }
0x474: {  	v16 =	vor.u32 v32, v25;
	v30 =	vor.u32 v36, v19;
	v41 =	vld [tilespmem:$0x1F7A0];
	[tilespmem:v15+s29+$0x0] =	vst.idx.msk $0xffff, v9  }
0x475: {  	v27 =	vor.u32 v32, v26;
	v14 =	vor.u32 v36, v20;
	v43 =	vld [tilespmem:$0x1F8C0];
	[tilespmem:v18+s29+$0x0] =	vst.idx.msk $0xffff, v11  }
0x476: {  	v45 =	vld [tilespmem:$0x1FEF0];
	[tilespmem:v13+s29+$0x0] =	vst.idx.msk $0xffff, v8  }
0x477: {  	v28 =	vor.u32 v58, v49;
	v46 =	vld [tilespmem:$0x1FF00];
	_ =	sdelay $0x1  }
0x478: {  	v9 =	vld.idx.msk [tilespmem:v16+s30+$0x0], $0xffff;
	[tilespmem:v30+s29+$0x0] =	vst.idx.msk $0xffff, v7  }
0x479: {  	v29 =	vor.u32 v58, v51;
	v11 =	vld.idx.msk [tilespmem:v27+s30+$0x0], $0xffff;
	[tilespmem:v14+s29+$0x0] =	vst.idx.msk $0xffff, v10;
	v16 =	vor.u32 v43, v24  }
0x47a: {  	v17 =	vor.u32 v41, v22;
	v18 =	vor.u32 v43, v23;
	v48 =	vld [tilespmem:$0x1FAA0]  }
0x47b: {  	v8 =	vld.idx.msk [tilespmem:v28+s30+$0x0], $0xffff;
	v15 =	vor.u32 v41, v21;
	v28 =	vor.u32 v46, v6  }
0x47c: {  	v27 =	vor.u32 v45, v25  }
0x47d: {  	v13 =	vor.u32 v45, v26  }
0x47e: {  	v47 =	vcombine.low v4, v12;
	v7 =	vld.idx.msk [tilespmem:v29+s30+$0x0], $0xffff;
	v29 =	vor.u32 v46, v5;
	[tilespmem:v16+s29+$0x0] =	vst.idx.msk $0xffff, v9  }
0x47f: {  	v10 =	vld.idx.msk [tilespmem:v17+s30+$0x0], $0xffff;
	v12 =	vor.u32 v48, v19;
	[tilespmem:v18+s29+$0x0] =	vst.idx.msk $0xffff, v11  }
0x480: {  	v9 =	vld.idx.msk [tilespmem:v15+s30+$0x0], $0xffff;
	v14 =	vor.u32 v48, v20;
	v11 =	vor.u32 v47, v49;
	[tilespmem:v28+s29+$0x0] =	vst.idx.msk $0xffff, v8  }
0x481: {  	v16 =	vor.u32 v54, v24;
	v15 =	vld.idx.msk [tilespmem:v27+s30+$0x0], $0xffff;
	[tilespmem:$0x1F7B0] =	vst v47  }
0x482: {  	v17 =	vor.u32 v54, v23;
	v8 =	vor.u32 v47, v51;
	v13 =	vld.idx.msk [tilespmem:v13+s30+$0x0], $0xffff  }
0x483: {  	[tilespmem:v29+s29+$0x0] =	vst.idx.msk $0xffff, v7  }
0x484: {  	v50 =	vld [tilespmem:$0x1F7C0];
	[tilespmem:v12+s29+$0x0] =	vst.idx.msk $0xffff, v10  }
0x485: {  	[tilespmem:v14+s29+$0x0] =	vst.idx.msk $0xffff, v9;
	v7 =	vld.idx.msk [tilespmem:v11+s30+$0x0], $0xffff  }
0x486: {  	v51 =	vld [tilespmem:$0x1FF10];
	[tilespmem:v16+s29+$0x0] =	vst.idx.msk $0xffff, v15  }
0x487: {  	v8 =	vld.idx.msk [tilespmem:v8+s30+$0x0], $0xffff;
	[tilespmem:v17+s29+$0x0] =	vst.idx.msk $0xffff, v13  }
0x488: {  	v52 =	vld [tilespmem:$0x1FF20]  }
0x489: {  	v54 =	vld [tilespmem:$0x1FF30]  }
0x48a: {  	v55 =	vld [tilespmem:$0x1F7D0]  }
0x48b: {  	v18 =	vor.u32 v50, v22;
	v56 =	vld [tilespmem:$0x1F7E0]  }
0x48c: {  	v29 =	vor.u32 v50, v21;
	v57 =	vld [tilespmem:$0x1F7F0]  }
0x48d: {  	v58 =	vld [tilespmem:$0x1FAB0];
	v9 =	vor.u32 v51, v25  }
0x48e: {  	v43 =	vld [tilespmem:$0x1F8D0];
	v11 =	vor.u32 v51, v26  }
0x48f: {  	v4 =	vor.u32 v33, v19;
	v41 =	vor.u32 v53, v23;
	v49 =	vld [tilespmem:$0x1F920]  }
0x490: {  	v46 =	vor.u32 v53, v24;
	v12 =	vor.u32 v52, v6;
	v10 =	vor.u32 v52, v5;
	v28 =	vld.idx.msk [tilespmem:v18+s30+$0x0], $0xffff  }
0x491: {  	v13 =	vor.u32 v54, v25;
	v14 =	vor.u32 v54, v26;
	v27 =	vor.u32 v55, v21;
	v15 =	vld.idx.msk [tilespmem:v29+s30+$0x0], $0xffff  }
0x492: {  	v18 =	vor.u32 v56, v21;
	v17 =	vor.u32 v57, v21;
	v29 =	vor.u32 v58, v19;
	v31 =	vld.idx.msk [tilespmem:v9+s30+$0x0], $0xffff  }
0x493: {  	s3 =	simm.s32 $0x4;
	v16 =	vor.u32 v58, v20;
	v30 =	vor.u32 v55, v22;
	v5 =	vor.u32 v33, v20;
	v36 =	vld.idx.msk [tilespmem:v11+s30+$0x0], $0xffff  }
.LBB2_3:
0x494: {  	v2 =	vld [tilespmem:$0x1FF50];
	_ =	sdelay $0x4  }
0x495: {  	v11 =	vor.u32 v2, v19;
	v9 =	vor.u32 v2, v20;
	v2 =	vld [tilespmem:$0x1FAC0];
	_ =	sdelay $0x2  }
0x496: {  	[tilespmem:v12+s29+$0x0] =	vst.idx.msk $0xffff, v7  }
0x497: {  	[tilespmem:v10+s29+$0x0] =	vst.idx.msk $0xffff, v8  }
0x498: {  	[tilespmem:v16+s29+$0x0] =	vst.idx.msk $0xffff, v15;
	v7 =	vor.u32 v2, v19;
	v15 =	vor.u32 v2, v20;
	v2 =	vld [tilespmem:$0x1F4A0];
	_ =	sdelay $0x1  }
0x499: {  	v3 =	vld [tilespmem:$0x1F490];
	[tilespmem:v29+s29+$0x0] =	vst.idx.msk $0xffff, v28  }
0x49a: {  	v10 =	vld.idx.msk [tilespmem:v30+s30+$0x0], $0xffff  }
0x49b: {  	v16 =	vld.idx.msk [tilespmem:v27+s30+$0x0], $0xffff  }
0x49c: {  	[tilespmem:v46+s29+$0x0] =	vst.idx.msk $0xffff, v31;
	v30 =	vor.u32 v2, v25;
	v31 =	vor.u32 v2, v26;
	v2 =	vld [tilespmem:$0x1FFC0];
	_ =	sdelay $0x1  }
0x49d: {  	v28 =	vor.u32 v3, v22  }
0x49e: {  	[tilespmem:v41+s29+$0x0] =	vst.idx.msk $0xffff, v36;
	v27 =	vor.u32 v43, v24;
	v8 =	vor.u32 v3, v21;
	v13 =	vld.idx.msk [tilespmem:v13+s30+$0x0], $0xffff  }
0x49f: {  	v29 =	vor.u32 v43, v23;
	v14 =	vld.idx.msk [tilespmem:v14+s30+$0x0], $0xffff;
	[tilespmem:v7+s29+$0x0] =	vst.idx.msk $0xffff, v10  }
0x4a0: {  	[tilespmem:v15+s29+$0x0] =	vst.idx.msk $0xffff, v16;
	v10 =	vor.u32 v2, v19;
	v15 =	vor.u32 v2, v20;
	v2 =	vld [tilespmem:$0x1F4B0]  }
0x4a1: {  	v0 =	vld [tilespmem:$0x1F4C0]  }
0x4a2: {  	v7 =	vld.idx.msk [tilespmem:v28+s30+$0x0], $0xffff  }
0x4a3: {  	[tilespmem:v27+s29+$0x0] =	vst.idx.msk $0xffff, v13;
	v8 =	vld.idx.msk [tilespmem:v8+s30+$0x0], $0xffff  }
0x4a4: {  	v13 =	vld.idx.msk [tilespmem:v30+s30+$0x0], $0xffff  }
0x4a5: {  	[tilespmem:v29+s29+$0x0] =	vst.idx.msk $0xffff, v14;
	v29 =	vor.u32 v2, v25;
	v30 =	vor.u32 v2, v26;
	v2 =	vld [tilespmem:$0x1F4D0];
	_ =	sdelay $0x2  }
0x4a6: {  	[tilespmem:$0x1F480] =	vst v4;
	v4 =	vld [tilespmem:$0x1F7E0]  }
0x4a7: {  	v27 =	vld.idx.msk [tilespmem:v31+s30+$0x0], $0xffff  }
0x4a8: {  	v31 =	vcombine.low v0, v2;
	v2 =	vld [tilespmem:$0x1FF90];
	_ =	sdelay $0x2  }
0x4a9: {  	v14 =	vor.u32 v4, v22  }
0x4aa: {  	v16 =	vor.u32 v49, v24;
	v28 =	vor.u32 v49, v23  }
0x4ab: {  	[tilespmem:v15+s29+$0x0] =	vst.idx.msk $0xffff, v8;
	v33 =	vor.u32 v2, v19;
	v8 =	vor.u32 v2, v20;
	v2 =	vld [tilespmem:$0x1FFB0];
	_ =	sdelay $0x1  }
0x4ac: {  	[tilespmem:v10+s29+$0x0] =	vst.idx.msk $0xffff, v7  }
0x4ad: {  	v14 =	vld.idx.msk [tilespmem:v14+s30+$0x0], $0xffff  }
0x4ae: {  	[tilespmem:v16+s29+$0x0] =	vst.idx.msk $0xffff, v13;
	v13 =	vld.idx.msk [tilespmem:v18+s30+$0x0], $0xffff  }
0x4af: {  	[tilespmem:v28+s29+$0x0] =	vst.idx.msk $0xffff, v27;
	v18 =	vor.u32 v2, v24;
	v28 =	vor.u32 v2, v23;
	v2 =	vld [tilespmem:$0x1F4F0];
	_ =	sdelay $0x3  }
0x4b0: {  	v27 =	vld.idx.msk [tilespmem:v30+s30+$0x0], $0xffff;
	v7 =	vor.u32 v31, v22  }
0x4b1: {  	v16 =	vor.u32 v31, v21;
	v30 =	vor.u32 v2, v25;
	v31 =	vor.u32 v2, v26;
	v2 =	vld [tilespmem:$0x1FF70]  }
0x4b2: {  	v1 =	vld [tilespmem:$0x1F510]  }
0x4b3: {  	v0 =	vld [tilespmem:$0x1F500];
	_ =	sdelay $0x2  }
0x4b4: {  	v51 =	vor.u32 v2, v19;
	v52 =	vor.u32 v2, v20;
	v2 =	vld [tilespmem:$0x1FFA0];
	_ =	sdelay $0x1  }
0x4b5: {  	v10 =	vcombine.low v0, v1;
	v0 =	vld [tilespmem:$0x1F540]  }
0x4b6: {  	v1 =	vld [tilespmem:$0x1F550]  }
0x4b7: {  	v15 =	vld.idx.msk [tilespmem:v29+s30+$0x0], $0xffff;
	[tilespmem:v33+s29+$0x0] =	vst.idx.msk $0xffff, v14  }
0x4b8: {  	[tilespmem:v8+s29+$0x0] =	vst.idx.msk $0xffff, v13;
	v14 =	vor.u32 v2, v19;
	v8 =	vor.u32 v2, v20;
	v2 =	vld [tilespmem:$0x1F980];
	_ =	sdelay $0x2  }
0x4b9: {  	v43 =	vcombine.low v0, v1;
	v0 =	vld [tilespmem:$0x1F7F0]  }
0x4ba: {  	v13 =	vld.idx.msk [tilespmem:v16+s30+$0x0], $0xffff  }
0x4bb: {  	[tilespmem:v28+s29+$0x0] =	vst.idx.msk $0xffff, v27;
	v16 =	vor.u32 v2, v24;
	v27 =	vor.u32 v2, v23;
	v2 =	vld [tilespmem:$0x1F520];
	_ =	sdelay $0x1  }
0x4bc: {  	v29 =	vor.u32 v10, v21;
	v7 =	vld.idx.msk [tilespmem:v7+s30+$0x0], $0xffff  }
0x4bd: {  	v41 =	vor.u32 v10, v22;
	v10 =	vld [tilespmem:$0x1FF80];
	v49 =	vor.u32 v0, v22;
	[tilespmem:v18+s29+$0x0] =	vst.idx.msk $0xffff, v15  }
0x4be: {  	v15 =	vld.idx.msk [tilespmem:v30+s30+$0x0], $0xffff  }
0x4bf: {  	v18 =	vld.idx.msk [tilespmem:v31+s30+$0x0], $0xffff;
	v30 =	vor.u32 v2, v25  }
0x4c0: {  	v32 =	vld [tilespmem:$0x1F990];
	v31 =	vor.u32 v2, v26  }
0x4c1: {  	[tilespmem:v14+s29+$0x0] =	vst.idx.msk $0xffff, v7;
	v7 =	vld [tilespmem:$0x1F570]  }
0x4c2: {  	[tilespmem:v8+s29+$0x0] =	vst.idx.msk $0xffff, v13;
	v14 =	vld.idx.msk [tilespmem:v49+s30+$0x0], $0xffff  }
0x4c3: {  	v48 =	vor.u32 v10, v19;
	[tilespmem:v16+s29+$0x0] =	vst.idx.msk $0xffff, v15;
	v15 =	vld.idx.msk [tilespmem:v17+s30+$0x0], $0xffff  }
0x4c4: {  	v28 =	vor.u32 v10, v20;
	[tilespmem:v27+s29+$0x0] =	vst.idx.msk $0xffff, v18;
	v16 =	vld.idx.msk [tilespmem:v30+s30+$0x0], $0xffff  }
0x4c5: {  	s31 =	sadd.s32 $0x20, s31;
	v46 =	vor.u32 v43, v21;
	v27 =	vld.idx.msk [tilespmem:v31+s30+$0x0], $0xffff;
	v30 =	vor.u32 v32, v23  }
0x4c6: {  	s0 =	sadd.s32 $0xFFFFFFF0, s31;
	v18 =	vor.u32 v7, v26  }
0x4c7: {  	v1 =	vlaneseq.u32;
	v31 =	vmov s0  }
0x4c8: {  	v54 =	vor.u32 v32, v24;
	v50 =	vor.u32 s0, v1;
	[tilespmem:v48+s29+$0x0] =	vst.idx.msk $0xffff, v14;
	v31 =	vshll.u32 v31, $0x3  }
0x4c9: {  	v8 =	vshll.u32 v50, $0x7;
	v14 =	vand.u32 $0x6F, v50;
	[tilespmem:v28+s29+$0x0] =	vst.idx.msk $0xffff, v15;
	v50 =	vld [tilespmem:$0x1F9A0];
	v31 =	vand.u32 $0x400, v31  }
0x4ca: {  	v55 =	vor.u32 v43, v22;
	v15 =	vor.u32 v31, v14;
	v31 =	vld.idx.msk [tilespmem:v46+s30+$0x0], $0xffff;
	[tilespmem:v30+s29+$0x0] =	vst.idx.msk $0xffff, v27  }
0x4cb: {  	v17 =	vor.u32 v7, v25;
	v30 =	vld.idx.msk [tilespmem:v18+s30+$0x0], $0xffff  }
0x4cc: {  	v56 =	vor.u32 s31, v1;
	v18 =	vld [tilespmem:$0x1F580]  }
0x4cd: {  	v13 =	vmov s31;
	v58 =	vor.u32 v1, v8;
	v7 =	vshll.u32 v56, $0x7  }
0x4ce: {  	v57 =	vshll.u32 v13, $0x3;
	v48 =	vor.u32 v1, v7  }
0x4cf: {  	v28 =	vand.u32 $0x400, v57;
	v49 =	vld.idx.msk [tilespmem:v55+s30+$0x0], $0xffff;
	v14 =	vand.u32 $0x7F, v56;
	[tilespmem:v54+s29+$0x0] =	vst.idx.msk $0xffff, v16  }
0x4d0: {  	v16 =	vor.u32 v28, v14;
	v27 =	vor.u32 v50, v24;
	v28 =	vld.idx.msk [tilespmem:v17+s30+$0x0], $0xffff  }
0x4d1: {  	v3 =	vmov v53;
	v53 =	vld [tilespmem:$0x1FAD0];
	v55 =	vor.u32 v18, v25  }
0x4d2: {  	v57 =	vor.u32 v59, v15;
	v54 =	vld.idx.msk [tilespmem:v58+s30+$0x0], $0xffff  }
0x4d3: {  	v36 =	vld.idx.msk [tilespmem:v48+s30+$0x0], $0xffff  }
0x4d4: {  	v32 =	vmov v59;
	[tilespmem:v51+s29+$0x0] =	vst.idx.msk $0xffff, v49;
	v48 =	vld [tilespmem:$0x1F590]  }
0x4d5: {  	v58 =	vor.u32 v59, v16;
	v59 =	vor.u32 v60, v8;
	v41 =	vld.idx.msk [tilespmem:v41+s30+$0x0], $0xffff;
	[tilespmem:v27+s29+$0x0] =	vst.idx.msk $0xffff, v28  }
0x4d6: {  	v46 =	vor.u32 v50, v23;
	v51 =	vld.idx.msk [tilespmem:v55+s30+$0x0], $0xffff  }
0x4d7: {  	[tilespmem:v57+s29+$0x0] =	vst.idx.msk $0xffff, v54;
	v57 =	vld [tilespmem:$0x1F9B0]  }
0x4d8: {  	v33 =	vld [tilespmem:$0x1F660];
	[tilespmem:v52+s29+$0x0] =	vst.idx.msk $0xffff, v31  }
0x4d9: {  	v28 =	vld.idx.msk [tilespmem:v29+s30+$0x0], $0xffff  }
0x4da: {  	v56 =	vor.u32 v18, v26;
	v27 =	vor.u32 v53, v19;
	v54 =	vld.idx.msk [tilespmem:v59+s30+$0x0], $0xffff  }
0x4db: {  	[tilespmem:v46+s29+$0x0] =	vst.idx.msk $0xffff, v30;
	v30 =	vor.u32 v48, v22;
	v59 =	vld [tilespmem:$0x1F5A0]  }
0x4dc: {  	v46 =	vor.u32 v57, v24  }
0x4dd: {  	v17 =	vor.u32 v33, v25  }
0x4de: {  	v50 =	vld [tilespmem:$0x1F5B0];
	v18 =	vor.u32 v33, v26;
	v33 =	vmovc v60;
	v60 =	vor.u32 v60, v7;
	v29 =	vor.u32 v53, v20  }
0x4df: {  	v49 =	vor.u32 v61, v15;
	v31 =	vor.u32 v48, v21;
	v52 =	vld.idx.msk [tilespmem:v56+s30+$0x0], $0xffff;
	[tilespmem:v27+s29+$0x0] =	vst.idx.msk $0xffff, v41  }
0x4e0: {  	[tilespmem:v58+s29+$0x0] =	vst.idx.msk $0xffff, v36;
	v27 =	vld.idx.msk [tilespmem:v30+s30+$0x0], $0xffff;
	v53 =	vor.u32 v57, v23;
	v36 =	vor.u32 v59, v25  }
0x4e1: {  	v48 =	vor.u32 v59, v26;
	v59 =	vor.u32 v62, v8;
	[tilespmem:v46+s29+$0x0] =	vst.idx.msk $0xffff, v51;
	v51 =	vld [tilespmem:$0x1FAE0]  }
0x4e2: {  	v56 =	vld [tilespmem:$0x1F9C0]  }
0x4e3: {  	v57 =	vld.idx.msk [tilespmem:v60+s30+$0x0], $0xffff;
	[tilespmem:v29+s29+$0x0] =	vst.idx.msk $0xffff, v28  }
0x4e4: {  	v58 =	vor.u32 v61, v16;
	v30 =	vld.idx.msk [tilespmem:v31+s30+$0x0], $0xffff  }
0x4e5: {  	v60 =	vor.u32 v62, v7;
	v36 =	vld.idx.msk [tilespmem:v36+s30+$0x0], $0xffff;
	[tilespmem:v49+s29+$0x0] =	vst.idx.msk $0xffff, v54  }
0x4e6: {  	[tilespmem:v53+s29+$0x0] =	vst.idx.msk $0xffff, v52;
	v53 =	vld.idx.msk [tilespmem:v59+s30+$0x0], $0xffff;
	v31 =	vor.u32 v51, v20  }
0x4e7: {  	v59 =	vld [tilespmem:$0x1F5C0]  }
0x4e8: {  	v45 =	vld [tilespmem:$0x1F5E0]  }
0x4e9: {  	v29 =	vor.u32 v51, v19;
	v51 =	vld.idx.msk [tilespmem:v48+s30+$0x0], $0xffff;
	[tilespmem:v58+s29+$0x0] =	vst.idx.msk $0xffff, v57  }
0x4ea: {  	v41 =	vor.u32 v50, v22;
	v57 =	vld.idx.msk [tilespmem:v60+s30+$0x0], $0xffff  }
0x4eb: {  	v28 =	vor.u32 v50, v21;
	v46 =	vor.u32 v56, v24;
	[tilespmem:v31+s29+$0x0] =	vst.idx.msk $0xffff, v30;
	v30 =	vld [tilespmem:$0x1FF60]  }
0x4ec: {  	v52 =	vor.u32 v56, v23;
	v54 =	vld [tilespmem:$0x1F5D0];
	v48 =	vor.u32 v59, v25  }
0x4ed: {  	v56 =	vld [tilespmem:$0x1F9D0];
	v49 =	vor.u32 v59, v26  }
0x4ee: {  	v55 =	vld [tilespmem:$0x1F9E0];
	v50 =	vor.u32 v63, v15;
	[tilespmem:v29+s29+$0x0] =	vst.idx.msk $0xffff, v27  }
0x4ef: {  	v58 =	vor.u32 v63, v16;
	v59 =	vor.u32 v34, v8;
	v27 =	vld.idx.msk [tilespmem:v41+s30+$0x0], $0xffff  }
0x4f0: {  	v60 =	vor.u32 v34, v7;
	[tilespmem:v46+s29+$0x0] =	vst.idx.msk $0xffff, v36;
	v28 =	vld.idx.msk [tilespmem:v28+s30+$0x0], $0xffff;
	v29 =	vor.u32 v30, v19  }
0x4f1: {  	[tilespmem:v52+s29+$0x0] =	vst.idx.msk $0xffff, v51;
	v36 =	vor.u32 v54, v22;
	v31 =	vld.idx.msk [tilespmem:v48+s30+$0x0], $0xffff;
	v30 =	vor.u32 v30, v20  }
0x4f2: {  	v46 =	vor.u32 v56, v24;
	v51 =	vld.idx.msk [tilespmem:v49+s30+$0x0], $0xffff  }
0x4f3: {  	v41 =	vor.u32 v54, v21;
	[tilespmem:v50+s29+$0x0] =	vst.idx.msk $0xffff, v53;
	v50 =	vld [tilespmem:$0x1F5F0]  }
0x4f4: {  	[tilespmem:v58+s29+$0x0] =	vst.idx.msk $0xffff, v57;
	v48 =	vor.u32 v45, v25;
	v49 =	vor.u32 v35, v15;
	v53 =	vld.idx.msk [tilespmem:v59+s30+$0x0], $0xffff  }
0x4f5: {  	v52 =	vor.u32 v56, v23;
	v56 =	vld.idx.msk [tilespmem:v60+s30+$0x0], $0xffff;
	v60 =	vor.u32 v37, v8;
	[tilespmem:v29+s29+$0x0] =	vst.idx.msk $0xffff, v27  }
0x4f6: {  	[tilespmem:v30+s29+$0x0] =	vst.idx.msk $0xffff, v28;
	v27 =	vld.idx.msk [tilespmem:v36+s30+$0x0], $0xffff  }
0x4f7: {  	[tilespmem:v46+s29+$0x0] =	vst.idx.msk $0xffff, v31;
	v31 =	vld [tilespmem:$0x1FAF0]  }
0x4f8: {  	v30 =	vld.idx.msk [tilespmem:v41+s30+$0x0], $0xffff  }
0x4f9: {  	v36 =	vld.idx.msk [tilespmem:v48+s30+$0x0], $0xffff;
	[tilespmem:v49+s29+$0x0] =	vst.idx.msk $0xffff, v53  }
0x4fa: {  	v12 =	vor.u32 v45, v26;
	[tilespmem:v52+s29+$0x0] =	vst.idx.msk $0xffff, v51;
	v52 =	vld.idx.msk [tilespmem:v60+s30+$0x0], $0xffff  }
0x4fb: {  	v57 =	vor.u32 v35, v16;
	v60 =	vld [tilespmem:$0x1F600]  }
0x4fc: {  	v59 =	vor.u32 v37, v7  }
0x4fd: {  	v28 =	vor.u32 v31, v19  }
0x4fe: {  	v29 =	vor.u32 v50, v21;
	v41 =	vor.u32 v50, v22;
	v50 =	vld [tilespmem:$0x1FB00];
	v31 =	vor.u32 v31, v20  }
0x4ff: {  	v46 =	vor.u32 v55, v24;
	v12 =	vld.idx.msk [tilespmem:v12+s30+$0x0], $0xffff  }
0x500: {  	v51 =	vor.u32 v55, v23;
	[tilespmem:v57+s29+$0x0] =	vst.idx.msk $0xffff, v56;
	v49 =	vld [tilespmem:$0x1F610];
	v45 =	vor.u32 v60, v25  }
0x501: {  	v48 =	vor.u32 v38, v15;
	v56 =	vld.idx.msk [tilespmem:v59+s30+$0x0], $0xffff  }
0x502: {  	v54 =	vor.u32 v60, v26;
	v60 =	vld [tilespmem:$0x1F9F0];
	[tilespmem:v28+s29+$0x0] =	vst.idx.msk $0xffff, v27  }
0x503: {  	[tilespmem:v31+s29+$0x0] =	vst.idx.msk $0xffff, v30;
	v27 =	vld.idx.msk [tilespmem:v41+s30+$0x0], $0xffff  }
0x504: {  	v58 =	vor.u32 v39, v8;
	[tilespmem:v46+s29+$0x0] =	vst.idx.msk $0xffff, v36;
	v29 =	vld.idx.msk [tilespmem:v29+s30+$0x0], $0xffff  }
0x505: {  	v31 =	vor.u32 v50, v19;
	[tilespmem:v51+s29+$0x0] =	vst.idx.msk $0xffff, v12;
	v41 =	vld.idx.msk [tilespmem:v45+s30+$0x0], $0xffff  }
0x506: {  	v57 =	vor.u32 v38, v16;
	[tilespmem:v48+s29+$0x0] =	vst.idx.msk $0xffff, v52;
	v48 =	vld [tilespmem:$0x1F620]  }
0x507: {  	v51 =	vld.idx.msk [tilespmem:v54+s30+$0x0], $0xffff  }
0x508: {  	v59 =	vor.u32 v39, v7;
	v54 =	vld [tilespmem:$0x1F630]  }
0x509: {  	v36 =	vor.u32 v50, v20;
	v12 =	vor.u32 v49, v22;
	v53 =	vld.idx.msk [tilespmem:v58+s30+$0x0], $0xffff  }
0x50a: {  	v30 =	vor.u32 v49, v21;
	v46 =	vor.u32 v60, v24;
	[tilespmem:v31+s29+$0x0] =	vst.idx.msk $0xffff, v27;
	v31 =	vld [tilespmem:$0x1FB10]  }
0x50b: {  	v45 =	vor.u32 v60, v23;
	[tilespmem:v57+s29+$0x0] =	vst.idx.msk $0xffff, v56;
	v56 =	vld [tilespmem:$0x1FA00];
	v49 =	vor.u32 v48, v25  }
0x50c: {  	v47 =	vld [tilespmem:$0x1F640]  }
0x50d: {  	v57 =	vld.idx.msk [tilespmem:v59+s30+$0x0], $0xffff  }
0x50e: {  	v50 =	vor.u32 v40, v15;
	[tilespmem:v36+s29+$0x0] =	vst.idx.msk $0xffff, v29;
	v12 =	vld.idx.msk [tilespmem:v12+s30+$0x0], $0xffff  }
0x50f: {  	v59 =	vor.u32 v42, v8;
	[tilespmem:v46+s29+$0x0] =	vst.idx.msk $0xffff, v41;
	v30 =	vld.idx.msk [tilespmem:v30+s30+$0x0], $0xffff;
	v27 =	vor.u32 v31, v19  }
0x510: {  	[tilespmem:v45+s29+$0x0] =	vst.idx.msk $0xffff, v51;
	v41 =	vor.u32 v54, v22;
	v51 =	vor.u32 v56, v24;
	v36 =	vld.idx.msk [tilespmem:v49+s30+$0x0], $0xffff  }
0x511: {  	v10 =	vor.u32 v47, v25  }
0x512: {  	v6 =	vld [tilespmem:$0x1F800]  }
0x513: {  	v55 =	vor.u32 v48, v26;
	v48 =	vld [tilespmem:$0x1FB20];
	[tilespmem:v50+s29+$0x0] =	vst.idx.msk $0xffff, v53  }
0x514: {  	v58 =	vor.u32 v40, v16;
	v46 =	vor.u32 v54, v21;
	v54 =	vld.idx.msk [tilespmem:v59+s30+$0x0], $0xffff;
	[tilespmem:v27+s29+$0x0] =	vst.idx.msk $0xffff, v12  }
0x515: {  	v60 =	vor.u32 v42, v7;
	v31 =	vor.u32 v31, v20;
	v27 =	vld.idx.msk [tilespmem:v41+s30+$0x0], $0xffff;
	[tilespmem:v51+s29+$0x0] =	vst.idx.msk $0xffff, v36  }
0x516: {  	v41 =	vld.idx.msk [tilespmem:v10+s30+$0x0], $0xffff  }
0x517: {  	v10 =	vld [tilespmem:$0x1F650]  }
0x518: {  	v45 =	vor.u32 v56, v23;
	v52 =	vld.idx.msk [tilespmem:v55+s30+$0x0], $0xffff  }
0x519: {  	v56 =	vor.u32 v6, v15;
	[tilespmem:v58+s29+$0x0] =	vst.idx.msk $0xffff, v57;
	v58 =	vor.u32 v6, v16;
	v6 =	vld [tilespmem:$0x1FFD0]  }
0x51a: {  	v57 =	vld.idx.msk [tilespmem:v60+s30+$0x0], $0xffff;
	[tilespmem:v31+s29+$0x0] =	vst.idx.msk $0xffff, v30  }
0x51b: {  	v31 =	vld.idx.msk [tilespmem:v46+s30+$0x0], $0xffff  }
0x51c: {  	v46 =	vor.u32 v10, v22;
	v51 =	vor.u32 v10, v21;
	v10 =	vld [tilespmem:$0x1FA10];
	_ =	sdelay $0x1  }
0x51d: {  	v55 =	vor.u32 v47, v26  }
0x51e: {  	v30 =	vor.u32 v48, v19;
	v59 =	vor.u32 v6, v8;
	_ =	sdelay $0x1  }
0x51f: {  	v49 =	vld [tilespmem:$0x1FFE0];
	[tilespmem:v45+s29+$0x0] =	vst.idx.msk $0xffff, v52;
	v52 =	vor.u32 v10, v24  }
0x520: {  	v50 =	vld [tilespmem:$0x1FE70]  }
0x521: {  	[tilespmem:v56+s29+$0x0] =	vst.idx.msk $0xffff, v54;
	v53 =	vld.idx.msk [tilespmem:v55+s30+$0x0], $0xffff  }
0x522: {  	v55 =	vld.idx.msk [tilespmem:v59+s30+$0x0], $0xffff;
	[tilespmem:v30+s29+$0x0] =	vst.idx.msk $0xffff, v27  }
0x523: {  	v60 =	vor.u32 v6, v7;
	v27 =	vld.idx.msk [tilespmem:v46+s30+$0x0], $0xffff  }
0x524: {  	v36 =	vor.u32 v48, v20;
	[tilespmem:v52+s29+$0x0] =	vst.idx.msk $0xffff, v41;
	v52 =	vld [tilespmem:$0x1FB40]  }
0x525: {  	v43 =	vld [tilespmem:$0x1FF30]  }
0x526: {  	v2 =	vmov v5;
	v5 =	vld [tilespmem:$0x1F710]  }
0x527: {  	[tilespmem:v58+s29+$0x0] =	vst.idx.msk $0xffff, v57;
	v56 =	vor.u32 v49, v15;
	v58 =	vor.u32 v49, v16;
	v49 =	vld [tilespmem:$0x1F670]  }
0x528: {  	v57 =	vld.idx.msk [tilespmem:v60+s30+$0x0], $0xffff;
	v60 =	vor.u32 v50, v8;
	v54 =	vor.u32 v10, v23  }
0x529: {  	v1 =	vld [tilespmem:$0x1F6D0];
	[tilespmem:v36+s29+$0x0] =	vst.idx.msk $0xffff, v31;
	v36 =	vor.u32 v52, v19  }
0x52a: {  	v41 =	vld.idx.msk [tilespmem:v51+s30+$0x0], $0xffff  }
0x52b: {  	v13 =	vor.u32 v43, v8;
	v14 =	vor.u32 v43, v7;
	v17 =	vld.idx.msk [tilespmem:v17+s30+$0x0], $0xffff  }
0x52c: {  	v43 =	vmovc v38;
	v38 =	vmov v34;
	v34 =	vmov v61;
	v61 =	vor.u32 v50, v7;
	[tilespmem:v56+s29+$0x0] =	vst.idx.msk $0xffff, v55;
	v56 =	vld [tilespmem:$0x1FA20]  }
0x52d: {  	[tilespmem:v54+s29+$0x0] =	vst.idx.msk $0xffff, v53;
	v51 =	vor.u32 v49, v22;
	v54 =	vld.idx.msk [tilespmem:v60+s30+$0x0], $0xffff  }
0x52e: {  	v46 =	vor.u32 v52, v20;
	[tilespmem:v36+s29+$0x0] =	vst.idx.msk $0xffff, v27;
	v27 =	vld [tilespmem:$0x1FB60]  }
0x52f: {  	v30 =	vor.u32 v49, v21;
	v49 =	vld [tilespmem:$0x1F680]  }
0x530: {  	v18 =	vld.idx.msk [tilespmem:v18+s30+$0x0], $0xffff;
	[tilespmem:v58+s29+$0x0] =	vst.idx.msk $0xffff, v57  }
0x531: {  	v58 =	vld.idx.msk [tilespmem:v61+s30+$0x0], $0xffff  }
0x532: {  	v52 =	vor.u32 v56, v24;
	v53 =	vor.u32 v56, v23;
	v36 =	vld.idx.msk [tilespmem:v51+s30+$0x0], $0xffff  }
0x533: {  	[tilespmem:v46+s29+$0x0] =	vst.idx.msk $0xffff, v41;
	v51 =	vor.u32 v27, v19;
	v41 =	vor.u32 v27, v20;
	v27 =	vld [tilespmem:$0x1FA30]  }
0x534: {  	v47 =	vld [tilespmem:$0x1FB80]  }
0x535: {  	v6 =	vld [tilespmem:$0x1F750]  }
0x536: {  	v55 =	vor.u32 v49, v25;
	v56 =	vor.u32 v49, v26;
	v49 =	vld [tilespmem:$0x1F810]  }
0x537: {  	v57 =	vor.u32 v44, v15;
	[tilespmem:v52+s29+$0x0] =	vst.idx.msk $0xffff, v17;
	v17 =	vld.idx.msk [tilespmem:v30+s30+$0x0], $0xffff  }
0x538: {  	[tilespmem:v53+s29+$0x0] =	vst.idx.msk $0xffff, v18;
	v18 =	vor.u32 v27, v24;
	v52 =	vor.u32 v27, v23;
	v27 =	vld [tilespmem:$0x1F6A0]  }
0x539: {  	v50 =	vld [tilespmem:$0x1F690]  }
0x53a: {  	v48 =	vld [tilespmem:$0x1FBB0];
	v45 =	vmovc v42;
	v42 =	vmov v39;
	v39 =	vmov v35;
	v60 =	vor.u32 v44, v16  }
0x53b: {  	v35 =	vmovc v62;
	v44 =	vmovc v37;
	v37 =	vmov v63;
	v62 =	vor.u32 v49, v8;
	v63 =	vor.u32 v49, v7;
	v49 =	vld [tilespmem:$0x1F830]  }
0x53c: {  	v30 =	vld.idx.msk [tilespmem:v55+s30+$0x0], $0xffff  }
0x53d: {  	[tilespmem:v57+s29+$0x0] =	vst.idx.msk $0xffff, v54;
	v54 =	vor.u32 v27, v25;
	v55 =	vor.u32 v27, v26;
	v27 =	vld [tilespmem:$0x1F820]  }
0x53e: {  	v31 =	vor.u32 v50, v21;
	v61 =	vor.u32 v50, v22;
	v50 =	vld [tilespmem:$0x1F7D0]  }
0x53f: {  	v46 =	vld.idx.msk [tilespmem:v56+s30+$0x0], $0xffff  }
0x540: {  	[tilespmem:v60+s29+$0x0] =	vst.idx.msk $0xffff, v58;
	v53 =	vld.idx.msk [tilespmem:v62+s30+$0x0], $0xffff  }
0x541: {  	v57 =	vld.idx.msk [tilespmem:v63+s30+$0x0], $0xffff  }
0x542: {  	v60 =	vor.u32 v49, v8;
	v62 =	vor.u32 v49, v7;
	v49 =	vld [tilespmem:$0x1F840];
	v56 =	vor.u32 v27, v15  }
0x543: {  	v59 =	vor.u32 v47, v19;
	[tilespmem:v41+s29+$0x0] =	vst.idx.msk $0xffff, v17;
	v17 =	vor.u32 v47, v20;
	v47 =	vld [tilespmem:$0x1FB90]  }
0x544: {  	v28 =	vor.u32 v1, v21;
	[tilespmem:v51+s29+$0x0] =	vst.idx.msk $0xffff, v36;
	v51 =	vor.u32 v1, v22;
	v1 =	vld [tilespmem:$0x1F730]  }
0x545: {  	v36 =	vld.idx.msk [tilespmem:v61+s30+$0x0], $0xffff;
	[tilespmem:v18+s29+$0x0] =	vst.idx.msk $0xffff, v30;
	v58 =	vor.u32 v27, v16  }
0x546: {  	v30 =	vld.idx.msk [tilespmem:v54+s30+$0x0], $0xffff  }
0x547: {  	[tilespmem:v56+s29+$0x0] =	vst.idx.msk $0xffff, v53;
	v56 =	vld [tilespmem:$0x1FA40]  }
0x548: {  	v18 =	vld.idx.msk [tilespmem:v31+s30+$0x0], $0xffff;
	[tilespmem:v52+s29+$0x0] =	vst.idx.msk $0xffff, v46  }
0x549: {  	v41 =	vld.idx.msk [tilespmem:v55+s30+$0x0], $0xffff  }
0x54a: {  	[tilespmem:v58+s29+$0x0] =	vst.idx.msk $0xffff, v57;
	v57 =	vld [tilespmem:$0x1F6E0]  }
0x54b: {  	v58 =	vld [tilespmem:$0x1F960]  }
0x54c: {  	v31 =	vor.u32 v56, v24;
	v46 =	vor.u32 v56, v23;
	v56 =	vld.idx.msk [tilespmem:v62+s30+$0x0], $0xffff  }
0x54d: {  	[tilespmem:v17+s29+$0x0] =	vst.idx.msk $0xffff, v18;
	v18 =	vld [tilespmem:$0x1FA50]  }
0x54e: {  	v52 =	vld.idx.msk [tilespmem:v60+s30+$0x0], $0xffff;
	[tilespmem:v59+s29+$0x0] =	vst.idx.msk $0xffff, v36  }
0x54f: {  	v53 =	vor.u32 v57, v25;
	v62 =	vmovc v35;
	v35 =	vmovc v39;
	v39 =	vmov v42;
	v42 =	vmov v45;
	v45 =	vld [tilespmem:$0x1F960]  }
0x550: {  	v36 =	vld.idx.msk [tilespmem:v51+s30+$0x0], $0xffff;
	v54 =	vor.u32 v57, v26;
	v55 =	vor.u32 v58, v15  }
0x551: {  	v60 =	vor.u32 v49, v8;
	v28 =	vld.idx.msk [tilespmem:v28+s30+$0x0], $0xffff;
	[tilespmem:v31+s29+$0x0] =	vst.idx.msk $0xffff, v30  }
0x552: {  	[tilespmem:v46+s29+$0x0] =	vst.idx.msk $0xffff, v41;
	v31 =	vor.u32 v18, v24;
	v46 =	vor.u32 v18, v23;
	v18 =	vld [tilespmem:$0x1F720]  }
0x553: {  	v61 =	vor.u32 v49, v7;
	v49 =	vld [tilespmem:$0x1F870];
	v58 =	vor.u32 v47, v19  }
0x554: {  	v51 =	vor.u32 v5, v22;
	v57 =	vor.u32 v45, v16;
	v30 =	vld.idx.msk [tilespmem:v53+s30+$0x0], $0xffff  }
0x555: {  	[tilespmem:v55+s29+$0x0] =	vst.idx.msk $0xffff, v52;
	v41 =	vld.idx.msk [tilespmem:v54+s30+$0x0], $0xffff  }
0x556: {  	v17 =	vor.u32 v47, v20;
	v52 =	vld.idx.msk [tilespmem:v60+s30+$0x0], $0xffff  }
0x557: {  	v53 =	vor.u32 v18, v25;
	v54 =	vor.u32 v18, v26;
	v18 =	vld [tilespmem:$0x1F850]  }
0x558: {  	v29 =	vor.u32 v5, v21;
	v60 =	vld [tilespmem:$0x1F860];
	[tilespmem:v58+s29+$0x0] =	vst.idx.msk $0xffff, v36  }
0x559: {  	v36 =	vld.idx.msk [tilespmem:v51+s30+$0x0], $0xffff;
	[tilespmem:v57+s29+$0x0] =	vst.idx.msk $0xffff, v56  }
0x55a: {  	v10 =	vor.u32 v48, v19;
	v56 =	vld.idx.msk [tilespmem:v61+s30+$0x0], $0xffff  }
0x55b: {  	v51 =	vor.u32 v1, v22;
	[tilespmem:v17+s29+$0x0] =	vst.idx.msk $0xffff, v28;
	v17 =	vor.u32 v48, v20;
	v48 =	vld [tilespmem:$0x1FA60]  }
0x55c: {  	[tilespmem:v31+s29+$0x0] =	vst.idx.msk $0xffff, v30;
	v30 =	vor.u32 v1, v21;
	v1 =	vld [tilespmem:$0x1FB30];
	v57 =	vor.u32 v18, v16  }
0x55d: {  	v59 =	vor.u32 v60, v8;
	v60 =	vor.u32 v60, v7;
	v28 =	vld.idx.msk [tilespmem:v29+s30+$0x0], $0xffff;
	v55 =	vor.u32 v18, v15  }
0x55e: {  	[tilespmem:v46+s29+$0x0] =	vst.idx.msk $0xffff, v41;
	v29 =	vld.idx.msk [tilespmem:v53+s30+$0x0], $0xffff  }
0x55f: {  	v41 =	vld.idx.msk [tilespmem:v54+s30+$0x0], $0xffff  }
0x560: {  	v18 =	vor.u32 v4, v26;
	v4 =	vld [tilespmem:$0x1F740]  }
0x561: {  	v31 =	vor.u32 v48, v24;
	v46 =	vor.u32 v48, v23;
	v48 =	vld [tilespmem:$0x1F880];
	[tilespmem:v57+s29+$0x0] =	vst.idx.msk $0xffff, v56  }
0x562: {  	[tilespmem:v55+s29+$0x0] =	vst.idx.msk $0xffff, v52;
	v56 =	vld.idx.msk [tilespmem:v60+s30+$0x0], $0xffff  }
0x563: {  	[tilespmem:v17+s29+$0x0] =	vst.idx.msk $0xffff, v28;
	v17 =	vld [tilespmem:$0x1FA70]  }
0x564: {  	v52 =	vld.idx.msk [tilespmem:v59+s30+$0x0], $0xffff;
	[tilespmem:v10+s29+$0x0] =	vst.idx.msk $0xffff, v36  }
0x565: {  	v53 =	vor.u32 v4, v25;
	v10 =	vld.idx.msk [tilespmem:v51+s30+$0x0], $0xffff  }
0x566: {  	v54 =	vor.u32 v4, v26;
	v55 =	vor.u32 v49, v15;
	v51 =	vld [tilespmem:$0x1FBD0]  }
0x567: {  	v57 =	vor.u32 v49, v16;
	v49 =	vor.u32 v48, v8;
	[tilespmem:v31+s29+$0x0] =	vst.idx.msk $0xffff, v29;
	v29 =	vld.idx.msk [tilespmem:v30+s30+$0x0], $0xffff  }
0x568: {  	[tilespmem:v46+s29+$0x0] =	vst.idx.msk $0xffff, v41;
	v31 =	vor.u32 v17, v24;
	v46 =	vor.u32 v17, v23;
	v17 =	vld [tilespmem:$0x1F760]  }
0x569: {  	v60 =	vor.u32 v48, v7;
	v48 =	vld [tilespmem:$0x1F890]  }
0x56a: {  	v30 =	vld.idx.msk [tilespmem:v53+s30+$0x0], $0xffff  }
0x56b: {  	v41 =	vld.idx.msk [tilespmem:v54+s30+$0x0], $0xffff;
	[tilespmem:v55+s29+$0x0] =	vst.idx.msk $0xffff, v52;
	v36 =	vor.u32 v51, v19  }
0x56c: {  	v12 =	vor.u32 v6, v22;
	[tilespmem:v57+s29+$0x0] =	vst.idx.msk $0xffff, v56;
	v28 =	vor.u32 v51, v20;
	v51 =	vld.idx.msk [tilespmem:v49+s30+$0x0], $0xffff  }
0x56d: {  	v52 =	vor.u32 v17, v25;
	v53 =	vor.u32 v17, v26;
	v17 =	vor.u32 v0, v26;
	v0 =	vld [tilespmem:$0x1F770]  }
0x56e: {  	v58 =	vor.u32 v6, v21;
	v55 =	vld.idx.msk [tilespmem:v60+s30+$0x0], $0xffff  }
0x56f: {  	v54 =	vor.u32 v1, v15;
	v60 =	vmov v33;
	v33 =	vld [tilespmem:$0x1FB30]  }
0x570: {  	v59 =	vor.u32 v48, v7;
	v49 =	vor.u32 v48, v8;
	v48 =	vld [tilespmem:$0x1FA80];
	[tilespmem:v36+s29+$0x0] =	vst.idx.msk $0xffff, v10  }
0x571: {  	v10 =	vld.idx.msk [tilespmem:v12+s30+$0x0], $0xffff  }
0x572: {  	[tilespmem:v28+s29+$0x0] =	vst.idx.msk $0xffff, v29;
	v12 =	vor.u32 v0, v22;
	v28 =	vor.u32 v0, v21;
	v0 =	vld [tilespmem:$0x1F780]  }
0x573: {  	[tilespmem:v31+s29+$0x0] =	vst.idx.msk $0xffff, v30;
	v29 =	vld.idx.msk [tilespmem:v58+s30+$0x0], $0xffff  }
0x574: {  	v56 =	vor.u32 v33, v16;
	v30 =	vld.idx.msk [tilespmem:v52+s30+$0x0], $0xffff;
	[tilespmem:v54+s29+$0x0] =	vst.idx.msk $0xffff, v51  }
0x575: {  	[tilespmem:v46+s29+$0x0] =	vst.idx.msk $0xffff, v41;
	v46 =	vld.idx.msk [tilespmem:v49+s30+$0x0], $0xffff  }
0x576: {  	v49 =	vld [tilespmem:$0x1F8A0]  }
0x577: {  	v51 =	vor.u32 v0, v25;
	v52 =	vor.u32 v0, v26;
	v0 =	vld [tilespmem:$0x1F790]  }
0x578: {  	v31 =	vor.u32 v48, v24;
	v41 =	vor.u32 v48, v23;
	v48 =	vld [tilespmem:$0x1F8B0]  }
0x579: {  	v36 =	vld.idx.msk [tilespmem:v53+s30+$0x0], $0xffff;
	[tilespmem:v56+s29+$0x0] =	vst.idx.msk $0xffff, v55  }
0x57a: {  	v1 =	vld [tilespmem:$0x1F7B0];
	[tilespmem:v11+s29+$0x0] =	vst.idx.msk $0xffff, v10  }
0x57b: {  	v54 =	vld.idx.msk [tilespmem:v59+s30+$0x0], $0xffff;
	[tilespmem:v9+s29+$0x0] =	vst.idx.msk $0xffff, v29  }
0x57c: {  	v53 =	vor.u32 v49, v15;
	v9 =	vor.u32 v0, v21;
	v29 =	vor.u32 v0, v22;
	v0 =	vld [tilespmem:$0x1F7A0]  }
0x57d: {  	v10 =	vld.idx.msk [tilespmem:v12+s30+$0x0], $0xffff  }
0x57e: {  	v12 =	vld.idx.msk [tilespmem:v28+s30+$0x0], $0xffff;
	v47 =	vor.u32 v49, v16;
	v49 =	vor.u32 v48, v8  }
0x57f: {  	v55 =	vor.u32 v1, v21;
	[tilespmem:v31+s29+$0x0] =	vst.idx.msk $0xffff, v30;
	v21 =	vld [tilespmem:$0x1FEF0]  }
0x580: {  	v28 =	vld.idx.msk [tilespmem:v51+s30+$0x0], $0xffff  }
0x581: {  	[tilespmem:v53+s29+$0x0] =	vst.idx.msk $0xffff, v46;
	v46 =	vor.u32 v0, v25;
	v51 =	vor.u32 v0, v26;
	v0 =	vld [tilespmem:$0x1F480]  }
0x582: {  	v11 =	vor.u32 v1, v22;
	v22 =	vld [tilespmem:$0x1FA90]  }
0x583: {  	[tilespmem:v41+s29+$0x0] =	vst.idx.msk $0xffff, v36;
	v41 =	vld.idx.msk [tilespmem:v49+s30+$0x0], $0xffff  }
0x584: {  	v57 =	vor.u32 v48, v7;
	v48 =	vor.u32 v21, v8;
	v49 =	vor.u32 v21, v7;
	v21 =	vld [tilespmem:$0x1FF00];
	_ =	sdelay $0x1  }
0x585: {  	v63 =	vmov v37;
	v37 =	vmov v44;
	v44 =	vld [tilespmem:$0x1FEE0]  }
0x586: {  	v61 =	vmov v34;
	v34 =	vmov v38;
	v38 =	vmov v43;
	v43 =	vld [tilespmem:$0x1F8D0]  }
0x587: {  	v27 =	vor.u32 v50, v26;
	v30 =	vor.u32 v22, v24;
	v36 =	vor.u32 v22, v23;
	v22 =	vld [tilespmem:$0x1F8C0]  }
0x588: {  	v6 =	vor.u32 v21, v20;
	[tilespmem:v0+s29+$0x0] =	vst.idx.msk $0xffff, v10;
	v10 =	vor.u32 v21, v19;
	v21 =	vmov v26;
	v26 =	vld [tilespmem:$0x1FAA0]  }
0x589: {  	v31 =	vld.idx.msk [tilespmem:v52+s30+$0x0], $0xffff  }
0x58a: {  	[tilespmem:v47+s29+$0x0] =	vst.idx.msk $0xffff, v54;
	v54 =	vld [tilespmem:$0x1FFF0]  }
0x58b: {  	v53 =	vld.idx.msk [tilespmem:v57+s30+$0x0], $0xffff  }
0x58c: {  	v59 =	vmovc v32;
	v32 =	vor.u32 v22, v15;
	v47 =	vor.u32 v22, v16;
	v22 =	vmov v25;
	v5 =	vld.idx.msk [tilespmem:v29+s30+$0x0], $0xffff  }
0x58d: {  	v25 =	vmov v8;
	[tilespmem:v30+s29+$0x0] =	vst.idx.msk $0xffff, v28;
	v8 =	vor.u32 v26, v24;
	v30 =	vor.u32 v26, v23;
	v26 =	vld [tilespmem:$0x1F7C0]  }
0x58e: {  	[tilespmem:v2+s29+$0x0] =	vst.idx.msk $0xffff, v12;
	v2 =	vld [tilespmem:$0x1FAB0]  }
0x58f: {  	v9 =	vld.idx.msk [tilespmem:v9+s30+$0x0], $0xffff;
	[tilespmem:v36+s29+$0x0] =	vst.idx.msk $0xffff, v31  }
0x590: {  	v29 =	vld.idx.msk [tilespmem:v51+s30+$0x0], $0xffff  }
0x591: {  	v12 =	vld.idx.msk [tilespmem:v46+s30+$0x0], $0xffff  }
0x592: {  	[tilespmem:v32+s29+$0x0] =	vst.idx.msk $0xffff, v41;
	v28 =	vor.u32 v26, v22;
	v36 =	vor.u32 v26, v21;
	v26 =	vmov v7;
	v7 =	vld [tilespmem:$0x1FF10]  }
0x593: {  	[tilespmem:v47+s29+$0x0] =	vst.idx.msk $0xffff, v53;
	v31 =	vld.idx.msk [tilespmem:v48+s30+$0x0], $0xffff  }
0x594: {  	[tilespmem:v10+s29+$0x0] =	vst.idx.msk $0xffff, v5;
	v5 =	vld [tilespmem:$0x1FF20]  }
0x595: {  	v46 =	vld.idx.msk [tilespmem:v49+s30+$0x0], $0xffff  }
0x596: {  	v32 =	vor.u32 v54, v15;
	v49 =	vld [tilespmem:$0x1F920]  }
0x597: {  	s3 =	sadd.s32 $0x2, s3;
	v56 =	vor.u32 v54, v16;
	[tilespmem:v6+s29+$0x0] =	vst.idx.msk $0xffff, v9;
	v6 =	vld [tilespmem:$0x1FF40];
	v57 =	vor.u32 v7, v25  }
0x598: {  	p0 =	slt.u32 s3, $0xE;
	v53 =	vmov v3;
	v58 =	vor.u32 v7, v26;
	v7 =	vld.idx.msk [tilespmem:v11+s30+$0x0], $0xffff  }
.Ltmp0:
0x599: {  	v10 =	vor.u32 v5, v20;
	v20 =	vmov v23;
	v23 =	vmov v16;
	[tilespmem:v8+s29+$0x0] =	vst.idx.msk $0xffff, v12;
	v8 =	vld.idx.msk [tilespmem:v55+s30+$0x0], $0xffff;
	(pc) =	sbr.rel @p0 .LBB2_3-.Ltmp0, $4  }
0x59a: {  	v16 =	vor.u32 v2, v20;
	v41 =	vor.u32 v3, v23;
	[tilespmem:v30+s29+$0x0] =	vst.idx.msk $0xffff, v29;
	v28 =	vld.idx.msk [tilespmem:v28+s30+$0x0], $0xffff  }
0x59b: {  	v12 =	vor.u32 v5, v19;
	v19 =	vmov v24;
	v24 =	vmov v15;
	[tilespmem:v32+s29+$0x0] =	vst.idx.msk $0xffff, v31;
	v15 =	vld.idx.msk [tilespmem:v36+s30+$0x0], $0xffff  }
0x59c: {  	v30 =	vor.u32 v50, v22;
	v5 =	vor.u32 v6, v20;
	[tilespmem:v56+s29+$0x0] =	vst.idx.msk $0xffff, v46;
	v31 =	vld.idx.msk [tilespmem:v57+s30+$0x0], $0xffff  }
0x59d: {  	v29 =	vor.u32 v2, v19;
	v4 =	vor.u32 v6, v19;
	v46 =	vor.u32 v3, v24;
	v36 =	vld.idx.msk [tilespmem:v58+s30+$0x0], $0xffff  }
0x59e: {  	_ =	sdelay $0x3  }
0x59f: {  	[tilespmem:v46+s29+$0x0] =	vst.idx.msk $0xffff, v31  }
0x5a0: {  	v0 =	vld [tilespmem:$0x1F4A0];
	_ =	sdelay $0x3  }
0x5a1: {  	v9 =	vor.u32 v43, v24;
	v1 =	vld.idx.msk [tilespmem:v13+s30+$0x0], $0xffff  }
0x5a2: {  	v11 =	vor.u32 v0, v25;
	_ =	sdelay $0x2  }
0x5a3: {  	[tilespmem:v41+s29+$0x0] =	vst.idx.msk $0xffff, v36  }
0x5a4: {  	v13 =	vld.idx.msk [tilespmem:v14+s30+$0x0], $0xffff;
	v14 =	vor.u32 v43, v23;
	[tilespmem:v9+s29+$0x0] =	vst.idx.msk $0xffff, v1  }
0x5a5: {  	v9 =	vor.u32 v49, v24;
	v1 =	vld.idx.msk [tilespmem:v11+s30+$0x0], $0xffff  }
0x5a6: {  	v36 =	vld [tilespmem:$0x1F4B0];
	_ =	sdelay $0x2  }
0x5a7: {  	[tilespmem:v14+s29+$0x0] =	vst.idx.msk $0xffff, v13  }
0x5a8: {  	v31 =	vor.u32 v0, v26;
	[tilespmem:v9+s29+$0x0] =	vst.idx.msk $0xffff, v1  }
0x5a9: {  	v11 =	vor.u32 v36, v25;
	v55 =	vld [tilespmem:$0x1FFB0];
	_ =	sdelay $0x3  }
0x5aa: {  	v14 =	vor.u32 v49, v23;
	v13 =	vld.idx.msk [tilespmem:v31+s30+$0x0], $0xffff  }
0x5ab: {  	v1 =	vld.idx.msk [tilespmem:v11+s30+$0x0], $0xffff;
	v9 =	vor.u32 v55, v24  }
0x5ac: {  	v41 =	vld [tilespmem:$0x1F4F0];
	_ =	sdelay $0x2  }
0x5ad: {  	[tilespmem:v14+s29+$0x0] =	vst.idx.msk $0xffff, v13  }
0x5ae: {  	v31 =	vor.u32 v36, v26;
	[tilespmem:v9+s29+$0x0] =	vst.idx.msk $0xffff, v1  }
0x5af: {  	v11 =	vor.u32 v41, v25;
	v46 =	vld [tilespmem:$0x1F980];
	_ =	sdelay $0x3  }
0x5b0: {  	v13 =	vld.idx.msk [tilespmem:v31+s30+$0x0], $0xffff;
	v14 =	vor.u32 v55, v23  }
0x5b1: {  	v1 =	vld.idx.msk [tilespmem:v11+s30+$0x0], $0xffff;
	v9 =	vor.u32 v46, v24  }
0x5b2: {  	v3 =	vld [tilespmem:$0x1F520];
	_ =	sdelay $0x2  }
0x5b3: {  	[tilespmem:v14+s29+$0x0] =	vst.idx.msk $0xffff, v13  }
0x5b4: {  	v31 =	vor.u32 v41, v26;
	[tilespmem:v9+s29+$0x0] =	vst.idx.msk $0xffff, v1  }
0x5b5: {  	v11 =	vor.u32 v3, v25;
	v47 =	vld [tilespmem:$0x1F990];
	_ =	sdelay $0x3  }
0x5b6: {  	v13 =	vld.idx.msk [tilespmem:v31+s30+$0x0], $0xffff;
	v14 =	vor.u32 v46, v23  }
0x5b7: {  	v1 =	vld.idx.msk [tilespmem:v11+s30+$0x0], $0xffff;
	v9 =	vor.u32 v47, v24  }
0x5b8: {  	v48 =	vld [tilespmem:$0x1F570];
	_ =	sdelay $0x2  }
0x5b9: {  	[tilespmem:v14+s29+$0x0] =	vst.idx.msk $0xffff, v13  }
0x5ba: {  	v31 =	vor.u32 v3, v26;
	[tilespmem:v9+s29+$0x0] =	vst.idx.msk $0xffff, v1  }
0x5bb: {  	v11 =	vor.u32 v48, v25;
	v50 =	vld [tilespmem:$0x1F9A0];
	_ =	sdelay $0x3  }
0x5bc: {  	v13 =	vld.idx.msk [tilespmem:v31+s30+$0x0], $0xffff;
	v14 =	vor.u32 v47, v23  }
0x5bd: {  	v1 =	vld.idx.msk [tilespmem:v11+s30+$0x0], $0xffff;
	v9 =	vor.u32 v50, v24  }
0x5be: {  	v51 =	vld [tilespmem:$0x1F580];
	_ =	sdelay $0x2  }
0x5bf: {  	[tilespmem:v14+s29+$0x0] =	vst.idx.msk $0xffff, v13  }
0x5c0: {  	v31 =	vor.u32 v48, v26;
	[tilespmem:v9+s29+$0x0] =	vst.idx.msk $0xffff, v1  }
0x5c1: {  	v11 =	vor.u32 v51, v25;
	v52 =	vld [tilespmem:$0x1F9B0];
	_ =	sdelay $0x3  }
0x5c2: {  	v13 =	vld.idx.msk [tilespmem:v31+s30+$0x0], $0xffff;
	v14 =	vor.u32 v50, v23  }
0x5c3: {  	v1 =	vld.idx.msk [tilespmem:v11+s30+$0x0], $0xffff;
	v9 =	vor.u32 v52, v24  }
0x5c4: {  	v56 =	vld [tilespmem:$0x1F5A0];
	_ =	sdelay $0x2  }
0x5c5: {  	[tilespmem:v14+s29+$0x0] =	vst.idx.msk $0xffff, v13  }
0x5c6: {  	v31 =	vor.u32 v51, v26;
	[tilespmem:v9+s29+$0x0] =	vst.idx.msk $0xffff, v1  }
0x5c7: {  	v11 =	vor.u32 v56, v25;
	v57 =	vld [tilespmem:$0x1F9C0];
	_ =	sdelay $0x3  }
0x5c8: {  	v13 =	vld.idx.msk [tilespmem:v31+s30+$0x0], $0xffff;
	v14 =	vor.u32 v52, v23  }
0x5c9: {  	v1 =	vld.idx.msk [tilespmem:v11+s30+$0x0], $0xffff;
	v9 =	vor.u32 v57, v24  }
0x5ca: {  	v58 =	vld [tilespmem:$0x1F5C0];
	_ =	sdelay $0x2  }
0x5cb: {  	[tilespmem:v14+s29+$0x0] =	vst.idx.msk $0xffff, v13  }
0x5cc: {  	v31 =	vor.u32 v56, v26;
	[tilespmem:v9+s29+$0x0] =	vst.idx.msk $0xffff, v1  }
0x5cd: {  	v11 =	vor.u32 v58, v25;
	v6 =	vld [tilespmem:$0x1F9D0];
	_ =	sdelay $0x3  }
0x5ce: {  	v13 =	vld.idx.msk [tilespmem:v31+s30+$0x0], $0xffff;
	v14 =	vor.u32 v57, v23  }
0x5cf: {  	v1 =	vld.idx.msk [tilespmem:v11+s30+$0x0], $0xffff;
	v9 =	vor.u32 v6, v24  }
0x5d0: {  	v32 =	vld [tilespmem:$0x1F5E0];
	_ =	sdelay $0x2  }
0x5d1: {  	[tilespmem:v14+s29+$0x0] =	vst.idx.msk $0xffff, v13  }
0x5d2: {  	v31 =	vor.u32 v58, v26;
	[tilespmem:v9+s29+$0x0] =	vst.idx.msk $0xffff, v1  }
0x5d3: {  	v11 =	vor.u32 v32, v25;
	v36 =	vld [tilespmem:$0x1F9E0];
	_ =	sdelay $0x3  }
0x5d4: {  	v13 =	vld.idx.msk [tilespmem:v31+s30+$0x0], $0xffff;
	v14 =	vor.u32 v6, v23  }
0x5d5: {  	v1 =	vld.idx.msk [tilespmem:v11+s30+$0x0], $0xffff;
	v9 =	vor.u32 v36, v24  }
0x5d6: {  	v41 =	vld [tilespmem:$0x1F600];
	_ =	sdelay $0x2  }
0x5d7: {  	[tilespmem:v14+s29+$0x0] =	vst.idx.msk $0xffff, v13  }
0x5d8: {  	v31 =	vor.u32 v32, v26;
	[tilespmem:v9+s29+$0x0] =	vst.idx.msk $0xffff, v1  }
0x5d9: {  	v11 =	vor.u32 v41, v25;
	v46 =	vld [tilespmem:$0x1F9F0];
	_ =	sdelay $0x3  }
0x5da: {  	v13 =	vld.idx.msk [tilespmem:v31+s30+$0x0], $0xffff;
	v14 =	vor.u32 v36, v23  }
0x5db: {  	v1 =	vld.idx.msk [tilespmem:v11+s30+$0x0], $0xffff;
	v9 =	vor.u32 v46, v24  }
0x5dc: {  	v47 =	vld [tilespmem:$0x1F620];
	_ =	sdelay $0x2  }
0x5dd: {  	[tilespmem:v14+s29+$0x0] =	vst.idx.msk $0xffff, v13  }
0x5de: {  	v31 =	vor.u32 v41, v26;
	[tilespmem:v9+s29+$0x0] =	vst.idx.msk $0xffff, v1  }
0x5df: {  	v11 =	vor.u32 v47, v25;
	v48 =	vld [tilespmem:$0x1FA00];
	_ =	sdelay $0x3  }
0x5e0: {  	v13 =	vld.idx.msk [tilespmem:v31+s30+$0x0], $0xffff;
	v14 =	vor.u32 v46, v23  }
0x5e1: {  	v1 =	vld.idx.msk [tilespmem:v11+s30+$0x0], $0xffff;
	v9 =	vor.u32 v48, v24  }
0x5e2: {  	v50 =	vld [tilespmem:$0x1F640];
	_ =	sdelay $0x2  }
0x5e3: {  	[tilespmem:v14+s29+$0x0] =	vst.idx.msk $0xffff, v13  }
0x5e4: {  	v31 =	vor.u32 v47, v26;
	[tilespmem:v9+s29+$0x0] =	vst.idx.msk $0xffff, v1  }
0x5e5: {  	v11 =	vor.u32 v50, v25;
	v51 =	vld [tilespmem:$0x1FA10];
	_ =	sdelay $0x3  }
0x5e6: {  	v13 =	vld.idx.msk [tilespmem:v31+s30+$0x0], $0xffff;
	v14 =	vor.u32 v48, v23  }
0x5e7: {  	v1 =	vld.idx.msk [tilespmem:v11+s30+$0x0], $0xffff;
	v9 =	vor.u32 v51, v24  }
0x5e8: {  	v52 =	vld [tilespmem:$0x1F660];
	_ =	sdelay $0x2  }
0x5e9: {  	[tilespmem:v14+s29+$0x0] =	vst.idx.msk $0xffff, v13  }
0x5ea: {  	v31 =	vor.u32 v50, v26;
	[tilespmem:v9+s29+$0x0] =	vst.idx.msk $0xffff, v1  }
0x5eb: {  	v11 =	vor.u32 v52, v25;
	v56 =	vld [tilespmem:$0x1FA20];
	_ =	sdelay $0x3  }
0x5ec: {  	v13 =	vld.idx.msk [tilespmem:v31+s30+$0x0], $0xffff;
	v14 =	vor.u32 v51, v23  }
0x5ed: {  	v1 =	vld.idx.msk [tilespmem:v11+s30+$0x0], $0xffff;
	v9 =	vor.u32 v56, v24  }
0x5ee: {  	v57 =	vld [tilespmem:$0x1F680];
	_ =	sdelay $0x2  }
0x5ef: {  	[tilespmem:v14+s29+$0x0] =	vst.idx.msk $0xffff, v13  }
0x5f0: {  	v31 =	vor.u32 v52, v26;
	[tilespmem:v9+s29+$0x0] =	vst.idx.msk $0xffff, v1  }
0x5f1: {  	v11 =	vor.u32 v57, v25;
	v58 =	vld [tilespmem:$0x1FA30];
	_ =	sdelay $0x3  }
0x5f2: {  	v13 =	vld.idx.msk [tilespmem:v31+s30+$0x0], $0xffff;
	v14 =	vor.u32 v56, v23  }
0x5f3: {  	v1 =	vld.idx.msk [tilespmem:v11+s30+$0x0], $0xffff;
	v9 =	vor.u32 v58, v24  }
0x5f4: {  	v6 =	vld [tilespmem:$0x1F6A0];
	_ =	sdelay $0x2  }
0x5f5: {  	[tilespmem:v14+s29+$0x0] =	vst.idx.msk $0xffff, v13  }
0x5f6: {  	v31 =	vor.u32 v57, v26;
	[tilespmem:v9+s29+$0x0] =	vst.idx.msk $0xffff, v1  }
0x5f7: {  	v11 =	vor.u32 v6, v25;
	v32 =	vld [tilespmem:$0x1FA40];
	_ =	sdelay $0x3  }
0x5f8: {  	v13 =	vld.idx.msk [tilespmem:v31+s30+$0x0], $0xffff;
	v14 =	vor.u32 v58, v23  }
0x5f9: {  	v1 =	vld.idx.msk [tilespmem:v11+s30+$0x0], $0xffff;
	v9 =	vor.u32 v32, v24  }
0x5fa: {  	v36 =	vld [tilespmem:$0x1F6E0]  }
0x5fb: {  	v31 =	vor.u32 v6, v26;
	_ =	sdelay $0x1  }
0x5fc: {  	[tilespmem:v14+s29+$0x0] =	vst.idx.msk $0xffff, v13  }
0x5fd: {  	[tilespmem:v9+s29+$0x0] =	vst.idx.msk $0xffff, v1  }
0x5fe: {  	v11 =	vor.u32 v36, v25;
	v41 =	vld [tilespmem:$0x1FA50]  }
0x5ff: {  	v13 =	vld.idx.msk [tilespmem:v31+s30+$0x0], $0xffff;
	v14 =	vor.u32 v32, v23;
	_ =	sdelay $0x3  }
0x600: {  	v1 =	vld.idx.msk [tilespmem:v11+s30+$0x0], $0xffff;
	v9 =	vor.u32 v41, v24  }
0x601: {  	v46 =	vld [tilespmem:$0x1F720];
	[tilespmem:v14+s29+$0x0] =	vst.idx.msk $0xffff, v13  }
0x602: {  	v50 =	vld [tilespmem:$0x1FCD0]  }
0x603: {  	v47 =	vld [tilespmem:$0x1FCE0]  }
0x604: {  	v48 =	vld [tilespmem:$0x1FCF0]  }
0x605: {  	v31 =	vor.u32 v36, v26;
	v51 =	vld [tilespmem:$0x1FD00];
	[tilespmem:v9+s29+$0x0] =	vst.idx.msk $0xffff, v1  }
0x606: {  	v11 =	vor.u32 v46, v25;
	v56 =	vld [tilespmem:$0x1FA60];
	_ =	sdelay $0x3  }
0x607: {  	v13 =	vld.idx.msk [tilespmem:v31+s30+$0x0], $0xffff;
	v14 =	vor.u32 v41, v23  }
0x608: {  	v31 =	vor.u32 v46, v26;
	v9 =	vld.idx.msk [tilespmem:v11+s30+$0x0], $0xffff;
	v11 =	vor.u32 v56, v24;
	_ =	sdelay $0x1  }
0x609: {  	v36 =	vsel vm0, v47, v50;
	v41 =	vsel vm0, v51, v48  }
0x60a: {  	v52 =	vcombine.low v41, v36  }
0x60b: {  	[tilespmem:v14+s29+$0x0] =	vst.idx.msk $0xffff, v13  }
0x60c: {  	v57 =	vor.u32 v52, v25;
	v13 =	vld.idx.msk [tilespmem:v31+s30+$0x0], $0xffff;
	[tilespmem:v11+s29+$0x0] =	vst.idx.msk $0xffff, v9  }
0x60d: {  	v14 =	vor.u32 v56, v23;
	v58 =	vld [tilespmem:$0x1FA70]  }
0x60e: {  	v1 =	vor.u32 v52, v26;
	_ =	sdelay $0x2  }
0x60f: {  	v9 =	vld.idx.msk [tilespmem:v57+s30+$0x0], $0xffff  }
0x610: {  	v6 =	vld [tilespmem:$0x1F760];
	[tilespmem:v14+s29+$0x0] =	vst.idx.msk $0xffff, v13;
	v11 =	vor.u32 v58, v24  }
0x611: {  	v1 =	vld.idx.msk [tilespmem:v1+s30+$0x0], $0xffff  }
0x612: {  	v32 =	vld [tilespmem:$0x1FC60]  }
0x613: {  	v47 =	vmov v43;
	v43 =	vld [tilespmem:$0x1FC70]  }
0x614: {  	v46 =	vld [tilespmem:$0x1FC50]  }
0x615: {  	v48 =	vld [tilespmem:$0x1FC80];
	[tilespmem:v11+s29+$0x0] =	vst.idx.msk $0xffff, v9  }
0x616: {  	v31 =	vor.u32 v6, v25;
	v13 =	vor.u32 v58, v23;
	v51 =	vld [tilespmem:$0x1FA80];
	_ =	sdelay $0x4  }
0x617: {  	v11 =	vld.idx.msk [tilespmem:v31+s30+$0x0], $0xffff;
	[tilespmem:v13+s29+$0x0] =	vst.idx.msk $0xffff, v1;
	v31 =	vor.u32 v51, v24  }
0x618: {  	v52 =	vld [tilespmem:$0x1FCA0]  }
0x619: {  	v56 =	vld [tilespmem:$0x1FCB0]  }
0x61a: {  	v43 =	vsel vm0, v43, v32;
	v46 =	vsel vm0, v46, v48;
	v57 =	vld [tilespmem:$0x1FC90]  }
0x61b: {  	v14 =	vor.u32 v6, v26;
	v9 =	vcombine.low v46, v43;
	v58 =	vld [tilespmem:$0x1FCC0]  }
0x61c: {  	[tilespmem:v31+s29+$0x0] =	vst.idx.msk $0xffff, v11  }
0x61d: {  	v32 =	vor.u32 v9, v25;
	v6 =	vld [tilespmem:$0x1FA90];
	_ =	sdelay $0x2  }
0x61e: {  	v1 =	vld.idx.msk [tilespmem:v14+s30+$0x0], $0xffff;
	v13 =	vor.u32 v51, v23;
	v14 =	vsel vm0, v56, v52;
	v51 =	vsel vm0, v57, v58  }
0x61f: {  	v11 =	vcombine.low v51, v14  }
0x620: {  	v9 =	vor.u32 v9, v26;
	v31 =	vld.idx.msk [tilespmem:v32+s30+$0x0], $0xffff;
	v48 =	vor.u32 v6, v24  }
0x621: {  	v52 =	vor.u32 v11, v25;
	_ =	sdelay $0x2  }
0x622: {  	[tilespmem:v13+s29+$0x0] =	vst.idx.msk $0xffff, v1  }
0x623: {  	v1 =	vld.idx.msk [tilespmem:v9+s30+$0x0], $0xffff;
	[tilespmem:v48+s29+$0x0] =	vst.idx.msk $0xffff, v31  }
0x624: {  	v13 =	vld.idx.msk [tilespmem:v52+s30+$0x0], $0xffff  }
0x625: {  	v9 =	vor.u32 v6, v23;
	v52 =	vld [tilespmem:$0x1FAA0]  }
0x626: {  	v11 =	vor.u32 v11, v26;
	_ =	sdelay $0x3  }
0x627: {  	v56 =	vld [tilespmem:$0x1F7C0];
	[tilespmem:v9+s29+$0x0] =	vst.idx.msk $0xffff, v1;
	v31 =	vor.u32 v52, v24  }
0x628: {  	v1 =	vld.idx.msk [tilespmem:v11+s30+$0x0], $0xffff;
	v9 =	vor.u32 v52, v23;
	_ =	sdelay $0x3  }
0x629: {  	[tilespmem:v31+s29+$0x0] =	vst.idx.msk $0xffff, v13  }
0x62a: {  	v57 =	vor.u32 v56, v25;
	v58 =	vld [tilespmem:$0x1F7D0];
	[tilespmem:v9+s29+$0x0] =	vst.idx.msk $0xffff, v1  }
0x62b: {  	v11 =	vor.u32 v56, v26;
	[tilespmem:v29+s29+$0x0] =	vst.idx.msk $0xffff, v28  }
0x62c: {  	v48 =	vld [tilespmem:$0x1FAC0];
	_ =	sdelay $0x2  }
0x62d: {  	v31 =	vor.u32 v2, v24;
	v13 =	vld.idx.msk [tilespmem:v57+s30+$0x0], $0xffff  }
0x62e: {  	v9 =	vor.u32 v2, v23;
	v1 =	vld.idx.msk [tilespmem:v11+s30+$0x0], $0xffff  }
0x62f: {  	v28 =	vld.idx.msk [tilespmem:v30+s30+$0x0], $0xffff;
	[tilespmem:v16+s29+$0x0] =	vst.idx.msk $0xffff, v15;
	v11 =	vor.u32 v48, v19  }
0x630: {  	v27 =	vld.idx.msk [tilespmem:v27+s30+$0x0], $0xffff;
	v29 =	vor.u32 v48, v20  }
0x631: {  	v52 =	vld [tilespmem:$0x1F490]  }
0x632: {  	v6 =	vor.u32 v58, v25;
	[tilespmem:v31+s29+$0x0] =	vst.idx.msk $0xffff, v13  }
0x633: {  	[tilespmem:v9+s29+$0x0] =	vst.idx.msk $0xffff, v1  }
0x634: {  	[tilespmem:v11+s29+$0x0] =	vst.idx.msk $0xffff, v28  }
0x635: {  	v15 =	vor.u32 v58, v26;
	[tilespmem:v29+s29+$0x0] =	vst.idx.msk $0xffff, v27  }
0x636: {  	v58 =	vor.u32 v52, v22;
	v57 =	vld [tilespmem:$0x1FFC0]  }
0x637: {  	v30 =	vor.u32 v48, v24;
	v13 =	vor.u32 v52, v21;
	v31 =	vld.idx.msk [tilespmem:v6+s30+$0x0], $0xffff;
	_ =	sdelay $0x2  }
0x638: {  	v6 =	vor.u32 v48, v23;
	v9 =	vld.idx.msk [tilespmem:v15+s30+$0x0], $0xffff  }
0x639: {  	v32 =	vor.u32 v52, v25;
	v11 =	vld.idx.msk [tilespmem:v58+s30+$0x0], $0xffff;
	v15 =	vor.u32 v57, v19  }
0x63a: {  	v48 =	vor.u32 v52, v26;
	v13 =	vld.idx.msk [tilespmem:v13+s30+$0x0], $0xffff;
	[tilespmem:v30+s29+$0x0] =	vst.idx.msk $0xffff, v31;
	v27 =	vor.u32 v57, v20  }
0x63b: {  	v52 =	vld [tilespmem:$0x1F7E0];
	_ =	sdelay $0x1  }
0x63c: {  	[tilespmem:v6+s29+$0x0] =	vst.idx.msk $0xffff, v9  }
0x63d: {  	v29 =	vld.idx.msk [tilespmem:v32+s30+$0x0], $0xffff;
	[tilespmem:v15+s29+$0x0] =	vst.idx.msk $0xffff, v11  }
0x63e: {  	v11 =	vld.idx.msk [tilespmem:v48+s30+$0x0], $0xffff;
	[tilespmem:v27+s29+$0x0] =	vst.idx.msk $0xffff, v13  }
0x63f: {  	v30 =	vor.u32 v57, v24;
	v28 =	vor.u32 v52, v22;
	v48 =	vld [tilespmem:$0x1FF90];
	_ =	sdelay $0x3  }
0x640: {  	v9 =	vor.u32 v57, v23;
	v18 =	vld.idx.msk [tilespmem:v18+s30+$0x0], $0xffff  }
0x641: {  	[tilespmem:v30+s29+$0x0] =	vst.idx.msk $0xffff, v29;
	v15 =	vld.idx.msk [tilespmem:v28+s30+$0x0], $0xffff;
	v58 =	vor.u32 v48, v19  }
0x642: {  	v6 =	vld [tilespmem:$0x1F4E0];
	v28 =	vor.u32 v48, v20;
	_ =	sdelay $0x2  }
0x643: {  	v56 =	vor.u32 v52, v25;
	[tilespmem:v9+s29+$0x0] =	vst.idx.msk $0xffff, v11  }
0x644: {  	v13 =	vor.u32 v52, v26;
	[tilespmem:v58+s29+$0x0] =	vst.idx.msk $0xffff, v15  }
0x645: {  	v27 =	vor.u32 v6, v22;
	[tilespmem:v28+s29+$0x0] =	vst.idx.msk $0xffff, v18  }
0x646: {  	v32 =	vld [tilespmem:$0x1FFA0]  }
0x647: {  	v30 =	vor.u32 v6, v21  }
0x648: {  	v1 =	vld.idx.msk [tilespmem:v56+s30+$0x0], $0xffff  }
0x649: {  	v31 =	vor.u32 v48, v24;
	v13 =	vld.idx.msk [tilespmem:v13+s30+$0x0], $0xffff  }
0x64a: {  	v29 =	vcombine.low v36, v41;
	v11 =	vor.u32 v48, v23;
	v48 =	vld.idx.msk [tilespmem:v27+s30+$0x0], $0xffff  }
0x64b: {  	v52 =	vld [tilespmem:$0x1F7F0];
	v36 =	vor.u32 v32, v19  }
0x64c: {  	v9 =	vor.u32 v29, v25;
	v28 =	vld.idx.msk [tilespmem:v30+s30+$0x0], $0xffff;
	v56 =	vor.u32 v32, v20;
	_ =	sdelay $0x1  }
0x64d: {  	[tilespmem:v31+s29+$0x0] =	vst.idx.msk $0xffff, v1  }
0x64e: {  	[tilespmem:v11+s29+$0x0] =	vst.idx.msk $0xffff, v13  }
0x64f: {  	v15 =	vor.u32 v29, v26;
	[tilespmem:v36+s29+$0x0] =	vst.idx.msk $0xffff, v48  }
0x650: {  	v9 =	vld.idx.msk [tilespmem:v9+s30+$0x0], $0xffff;
	v27 =	vor.u32 v52, v22;
	[tilespmem:v56+s29+$0x0] =	vst.idx.msk $0xffff, v28  }
0x651: {  	v29 =	vor.u32 v32, v24;
	v58 =	vld [tilespmem:$0x1FF80];
	_ =	sdelay $0x2  }
0x652: {  	v15 =	vld.idx.msk [tilespmem:v15+s30+$0x0], $0xffff  }
0x653: {  	v13 =	vor.u32 v32, v23;
	v18 =	vld.idx.msk [tilespmem:v27+s30+$0x0], $0xffff  }
0x654: {  	[tilespmem:v29+s29+$0x0] =	vst.idx.msk $0xffff, v9;
	v17 =	vld.idx.msk [tilespmem:v17+s30+$0x0], $0xffff;
	v6 =	vor.u32 v58, v19  }
0x655: {  	v11 =	vor.u32 v52, v25;
	v41 =	vld [tilespmem:$0x1F560];
	v9 =	vor.u32 v58, v20;
	_ =	sdelay $0x2  }
0x656: {  	[tilespmem:v13+s29+$0x0] =	vst.idx.msk $0xffff, v15  }
0x657: {  	v57 =	vor.u32 v52, v26;
	[tilespmem:v6+s29+$0x0] =	vst.idx.msk $0xffff, v18  }
0x658: {  	v11 =	vld.idx.msk [tilespmem:v11+s30+$0x0], $0xffff;
	v27 =	vor.u32 v41, v22;
	[tilespmem:v9+s29+$0x0] =	vst.idx.msk $0xffff, v17  }
0x659: {  	v29 =	vor.u32 v58, v24;
	v30 =	vor.u32 v41, v21;
	v52 =	vld [tilespmem:$0x1FF70];
	_ =	sdelay $0x2  }
0x65a: {  	v16 =	vld.idx.msk [tilespmem:v57+s30+$0x0], $0xffff  }
0x65b: {  	v13 =	vor.u32 v58, v23;
	v56 =	vld.idx.msk [tilespmem:v27+s30+$0x0], $0xffff  }
0x65c: {  	[tilespmem:v29+s29+$0x0] =	vst.idx.msk $0xffff, v11;
	v27 =	vld.idx.msk [tilespmem:v30+s30+$0x0], $0xffff;
	v9 =	vor.u32 v52, v19  }
0x65d: {  	v57 =	vld [tilespmem:$0x1F530];
	v58 =	vor.u32 v52, v20  }
0x65e: {  	v28 =	vcombine.low v43, v46;
	_ =	sdelay $0x1  }
0x65f: {  	v15 =	vor.u32 v28, v25;
	[tilespmem:v13+s29+$0x0] =	vst.idx.msk $0xffff, v16  }
0x660: {  	v48 =	vor.u32 v28, v26;
	[tilespmem:v9+s29+$0x0] =	vst.idx.msk $0xffff, v56  }
0x661: {  	v11 =	vor.u32 v57, v22;
	[tilespmem:v58+s29+$0x0] =	vst.idx.msk $0xffff, v27  }
0x662: {  	v28 =	vor.u32 v57, v21;
	v32 =	vld [tilespmem:$0x1FAD0];
	_ =	sdelay $0x1  }
0x663: {  	v15 =	vld.idx.msk [tilespmem:v15+s30+$0x0], $0xffff  }
0x664: {  	v1 =	vld.idx.msk [tilespmem:v48+s30+$0x0], $0xffff;
	v29 =	vor.u32 v52, v24  }
0x665: {  	v6 =	vor.u32 v52, v23;
	v9 =	vld.idx.msk [tilespmem:v11+s30+$0x0], $0xffff  }
0x666: {  	v36 =	vld.idx.msk [tilespmem:v28+s30+$0x0], $0xffff;
	v11 =	vor.u32 v32, v19  }
0x667: {  	v43 =	vld [tilespmem:$0x1F590];
	v41 =	vor.u32 v32, v20  }
0x668: {  	v14 =	vcombine.low v14, v51  }
0x669: {  	[tilespmem:v29+s29+$0x0] =	vst.idx.msk $0xffff, v15  }
0x66a: {  	v13 =	vor.u32 v14, v25;
	[tilespmem:v6+s29+$0x0] =	vst.idx.msk $0xffff, v1  }
0x66b: {  	v14 =	vor.u32 v14, v26;
	[tilespmem:v11+s29+$0x0] =	vst.idx.msk $0xffff, v9  }
0x66c: {  	v27 =	vor.u32 v43, v22;
	[tilespmem:v41+s29+$0x0] =	vst.idx.msk $0xffff, v36  }
0x66d: {  	v15 =	vor.u32 v43, v21;
	v51 =	vld [tilespmem:$0x1FAE0];
	_ =	sdelay $0x1  }
0x66e: {  	v13 =	vld.idx.msk [tilespmem:v13+s30+$0x0], $0xffff  }
0x66f: {  	v14 =	vld.idx.msk [tilespmem:v14+s30+$0x0], $0xffff;
	v46 =	vor.u32 v32, v24  }
0x670: {  	v48 =	vor.u32 v32, v23;
	v9 =	vld.idx.msk [tilespmem:v27+s30+$0x0], $0xffff  }
0x671: {  	v15 =	vld.idx.msk [tilespmem:v15+s30+$0x0], $0xffff;
	v11 =	vor.u32 v51, v19  }
0x672: {  	v56 =	vld [tilespmem:$0x1F5B0];
	v52 =	vor.u32 v51, v20;
	_ =	sdelay $0x1  }
0x673: {  	[tilespmem:v46+s29+$0x0] =	vst.idx.msk $0xffff, v13  }
0x674: {  	v28 =	vor.u32 v43, v25;
	[tilespmem:v48+s29+$0x0] =	vst.idx.msk $0xffff, v14  }
0x675: {  	v29 =	vor.u32 v43, v26;
	[tilespmem:v11+s29+$0x0] =	vst.idx.msk $0xffff, v9  }
0x676: {  	v57 =	vor.u32 v56, v22;
	[tilespmem:v52+s29+$0x0] =	vst.idx.msk $0xffff, v15  }
0x677: {  	v58 =	vor.u32 v56, v21;
	v30 =	vld [tilespmem:$0x1FF60];
	_ =	sdelay $0x1  }
0x678: {  	v13 =	vld.idx.msk [tilespmem:v28+s30+$0x0], $0xffff  }
0x679: {  	v16 =	vld.idx.msk [tilespmem:v29+s30+$0x0], $0xffff;
	v14 =	vor.u32 v51, v24  }
0x67a: {  	v27 =	vor.u32 v51, v23;
	v9 =	vld.idx.msk [tilespmem:v57+s30+$0x0], $0xffff  }
0x67b: {  	v1 =	vld.idx.msk [tilespmem:v58+s30+$0x0], $0xffff;
	v11 =	vor.u32 v30, v19  }
0x67c: {  	v6 =	vld [tilespmem:$0x1F5D0];
	v15 =	vor.u32 v30, v20;
	_ =	sdelay $0x1  }
0x67d: {  	[tilespmem:v14+s29+$0x0] =	vst.idx.msk $0xffff, v13  }
0x67e: {  	v28 =	vor.u32 v56, v25;
	[tilespmem:v27+s29+$0x0] =	vst.idx.msk $0xffff, v16  }
0x67f: {  	v29 =	vor.u32 v56, v26;
	[tilespmem:v11+s29+$0x0] =	vst.idx.msk $0xffff, v9  }
0x680: {  	v32 =	vor.u32 v6, v22;
	[tilespmem:v15+s29+$0x0] =	vst.idx.msk $0xffff, v1  }
0x681: {  	v13 =	vor.u32 v6, v21;
	v43 =	vld [tilespmem:$0x1FAF0];
	_ =	sdelay $0x1  }
0x682: {  	v14 =	vld.idx.msk [tilespmem:v28+s30+$0x0], $0xffff  }
0x683: {  	v41 =	vld.idx.msk [tilespmem:v29+s30+$0x0], $0xffff;
	v36 =	vor.u32 v30, v24  }
0x684: {  	v27 =	vor.u32 v30, v23;
	v9 =	vld.idx.msk [tilespmem:v32+s30+$0x0], $0xffff  }
0x685: {  	v11 =	vld.idx.msk [tilespmem:v13+s30+$0x0], $0xffff;
	v46 =	vor.u32 v43, v19  }
0x686: {  	v48 =	vld [tilespmem:$0x1F5F0];
	v13 =	vor.u32 v43, v20;
	_ =	sdelay $0x1  }
0x687: {  	[tilespmem:v36+s29+$0x0] =	vst.idx.msk $0xffff, v14  }
0x688: {  	v28 =	vor.u32 v6, v25;
	[tilespmem:v27+s29+$0x0] =	vst.idx.msk $0xffff, v41  }
0x689: {  	v29 =	vor.u32 v6, v26;
	[tilespmem:v46+s29+$0x0] =	vst.idx.msk $0xffff, v9  }
0x68a: {  	v15 =	vor.u32 v48, v22;
	[tilespmem:v13+s29+$0x0] =	vst.idx.msk $0xffff, v11  }
0x68b: {  	v14 =	vor.u32 v48, v21;
	v52 =	vld [tilespmem:$0x1FB00];
	_ =	sdelay $0x1  }
0x68c: {  	v16 =	vld.idx.msk [tilespmem:v28+s30+$0x0], $0xffff  }
0x68d: {  	v18 =	vld.idx.msk [tilespmem:v29+s30+$0x0], $0xffff;
	v51 =	vor.u32 v43, v24  }
0x68e: {  	v27 =	vor.u32 v43, v23;
	v1 =	vld.idx.msk [tilespmem:v15+s30+$0x0], $0xffff  }
0x68f: {  	v11 =	vld.idx.msk [tilespmem:v14+s30+$0x0], $0xffff;
	v9 =	vor.u32 v52, v19  }
0x690: {  	v56 =	vld [tilespmem:$0x1F610];
	v13 =	vor.u32 v52, v20;
	_ =	sdelay $0x1  }
0x691: {  	[tilespmem:v51+s29+$0x0] =	vst.idx.msk $0xffff, v16  }
0x692: {  	v28 =	vor.u32 v48, v25;
	[tilespmem:v27+s29+$0x0] =	vst.idx.msk $0xffff, v18  }
0x693: {  	v29 =	vor.u32 v48, v26;
	[tilespmem:v9+s29+$0x0] =	vst.idx.msk $0xffff, v1  }
0x694: {  	v14 =	vor.u32 v56, v22;
	[tilespmem:v13+s29+$0x0] =	vst.idx.msk $0xffff, v11  }
0x695: {  	v15 =	vor.u32 v56, v21;
	v58 =	vld [tilespmem:$0x1FB10];
	_ =	sdelay $0x1  }
0x696: {  	v16 =	vld.idx.msk [tilespmem:v28+s30+$0x0], $0xffff  }
0x697: {  	v18 =	vld.idx.msk [tilespmem:v29+s30+$0x0], $0xffff;
	v57 =	vor.u32 v52, v24  }
0x698: {  	v27 =	vor.u32 v52, v23;
	v1 =	vld.idx.msk [tilespmem:v14+s30+$0x0], $0xffff  }
0x699: {  	v11 =	vld.idx.msk [tilespmem:v15+s30+$0x0], $0xffff;
	v9 =	vor.u32 v58, v19  }
0x69a: {  	v6 =	vld [tilespmem:$0x1F630];
	v13 =	vor.u32 v58, v20;
	_ =	sdelay $0x1  }
0x69b: {  	[tilespmem:v57+s29+$0x0] =	vst.idx.msk $0xffff, v16  }
0x69c: {  	v28 =	vor.u32 v56, v25;
	[tilespmem:v27+s29+$0x0] =	vst.idx.msk $0xffff, v18  }
0x69d: {  	v29 =	vor.u32 v56, v26;
	[tilespmem:v9+s29+$0x0] =	vst.idx.msk $0xffff, v1  }
0x69e: {  	v14 =	vor.u32 v6, v22;
	[tilespmem:v13+s29+$0x0] =	vst.idx.msk $0xffff, v11  }
0x69f: {  	v15 =	vor.u32 v6, v21;
	v36 =	vld [tilespmem:$0x1FB20];
	_ =	sdelay $0x1  }
0x6a0: {  	v16 =	vld.idx.msk [tilespmem:v28+s30+$0x0], $0xffff  }
0x6a1: {  	v18 =	vld.idx.msk [tilespmem:v29+s30+$0x0], $0xffff;
	v32 =	vor.u32 v58, v24  }
0x6a2: {  	v27 =	vor.u32 v58, v23;
	v1 =	vld.idx.msk [tilespmem:v14+s30+$0x0], $0xffff  }
0x6a3: {  	v11 =	vld.idx.msk [tilespmem:v15+s30+$0x0], $0xffff;
	v9 =	vor.u32 v36, v19  }
0x6a4: {  	v41 =	vld [tilespmem:$0x1F650];
	v13 =	vor.u32 v36, v20;
	_ =	sdelay $0x1  }
0x6a5: {  	[tilespmem:v32+s29+$0x0] =	vst.idx.msk $0xffff, v16  }
0x6a6: {  	v28 =	vor.u32 v6, v25;
	[tilespmem:v27+s29+$0x0] =	vst.idx.msk $0xffff, v18  }
0x6a7: {  	v29 =	vor.u32 v6, v26;
	[tilespmem:v9+s29+$0x0] =	vst.idx.msk $0xffff, v1  }
0x6a8: {  	v14 =	vor.u32 v41, v22;
	[tilespmem:v13+s29+$0x0] =	vst.idx.msk $0xffff, v11  }
0x6a9: {  	v46 =	vld [tilespmem:$0x1FB40];
	_ =	sdelay $0x1  }
0x6aa: {  	v16 =	vld.idx.msk [tilespmem:v28+s30+$0x0], $0xffff  }
0x6ab: {  	v18 =	vld.idx.msk [tilespmem:v29+s30+$0x0], $0xffff;
	v43 =	vor.u32 v36, v24  }
0x6ac: {  	v27 =	vor.u32 v36, v23;
	v1 =	vld.idx.msk [tilespmem:v14+s30+$0x0], $0xffff  }
0x6ad: {  	v15 =	vor.u32 v41, v21;
	v48 =	vld [tilespmem:$0x1F670];
	v9 =	vor.u32 v46, v19;
	_ =	sdelay $0x2  }
0x6ae: {  	v28 =	vor.u32 v41, v25;
	[tilespmem:v43+s29+$0x0] =	vst.idx.msk $0xffff, v16  }
0x6af: {  	v29 =	vor.u32 v41, v26;
	[tilespmem:v27+s29+$0x0] =	vst.idx.msk $0xffff, v18  }
0x6b0: {  	v11 =	vld.idx.msk [tilespmem:v15+s30+$0x0], $0xffff;
	v13 =	vor.u32 v46, v20;
	v14 =	vor.u32 v48, v22;
	[tilespmem:v9+s29+$0x0] =	vst.idx.msk $0xffff, v1  }
0x6b1: {  	v52 =	vld [tilespmem:$0x1FB60];
	_ =	sdelay $0x1  }
0x6b2: {  	v16 =	vld.idx.msk [tilespmem:v28+s30+$0x0], $0xffff  }
0x6b3: {  	v18 =	vld.idx.msk [tilespmem:v29+s30+$0x0], $0xffff;
	v51 =	vor.u32 v46, v24  }
0x6b4: {  	v27 =	vor.u32 v46, v23;
	v1 =	vld.idx.msk [tilespmem:v14+s30+$0x0], $0xffff;
	[tilespmem:v13+s29+$0x0] =	vst.idx.msk $0xffff, v11  }
0x6b5: {  	v15 =	vor.u32 v48, v21;
	v56 =	vld [tilespmem:$0x1F690];
	v9 =	vor.u32 v52, v19;
	_ =	sdelay $0x2  }
0x6b6: {  	v28 =	vor.u32 v48, v25;
	[tilespmem:v51+s29+$0x0] =	vst.idx.msk $0xffff, v16  }
0x6b7: {  	v29 =	vor.u32 v48, v26;
	[tilespmem:v27+s29+$0x0] =	vst.idx.msk $0xffff, v18  }
0x6b8: {  	v14 =	vld.idx.msk [tilespmem:v15+s30+$0x0], $0xffff;
	v13 =	vor.u32 v52, v20;
	v11 =	vor.u32 v56, v22;
	[tilespmem:v9+s29+$0x0] =	vst.idx.msk $0xffff, v1  }
0x6b9: {  	v6 =	vld [tilespmem:$0x1FB80];
	_ =	sdelay $0x1  }
0x6ba: {  	v16 =	vld.idx.msk [tilespmem:v28+s30+$0x0], $0xffff  }
0x6bb: {  	v28 =	vld.idx.msk [tilespmem:v29+s30+$0x0], $0xffff;
	v57 =	vor.u32 v52, v24  }
0x6bc: {  	v27 =	vor.u32 v52, v23;
	v9 =	vld.idx.msk [tilespmem:v11+s30+$0x0], $0xffff;
	[tilespmem:v13+s29+$0x0] =	vst.idx.msk $0xffff, v14  }
0x6bd: {  	v15 =	vor.u32 v56, v21;
	v36 =	vld [tilespmem:$0x1F6D0];
	v32 =	vor.u32 v6, v19;
	_ =	sdelay $0x2  }
0x6be: {  	v58 =	vor.u32 v56, v25;
	[tilespmem:v57+s29+$0x0] =	vst.idx.msk $0xffff, v16  }
0x6bf: {  	v29 =	vor.u32 v56, v26;
	[tilespmem:v27+s29+$0x0] =	vst.idx.msk $0xffff, v28  }
0x6c0: {  	v14 =	vld.idx.msk [tilespmem:v15+s30+$0x0], $0xffff;
	v13 =	vor.u32 v6, v20;
	v11 =	vor.u32 v36, v22;
	[tilespmem:v32+s29+$0x0] =	vst.idx.msk $0xffff, v9  }
0x6c1: {  	v46 =	vld [tilespmem:$0x1FB90];
	_ =	sdelay $0x1  }
0x6c2: {  	v17 =	vld.idx.msk [tilespmem:v58+s30+$0x0], $0xffff  }
0x6c3: {  	v28 =	vld.idx.msk [tilespmem:v29+s30+$0x0], $0xffff;
	v41 =	vor.u32 v6, v24  }
0x6c4: {  	v27 =	vor.u32 v6, v23;
	v9 =	vld.idx.msk [tilespmem:v11+s30+$0x0], $0xffff;
	[tilespmem:v13+s29+$0x0] =	vst.idx.msk $0xffff, v14  }
0x6c5: {  	v15 =	vor.u32 v36, v21;
	v51 =	vld [tilespmem:$0x1F710];
	v48 =	vor.u32 v46, v19;
	_ =	sdelay $0x2  }
0x6c6: {  	v43 =	vor.u32 v36, v25;
	[tilespmem:v41+s29+$0x0] =	vst.idx.msk $0xffff, v17  }
0x6c7: {  	v29 =	vor.u32 v36, v26;
	[tilespmem:v27+s29+$0x0] =	vst.idx.msk $0xffff, v28  }
0x6c8: {  	v14 =	vld.idx.msk [tilespmem:v15+s30+$0x0], $0xffff;
	v13 =	vor.u32 v46, v20;
	v11 =	vor.u32 v51, v22;
	[tilespmem:v48+s29+$0x0] =	vst.idx.msk $0xffff, v9  }
0x6c9: {  	v57 =	vld [tilespmem:$0x1FBB0];
	_ =	sdelay $0x1  }
0x6ca: {  	v17 =	vld.idx.msk [tilespmem:v43+s30+$0x0], $0xffff  }
0x6cb: {  	v28 =	vld.idx.msk [tilespmem:v29+s30+$0x0], $0xffff;
	v52 =	vor.u32 v46, v24  }
0x6cc: {  	v27 =	vor.u32 v46, v23;
	v9 =	vld.idx.msk [tilespmem:v11+s30+$0x0], $0xffff;
	[tilespmem:v13+s29+$0x0] =	vst.idx.msk $0xffff, v14  }
0x6cd: {  	v15 =	vor.u32 v51, v21;
	v6 =	vld [tilespmem:$0x1F730];
	v58 =	vor.u32 v57, v19;
	_ =	sdelay $0x2  }
0x6ce: {  	v56 =	vor.u32 v51, v25;
	[tilespmem:v52+s29+$0x0] =	vst.idx.msk $0xffff, v17  }
0x6cf: {  	v29 =	vor.u32 v51, v26;
	[tilespmem:v27+s29+$0x0] =	vst.idx.msk $0xffff, v28  }
0x6d0: {  	v14 =	vld.idx.msk [tilespmem:v15+s30+$0x0], $0xffff;
	v13 =	vor.u32 v57, v20;
	v11 =	vor.u32 v6, v22;
	[tilespmem:v58+s29+$0x0] =	vst.idx.msk $0xffff, v9  }
0x6d1: {  	v41 =	vld [tilespmem:$0x1FBD0]  }
0x6d2: {  	v15 =	vor.u32 v6, v21  }
0x6d3: {  	v17 =	vld.idx.msk [tilespmem:v56+s30+$0x0], $0xffff  }
0x6d4: {  	v28 =	vld.idx.msk [tilespmem:v29+s30+$0x0], $0xffff;
	v32 =	vor.u32 v57, v24  }
0x6d5: {  	v27 =	vor.u32 v57, v23;
	v1 =	vld.idx.msk [tilespmem:v11+s30+$0x0], $0xffff;
	[tilespmem:v13+s29+$0x0] =	vst.idx.msk $0xffff, v14  }
0x6d6: {  	v43 =	vld [tilespmem:$0x1F750];
	v9 =	vor.u32 v41, v19  }
0x6d7: {  	v14 =	vld.idx.msk [tilespmem:v15+s30+$0x0], $0xffff;
	v13 =	vor.u32 v41, v20;
	_ =	sdelay $0x1  }
0x6d8: {  	v36 =	vor.u32 v6, v25;
	[tilespmem:v32+s29+$0x0] =	vst.idx.msk $0xffff, v17  }
0x6d9: {  	[tilespmem:v27+s29+$0x0] =	vst.idx.msk $0xffff, v28  }
0x6da: {  	v29 =	vor.u32 v6, v26;
	[tilespmem:v9+s29+$0x0] =	vst.idx.msk $0xffff, v1  }
0x6db: {  	v11 =	vor.u32 v43, v22;
	v31 =	vld [tilespmem:$0x1FF50];
	[tilespmem:v13+s29+$0x0] =	vst.idx.msk $0xffff, v14  }
0x6dc: {  	v15 =	vor.u32 v43, v21;
	v56 =	vld [tilespmem:$0x1F770]  }
0x6dd: {  	v16 =	vld.idx.msk [tilespmem:v36+s30+$0x0], $0xffff;
	v46 =	vor.u32 v41, v24  }
0x6de: {  	v48 =	vor.u32 v43, v25  }
0x6df: {  	v28 =	vld.idx.msk [tilespmem:v29+s30+$0x0], $0xffff;
	v27 =	vor.u32 v41, v23  }
0x6e0: {  	v51 =	vor.u32 v43, v26;
	v9 =	vld.idx.msk [tilespmem:v11+s30+$0x0], $0xffff;
	v52 =	vor.u32 v31, v19  }
0x6e1: {  	v14 =	vld.idx.msk [tilespmem:v15+s30+$0x0], $0xffff;
	v11 =	vor.u32 v31, v20;
	v13 =	vor.u32 v56, v22  }
0x6e2: {  	[tilespmem:v46+s29+$0x0] =	vst.idx.msk $0xffff, v16;
	v15 =	vor.u32 v56, v21  }
0x6e3: {  	v17 =	vld.idx.msk [tilespmem:v48+s30+$0x0], $0xffff;
	v57 =	vor.u32 v31, v24  }
0x6e4: {  	[tilespmem:v27+s29+$0x0] =	vst.idx.msk $0xffff, v28  }
0x6e5: {  	v0 =	vld.idx.msk [tilespmem:v51+s30+$0x0], $0xffff;
	v58 =	vor.u32 v31, v23;
	[tilespmem:v52+s29+$0x0] =	vst.idx.msk $0xffff, v9  }
0x6e6: {  	[tilespmem:v11+s29+$0x0] =	vst.idx.msk $0xffff, v14;
	v1 =	vld.idx.msk [tilespmem:v13+s30+$0x0], $0xffff  }
0x6e7: {  	v9 =	vld.idx.msk [tilespmem:v15+s30+$0x0], $0xffff  }
0x6e8: {  	v32 =	vld [tilespmem:$0x1F790];
	[tilespmem:v57+s29+$0x0] =	vst.idx.msk $0xffff, v17  }
0x6e9: {  	v27 =	vor.u32 v56, v25;
	v17 =	vld [tilespmem:$0x1FF40]  }
0x6ea: {  	[tilespmem:v58+s29+$0x0] =	vst.idx.msk $0xffff, v0  }
0x6eb: {  	[tilespmem:v4+s29+$0x0] =	vst.idx.msk $0xffff, v1  }
0x6ec: {  	v6 =	vor.u32 v56, v26;
	[tilespmem:v5+s29+$0x0] =	vst.idx.msk $0xffff, v9  }
0x6ed: {  	v11 =	vor.u32 v32, v22;
	v18 =	vld [tilespmem:$0x1FF00]  }
0x6ee: {  	v15 =	vld.idx.msk [tilespmem:v27+s30+$0x0], $0xffff;
	v13 =	vor.u32 v32, v21;
	v14 =	vor.u32 v17, v24;
	_ =	sdelay $0x2  }
0x6ef: {  	v29 =	vmov v2;
	v2 =	vld.idx.msk [tilespmem:v6+s30+$0x0], $0xffff;
	v36 =	vor.u32 v17, v23  }
0x6f0: {  	v1 =	vld.idx.msk [tilespmem:v11+s30+$0x0], $0xffff;
	v43 =	vor.u32 v18, v19  }
0x6f1: {  	v11 =	vld.idx.msk [tilespmem:v13+s30+$0x0], $0xffff;
	[tilespmem:v14+s29+$0x0] =	vst.idx.msk $0xffff, v15;
	v9 =	vor.u32 v18, v20  }
0x6f2: {  	v4 =	vld [tilespmem:$0x1F7B0]  }
0x6f3: {  	v41 =	vor.u32 v32, v25  }
0x6f4: {  	v3 =	vor.u32 v32, v26;
	[tilespmem:v36+s29+$0x0] =	vst.idx.msk $0xffff, v2  }
0x6f5: {  	[tilespmem:v43+s29+$0x0] =	vst.idx.msk $0xffff, v1  }
0x6f6: {  	[tilespmem:v9+s29+$0x0] =	vst.idx.msk $0xffff, v11  }
0x6f7: {  	v6 =	vor.u32 v4, v22;
	v9 =	vld [tilespmem:$0x1FF20]  }
0x6f8: {  	v46 =	vor.u32 v18, v24;
	v14 =	vld.idx.msk [tilespmem:v41+s30+$0x0], $0xffff;
	v13 =	vor.u32 v4, v21  }
0x6f9: {  	v15 =	vor.u32 v18, v23;
	v3 =	vld.idx.msk [tilespmem:v3+s30+$0x0], $0xffff;
	v48 =	vor.u32 v4, v25  }
0x6fa: {  	v4 =	vor.u32 v4, v26;
	_ =	sdelay $0x1  }
0x6fb: {  	v1 =	vld.idx.msk [tilespmem:v6+s30+$0x0], $0xffff;
	v51 =	vor.u32 v9, v19  }
0x6fc: {  	[tilespmem:v46+s29+$0x0] =	vst.idx.msk $0xffff, v14;
	v52 =	vld.idx.msk [tilespmem:v13+s30+$0x0], $0xffff;
	v56 =	vor.u32 v9, v20  }
0x6fd: {  	[tilespmem:v15+s29+$0x0] =	vst.idx.msk $0xffff, v3;
	v2 =	vld.idx.msk [tilespmem:v48+s30+$0x0], $0xffff;
	v57 =	vor.u32 v9, v24  }
0x6fe: {  	[tilespmem:v12+s29+$0x0] =	vst.idx.msk $0xffff, v7;
	v4 =	vld.idx.msk [tilespmem:v4+s30+$0x0], $0xffff;
	v58 =	vor.u32 v9, v23  }
0x6ff: {  	[tilespmem:v10+s29+$0x0] =	vst.idx.msk $0xffff, v8  }
0x700: {  	[tilespmem:v51+s29+$0x0] =	vst.idx.msk $0xffff, v1  }
0x701: {  	[tilespmem:v56+s29+$0x0] =	vst.idx.msk $0xffff, v52  }
0x702: {  	[tilespmem:v57+s29+$0x0] =	vst.idx.msk $0xffff, v2  }
0x703: {  	s0 =	sshll.u32 s26, $0x13;
	s3 =	sshll.u32 s26, $0xB;
	s26 =	sadd.s32 $0x1, s26;
	[tilespmem:v58+s29+$0x0] =	vst.idx.msk $0xffff, v4  }
0x704: {  	s0 =	sand.u32 $0x3F00000, s0;
	p0 =	sne.s32 s26, $0x64;
	v51 =	vld [tilespmem:$0x1FFD0]  }
.Ltmp1:
0x705: {  	s3 =	sand.u32 $0x800, s3;
	s0 =	sadd.s32 s0, s9;
	v56 =	vld [tilespmem:$0x1FFE0];
	(pc) =	sbr.rel @p0 .LBB2_2-.Ltmp1, $4  }
0x706: {  	s0 =	sor.u32 s3, s0;
	v58 =	vld [tilespmem:$0x1FE70]  }
0x707: {  	s0 =	sshrl.u32 s0, $0x3;
	v10 =	vld [tilespmem:$0x1FEF0]  }
0x708: {  	s31 =	sadd.s32 $0x3, s28;
	s0 =	sadd.s32 s4, s0;
	v11 =	vld [tilespmem:$0x1FF10]  }
0x709: {  	v46 =	vlaneseq.u32;
	v52 =	vmov v55;
	[hbm4b:s0+s21] =	stream.strided.scatter [tilespmem:s29], [sflag:s31], $0x4000, s22, s21, $0x38;
	v12 =	vld [tilespmem:$0x1FF30]  }
0x70a: {  	s25 =	sadd.s32 $0x1, s25  }
0x70b: {  	_ =	swait.ge [sflag:s23], $0x4000;
	p0 =	sne.s32 s25, s10  }
.Ltmp2:
0x70c: {  	[sflag:s23] =	ssyncset.done $0x0;
	(pc) =	sbr.rel @p0 .LBB2_1-.Ltmp2, $4  }
0x70d: {  	[sflag:s23] =	ssyncadd.s32 $0xFFFFC000  }
0x70e: {  	_ =	swait.ge [sflag:s24], $0x4000  }
0x70f: {  	[sflag:s24] =	ssyncset.done $0x0  }
0x710: {  	[sflag:s24] =	ssyncadd.s32 $0xFFFFC000  }
0x711: {  	_ =	sfence.sel $0x180000  }
0x712: {  	[bflag:$0x0] =	sbarrier.arrive $0xFFFF  }
0x713: {  	_ =	strace $0x90000047  }
0x714: {  	s0 =	stileid.u32;
	[bflag:$0x2] =	sbarrier.arrive $0xFFFF  }
0x715: {  	p0 =	sne.s32 s0, $0x0;
	s0 =	rddreg [dreg:$0x3]  }
0x716: {  	s0 =	sadd.s32 @!p0 $0x100000, s0  }
0x717: {  	[sflag:s0] =	ssyncadd.tile.s32 @!p0 $0x1;
	_ =	shalt  }
.Lfunc_end2:
_tile_overlayer_lowered:
.L_overlay_start_2:
0x718: {  	(tag) =	ssettag $0x2  }
0x719: {  	s0 =	rddreg [dreg:$0x0];
	s2 =	stileid.u32  }
0x71a: {  	s1 =	rddreg [dreg:$0x1];
	p0 =	sne.s32 s2, $0x0  }
0x71b: {  	s3 =	rddreg [dreg:$0x2];
	[bflag:$0x3] =	sbarrier.arrive $0xFFFF;
	s2 =	simm.s32 @!p0 $0x1C05  }
0x71c: {  	[timem:s3], [sflag:s2] =	dma.local @!p0 [hbm:s0], s1  }
0x71d: {  	s0 =	simm.s32 @!p0 $0x5  }
0x71e: {  	_ =	swait.ge @!p0 [sflag:s0], s1  }
0x71f: {  	s1 =	ssub.s32 @!p0 $0x0, s1;
	[sflag:s0] =	ssyncset.done @!p0 $0x0  }
0x720: {  	[sflag:s0] =	ssyncadd.s32 @!p0 s1  }
0x721: {  	[bflag:$0x3] =	sbarrier.arrive $0xFFFF  }
0x722: {  	_ =	shalt  }

</sc_bundles>
